<compile_context>
chip_gen: v7x
topology: tpu7x:2x2x1
jax: 0.10.2.dev20260603
libtpu: 0.0.44.dev20260713+nightly
codegen_flags: <defaults>
</compile_context>

<pallas_src>
import functools

import jax
import jax.numpy as jnp
from jax import lax
from jax.experimental import pallas as pl
from jax.experimental.pallas import tpu as pltpu
from jax.experimental.pallas import tpu_sc as plsc

TOTAL = 32768
D = 1024
NSEG = 16
L = 16
NC = 2
NS = 16
SPS = 4
CG = 128
NCG = CG // L

RB = 2048
RBS = 64
SUB = RB // RBS
NSTEP = TOTAL // RB
HB = 72


def _tc_interior(values, ps):

    def body(ps_ref, v_ref, sm_ref, si_ref, pm, pa, stm, sti):
        i = pl.program_id(0)
        base = i * RB

        @pl.when(i == 0)
        def _():
            stm[...] = jnp.full((NSEG, D), -jnp.inf, jnp.float32)
            sti[...] = jnp.zeros((NSEG, D), jnp.int32)

        for sb in range(SUB):
            y = v_ref[pl.ds(sb * RBS, RBS), :]
            m = jnp.max(y, axis=0, keepdims=True)
            rows = lax.broadcasted_iota(jnp.int32, (RBS, D), 0)
            cand = jnp.where(y == m, rows, TOTAL)
            a = jnp.min(cand, axis=0, keepdims=True)
            pm[pl.ds(sb, 1), :] = m
            pa[pl.ds(sb, 1), :] = a + (base + sb * RBS)

        sbi = lax.broadcasted_iota(jnp.int32, (SUB, D), 0)
        for s in range(NSEG):
            lo = ps_ref[s]
            hi = ps_ref[s + 1]
            a_s = jnp.maximum(lax.div(lo + (RBS - 1), RBS) * RBS, base)
            b_s = jnp.minimum(lax.div(hi, RBS) * RBS, base + RB)

            @pl.when(b_s > a_s)
            def _(s=s, a_s=a_s, b_s=b_s):
                sb_lo = lax.div(a_s - base, RBS)
                sb_hi = lax.div(b_s - base, RBS)
                msk = (sbi >= sb_lo) & (sbi < sb_hi)
                x = pm[...]
                m = jnp.max(jnp.where(msk, x, -jnp.inf), axis=0,
                            keepdims=True)
                a = jnp.min(jnp.where(msk & (x == m), pa[...], TOTAL),
                            axis=0, keepdims=True)
                g = m > stm[pl.ds(s, 1), :]
                stm[pl.ds(s, 1), :] = jnp.where(g, m, stm[pl.ds(s, 1), :])
                sti[pl.ds(s, 1), :] = jnp.where(g, a, sti[pl.ds(s, 1), :])

        @pl.when(i == NSTEP - 1)
        def _():
            sm_ref[...] = stm[...]
            si_ref[...] = sti[...]

    return pl.pallas_call(
        body,
        grid_spec=pltpu.PrefetchScalarGridSpec(
            num_scalar_prefetch=1,
            grid=(NSTEP,),
            in_specs=[pl.BlockSpec((RB, D), lambda i, ps: (i, 0))],
            out_specs=[pl.BlockSpec((NSEG, D), lambda i, ps: (0, 0)),
                       pl.BlockSpec((NSEG, D), lambda i, ps: (0, 0))],
            scratch_shapes=[
                pltpu.VMEM((SUB, D), jnp.float32),
                pltpu.VMEM((SUB, D), jnp.int32),
                pltpu.VMEM((NSEG, D), jnp.float32),
                pltpu.VMEM((NSEG, D), jnp.int32),
            ],
        ),
        out_shape=[jax.ShapeDtypeStruct((NSEG, D), jnp.float32),
                   jax.ShapeDtypeStruct((NSEG, D), jnp.int32)],
    )(ps, values)


def _sc_merge(values, ps_pad, sm, si):
    mesh = plsc.VectorSubcoreMesh(core_axis_name="c", subcore_axis_name="s")

    @functools.partial(
        pl.kernel,
        mesh=mesh,
        out_type=jax.ShapeDtypeStruct((NSEG, D), jnp.int32),
        scratch_types=[
            pltpu.VMEM((NSEG, CG), jnp.float32),
            pltpu.VMEM((NSEG, CG), jnp.int32),
            pltpu.VMEM((SPS, HB, CG), jnp.float32),
            pltpu.VMEM((SPS, HB, CG), jnp.float32),
            pltpu.VMEM((SPS, CG), jnp.int32),
            pltpu.VMEM((32,), jnp.int32),
            pltpu.VMEM_SHARED((NSEG, NS * 32), jnp.int32),
            pltpu.SemaphoreType.DMA,
        ],
        compiler_params=pltpu.CompilerParams(needs_layout_passes=False),
    )
    def body(values_hbm, ps_hbm, sm_hbm, si_hbm, out_hbm,
             mbuf, abuf, hbuf, tbuf, outv, ps_v, shalf, sem):
        cid = lax.axis_index("c")
        u = lax.axis_index("s")
        gloc = lax.rem(u, SPS)
        sset = lax.div(u, SPS)
        c0 = pl.multiple_of((cid * SPS + gloc) * CG, CG)

        pltpu.sync_copy(ps_hbm, ps_v)
        sidx = sset + SPS * lax.iota(jnp.int32, L)
        lov = plsc.load_gather(ps_v, [jnp.minimum(sidx, NSEG)])
        hiv = plsc.load_gather(ps_v, [jnp.minimum(sidx + 1, NSEG)])
        los = [lov[k] for k in range(SPS)]
        his = [hiv[k] for k in range(SPS)]

        head_end, tail_lo, hst, tst = [], [], [], []
        for k in range(SPS):
            lo, hi = los[k], his[k]
            f = lax.div(lo + (RBS - 1), RBS)
            b = lax.div(hi, RBS)
            head_end.append(jnp.minimum(f * RBS, hi))
            t = jnp.where(b > f, b * RBS, hi)
            tail_lo.append(t)
            hs = jnp.minimum(lax.div(lo, 8) * 8, TOTAL - HB)
            ts = jnp.minimum(lax.div(t, 8) * 8, TOTAL - HB)
            hst.append(pl.multiple_of(hs, 8))
            tst.append(pl.multiple_of(ts, 8))

        pltpu.async_copy(sm_hbm.at[:, pl.ds(c0, CG)], mbuf, sem)
        pltpu.async_copy(si_hbm.at[:, pl.ds(c0, CG)], abuf, sem)
        for k in range(SPS):
            pltpu.async_copy(
                values_hbm.at[pl.ds(hst[k], HB), pl.ds(c0, CG)],
                hbuf.at[k], sem)
            pltpu.async_copy(
                values_hbm.at[pl.ds(tst[k], HB), pl.ds(c0, CG)],
                tbuf.at[k], sem)
        pltpu.make_async_copy(sm_hbm.at[:, pl.ds(c0, CG)], mbuf, sem).wait()
        pltpu.make_async_copy(si_hbm.at[:, pl.ds(c0, CG)], abuf, sem).wait()
        for k in range(SPS):
            pltpu.make_async_copy(
                values_hbm.at[pl.ds(0, HB), pl.ds(c0, CG)],
                hbuf.at[k], sem).wait()
            pltpu.make_async_copy(
                values_hbm.at[pl.ds(0, HB), pl.ds(c0, CG)],
                tbuf.at[k], sem).wait()

        for k in range(SPS):
            lo, hi = los[k], his[k]
            s = sset + SPS * k

            def raw_scan(buf_k, st, j_lo, j_hi, carry):
                def rbody(j, carry):
                    ms, idx = carry
                    r = jnp.full((L,), st + j, jnp.int32)
                    nms, nidx = [], []
                    for cg in range(NCG):
                        v = buf_k[j, pl.ds(cg * L, L)]
                        g = v > ms[cg]
                        nms.append(jnp.where(g, v, ms[cg]))
                        nidx.append(jnp.where(g, r, idx[cg]))
                    return tuple(nms), tuple(nidx)
                return lax.fori_loop(j_lo, j_hi, rbody, carry)

            carry = (tuple(jnp.full((L,), -jnp.inf, jnp.float32)
                           for _ in range(NCG)),
                     tuple(jnp.full((L,), lo, jnp.int32)
                           for _ in range(NCG)))
            carry = raw_scan(hbuf.at[k], hst[k], lo - hst[k],
                             head_end[k] - hst[k], carry)

            ms, idx = carry
            nms, nidx = [], []
            for cg in range(NCG):
                v = mbuf[s, pl.ds(cg * L, L)]
                a = abuf[s, pl.ds(cg * L, L)]
                g = v > ms[cg]
                nms.append(jnp.where(g, v, ms[cg]))
                nidx.append(jnp.where(g, a, idx[cg]))
            carry = (tuple(nms), tuple(nidx))

            ms, idx = raw_scan(tbuf.at[k], tst[k], tail_lo[k] - tst[k],
                               hi - tst[k], carry)
            for cg in range(NCG):
                outv[k, pl.ds(cg * L, L)] = idx[cg]

        for k in range(SPS):
            s = sset + SPS * k
            pltpu.sync_copy(outv.at[k],
                            shalf.at[s, pl.ds(gloc * CG, CG)])
        plsc.subcore_barrier()

        @pl.when(u == 0)
        def _():
            pltpu.sync_copy(
                shalf,
                out_hbm.at[:, pl.ds(pl.multiple_of(cid * (NS * 32), 512),
                                    NS * 32)])

    return body(values, ps_pad, sm, si)


def kernel(values, prefix_sum):
    sm, si = _tc_interior(values, prefix_sum)
    ps_pad = jnp.zeros((32,), jnp.int32).at[: NSEG + 1].set(prefix_sum)
    return _sc_merge(values, ps_pad, sm, si)

# --- scband reference (transcript-rebuilt; emitter-appended) ---
"""Pipeline reference for scband-jagged-argmax-module-39762807226829 (READ-ONLY COPY).

The authoritative reference and input builder live on the scoring server;
editing this copy changes nothing except your own understanding.
"""

import jax, jax.numpy as jnp
import numpy as np

TOTAL = 32768
D = 1024
B = 16


def setup_inputs(seed: int = 0) -> dict:
    key = jax.random.key(seed)
    k1, _ = jax.random.split(key)
    values = jax.random.normal(k1, (TOTAL, D), dtype=jnp.float32)
    # prefix_sum: cumulative segment boundaries, prefix_sum[0]=0, prefix_sum[-1]=TOTAL,
    # strictly increasing so every segment is non-empty (jagged batch of 16 sequences).
    rs = np.random.RandomState(0)
    interior = np.sort(rs.choice(np.arange(1, TOTAL), size=B - 1, replace=False))
    prefix_sum = jnp.asarray(np.concatenate([[0], interior, [TOTAL]]).astype(np.int32))
    return {"values": values, "prefix_sum": prefix_sum}


def reference(values, prefix_sum):
    # JaggedArgmax: for each segment i defined by [prefix_sum[i], prefix_sum[i+1]),
    # return the GLOBAL row index of the per-column maximum within that segment.
    total, d = values.shape
    nseg = prefix_sum.shape[0] - 1
    pos = jnp.arange(total)
    # segment id of each row: number of segment-end boundaries <= pos
    seg_ids = jnp.searchsorted(prefix_sum[1:], pos, side='right')
    # per-segment, per-column max value
    maxv = jax.ops.segment_max(values, seg_ids, num_segments=nseg)  # [B, d]
    # first (smallest) global index achieving the max, per column
    is_max = values == maxv[seg_ids]
    cand = jnp.where(is_max, pos[:, None], total)
    argidx = jax.ops.segment_min(cand, seg_ids, num_segments=nseg)  # [B, d] int
    return argidx

if __name__ == "__main__":
    import jax
    _d = setup_inputs()
    print(jax.jit(kernel)(*tuple(_d.values())))

</pallas_src>

<mosaic_0001>
#map = affine_map<(d0, d1) -> (0, 0)>
#map1 = affine_map<(d0, d1) -> (0)>
module attributes {stable_mosaic.version = 14 : i64} {
  func.func @body(%arg0: i32, %arg1: i32, %arg2: memref<32768x1024xf32, #tpu.memory_space<hbm>>, %arg3: memref<32xi32, #tpu.memory_space<hbm>>, %arg4: memref<16x1024xf32, #tpu.memory_space<hbm>>, %arg5: memref<16x1024xi32, #tpu.memory_space<hbm>>, %arg6: memref<16x1024xi32, #tpu.memory_space<hbm>>, %arg7: memref<16x128xf32, #tpu.memory_space<vmem>>, %arg8: memref<16x128xi32, #tpu.memory_space<vmem>>, %arg9: memref<4x72x128xf32, #tpu.memory_space<vmem>>, %arg10: memref<4x72x128xf32, #tpu.memory_space<vmem>>, %arg11: memref<4x128xi32, #tpu.memory_space<vmem>>, %arg12: memref<32xi32, #tpu.memory_space<vmem>>, %arg13: memref<16x512xi32, #tpu.memory_space<vmem_shared>>, %arg14: memref<!tpu.dma_semaphore, #tpu.memory_space<semaphore_mem>>) attributes {dimension_semantics = [#tpu.dimension_semantics<core_parallel>, #tpu.dimension_semantics<subcore_parallel>], iteration_bounds = array<i64: 2, 16>, scalar_prefetch = 0 : i64, scratch_operands = 8 : i64, tpu.core_type = #tpu.core_type<sc_vector_subcore>, window_params = [{transform_indices = #map}, {transform_indices = #map1}, {transform_indices = #map}, {transform_indices = #map}, {transform_indices = #map}]} {
    %rem3A = arith.constant 4 : i32
    %rem3A_0 = arith.remsi %arg1, %rem3A : i32
    %div3A = arith.constant 4 : i32
    %div3A_1 = arith.divsi %arg1, %div3A : i32
    %mul3A = arith.constant 4 : i32
    %mul3A_2 = arith.muli %arg0, %mul3A : i32
    %add3A = arith.addi %mul3A_2, %rem3A_0 : i32
    %mul3A_3 = arith.constant 128 : i32
    %mul3A_4 = arith.muli %add3A, %mul3A_3 : i32
    %multiple_of3A = tpu.assume_multiple %mul3A_4, 128 : i32
    "tpu.region"() ({
      %run_scoped3A_985 = tpu.sem_alloc : memref<!tpu.dma_semaphore, #tpu.memory_space<semaphore_mem>>
      tpu.enqueue_dma source(%arg3 : memref<32xi32, #tpu.memory_space<hbm>>) target(%arg12 : memref<32xi32, #tpu.memory_space<vmem>>) target_semaphore(%run_scoped3A_985 : memref<!tpu.dma_semaphore, #tpu.memory_space<semaphore_mem>>)
      tpu.wait_dma2 semaphore(%run_scoped3A_985 : memref<!tpu.dma_semaphore, #tpu.memory_space<semaphore_mem>>) src(%arg3 : memref<32xi32, #tpu.memory_space<hbm>>) dst(%arg12 : memref<32xi32, #tpu.memory_space<vmem>>)
      tpu.yield
    }) : () -> ()
    %iota3A = tpu.iota {dimensions = array<i32: 0>} : vector<16xi32>
    %mul3A_5 = arith.constant 4 : i32
    %mul3A_6 = vector.broadcast %mul3A_5 : i32 to vector<16xi32>
    %mul3A_7 = arith.muli %mul3A_6, %iota3A : vector<16xi32>
    %add3A_8 = vector.broadcast %div3A_1 : i32 to vector<16xi32>
    %add3A_9 = arith.addi %add3A_8, %mul3A_7 : vector<16xi32>
    %min3A = arith.constant 16 : i32
    %min3A_10 = vector.broadcast %min3A : i32 to vector<16xi32>
    %min3A_11 = arith.minsi %add3A_9, %min3A_10 : vector<16xi32>
    %gather3A = tpu.vector_load_idx %arg12[%min3A_11] : memref<32xi32, #tpu.memory_space<vmem>>[vector<16xi32>], vector<16xi32>,
    %add3A_12 = arith.constant 1 : i32
    %add3A_13 = vector.broadcast %add3A_12 : i32 to vector<16xi32>
    %add3A_14 = arith.addi %add3A_9, %add3A_13 : vector<16xi32>
    %min3A_15 = arith.constant 16 : i32
    %min3A_16 = vector.broadcast %min3A_15 : i32 to vector<16xi32>
    %min3A_17 = arith.minsi %add3A_14, %min3A_16 : vector<16xi32>
    %gather3A_18 = tpu.vector_load_idx %arg12[%min3A_17] : memref<32xi32, #tpu.memory_space<vmem>>[vector<16xi32>], vector<16xi32>,
    %slice3A = vector.extract_strided_slice %gather3A {offsets = [0], sizes = [1], strides = [1]} : vector<16xi32> to vector<1xi32>
    %squeeze3A = vector.extract %slice3A[0] : i32 from vector<1xi32>
    %slice3A_19 = vector.extract_strided_slice %gather3A {offsets = [1], sizes = [1], strides = [1]} : vector<16xi32> to vector<1xi32>
    %squeeze3A_20 = vector.extract %slice3A_19[0] : i32 from vector<1xi32>
    %slice3A_21 = vector.extract_strided_slice %gather3A {offsets = [2], sizes = [1], strides = [1]} : vector<16xi32> to vector<1xi32>
    %squeeze3A_22 = vector.extract %slice3A_21[0] : i32 from vector<1xi32>
    %slice3A_23 = vector.extract_strided_slice %gather3A {offsets = [3], sizes = [1], strides = [1]} : vector<16xi32> to vector<1xi32>
    %squeeze3A_24 = vector.extract %slice3A_23[0] : i32 from vector<1xi32>
    %slice3A_25 = vector.extract_strided_slice %gather3A_18 {offsets = [0], sizes = [1], strides = [1]} : vector<16xi32> to vector<1xi32>
    %squeeze3A_26 = vector.extract %slice3A_25[0] : i32 from vector<1xi32>
    %slice3A_27 = vector.extract_strided_slice %gather3A_18 {offsets = [1], sizes = [1], strides = [1]} : vector<16xi32> to vector<1xi32>
    %squeeze3A_28 = vector.extract %slice3A_27[0] : i32 from vector<1xi32>
    %slice3A_29 = vector.extract_strided_slice %gather3A_18 {offsets = [2], sizes = [1], strides = [1]} : vector<16xi32> to vector<1xi32>
    %squeeze3A_30 = vector.extract %slice3A_29[0] : i32 from vector<1xi32>
    %slice3A_31 = vector.extract_strided_slice %gather3A_18 {offsets = [3], sizes = [1], strides = [1]} : vector<16xi32> to vector<1xi32>
    %squeeze3A_32 = vector.extract %slice3A_31[0] : i32 from vector<1xi32>
    %add3A_33 = arith.constant 63 : i32
    %add3A_34 = arith.addi %squeeze3A, %add3A_33 : i32
    %div3A_35 = arith.constant 64 : i32
    %div3A_36 = arith.divsi %add3A_34, %div3A_35 : i32
    %div3A_37 = arith.constant 64 : i32
    %div3A_38 = arith.divsi %squeeze3A_26, %div3A_37 : i32
    %mul3A_39 = arith.constant 64 : i32
    %mul3A_40 = arith.muli %div3A_36, %mul3A_39 : i32
    %min3A_41 = arith.minsi %mul3A_40, %squeeze3A_26 : i32
    %gt3A = arith.cmpi sgt, %div3A_38, %div3A_36 : i32
    %mul3A_42 = arith.constant 64 : i32
    %mul3A_43 = arith.muli %div3A_38, %mul3A_42 : i32
    %select_n3A = arith.select %gt3A, %mul3A_43, %squeeze3A_26 : i32
    %div3A_44 = arith.constant 8 : i32
    %div3A_45 = arith.divsi %squeeze3A, %div3A_44 : i32
    %mul3A_46 = arith.constant 8 : i32
    %mul3A_47 = arith.muli %div3A_45, %mul3A_46 : i32
    %min3A_48 = arith.constant 32696 : i32
    %min3A_49 = arith.minsi %mul3A_47, %min3A_48 : i32
    %div3A_50 = arith.constant 8 : i32
    %div3A_51 = arith.divsi %select_n3A, %div3A_50 : i32
    %mul3A_52 = arith.constant 8 : i32
    %mul3A_53 = arith.muli %div3A_51, %mul3A_52 : i32
    %min3A_54 = arith.constant 32696 : i32
    %min3A_55 = arith.minsi %mul3A_53, %min3A_54 : i32
    %multiple_of3A_56 = tpu.assume_multiple %min3A_49, 8 : i32
    %multiple_of3A_57 = tpu.assume_multiple %min3A_55, 8 : i32
    %add3A_58 = arith.constant 63 : i32
    %add3A_59 = arith.addi %squeeze3A_20, %add3A_58 : i32
    %div3A_60 = arith.constant 64 : i32
    %div3A_61 = arith.divsi %add3A_59, %div3A_60 : i32
    %div3A_62 = arith.constant 64 : i32
    %div3A_63 = arith.divsi %squeeze3A_28, %div3A_62 : i32
    %mul3A_64 = arith.constant 64 : i32
    %mul3A_65 = arith.muli %div3A_61, %mul3A_64 : i32
    %min3A_66 = arith.minsi %mul3A_65, %squeeze3A_28 : i32
    %gt3A_67 = arith.cmpi sgt, %div3A_63, %div3A_61 : i32
    %mul3A_68 = arith.constant 64 : i32
    %mul3A_69 = arith.muli %div3A_63, %mul3A_68 : i32
    %select_n3A_70 = arith.select %gt3A_67, %mul3A_69, %squeeze3A_28 : i32
    %div3A_71 = arith.constant 8 : i32
    %div3A_72 = arith.divsi %squeeze3A_20, %div3A_71 : i32
    %mul3A_73 = arith.constant 8 : i32
    %mul3A_74 = arith.muli %div3A_72, %mul3A_73 : i32
    %min3A_75 = arith.constant 32696 : i32
    %min3A_76 = arith.minsi %mul3A_74, %min3A_75 : i32
    %div3A_77 = arith.constant 8 : i32
    %div3A_78 = arith.divsi %select_n3A_70, %div3A_77 : i32
    %mul3A_79 = arith.constant 8 : i32
    %mul3A_80 = arith.muli %div3A_78, %mul3A_79 : i32
    %min3A_81 = arith.constant 32696 : i32
    %min3A_82 = arith.minsi %mul3A_80, %min3A_81 : i32
    %multiple_of3A_83 = tpu.assume_multiple %min3A_76, 8 : i32
    %multiple_of3A_84 = tpu.assume_multiple %min3A_82, 8 : i32
    %add3A_85 = arith.constant 63 : i32
    %add3A_86 = arith.addi %squeeze3A_22, %add3A_85 : i32
    %div3A_87 = arith.constant 64 : i32
    %div3A_88 = arith.divsi %add3A_86, %div3A_87 : i32
    %div3A_89 = arith.constant 64 : i32
    %div3A_90 = arith.divsi %squeeze3A_30, %div3A_89 : i32
    %mul3A_91 = arith.constant 64 : i32
    %mul3A_92 = arith.muli %div3A_88, %mul3A_91 : i32
    %min3A_93 = arith.minsi %mul3A_92, %squeeze3A_30 : i32
    %gt3A_94 = arith.cmpi sgt, %div3A_90, %div3A_88 : i32
    %mul3A_95 = arith.constant 64 : i32
    %mul3A_96 = arith.muli %div3A_90, %mul3A_95 : i32
    %select_n3A_97 = arith.select %gt3A_94, %mul3A_96, %squeeze3A_30 : i32
    %div3A_98 = arith.constant 8 : i32
    %div3A_99 = arith.divsi %squeeze3A_22, %div3A_98 : i32
    %mul3A_100 = arith.constant 8 : i32
    %mul3A_101 = arith.muli %div3A_99, %mul3A_100 : i32
    %min3A_102 = arith.constant 32696 : i32
    %min3A_103 = arith.minsi %mul3A_101, %min3A_102 : i32
    %div3A_104 = arith.constant 8 : i32
    %div3A_105 = arith.divsi %select_n3A_97, %div3A_104 : i32
    %mul3A_106 = arith.constant 8 : i32
    %mul3A_107 = arith.muli %div3A_105, %mul3A_106 : i32
    %min3A_108 = arith.constant 32696 : i32
    %min3A_109 = arith.minsi %mul3A_107, %min3A_108 : i32
    %multiple_of3A_110 = tpu.assume_multiple %min3A_103, 8 : i32
    %multiple_of3A_111 = tpu.assume_multiple %min3A_109, 8 : i32
    %add3A_112 = arith.constant 63 : i32
    %add3A_113 = arith.addi %squeeze3A_24, %add3A_112 : i32
    %div3A_114 = arith.constant 64 : i32
    %div3A_115 = arith.divsi %add3A_113, %div3A_114 : i32
    %div3A_116 = arith.constant 64 : i32
    %div3A_117 = arith.divsi %squeeze3A_32, %div3A_116 : i32
    %mul3A_118 = arith.constant 64 : i32
    %mul3A_119 = arith.muli %div3A_115, %mul3A_118 : i32
    %min3A_120 = arith.minsi %mul3A_119, %squeeze3A_32 : i32
    %gt3A_121 = arith.cmpi sgt, %div3A_117, %div3A_115 : i32
    %mul3A_122 = arith.constant 64 : i32
    %mul3A_123 = arith.muli %div3A_117, %mul3A_122 : i32
    %select_n3A_124 = arith.select %gt3A_121, %mul3A_123, %squeeze3A_32 : i32
    %div3A_125 = arith.constant 8 : i32
    %div3A_126 = arith.divsi %squeeze3A_24, %div3A_125 : i32
    %mul3A_127 = arith.constant 8 : i32
    %mul3A_128 = arith.muli %div3A_126, %mul3A_127 : i32
    %min3A_129 = arith.constant 32696 : i32
    %min3A_130 = arith.minsi %mul3A_128, %min3A_129 : i32
    %div3A_131 = arith.constant 8 : i32
    %div3A_132 = arith.divsi %select_n3A_124, %div3A_131 : i32
    %mul3A_133 = arith.constant 8 : i32
    %mul3A_134 = arith.muli %div3A_132, %mul3A_133 : i32
    %min3A_135 = arith.constant 32696 : i32
    %min3A_136 = arith.minsi %mul3A_134, %min3A_135 : i32
    %multiple_of3A_137 = tpu.assume_multiple %min3A_130, 8 : i32
    %multiple_of3A_138 = tpu.assume_multiple %min3A_136, 8 : i32
    %dma_start3A = arith.constant 0 : i32
    %dma_start3A_139 = tpu.memref_slice %arg4[%dma_start3A, %multiple_of3A] : memref<16x1024xf32, #tpu.memory_space<hbm>> -> memref<16x128xf32, #tpu.memory_space<hbm>>
    %dma_start3A_140 = arith.constant 0 : i32
    %dma_start3A_141 = tpu.memref_slice %arg4[%dma_start3A_140, %multiple_of3A] : memref<16x1024xf32, #tpu.memory_space<hbm>> -> memref<16x128xf32, #tpu.memory_space<hbm>>
    tpu.enqueue_dma source(%dma_start3A_141 : memref<16x128xf32, #tpu.memory_space<hbm>>) target(%arg7 : memref<16x128xf32, #tpu.memory_space<vmem>>) target_semaphore(%arg14 : memref<!tpu.dma_semaphore, #tpu.memory_space<semaphore_mem>>)
    %dma_start3A_142 = arith.constant 0 : i32
    %dma_start3A_143 = tpu.memref_slice %arg5[%dma_start3A_142, %multiple_of3A] : memref<16x1024xi32, #tpu.memory_space<hbm>> -> memref<16x128xi32, #tpu.memory_space<hbm>>
    %dma_start3A_144 = arith.constant 0 : i32
    %dma_start3A_145 = tpu.memref_slice %arg5[%dma_start3A_144, %multiple_of3A] : memref<16x1024xi32, #tpu.memory_space<hbm>> -> memref<16x128xi32, #tpu.memory_space<hbm>>
    tpu.enqueue_dma source(%dma_start3A_145 : memref<16x128xi32, #tpu.memory_space<hbm>>) target(%arg8 : memref<16x128xi32, #tpu.memory_space<vmem>>) target_semaphore(%arg14 : memref<!tpu.dma_semaphore, #tpu.memory_space<semaphore_mem>>)
    %dma_start3A_146 = arith.constant 0 : i32
    %dma_start3A_147 = arith.constant 0 : i32
    %dma_start3A_148 = arith.constant 0 : i32
    %dma_start3A_149 = tpu.memref_slice %arg9[%dma_start3A_146, %dma_start3A_147, %dma_start3A_148] : memref<4x72x128xf32, #tpu.memory_space<vmem>> -> memref<1x72x128xf32, #tpu.memory_space<vmem>>
    %dma_start3A_150 = tpu.memref_squeeze %dma_start3A_149 : memref<1x72x128xf32, #tpu.memory_space<vmem>> -> memref<72x128xf32, #tpu.memory_space<vmem>>
    %dma_start3A_151 = tpu.memref_slice %arg2[%multiple_of3A_56, %multiple_of3A] : memref<32768x1024xf32, #tpu.memory_space<hbm>> -> memref<72x128xf32, #tpu.memory_space<hbm>>
    %dma_start3A_152 = arith.constant 0 : i32
    %dma_start3A_153 = arith.constant 0 : i32
    %dma_start3A_154 = tpu.memref_slice %arg9[%dma_start3A_146, %dma_start3A_152, %dma_start3A_153] : memref<4x72x128xf32, #tpu.memory_space<vmem>> -> memref<1x72x128xf32, #tpu.memory_space<vmem>>
    %dma_start3A_155 = tpu.memref_squeeze %dma_start3A_154 : memref<1x72x128xf32, #tpu.memory_space<vmem>> -> memref<72x128xf32, #tpu.memory_space<vmem>>
    %dma_start3A_156 = tpu.memref_slice %arg2[%multiple_of3A_56, %multiple_of3A] : memref<32768x1024xf32, #tpu.memory_space<hbm>> -> memref<72x128xf32, #tpu.memory_space<hbm>>
    tpu.enqueue_dma source(%dma_start3A_156 : memref<72x128xf32, #tpu.memory_space<hbm>>) target(%dma_start3A_155 : memref<72x128xf32, #tpu.memory_space<vmem>>) target_semaphore(%arg14 : memref<!tpu.dma_semaphore, #tpu.memory_space<semaphore_mem>>)
    %dma_start3A_157 = arith.constant 0 : i32
    %dma_start3A_158 = arith.constant 0 : i32
    %dma_start3A_159 = arith.constant 0 : i32
    %dma_start3A_160 = tpu.memref_slice %arg10[%dma_start3A_157, %dma_start3A_158, %dma_start3A_159] : memref<4x72x128xf32, #tpu.memory_space<vmem>> -> memref<1x72x128xf32, #tpu.memory_space<vmem>>
    %dma_start3A_161 = tpu.memref_squeeze %dma_start3A_160 : memref<1x72x128xf32, #tpu.memory_space<vmem>> -> memref<72x128xf32, #tpu.memory_space<vmem>>
    %dma_start3A_162 = tpu.memref_slice %arg2[%multiple_of3A_57, %multiple_of3A] : memref<32768x1024xf32, #tpu.memory_space<hbm>> -> memref<72x128xf32, #tpu.memory_space<hbm>>
    %dma_start3A_163 = arith.constant 0 : i32
    %dma_start3A_164 = arith.constant 0 : i32
    %dma_start3A_165 = tpu.memref_slice %arg10[%dma_start3A_157, %dma_start3A_163, %dma_start3A_164] : memref<4x72x128xf32, #tpu.memory_space<vmem>> -> memref<1x72x128xf32, #tpu.memory_space<vmem>>
    %dma_start3A_166 = tpu.memref_squeeze %dma_start3A_165 : memref<1x72x128xf32, #tpu.memory_space<vmem>> -> memref<72x128xf32, #tpu.memory_space<vmem>>
    %dma_start3A_167 = tpu.memref_slice %arg2[%multiple_of3A_57, %multiple_of3A] : memref<32768x1024xf32, #tpu.memory_space<hbm>> -> memref<72x128xf32, #tpu.memory_space<hbm>>
    tpu.enqueue_dma source(%dma_start3A_167 : memref<72x128xf32, #tpu.memory_space<hbm>>) target(%dma_start3A_166 : memref<72x128xf32, #tpu.memory_space<vmem>>) target_semaphore(%arg14 : memref<!tpu.dma_semaphore, #tpu.memory_space<semaphore_mem>>)
    %dma_start3A_168 = arith.constant 1 : i32
    %dma_start3A_169 = arith.constant 0 : i32
    %dma_start3A_170 = arith.constant 0 : i32
    %dma_start3A_171 = tpu.memref_slice %arg9[%dma_start3A_168, %dma_start3A_169, %dma_start3A_170] : memref<4x72x128xf32, #tpu.memory_space<vmem>> -> memref<1x72x128xf32, #tpu.memory_space<vmem>>
    %dma_start3A_172 = tpu.memref_squeeze %dma_start3A_171 : memref<1x72x128xf32, #tpu.memory_space<vmem>> -> memref<72x128xf32, #tpu.memory_space<vmem>>
    %dma_start3A_173 = tpu.memref_slice %arg2[%multiple_of3A_83, %multiple_of3A] : memref<32768x1024xf32, #tpu.memory_space<hbm>> -> memref<72x128xf32, #tpu.memory_space<hbm>>
    %dma_start3A_174 = arith.constant 0 : i32
    %dma_start3A_175 = arith.constant 0 : i32
    %dma_start3A_176 = tpu.memref_slice %arg9[%dma_start3A_168, %dma_start3A_174, %dma_start3A_175] : memref<4x72x128xf32, #tpu.memory_space<vmem>> -> memref<1x72x128xf32, #tpu.memory_space<vmem>>
    %dma_start3A_177 = tpu.memref_squeeze %dma_start3A_176 : memref<1x72x128xf32, #tpu.memory_space<vmem>> -> memref<72x128xf32, #tpu.memory_space<vmem>>
    %dma_start3A_178 = tpu.memref_slice %arg2[%multiple_of3A_83, %multiple_of3A] : memref<32768x1024xf32, #tpu.memory_space<hbm>> -> memref<72x128xf32, #tpu.memory_space<hbm>>
    tpu.enqueue_dma source(%dma_start3A_178 : memref<72x128xf32, #tpu.memory_space<hbm>>) target(%dma_start3A_177 : memref<72x128xf32, #tpu.memory_space<vmem>>) target_semaphore(%arg14 : memref<!tpu.dma_semaphore, #tpu.memory_space<semaphore_mem>>)
    %dma_start3A_179 = arith.constant 1 : i32
    %dma_start3A_180 = arith.constant 0 : i32
    %dma_start3A_181 = arith.constant 0 : i32
    %dma_start3A_182 = tpu.memref_slice %arg10[%dma_start3A_179, %dma_start3A_180, %dma_start3A_181] : memref<4x72x128xf32, #tpu.memory_space<vmem>> -> memref<1x72x128xf32, #tpu.memory_space<vmem>>
    %dma_start3A_183 = tpu.memref_squeeze %dma_start3A_182 : memref<1x72x128xf32, #tpu.memory_space<vmem>> -> memref<72x128xf32, #tpu.memory_space<vmem>>
    %dma_start3A_184 = tpu.memref_slice %arg2[%multiple_of3A_84, %multiple_of3A] : memref<32768x1024xf32, #tpu.memory_space<hbm>> -> memref<72x128xf32, #tpu.memory_space<hbm>>
    %dma_start3A_185 = arith.constant 0 : i32
    %dma_start3A_186 = arith.constant 0 : i32
    %dma_start3A_187 = tpu.memref_slice %arg10[%dma_start3A_179, %dma_start3A_185, %dma_start3A_186] : memref<4x72x128xf32, #tpu.memory_space<vmem>> -> memref<1x72x128xf32, #tpu.memory_space<vmem>>
    %dma_start3A_188 = tpu.memref_squeeze %dma_start3A_187 : memref<1x72x128xf32, #tpu.memory_space<vmem>> -> memref<72x128xf32, #tpu.memory_space<vmem>>
    %dma_start3A_189 = tpu.memref_slice %arg2[%multiple_of3A_84, %multiple_of3A] : memref<32768x1024xf32, #tpu.memory_space<hbm>> -> memref<72x128xf32, #tpu.memory_space<hbm>>
    tpu.enqueue_dma source(%dma_start3A_189 : memref<72x128xf32, #tpu.memory_space<hbm>>) target(%dma_start3A_188 : memref<72x128xf32, #tpu.memory_space<vmem>>) target_semaphore(%arg14 : memref<!tpu.dma_semaphore, #tpu.memory_space<semaphore_mem>>)
    %dma_start3A_190 = arith.constant 2 : i32
    %dma_start3A_191 = arith.constant 0 : i32
    %dma_start3A_192 = arith.constant 0 : i32
    %dma_start3A_193 = tpu.memref_slice %arg9[%dma_start3A_190, %dma_start3A_191, %dma_start3A_192] : memref<4x72x128xf32, #tpu.memory_space<vmem>> -> memref<1x72x128xf32, #tpu.memory_space<vmem>>
    %dma_start3A_194 = tpu.memref_squeeze %dma_start3A_193 : memref<1x72x128xf32, #tpu.memory_space<vmem>> -> memref<72x128xf32, #tpu.memory_space<vmem>>
    %dma_start3A_195 = tpu.memref_slice %arg2[%multiple_of3A_110, %multiple_of3A] : memref<32768x1024xf32, #tpu.memory_space<hbm>> -> memref<72x128xf32, #tpu.memory_space<hbm>>
    %dma_start3A_196 = arith.constant 0 : i32
    %dma_start3A_197 = arith.constant 0 : i32
    %dma_start3A_198 = tpu.memref_slice %arg9[%dma_start3A_190, %dma_start3A_196, %dma_start3A_197] : memref<4x72x128xf32, #tpu.memory_space<vmem>> -> memref<1x72x128xf32, #tpu.memory_space<vmem>>
    %dma_start3A_199 = tpu.memref_squeeze %dma_start3A_198 : memref<1x72x128xf32, #tpu.memory_space<vmem>> -> memref<72x128xf32, #tpu.memory_space<vmem>>
    %dma_start3A_200 = tpu.memref_slice %arg2[%multiple_of3A_110, %multiple_of3A] : memref<32768x1024xf32, #tpu.memory_space<hbm>> -> memref<72x128xf32, #tpu.memory_space<hbm>>
    tpu.enqueue_dma source(%dma_start3A_200 : memref<72x128xf32, #tpu.memory_space<hbm>>) target(%dma_start3A_199 : memref<72x128xf32, #tpu.memory_space<vmem>>) target_semaphore(%arg14 : memref<!tpu.dma_semaphore, #tpu.memory_space<semaphore_mem>>)
    %dma_start3A_201 = arith.constant 2 : i32
    %dma_start3A_202 = arith.constant 0 : i32
    %dma_start3A_203 = arith.constant 0 : i32
    %dma_start3A_204 = tpu.memref_slice %arg10[%dma_start3A_201, %dma_start3A_202, %dma_start3A_203] : memref<4x72x128xf32, #tpu.memory_space<vmem>> -> memref<1x72x128xf32, #tpu.memory_space<vmem>>
    %dma_start3A_205 = tpu.memref_squeeze %dma_start3A_204 : memref<1x72x128xf32, #tpu.memory_space<vmem>> -> memref<72x128xf32, #tpu.memory_space<vmem>>
    %dma_start3A_206 = tpu.memref_slice %arg2[%multiple_of3A_111, %multiple_of3A] : memref<32768x1024xf32, #tpu.memory_space<hbm>> -> memref<72x128xf32, #tpu.memory_space<hbm>>
    %dma_start3A_207 = arith.constant 0 : i32
    %dma_start3A_208 = arith.constant 0 : i32
    %dma_start3A_209 = tpu.memref_slice %arg10[%dma_start3A_201, %dma_start3A_207, %dma_start3A_208] : memref<4x72x128xf32, #tpu.memory_space<vmem>> -> memref<1x72x128xf32, #tpu.memory_space<vmem>>
    %dma_start3A_210 = tpu.memref_squeeze %dma_start3A_209 : memref<1x72x128xf32, #tpu.memory_space<vmem>> -> memref<72x128xf32, #tpu.memory_space<vmem>>
    %dma_start3A_211 = tpu.memref_slice %arg2[%multiple_of3A_111, %multiple_of3A] : memref<32768x1024xf32, #tpu.memory_space<hbm>> -> memref<72x128xf32, #tpu.memory_space<hbm>>
    tpu.enqueue_dma source(%dma_start3A_211 : memref<72x128xf32, #tpu.memory_space<hbm>>) target(%dma_start3A_210 : memref<72x128xf32, #tpu.memory_space<vmem>>) target_semaphore(%arg14 : memref<!tpu.dma_semaphore, #tpu.memory_space<semaphore_mem>>)
    %dma_start3A_212 = arith.constant 3 : i32
    %dma_start3A_213 = arith.constant 0 : i32
    %dma_start3A_214 = arith.constant 0 : i32
    %dma_start3A_215 = tpu.memref_slice %arg9[%dma_start3A_212, %dma_start3A_213, %dma_start3A_214] : memref<4x72x128xf32, #tpu.memory_space<vmem>> -> memref<1x72x128xf32, #tpu.memory_space<vmem>>
    %dma_start3A_216 = tpu.memref_squeeze %dma_start3A_215 : memref<1x72x128xf32, #tpu.memory_space<vmem>> -> memref<72x128xf32, #tpu.memory_space<vmem>>
    %dma_start3A_217 = tpu.memref_slice %arg2[%multiple_of3A_137, %multiple_of3A] : memref<32768x1024xf32, #tpu.memory_space<hbm>> -> memref<72x128xf32, #tpu.memory_space<hbm>>
    %dma_start3A_218 = arith.constant 0 : i32
    %dma_start3A_219 = arith.constant 0 : i32
    %dma_start3A_220 = tpu.memref_slice %arg9[%dma_start3A_212, %dma_start3A_218, %dma_start3A_219] : memref<4x72x128xf32, #tpu.memory_space<vmem>> -> memref<1x72x128xf32, #tpu.memory_space<vmem>>
    %dma_start3A_221 = tpu.memref_squeeze %dma_start3A_220 : memref<1x72x128xf32, #tpu.memory_space<vmem>> -> memref<72x128xf32, #tpu.memory_space<vmem>>
    %dma_start3A_222 = tpu.memref_slice %arg2[%multiple_of3A_137, %multiple_of3A] : memref<32768x1024xf32, #tpu.memory_space<hbm>> -> memref<72x128xf32, #tpu.memory_space<hbm>>
    tpu.enqueue_dma source(%dma_start3A_222 : memref<72x128xf32, #tpu.memory_space<hbm>>) target(%dma_start3A_221 : memref<72x128xf32, #tpu.memory_space<vmem>>) target_semaphore(%arg14 : memref<!tpu.dma_semaphore, #tpu.memory_space<semaphore_mem>>)
    %dma_start3A_223 = arith.constant 3 : i32
    %dma_start3A_224 = arith.constant 0 : i32
    %dma_start3A_225 = arith.constant 0 : i32
    %dma_start3A_226 = tpu.memref_slice %arg10[%dma_start3A_223, %dma_start3A_224, %dma_start3A_225] : memref<4x72x128xf32, #tpu.memory_space<vmem>> -> memref<1x72x128xf32, #tpu.memory_space<vmem>>
    %dma_start3A_227 = tpu.memref_squeeze %dma_start3A_226 : memref<1x72x128xf32, #tpu.memory_space<vmem>> -> memref<72x128xf32, #tpu.memory_space<vmem>>
    %dma_start3A_228 = tpu.memref_slice %arg2[%multiple_of3A_138, %multiple_of3A] : memref<32768x1024xf32, #tpu.memory_space<hbm>> -> memref<72x128xf32, #tpu.memory_space<hbm>>
    %dma_start3A_229 = arith.constant 0 : i32
    %dma_start3A_230 = arith.constant 0 : i32
    %dma_start3A_231 = tpu.memref_slice %arg10[%dma_start3A_223, %dma_start3A_229, %dma_start3A_230] : memref<4x72x128xf32, #tpu.memory_space<vmem>> -> memref<1x72x128xf32, #tpu.memory_space<vmem>>
    %dma_start3A_232 = tpu.memref_squeeze %dma_start3A_231 : memref<1x72x128xf32, #tpu.memory_space<vmem>> -> memref<72x128xf32, #tpu.memory_space<vmem>>
    %dma_start3A_233 = tpu.memref_slice %arg2[%multiple_of3A_138, %multiple_of3A] : memref<32768x1024xf32, #tpu.memory_space<hbm>> -> memref<72x128xf32, #tpu.memory_space<hbm>>
    tpu.enqueue_dma source(%dma_start3A_233 : memref<72x128xf32, #tpu.memory_space<hbm>>) target(%dma_start3A_232 : memref<72x128xf32, #tpu.memory_space<vmem>>) target_semaphore(%arg14 : memref<!tpu.dma_semaphore, #tpu.memory_space<semaphore_mem>>)
    %dma_wait3A = arith.constant 0 : i32
    %dma_wait3A_234 = tpu.memref_slice %arg4[%dma_wait3A, %multiple_of3A] : memref<16x1024xf32, #tpu.memory_space<hbm>> -> memref<16x128xf32, #tpu.memory_space<hbm>>
    %dma_wait3A_235 = arith.constant 0 : i32
    %dma_wait3A_236 = tpu.memref_slice %arg4[%dma_wait3A_235, %multiple_of3A] : memref<16x1024xf32, #tpu.memory_space<hbm>> -> memref<16x128xf32, #tpu.memory_space<hbm>>
    tpu.wait_dma2 semaphore(%arg14 : memref<!tpu.dma_semaphore, #tpu.memory_space<semaphore_mem>>) src(%dma_wait3A_236 : memref<16x128xf32, #tpu.memory_space<hbm>>) dst(%arg7 : memref<16x128xf32, #tpu.memory_space<vmem>>)
    %dma_wait3A_237 = arith.constant 0 : i32
    %dma_wait3A_238 = tpu.memref_slice %arg5[%dma_wait3A_237, %multiple_of3A] : memref<16x1024xi32, #tpu.memory_space<hbm>> -> memref<16x128xi32, #tpu.memory_space<hbm>>
    %dma_wait3A_239 = arith.constant 0 : i32
    %dma_wait3A_240 = tpu.memref_slice %arg5[%dma_wait3A_239, %multiple_of3A] : memref<16x1024xi32, #tpu.memory_space<hbm>> -> memref<16x128xi32, #tpu.memory_space<hbm>>
    tpu.wait_dma2 semaphore(%arg14 : memref<!tpu.dma_semaphore, #tpu.memory_space<semaphore_mem>>) src(%dma_wait3A_240 : memref<16x128xi32, #tpu.memory_space<hbm>>) dst(%arg8 : memref<16x128xi32, #tpu.memory_space<vmem>>)
    %dma_wait3A_241 = arith.constant 0 : i32
    %dma_wait3A_242 = arith.constant 0 : i32
    %dma_wait3A_243 = arith.constant 0 : i32
    %dma_wait3A_244 = tpu.memref_slice %arg9[%dma_wait3A_241, %dma_wait3A_242, %dma_wait3A_243] : memref<4x72x128xf32, #tpu.memory_space<vmem>> -> memref<1x72x128xf32, #tpu.memory_space<vmem>>
    %dma_wait3A_245 = tpu.memref_squeeze %dma_wait3A_244 : memref<1x72x128xf32, #tpu.memory_space<vmem>> -> memref<72x128xf32, #tpu.memory_space<vmem>>
    %dma_wait3A_246 = arith.constant 0 : i32
    %dma_wait3A_247 = tpu.memref_slice %arg2[%dma_wait3A_246, %multiple_of3A] : memref<32768x1024xf32, #tpu.memory_space<hbm>> -> memref<72x128xf32, #tpu.memory_space<hbm>>
    %dma_wait3A_248 = arith.constant 0 : i32
    %dma_wait3A_249 = arith.constant 0 : i32
    %dma_wait3A_250 = tpu.memref_slice %arg9[%dma_wait3A_241, %dma_wait3A_248, %dma_wait3A_249] : memref<4x72x128xf32, #tpu.memory_space<vmem>> -> memref<1x72x128xf32, #tpu.memory_space<vmem>>
    %dma_wait3A_251 = tpu.memref_squeeze %dma_wait3A_250 : memref<1x72x128xf32, #tpu.memory_space<vmem>> -> memref<72x128xf32, #tpu.memory_space<vmem>>
    %dma_wait3A_252 = arith.constant 0 : i32
    %dma_wait3A_253 = tpu.memref_slice %arg2[%dma_wait3A_252, %multiple_of3A] : memref<32768x1024xf32, #tpu.memory_space<hbm>> -> memref<72x128xf32, #tpu.memory_space<hbm>>
    tpu.wait_dma2 semaphore(%arg14 : memref<!tpu.dma_semaphore, #tpu.memory_space<semaphore_mem>>) src(%dma_wait3A_253 : memref<72x128xf32, #tpu.memory_space<hbm>>) dst(%dma_wait3A_251 : memref<72x128xf32, #tpu.memory_space<vmem>>)
    %dma_wait3A_254 = arith.constant 0 : i32
    %dma_wait3A_255 = arith.constant 0 : i32
    %dma_wait3A_256 = arith.constant 0 : i32
    %dma_wait3A_257 = tpu.memref_slice %arg10[%dma_wait3A_254, %dma_wait3A_255, %dma_wait3A_256] : memref<4x72x128xf32, #tpu.memory_space<vmem>> -> memref<1x72x128xf32, #tpu.memory_space<vmem>>
    %dma_wait3A_258 = tpu.memref_squeeze %dma_wait3A_257 : memref<1x72x128xf32, #tpu.memory_space<vmem>> -> memref<72x128xf32, #tpu.memory_space<vmem>>
    %dma_wait3A_259 = arith.constant 0 : i32
    %dma_wait3A_260 = tpu.memref_slice %arg2[%dma_wait3A_259, %multiple_of3A] : memref<32768x1024xf32, #tpu.memory_space<hbm>> -> memref<72x128xf32, #tpu.memory_space<hbm>>
    %dma_wait3A_261 = arith.constant 0 : i32
    %dma_wait3A_262 = arith.constant 0 : i32
    %dma_wait3A_263 = tpu.memref_slice %arg10[%dma_wait3A_254, %dma_wait3A_261, %dma_wait3A_262] : memref<4x72x128xf32, #tpu.memory_space<vmem>> -> memref<1x72x128xf32, #tpu.memory_space<vmem>>
    %dma_wait3A_264 = tpu.memref_squeeze %dma_wait3A_263 : memref<1x72x128xf32, #tpu.memory_space<vmem>> -> memref<72x128xf32, #tpu.memory_space<vmem>>
    %dma_wait3A_265 = arith.constant 0 : i32
    %dma_wait3A_266 = tpu.memref_slice %arg2[%dma_wait3A_265, %multiple_of3A] : memref<32768x1024xf32, #tpu.memory_space<hbm>> -> memref<72x128xf32, #tpu.memory_space<hbm>>
    tpu.wait_dma2 semaphore(%arg14 : memref<!tpu.dma_semaphore, #tpu.memory_space<semaphore_mem>>) src(%dma_wait3A_266 : memref<72x128xf32, #tpu.memory_space<hbm>>) dst(%dma_wait3A_264 : memref<72x128xf32, #tpu.memory_space<vmem>>)
    %dma_wait3A_267 = arith.constant 1 : i32
    %dma_wait3A_268 = arith.constant 0 : i32
    %dma_wait3A_269 = arith.constant 0 : i32
    %dma_wait3A_270 = tpu.memref_slice %arg9[%dma_wait3A_267, %dma_wait3A_268, %dma_wait3A_269] : memref<4x72x128xf32, #tpu.memory_space<vmem>> -> memref<1x72x128xf32, #tpu.memory_space<vmem>>
    %dma_wait3A_271 = tpu.memref_squeeze %dma_wait3A_270 : memref<1x72x128xf32, #tpu.memory_space<vmem>> -> memref<72x128xf32, #tpu.memory_space<vmem>>
    %dma_wait3A_272 = arith.constant 0 : i32
    %dma_wait3A_273 = tpu.memref_slice %arg2[%dma_wait3A_272, %multiple_of3A] : memref<32768x1024xf32, #tpu.memory_space<hbm>> -> memref<72x128xf32, #tpu.memory_space<hbm>>
    %dma_wait3A_274 = arith.constant 0 : i32
    %dma_wait3A_275 = arith.constant 0 : i32
    %dma_wait3A_276 = tpu.memref_slice %arg9[%dma_wait3A_267, %dma_wait3A_274, %dma_wait3A_275] : memref<4x72x128xf32, #tpu.memory_space<vmem>> -> memref<1x72x128xf32, #tpu.memory_space<vmem>>
    %dma_wait3A_277 = tpu.memref_squeeze %dma_wait3A_276 : memref<1x72x128xf32, #tpu.memory_space<vmem>> -> memref<72x128xf32, #tpu.memory_space<vmem>>
    %dma_wait3A_278 = arith.constant 0 : i32
    %dma_wait3A_279 = tpu.memref_slice %arg2[%dma_wait3A_278, %multiple_of3A] : memref<32768x1024xf32, #tpu.memory_space<hbm>> -> memref<72x128xf32, #tpu.memory_space<hbm>>
    tpu.wait_dma2 semaphore(%arg14 : memref<!tpu.dma_semaphore, #tpu.memory_space<semaphore_mem>>) src(%dma_wait3A_279 : memref<72x128xf32, #tpu.memory_space<hbm>>) dst(%dma_wait3A_277 : memref<72x128xf32, #tpu.memory_space<vmem>>)
    %dma_wait3A_280 = arith.constant 1 : i32
    %dma_wait3A_281 = arith.constant 0 : i32
    %dma_wait3A_282 = arith.constant 0 : i32
    %dma_wait3A_283 = tpu.memref_slice %arg10[%dma_wait3A_280, %dma_wait3A_281, %dma_wait3A_282] : memref<4x72x128xf32, #tpu.memory_space<vmem>> -> memref<1x72x128xf32, #tpu.memory_space<vmem>>
    %dma_wait3A_284 = tpu.memref_squeeze %dma_wait3A_283 : memref<1x72x128xf32, #tpu.memory_space<vmem>> -> memref<72x128xf32, #tpu.memory_space<vmem>>
    %dma_wait3A_285 = arith.constant 0 : i32
    %dma_wait3A_286 = tpu.memref_slice %arg2[%dma_wait3A_285, %multiple_of3A] : memref<32768x1024xf32, #tpu.memory_space<hbm>> -> memref<72x128xf32, #tpu.memory_space<hbm>>
    %dma_wait3A_287 = arith.constant 0 : i32
    %dma_wait3A_288 = arith.constant 0 : i32
    %dma_wait3A_289 = tpu.memref_slice %arg10[%dma_wait3A_280, %dma_wait3A_287, %dma_wait3A_288] : memref<4x72x128xf32, #tpu.memory_space<vmem>> -> memref<1x72x128xf32, #tpu.memory_space<vmem>>
    %dma_wait3A_290 = tpu.memref_squeeze %dma_wait3A_289 : memref<1x72x128xf32, #tpu.memory_space<vmem>> -> memref<72x128xf32, #tpu.memory_space<vmem>>
    %dma_wait3A_291 = arith.constant 0 : i32
    %dma_wait3A_292 = tpu.memref_slice %arg2[%dma_wait3A_291, %multiple_of3A] : memref<32768x1024xf32, #tpu.memory_space<hbm>> -> memref<72x128xf32, #tpu.memory_space<hbm>>
    tpu.wait_dma2 semaphore(%arg14 : memref<!tpu.dma_semaphore, #tpu.memory_space<semaphore_mem>>) src(%dma_wait3A_292 : memref<72x128xf32, #tpu.memory_space<hbm>>) dst(%dma_wait3A_290 : memref<72x128xf32, #tpu.memory_space<vmem>>)
    %dma_wait3A_293 = arith.constant 2 : i32
    %dma_wait3A_294 = arith.constant 0 : i32
    %dma_wait3A_295 = arith.constant 0 : i32
    %dma_wait3A_296 = tpu.memref_slice %arg9[%dma_wait3A_293, %dma_wait3A_294, %dma_wait3A_295] : memref<4x72x128xf32, #tpu.memory_space<vmem>> -> memref<1x72x128xf32, #tpu.memory_space<vmem>>
    %dma_wait3A_297 = tpu.memref_squeeze %dma_wait3A_296 : memref<1x72x128xf32, #tpu.memory_space<vmem>> -> memref<72x128xf32, #tpu.memory_space<vmem>>
    %dma_wait3A_298 = arith.constant 0 : i32
    %dma_wait3A_299 = tpu.memref_slice %arg2[%dma_wait3A_298, %multiple_of3A] : memref<32768x1024xf32, #tpu.memory_space<hbm>> -> memref<72x128xf32, #tpu.memory_space<hbm>>
    %dma_wait3A_300 = arith.constant 0 : i32
    %dma_wait3A_301 = arith.constant 0 : i32
    %dma_wait3A_302 = tpu.memref_slice %arg9[%dma_wait3A_293, %dma_wait3A_300, %dma_wait3A_301] : memref<4x72x128xf32, #tpu.memory_space<vmem>> -> memref<1x72x128xf32, #tpu.memory_space<vmem>>
    %dma_wait3A_303 = tpu.memref_squeeze %dma_wait3A_302 : memref<1x72x128xf32, #tpu.memory_space<vmem>> -> memref<72x128xf32, #tpu.memory_space<vmem>>
    %dma_wait3A_304 = arith.constant 0 : i32
    %dma_wait3A_305 = tpu.memref_slice %arg2[%dma_wait3A_304, %multiple_of3A] : memref<32768x1024xf32, #tpu.memory_space<hbm>> -> memref<72x128xf32, #tpu.memory_space<hbm>>
    tpu.wait_dma2 semaphore(%arg14 : memref<!tpu.dma_semaphore, #tpu.memory_space<semaphore_mem>>) src(%dma_wait3A_305 : memref<72x128xf32, #tpu.memory_space<hbm>>) dst(%dma_wait3A_303 : memref<72x128xf32, #tpu.memory_space<vmem>>)
    %dma_wait3A_306 = arith.constant 2 : i32
    %dma_wait3A_307 = arith.constant 0 : i32
    %dma_wait3A_308 = arith.constant 0 : i32
    %dma_wait3A_309 = tpu.memref_slice %arg10[%dma_wait3A_306, %dma_wait3A_307, %dma_wait3A_308] : memref<4x72x128xf32, #tpu.memory_space<vmem>> -> memref<1x72x128xf32, #tpu.memory_space<vmem>>
    %dma_wait3A_310 = tpu.memref_squeeze %dma_wait3A_309 : memref<1x72x128xf32, #tpu.memory_space<vmem>> -> memref<72x128xf32, #tpu.memory_space<vmem>>
    %dma_wait3A_311 = arith.constant 0 : i32
    %dma_wait3A_312 = tpu.memref_slice %arg2[%dma_wait3A_311, %multiple_of3A] : memref<32768x1024xf32, #tpu.memory_space<hbm>> -> memref<72x128xf32, #tpu.memory_space<hbm>>
    %dma_wait3A_313 = arith.constant 0 : i32
    %dma_wait3A_314 = arith.constant 0 : i32
    %dma_wait3A_315 = tpu.memref_slice %arg10[%dma_wait3A_306, %dma_wait3A_313, %dma_wait3A_314] : memref<4x72x128xf32, #tpu.memory_space<vmem>> -> memref<1x72x128xf32, #tpu.memory_space<vmem>>
    %dma_wait3A_316 = tpu.memref_squeeze %dma_wait3A_315 : memref<1x72x128xf32, #tpu.memory_space<vmem>> -> memref<72x128xf32, #tpu.memory_space<vmem>>
    %dma_wait3A_317 = arith.constant 0 : i32
    %dma_wait3A_318 = tpu.memref_slice %arg2[%dma_wait3A_317, %multiple_of3A] : memref<32768x1024xf32, #tpu.memory_space<hbm>> -> memref<72x128xf32, #tpu.memory_space<hbm>>
    tpu.wait_dma2 semaphore(%arg14 : memref<!tpu.dma_semaphore, #tpu.memory_space<semaphore_mem>>) src(%dma_wait3A_318 : memref<72x128xf32, #tpu.memory_space<hbm>>) dst(%dma_wait3A_316 : memref<72x128xf32, #tpu.memory_space<vmem>>)
    %dma_wait3A_319 = arith.constant 3 : i32
    %dma_wait3A_320 = arith.constant 0 : i32
    %dma_wait3A_321 = arith.constant 0 : i32
    %dma_wait3A_322 = tpu.memref_slice %arg9[%dma_wait3A_319, %dma_wait3A_320, %dma_wait3A_321] : memref<4x72x128xf32, #tpu.memory_space<vmem>> -> memref<1x72x128xf32, #tpu.memory_space<vmem>>
    %dma_wait3A_323 = tpu.memref_squeeze %dma_wait3A_322 : memref<1x72x128xf32, #tpu.memory_space<vmem>> -> memref<72x128xf32, #tpu.memory_space<vmem>>
    %dma_wait3A_324 = arith.constant 0 : i32
    %dma_wait3A_325 = tpu.memref_slice %arg2[%dma_wait3A_324, %multiple_of3A] : memref<32768x1024xf32, #tpu.memory_space<hbm>> -> memref<72x128xf32, #tpu.memory_space<hbm>>
    %dma_wait3A_326 = arith.constant 0 : i32
    %dma_wait3A_327 = arith.constant 0 : i32
    %dma_wait3A_328 = tpu.memref_slice %arg9[%dma_wait3A_319, %dma_wait3A_326, %dma_wait3A_327] : memref<4x72x128xf32, #tpu.memory_space<vmem>> -> memref<1x72x128xf32, #tpu.memory_space<vmem>>
    %dma_wait3A_329 = tpu.memref_squeeze %dma_wait3A_328 : memref<1x72x128xf32, #tpu.memory_space<vmem>> -> memref<72x128xf32, #tpu.memory_space<vmem>>
    %dma_wait3A_330 = arith.constant 0 : i32
    %dma_wait3A_331 = tpu.memref_slice %arg2[%dma_wait3A_330, %multiple_of3A] : memref<32768x1024xf32, #tpu.memory_space<hbm>> -> memref<72x128xf32, #tpu.memory_space<hbm>>
    tpu.wait_dma2 semaphore(%arg14 : memref<!tpu.dma_semaphore, #tpu.memory_space<semaphore_mem>>) src(%dma_wait3A_331 : memref<72x128xf32, #tpu.memory_space<hbm>>) dst(%dma_wait3A_329 : memref<72x128xf32, #tpu.memory_space<vmem>>)
    %dma_wait3A_332 = arith.constant 3 : i32
    %dma_wait3A_333 = arith.constant 0 : i32
    %dma_wait3A_334 = arith.constant 0 : i32
    %dma_wait3A_335 = tpu.memref_slice %arg10[%dma_wait3A_332, %dma_wait3A_333, %dma_wait3A_334] : memref<4x72x128xf32, #tpu.memory_space<vmem>> -> memref<1x72x128xf32, #tpu.memory_space<vmem>>
    %dma_wait3A_336 = tpu.memref_squeeze %dma_wait3A_335 : memref<1x72x128xf32, #tpu.memory_space<vmem>> -> memref<72x128xf32, #tpu.memory_space<vmem>>
    %dma_wait3A_337 = arith.constant 0 : i32
    %dma_wait3A_338 = tpu.memref_slice %arg2[%dma_wait3A_337, %multiple_of3A] : memref<32768x1024xf32, #tpu.memory_space<hbm>> -> memref<72x128xf32, #tpu.memory_space<hbm>>
    %dma_wait3A_339 = arith.constant 0 : i32
    %dma_wait3A_340 = arith.constant 0 : i32
    %dma_wait3A_341 = tpu.memref_slice %arg10[%dma_wait3A_332, %dma_wait3A_339, %dma_wait3A_340] : memref<4x72x128xf32, #tpu.memory_space<vmem>> -> memref<1x72x128xf32, #tpu.memory_space<vmem>>
    %dma_wait3A_342 = tpu.memref_squeeze %dma_wait3A_341 : memref<1x72x128xf32, #tpu.memory_space<vmem>> -> memref<72x128xf32, #tpu.memory_space<vmem>>
    %dma_wait3A_343 = arith.constant 0 : i32
    %dma_wait3A_344 = tpu.memref_slice %arg2[%dma_wait3A_343, %multiple_of3A] : memref<32768x1024xf32, #tpu.memory_space<hbm>> -> memref<72x128xf32, #tpu.memory_space<hbm>>
    tpu.wait_dma2 semaphore(%arg14 : memref<!tpu.dma_semaphore, #tpu.memory_space<semaphore_mem>>) src(%dma_wait3A_344 : memref<72x128xf32, #tpu.memory_space<hbm>>) dst(%dma_wait3A_342 : memref<72x128xf32, #tpu.memory_space<vmem>>)
    %add3A_345 = arith.constant 0 : i32
    %add3A_346 = arith.addi %div3A_1, %add3A_345 : i32
    %broadcast_in_dim3A = arith.constant 0xFF800000 : f32
    %broadcast_in_dim3A_347 = vector.broadcast %broadcast_in_dim3A : f32 to vector<16xf32>
    %broadcast_in_dim3A_348 = arith.constant 0xFF800000 : f32
    %broadcast_in_dim3A_349 = vector.broadcast %broadcast_in_dim3A_348 : f32 to vector<16xf32>
    %broadcast_in_dim3A_350 = arith.constant 0xFF800000 : f32
    %broadcast_in_dim3A_351 = vector.broadcast %broadcast_in_dim3A_350 : f32 to vector<16xf32>
    %broadcast_in_dim3A_352 = arith.constant 0xFF800000 : f32
    %broadcast_in_dim3A_353 = vector.broadcast %broadcast_in_dim3A_352 : f32 to vector<16xf32>
    %broadcast_in_dim3A_354 = arith.constant 0xFF800000 : f32
    %broadcast_in_dim3A_355 = vector.broadcast %broadcast_in_dim3A_354 : f32 to vector<16xf32>
    %broadcast_in_dim3A_356 = arith.constant 0xFF800000 : f32
    %broadcast_in_dim3A_357 = vector.broadcast %broadcast_in_dim3A_356 : f32 to vector<16xf32>
    %broadcast_in_dim3A_358 = arith.constant 0xFF800000 : f32
    %broadcast_in_dim3A_359 = vector.broadcast %broadcast_in_dim3A_358 : f32 to vector<16xf32>
    %broadcast_in_dim3A_360 = arith.constant 0xFF800000 : f32
    %broadcast_in_dim3A_361 = vector.broadcast %broadcast_in_dim3A_360 : f32 to vector<16xf32>
    %broadcast_in_dim3A_362 = vector.broadcast %squeeze3A : i32 to vector<16xi32>
    %broadcast_in_dim3A_363 = vector.broadcast %squeeze3A : i32 to vector<16xi32>
    %broadcast_in_dim3A_364 = vector.broadcast %squeeze3A : i32 to vector<16xi32>
    %broadcast_in_dim3A_365 = vector.broadcast %squeeze3A : i32 to vector<16xi32>
    %broadcast_in_dim3A_366 = vector.broadcast %squeeze3A : i32 to vector<16xi32>
    %broadcast_in_dim3A_367 = vector.broadcast %squeeze3A : i32 to vector<16xi32>
    %broadcast_in_dim3A_368 = vector.broadcast %squeeze3A : i32 to vector<16xi32>
    %broadcast_in_dim3A_369 = vector.broadcast %squeeze3A : i32 to vector<16xi32>
    %sub3A = arith.subi %squeeze3A, %multiple_of3A_56 : i32
    %sub3A_370 = arith.subi %min3A_41, %multiple_of3A_56 : i32
    %while3A = arith.constant 0 : i32
    %while3A_371 = arith.subi %sub3A_370, %sub3A : i32
    %while3A_372 = arith.addi %sub3A, %while3A_371 : i32
    %while3A_373 = arith.constant 1 : i32
    %while3A_374 = arith.divsi %while3A_371, %while3A_373 : i32
    %while3A_375 = arith.muli %while3A_374, %while3A_373 : i32
    %while3A_376 = arith.addi %sub3A, %while3A_375 : i32
    %while3A_377 = arith.constant 1 : i32
    %while3A_378:16 = scf.for %while3A_985 = %sub3A to %while3A_376 step %while3A_377 iter_args(%while3A_986 = %broadcast_in_dim3A_347, %while3A_987 = %broadcast_in_dim3A_349, %while3A_988 = %broadcast_in_dim3A_351, %while3A_989 = %broadcast_in_dim3A_353, %while3A_990 = %broadcast_in_dim3A_355, %while3A_991 = %broadcast_in_dim3A_357, %while3A_992 = %broadcast_in_dim3A_359, %while3A_993 = %broadcast_in_dim3A_361, %while3A_994 = %broadcast_in_dim3A_362, %while3A_995 = %broadcast_in_dim3A_363, %while3A_996 = %broadcast_in_dim3A_364, %while3A_997 = %broadcast_in_dim3A_365, %while3A_998 = %broadcast_in_dim3A_366, %while3A_999 = %broadcast_in_dim3A_367, %while3A_1000 = %broadcast_in_dim3A_368, %while3A_1001 = %broadcast_in_dim3A_369) -> (vector<16xf32>, vector<16xf32>, vector<16xf32>, vector<16xf32>, vector<16xf32>, vector<16xf32>, vector<16xf32>, vector<16xf32>, vector<16xi32>, vector<16xi32>, vector<16xi32>, vector<16xi32>, vector<16xi32>, vector<16xi32>, vector<16xi32>, vector<16xi32>)  : i32 {
      %add3A_1002 = arith.addi %multiple_of3A_56, %while3A_985 : i32
      %broadcast_in_dim3A_1003 = vector.broadcast %add3A_1002 : i32 to vector<16xi32>
      %get3A_1004 = arith.constant 0 : i32
      %get3A_1005 = arith.constant 0 : i32
      %get3A_1006 = tpu.memref_slice %arg9[%while3A, %get3A_1004, %get3A_1005] : memref<4x72x128xf32, #tpu.memory_space<vmem>> -> memref<1x72x128xf32, #tpu.memory_space<vmem>>
      %get3A_1007 = tpu.memref_squeeze %get3A_1006 : memref<1x72x128xf32, #tpu.memory_space<vmem>> -> memref<72x128xf32, #tpu.memory_space<vmem>>
      %get3A_1008 = arith.index_cast %while3A_985 : i32 to index
      %get3A_1009 = arith.constant 0 : index
      %get3A_1010 = tpu.vector_load %get3A_1007[%get3A_1008, %get3A_1009] {strides = array<i32>} : memref<72x128xf32, #tpu.memory_space<vmem>>, vector<16xf32>,
      %gt3A_1011 = arith.cmpf ogt, %get3A_1010, %while3A_986 : vector<16xf32>
      %select_n3A_1012 = arith.select %gt3A_1011, %get3A_1010, %while3A_986 : vector<16xi1>, vector<16xf32>
      %select_n3A_1013 = arith.select %gt3A_1011, %broadcast_in_dim3A_1003, %while3A_994 : vector<16xi1>, vector<16xi32>
      %get3A_1014 = arith.constant 0 : i32
      %get3A_1015 = arith.constant 0 : i32
      %get3A_1016 = tpu.memref_slice %arg9[%while3A, %get3A_1014, %get3A_1015] : memref<4x72x128xf32, #tpu.memory_space<vmem>> -> memref<1x72x128xf32, #tpu.memory_space<vmem>>
      %get3A_1017 = tpu.memref_squeeze %get3A_1016 : memref<1x72x128xf32, #tpu.memory_space<vmem>> -> memref<72x128xf32, #tpu.memory_space<vmem>>
      %get3A_1018 = arith.index_cast %while3A_985 : i32 to index
      %get3A_1019 = arith.constant 16 : index
      %get3A_1020 = tpu.vector_load %get3A_1017[%get3A_1018, %get3A_1019] {strides = array<i32>} : memref<72x128xf32, #tpu.memory_space<vmem>>, vector<16xf32>,
      %gt3A_1021 = arith.cmpf ogt, %get3A_1020, %while3A_987 : vector<16xf32>
      %select_n3A_1022 = arith.select %gt3A_1021, %get3A_1020, %while3A_987 : vector<16xi1>, vector<16xf32>
      %select_n3A_1023 = arith.select %gt3A_1021, %broadcast_in_dim3A_1003, %while3A_995 : vector<16xi1>, vector<16xi32>
      %get3A_1024 = arith.constant 0 : i32
      %get3A_1025 = arith.constant 0 : i32
      %get3A_1026 = tpu.memref_slice %arg9[%while3A, %get3A_1024, %get3A_1025] : memref<4x72x128xf32, #tpu.memory_space<vmem>> -> memref<1x72x128xf32, #tpu.memory_space<vmem>>
      %get3A_1027 = tpu.memref_squeeze %get3A_1026 : memref<1x72x128xf32, #tpu.memory_space<vmem>> -> memref<72x128xf32, #tpu.memory_space<vmem>>
      %get3A_1028 = arith.index_cast %while3A_985 : i32 to index
      %get3A_1029 = arith.constant 32 : index
      %get3A_1030 = tpu.vector_load %get3A_1027[%get3A_1028, %get3A_1029] {strides = array<i32>} : memref<72x128xf32, #tpu.memory_space<vmem>>, vector<16xf32>,
      %gt3A_1031 = arith.cmpf ogt, %get3A_1030, %while3A_988 : vector<16xf32>
      %select_n3A_1032 = arith.select %gt3A_1031, %get3A_1030, %while3A_988 : vector<16xi1>, vector<16xf32>
      %select_n3A_1033 = arith.select %gt3A_1031, %broadcast_in_dim3A_1003, %while3A_996 : vector<16xi1>, vector<16xi32>
      %get3A_1034 = arith.constant 0 : i32
      %get3A_1035 = arith.constant 0 : i32
      %get3A_1036 = tpu.memref_slice %arg9[%while3A, %get3A_1034, %get3A_1035] : memref<4x72x128xf32, #tpu.memory_space<vmem>> -> memref<1x72x128xf32, #tpu.memory_space<vmem>>
      %get3A_1037 = tpu.memref_squeeze %get3A_1036 : memref<1x72x128xf32, #tpu.memory_space<vmem>> -> memref<72x128xf32, #tpu.memory_space<vmem>>
      %get3A_1038 = arith.index_cast %while3A_985 : i32 to index
      %get3A_1039 = arith.constant 48 : index
      %get3A_1040 = tpu.vector_load %get3A_1037[%get3A_1038, %get3A_1039] {strides = array<i32>} : memref<72x128xf32, #tpu.memory_space<vmem>>, vector<16xf32>,
      %gt3A_1041 = arith.cmpf ogt, %get3A_1040, %while3A_989 : vector<16xf32>
      %select_n3A_1042 = arith.select %gt3A_1041, %get3A_1040, %while3A_989 : vector<16xi1>, vector<16xf32>
      %select_n3A_1043 = arith.select %gt3A_1041, %broadcast_in_dim3A_1003, %while3A_997 : vector<16xi1>, vector<16xi32>
      %get3A_1044 = arith.constant 0 : i32
      %get3A_1045 = arith.constant 0 : i32
      %get3A_1046 = tpu.memref_slice %arg9[%while3A, %get3A_1044, %get3A_1045] : memref<4x72x128xf32, #tpu.memory_space<vmem>> -> memref<1x72x128xf32, #tpu.memory_space<vmem>>
      %get3A_1047 = tpu.memref_squeeze %get3A_1046 : memref<1x72x128xf32, #tpu.memory_space<vmem>> -> memref<72x128xf32, #tpu.memory_space<vmem>>
      %get3A_1048 = arith.index_cast %while3A_985 : i32 to index
      %get3A_1049 = arith.constant 64 : index
      %get3A_1050 = tpu.vector_load %get3A_1047[%get3A_1048, %get3A_1049] {strides = array<i32>} : memref<72x128xf32, #tpu.memory_space<vmem>>, vector<16xf32>,
      %gt3A_1051 = arith.cmpf ogt, %get3A_1050, %while3A_990 : vector<16xf32>
      %select_n3A_1052 = arith.select %gt3A_1051, %get3A_1050, %while3A_990 : vector<16xi1>, vector<16xf32>
      %select_n3A_1053 = arith.select %gt3A_1051, %broadcast_in_dim3A_1003, %while3A_998 : vector<16xi1>, vector<16xi32>
      %get3A_1054 = arith.constant 0 : i32
      %get3A_1055 = arith.constant 0 : i32
      %get3A_1056 = tpu.memref_slice %arg9[%while3A, %get3A_1054, %get3A_1055] : memref<4x72x128xf32, #tpu.memory_space<vmem>> -> memref<1x72x128xf32, #tpu.memory_space<vmem>>
      %get3A_1057 = tpu.memref_squeeze %get3A_1056 : memref<1x72x128xf32, #tpu.memory_space<vmem>> -> memref<72x128xf32, #tpu.memory_space<vmem>>
      %get3A_1058 = arith.index_cast %while3A_985 : i32 to index
      %get3A_1059 = arith.constant 80 : index
      %get3A_1060 = tpu.vector_load %get3A_1057[%get3A_1058, %get3A_1059] {strides = array<i32>} : memref<72x128xf32, #tpu.memory_space<vmem>>, vector<16xf32>,
      %gt3A_1061 = arith.cmpf ogt, %get3A_1060, %while3A_991 : vector<16xf32>
      %select_n3A_1062 = arith.select %gt3A_1061, %get3A_1060, %while3A_991 : vector<16xi1>, vector<16xf32>
      %select_n3A_1063 = arith.select %gt3A_1061, %broadcast_in_dim3A_1003, %while3A_999 : vector<16xi1>, vector<16xi32>
      %get3A_1064 = arith.constant 0 : i32
      %get3A_1065 = arith.constant 0 : i32
      %get3A_1066 = tpu.memref_slice %arg9[%while3A, %get3A_1064, %get3A_1065] : memref<4x72x128xf32, #tpu.memory_space<vmem>> -> memref<1x72x128xf32, #tpu.memory_space<vmem>>
      %get3A_1067 = tpu.memref_squeeze %get3A_1066 : memref<1x72x128xf32, #tpu.memory_space<vmem>> -> memref<72x128xf32, #tpu.memory_space<vmem>>
      %get3A_1068 = arith.index_cast %while3A_985 : i32 to index
      %get3A_1069 = arith.constant 96 : index
      %get3A_1070 = tpu.vector_load %get3A_1067[%get3A_1068, %get3A_1069] {strides = array<i32>} : memref<72x128xf32, #tpu.memory_space<vmem>>, vector<16xf32>,
      %gt3A_1071 = arith.cmpf ogt, %get3A_1070, %while3A_992 : vector<16xf32>
      %select_n3A_1072 = arith.select %gt3A_1071, %get3A_1070, %while3A_992 : vector<16xi1>, vector<16xf32>
      %select_n3A_1073 = arith.select %gt3A_1071, %broadcast_in_dim3A_1003, %while3A_1000 : vector<16xi1>, vector<16xi32>
      %get3A_1074 = arith.constant 0 : i32
      %get3A_1075 = arith.constant 0 : i32
      %get3A_1076 = tpu.memref_slice %arg9[%while3A, %get3A_1074, %get3A_1075] : memref<4x72x128xf32, #tpu.memory_space<vmem>> -> memref<1x72x128xf32, #tpu.memory_space<vmem>>
      %get3A_1077 = tpu.memref_squeeze %get3A_1076 : memref<1x72x128xf32, #tpu.memory_space<vmem>> -> memref<72x128xf32, #tpu.memory_space<vmem>>
      %get3A_1078 = arith.index_cast %while3A_985 : i32 to index
      %get3A_1079 = arith.constant 112 : index
      %get3A_1080 = tpu.vector_load %get3A_1077[%get3A_1078, %get3A_1079] {strides = array<i32>} : memref<72x128xf32, #tpu.memory_space<vmem>>, vector<16xf32>,
      %gt3A_1081 = arith.cmpf ogt, %get3A_1080, %while3A_993 : vector<16xf32>
      %select_n3A_1082 = arith.select %gt3A_1081, %get3A_1080, %while3A_993 : vector<16xi1>, vector<16xf32>
      %select_n3A_1083 = arith.select %gt3A_1081, %broadcast_in_dim3A_1003, %while3A_1001 : vector<16xi1>, vector<16xi32>
      scf.yield %select_n3A_1012, %select_n3A_1022, %select_n3A_1032, %select_n3A_1042, %select_n3A_1052, %select_n3A_1062, %select_n3A_1072, %select_n3A_1082, %select_n3A_1013, %select_n3A_1023, %select_n3A_1033, %select_n3A_1043, %select_n3A_1053, %select_n3A_1063, %select_n3A_1073, %select_n3A_1083 : vector<16xf32>, vector<16xf32>, vector<16xf32>, vector<16xf32>, vector<16xf32>, vector<16xf32>, vector<16xf32>, vector<16xf32>, vector<16xi32>, vector<16xi32>, vector<16xi32>, vector<16xi32>, vector<16xi32>, vector<16xi32>, vector<16xi32>, vector<16xi32>
    }
    %while3A_379 = arith.constant 1 : i32
    %while3A_380:16 = scf.for %while3A_985 = %while3A_376 to %while3A_372 step %while3A_379 iter_args(%while3A_986 = %while3A_378#0, %while3A_987 = %while3A_378#1, %while3A_988 = %while3A_378#2, %while3A_989 = %while3A_378#3, %while3A_990 = %while3A_378#4, %while3A_991 = %while3A_378#5, %while3A_992 = %while3A_378#6, %while3A_993 = %while3A_378#7, %while3A_994 = %while3A_378#8, %while3A_995 = %while3A_378#9, %while3A_996 = %while3A_378#10, %while3A_997 = %while3A_378#11, %while3A_998 = %while3A_378#12, %while3A_999 = %while3A_378#13, %while3A_1000 = %while3A_378#14, %while3A_1001 = %while3A_378#15) -> (vector<16xf32>, vector<16xf32>, vector<16xf32>, vector<16xf32>, vector<16xf32>, vector<16xf32>, vector<16xf32>, vector<16xf32>, vector<16xi32>, vector<16xi32>, vector<16xi32>, vector<16xi32>, vector<16xi32>, vector<16xi32>, vector<16xi32>, vector<16xi32>)  : i32 {
      %add3A_1002 = arith.addi %multiple_of3A_56, %while3A_985 : i32
      %broadcast_in_dim3A_1003 = vector.broadcast %add3A_1002 : i32 to vector<16xi32>
      %get3A_1004 = arith.constant 0 : i32
      %get3A_1005 = arith.constant 0 : i32
      %get3A_1006 = tpu.memref_slice %arg9[%while3A, %get3A_1004, %get3A_1005] : memref<4x72x128xf32, #tpu.memory_space<vmem>> -> memref<1x72x128xf32, #tpu.memory_space<vmem>>
      %get3A_1007 = tpu.memref_squeeze %get3A_1006 : memref<1x72x128xf32, #tpu.memory_space<vmem>> -> memref<72x128xf32, #tpu.memory_space<vmem>>
      %get3A_1008 = arith.index_cast %while3A_985 : i32 to index
      %get3A_1009 = arith.constant 0 : index
      %get3A_1010 = tpu.vector_load %get3A_1007[%get3A_1008, %get3A_1009] {strides = array<i32>} : memref<72x128xf32, #tpu.memory_space<vmem>>, vector<16xf32>,
      %gt3A_1011 = arith.cmpf ogt, %get3A_1010, %while3A_986 : vector<16xf32>
      %select_n3A_1012 = arith.select %gt3A_1011, %get3A_1010, %while3A_986 : vector<16xi1>, vector<16xf32>
      %select_n3A_1013 = arith.select %gt3A_1011, %broadcast_in_dim3A_1003, %while3A_994 : vector<16xi1>, vector<16xi32>
      %get3A_1014 = arith.constant 0 : i32
      %get3A_1015 = arith.constant 0 : i32
      %get3A_1016 = tpu.memref_slice %arg9[%while3A, %get3A_1014, %get3A_1015] : memref<4x72x128xf32, #tpu.memory_space<vmem>> -> memref<1x72x128xf32, #tpu.memory_space<vmem>>
      %get3A_1017 = tpu.memref_squeeze %get3A_1016 : memref<1x72x128xf32, #tpu.memory_space<vmem>> -> memref<72x128xf32, #tpu.memory_space<vmem>>
      %get3A_1018 = arith.index_cast %while3A_985 : i32 to index
      %get3A_1019 = arith.constant 16 : index
      %get3A_1020 = tpu.vector_load %get3A_1017[%get3A_1018, %get3A_1019] {strides = array<i32>} : memref<72x128xf32, #tpu.memory_space<vmem>>, vector<16xf32>,
      %gt3A_1021 = arith.cmpf ogt, %get3A_1020, %while3A_987 : vector<16xf32>
      %select_n3A_1022 = arith.select %gt3A_1021, %get3A_1020, %while3A_987 : vector<16xi1>, vector<16xf32>
      %select_n3A_1023 = arith.select %gt3A_1021, %broadcast_in_dim3A_1003, %while3A_995 : vector<16xi1>, vector<16xi32>
      %get3A_1024 = arith.constant 0 : i32
      %get3A_1025 = arith.constant 0 : i32
      %get3A_1026 = tpu.memref_slice %arg9[%while3A, %get3A_1024, %get3A_1025] : memref<4x72x128xf32, #tpu.memory_space<vmem>> -> memref<1x72x128xf32, #tpu.memory_space<vmem>>
      %get3A_1027 = tpu.memref_squeeze %get3A_1026 : memref<1x72x128xf32, #tpu.memory_space<vmem>> -> memref<72x128xf32, #tpu.memory_space<vmem>>
      %get3A_1028 = arith.index_cast %while3A_985 : i32 to index
      %get3A_1029 = arith.constant 32 : index
      %get3A_1030 = tpu.vector_load %get3A_1027[%get3A_1028, %get3A_1029] {strides = array<i32>} : memref<72x128xf32, #tpu.memory_space<vmem>>, vector<16xf32>,
      %gt3A_1031 = arith.cmpf ogt, %get3A_1030, %while3A_988 : vector<16xf32>
      %select_n3A_1032 = arith.select %gt3A_1031, %get3A_1030, %while3A_988 : vector<16xi1>, vector<16xf32>
      %select_n3A_1033 = arith.select %gt3A_1031, %broadcast_in_dim3A_1003, %while3A_996 : vector<16xi1>, vector<16xi32>
      %get3A_1034 = arith.constant 0 : i32
      %get3A_1035 = arith.constant 0 : i32
      %get3A_1036 = tpu.memref_slice %arg9[%while3A, %get3A_1034, %get3A_1035] : memref<4x72x128xf32, #tpu.memory_space<vmem>> -> memref<1x72x128xf32, #tpu.memory_space<vmem>>
      %get3A_1037 = tpu.memref_squeeze %get3A_1036 : memref<1x72x128xf32, #tpu.memory_space<vmem>> -> memref<72x128xf32, #tpu.memory_space<vmem>>
      %get3A_1038 = arith.index_cast %while3A_985 : i32 to index
      %get3A_1039 = arith.constant 48 : index
      %get3A_1040 = tpu.vector_load %get3A_1037[%get3A_1038, %get3A_1039] {strides = array<i32>} : memref<72x128xf32, #tpu.memory_space<vmem>>, vector<16xf32>,
      %gt3A_1041 = arith.cmpf ogt, %get3A_1040, %while3A_989 : vector<16xf32>
      %select_n3A_1042 = arith.select %gt3A_1041, %get3A_1040, %while3A_989 : vector<16xi1>, vector<16xf32>
      %select_n3A_1043 = arith.select %gt3A_1041, %broadcast_in_dim3A_1003, %while3A_997 : vector<16xi1>, vector<16xi32>
      %get3A_1044 = arith.constant 0 : i32
      %get3A_1045 = arith.constant 0 : i32
      %get3A_1046 = tpu.memref_slice %arg9[%while3A, %get3A_1044, %get3A_1045] : memref<4x72x128xf32, #tpu.memory_space<vmem>> -> memref<1x72x128xf32, #tpu.memory_space<vmem>>
      %get3A_1047 = tpu.memref_squeeze %get3A_1046 : memref<1x72x128xf32, #tpu.memory_space<vmem>> -> memref<72x128xf32, #tpu.memory_space<vmem>>
      %get3A_1048 = arith.index_cast %while3A_985 : i32 to index
      %get3A_1049 = arith.constant 64 : index
      %get3A_1050 = tpu.vector_load %get3A_1047[%get3A_1048, %get3A_1049] {strides = array<i32>} : memref<72x128xf32, #tpu.memory_space<vmem>>, vector<16xf32>,
      %gt3A_1051 = arith.cmpf ogt, %get3A_1050, %while3A_990 : vector<16xf32>
      %select_n3A_1052 = arith.select %gt3A_1051, %get3A_1050, %while3A_990 : vector<16xi1>, vector<16xf32>
      %select_n3A_1053 = arith.select %gt3A_1051, %broadcast_in_dim3A_1003, %while3A_998 : vector<16xi1>, vector<16xi32>
      %get3A_1054 = arith.constant 0 : i32
      %get3A_1055 = arith.constant 0 : i32
      %get3A_1056 = tpu.memref_slice %arg9[%while3A, %get3A_1054, %get3A_1055] : memref<4x72x128xf32, #tpu.memory_space<vmem>> -> memref<1x72x128xf32, #tpu.memory_space<vmem>>
      %get3A_1057 = tpu.memref_squeeze %get3A_1056 : memref<1x72x128xf32, #tpu.memory_space<vmem>> -> memref<72x128xf32, #tpu.memory_space<vmem>>
      %get3A_1058 = arith.index_cast %while3A_985 : i32 to index
      %get3A_1059 = arith.constant 80 : index
      %get3A_1060 = tpu.vector_load %get3A_1057[%get3A_1058, %get3A_1059] {strides = array<i32>} : memref<72x128xf32, #tpu.memory_space<vmem>>, vector<16xf32>,
      %gt3A_1061 = arith.cmpf ogt, %get3A_1060, %while3A_991 : vector<16xf32>
      %select_n3A_1062 = arith.select %gt3A_1061, %get3A_1060, %while3A_991 : vector<16xi1>, vector<16xf32>
      %select_n3A_1063 = arith.select %gt3A_1061, %broadcast_in_dim3A_1003, %while3A_999 : vector<16xi1>, vector<16xi32>
      %get3A_1064 = arith.constant 0 : i32
      %get3A_1065 = arith.constant 0 : i32
      %get3A_1066 = tpu.memref_slice %arg9[%while3A, %get3A_1064, %get3A_1065] : memref<4x72x128xf32, #tpu.memory_space<vmem>> -> memref<1x72x128xf32, #tpu.memory_space<vmem>>
      %get3A_1067 = tpu.memref_squeeze %get3A_1066 : memref<1x72x128xf32, #tpu.memory_space<vmem>> -> memref<72x128xf32, #tpu.memory_space<vmem>>
      %get3A_1068 = arith.index_cast %while3A_985 : i32 to index
      %get3A_1069 = arith.constant 96 : index
      %get3A_1070 = tpu.vector_load %get3A_1067[%get3A_1068, %get3A_1069] {strides = array<i32>} : memref<72x128xf32, #tpu.memory_space<vmem>>, vector<16xf32>,
      %gt3A_1071 = arith.cmpf ogt, %get3A_1070, %while3A_992 : vector<16xf32>
      %select_n3A_1072 = arith.select %gt3A_1071, %get3A_1070, %while3A_992 : vector<16xi1>, vector<16xf32>
      %select_n3A_1073 = arith.select %gt3A_1071, %broadcast_in_dim3A_1003, %while3A_1000 : vector<16xi1>, vector<16xi32>
      %get3A_1074 = arith.constant 0 : i32
      %get3A_1075 = arith.constant 0 : i32
      %get3A_1076 = tpu.memref_slice %arg9[%while3A, %get3A_1074, %get3A_1075] : memref<4x72x128xf32, #tpu.memory_space<vmem>> -> memref<1x72x128xf32, #tpu.memory_space<vmem>>
      %get3A_1077 = tpu.memref_squeeze %get3A_1076 : memref<1x72x128xf32, #tpu.memory_space<vmem>> -> memref<72x128xf32, #tpu.memory_space<vmem>>
      %get3A_1078 = arith.index_cast %while3A_985 : i32 to index
      %get3A_1079 = arith.constant 112 : index
      %get3A_1080 = tpu.vector_load %get3A_1077[%get3A_1078, %get3A_1079] {strides = array<i32>} : memref<72x128xf32, #tpu.memory_space<vmem>>, vector<16xf32>,
      %gt3A_1081 = arith.cmpf ogt, %get3A_1080, %while3A_993 : vector<16xf32>
      %select_n3A_1082 = arith.select %gt3A_1081, %get3A_1080, %while3A_993 : vector<16xi1>, vector<16xf32>
      %select_n3A_1083 = arith.select %gt3A_1081, %broadcast_in_dim3A_1003, %while3A_1001 : vector<16xi1>, vector<16xi32>
      scf.yield %select_n3A_1012, %select_n3A_1022, %select_n3A_1032, %select_n3A_1042, %select_n3A_1052, %select_n3A_1062, %select_n3A_1072, %select_n3A_1082, %select_n3A_1013, %select_n3A_1023, %select_n3A_1033, %select_n3A_1043, %select_n3A_1053, %select_n3A_1063, %select_n3A_1073, %select_n3A_1083 : vector<16xf32>, vector<16xf32>, vector<16xf32>, vector<16xf32>, vector<16xf32>, vector<16xf32>, vector<16xf32>, vector<16xf32>, vector<16xi32>, vector<16xi32>, vector<16xi32>, vector<16xi32>, vector<16xi32>, vector<16xi32>, vector<16xi32>, vector<16xi32>
    }
    %get3A = arith.index_cast %add3A_346 : i32 to index
    %get3A_381 = arith.constant 0 : index
    %get3A_382 = tpu.vector_load %arg7[%get3A, %get3A_381] {strides = array<i32>} : memref<16x128xf32, #tpu.memory_space<vmem>>, vector<16xf32>,
    %get3A_383 = arith.index_cast %add3A_346 : i32 to index
    %get3A_384 = arith.constant 0 : index
    %get3A_385 = tpu.vector_load %arg8[%get3A_383, %get3A_384] {strides = array<i32>} : memref<16x128xi32, #tpu.memory_space<vmem>>, vector<16xi32>,
    %gt3A_386 = arith.cmpf ogt, %get3A_382, %while3A_380#0 : vector<16xf32>
    %select_n3A_387 = arith.select %gt3A_386, %get3A_382, %while3A_380#0 : vector<16xi1>, vector<16xf32>
    %select_n3A_388 = arith.select %gt3A_386, %get3A_385, %while3A_380#8 : vector<16xi1>, vector<16xi32>
    %get3A_389 = arith.index_cast %add3A_346 : i32 to index
    %get3A_390 = arith.constant 16 : index
    %get3A_391 = tpu.vector_load %arg7[%get3A_389, %get3A_390] {strides = array<i32>} : memref<16x128xf32, #tpu.memory_space<vmem>>, vector<16xf32>,
    %get3A_392 = arith.index_cast %add3A_346 : i32 to index
    %get3A_393 = arith.constant 16 : index
    %get3A_394 = tpu.vector_load %arg8[%get3A_392, %get3A_393] {strides = array<i32>} : memref<16x128xi32, #tpu.memory_space<vmem>>, vector<16xi32>,
    %gt3A_395 = arith.cmpf ogt, %get3A_391, %while3A_380#1 : vector<16xf32>
    %select_n3A_396 = arith.select %gt3A_395, %get3A_391, %while3A_380#1 : vector<16xi1>, vector<16xf32>
    %select_n3A_397 = arith.select %gt3A_395, %get3A_394, %while3A_380#9 : vector<16xi1>, vector<16xi32>
    %get3A_398 = arith.index_cast %add3A_346 : i32 to index
    %get3A_399 = arith.constant 32 : index
    %get3A_400 = tpu.vector_load %arg7[%get3A_398, %get3A_399] {strides = array<i32>} : memref<16x128xf32, #tpu.memory_space<vmem>>, vector<16xf32>,
    %get3A_401 = arith.index_cast %add3A_346 : i32 to index
    %get3A_402 = arith.constant 32 : index
    %get3A_403 = tpu.vector_load %arg8[%get3A_401, %get3A_402] {strides = array<i32>} : memref<16x128xi32, #tpu.memory_space<vmem>>, vector<16xi32>,
    %gt3A_404 = arith.cmpf ogt, %get3A_400, %while3A_380#2 : vector<16xf32>
    %select_n3A_405 = arith.select %gt3A_404, %get3A_400, %while3A_380#2 : vector<16xi1>, vector<16xf32>
    %select_n3A_406 = arith.select %gt3A_404, %get3A_403, %while3A_380#10 : vector<16xi1>, vector<16xi32>
    %get3A_407 = arith.index_cast %add3A_346 : i32 to index
    %get3A_408 = arith.constant 48 : index
    %get3A_409 = tpu.vector_load %arg7[%get3A_407, %get3A_408] {strides = array<i32>} : memref<16x128xf32, #tpu.memory_space<vmem>>, vector<16xf32>,
    %get3A_410 = arith.index_cast %add3A_346 : i32 to index
    %get3A_411 = arith.constant 48 : index
    %get3A_412 = tpu.vector_load %arg8[%get3A_410, %get3A_411] {strides = array<i32>} : memref<16x128xi32, #tpu.memory_space<vmem>>, vector<16xi32>,
    %gt3A_413 = arith.cmpf ogt, %get3A_409, %while3A_380#3 : vector<16xf32>
    %select_n3A_414 = arith.select %gt3A_413, %get3A_409, %while3A_380#3 : vector<16xi1>, vector<16xf32>
    %select_n3A_415 = arith.select %gt3A_413, %get3A_412, %while3A_380#11 : vector<16xi1>, vector<16xi32>
    %get3A_416 = arith.index_cast %add3A_346 : i32 to index
    %get3A_417 = arith.constant 64 : index
    %get3A_418 = tpu.vector_load %arg7[%get3A_416, %get3A_417] {strides = array<i32>} : memref<16x128xf32, #tpu.memory_space<vmem>>, vector<16xf32>,
    %get3A_419 = arith.index_cast %add3A_346 : i32 to index
    %get3A_420 = arith.constant 64 : index
    %get3A_421 = tpu.vector_load %arg8[%get3A_419, %get3A_420] {strides = array<i32>} : memref<16x128xi32, #tpu.memory_space<vmem>>, vector<16xi32>,
    %gt3A_422 = arith.cmpf ogt, %get3A_418, %while3A_380#4 : vector<16xf32>
    %select_n3A_423 = arith.select %gt3A_422, %get3A_418, %while3A_380#4 : vector<16xi1>, vector<16xf32>
    %select_n3A_424 = arith.select %gt3A_422, %get3A_421, %while3A_380#12 : vector<16xi1>, vector<16xi32>
    %get3A_425 = arith.index_cast %add3A_346 : i32 to index
    %get3A_426 = arith.constant 80 : index
    %get3A_427 = tpu.vector_load %arg7[%get3A_425, %get3A_426] {strides = array<i32>} : memref<16x128xf32, #tpu.memory_space<vmem>>, vector<16xf32>,
    %get3A_428 = arith.index_cast %add3A_346 : i32 to index
    %get3A_429 = arith.constant 80 : index
    %get3A_430 = tpu.vector_load %arg8[%get3A_428, %get3A_429] {strides = array<i32>} : memref<16x128xi32, #tpu.memory_space<vmem>>, vector<16xi32>,
    %gt3A_431 = arith.cmpf ogt, %get3A_427, %while3A_380#5 : vector<16xf32>
    %select_n3A_432 = arith.select %gt3A_431, %get3A_427, %while3A_380#5 : vector<16xi1>, vector<16xf32>
    %select_n3A_433 = arith.select %gt3A_431, %get3A_430, %while3A_380#13 : vector<16xi1>, vector<16xi32>
    %get3A_434 = arith.index_cast %add3A_346 : i32 to index
    %get3A_435 = arith.constant 96 : index
    %get3A_436 = tpu.vector_load %arg7[%get3A_434, %get3A_435] {strides = array<i32>} : memref<16x128xf32, #tpu.memory_space<vmem>>, vector<16xf32>,
    %get3A_437 = arith.index_cast %add3A_346 : i32 to index
    %get3A_438 = arith.constant 96 : index
    %get3A_439 = tpu.vector_load %arg8[%get3A_437, %get3A_438] {strides = array<i32>} : memref<16x128xi32, #tpu.memory_space<vmem>>, vector<16xi32>,
    %gt3A_440 = arith.cmpf ogt, %get3A_436, %while3A_380#6 : vector<16xf32>
    %select_n3A_441 = arith.select %gt3A_440, %get3A_436, %while3A_380#6 : vector<16xi1>, vector<16xf32>
    %select_n3A_442 = arith.select %gt3A_440, %get3A_439, %while3A_380#14 : vector<16xi1>, vector<16xi32>
    %get3A_443 = arith.index_cast %add3A_346 : i32 to index
    %get3A_444 = arith.constant 112 : index
    %get3A_445 = tpu.vector_load %arg7[%get3A_443, %get3A_444] {strides = array<i32>} : memref<16x128xf32, #tpu.memory_space<vmem>>, vector<16xf32>,
    %get3A_446 = arith.index_cast %add3A_346 : i32 to index
    %get3A_447 = arith.constant 112 : index
    %get3A_448 = tpu.vector_load %arg8[%get3A_446, %get3A_447] {strides = array<i32>} : memref<16x128xi32, #tpu.memory_space<vmem>>, vector<16xi32>,
    %gt3A_449 = arith.cmpf ogt, %get3A_445, %while3A_380#7 : vector<16xf32>
    %select_n3A_450 = arith.select %gt3A_449, %get3A_445, %while3A_380#7 : vector<16xi1>, vector<16xf32>
    %select_n3A_451 = arith.select %gt3A_449, %get3A_448, %while3A_380#15 : vector<16xi1>, vector<16xi32>
    %sub3A_452 = arith.subi %select_n3A, %multiple_of3A_57 : i32
    %sub3A_453 = arith.subi %squeeze3A_26, %multiple_of3A_57 : i32
    %while3A_454 = arith.constant 0 : i32
    %while3A_455 = arith.subi %sub3A_453, %sub3A_452 : i32
    %while3A_456 = arith.addi %sub3A_452, %while3A_455 : i32
    %while3A_457 = arith.constant 1 : i32
    %while3A_458 = arith.divsi %while3A_455, %while3A_457 : i32
    %while3A_459 = arith.muli %while3A_458, %while3A_457 : i32
    %while3A_460 = arith.addi %sub3A_452, %while3A_459 : i32
    %while3A_461 = arith.constant 1 : i32
    %while3A_462:16 = scf.for %while3A_985 = %sub3A_452 to %while3A_460 step %while3A_461 iter_args(%while3A_986 = %select_n3A_387, %while3A_987 = %select_n3A_396, %while3A_988 = %select_n3A_405, %while3A_989 = %select_n3A_414, %while3A_990 = %select_n3A_423, %while3A_991 = %select_n3A_432, %while3A_992 = %select_n3A_441, %while3A_993 = %select_n3A_450, %while3A_994 = %select_n3A_388, %while3A_995 = %select_n3A_397, %while3A_996 = %select_n3A_406, %while3A_997 = %select_n3A_415, %while3A_998 = %select_n3A_424, %while3A_999 = %select_n3A_433, %while3A_1000 = %select_n3A_442, %while3A_1001 = %select_n3A_451) -> (vector<16xf32>, vector<16xf32>, vector<16xf32>, vector<16xf32>, vector<16xf32>, vector<16xf32>, vector<16xf32>, vector<16xf32>, vector<16xi32>, vector<16xi32>, vector<16xi32>, vector<16xi32>, vector<16xi32>, vector<16xi32>, vector<16xi32>, vector<16xi32>)  : i32 {
      %add3A_1002 = arith.addi %multiple_of3A_57, %while3A_985 : i32
      %broadcast_in_dim3A_1003 = vector.broadcast %add3A_1002 : i32 to vector<16xi32>
      %get3A_1004 = arith.constant 0 : i32
      %get3A_1005 = arith.constant 0 : i32
      %get3A_1006 = tpu.memref_slice %arg10[%while3A_454, %get3A_1004, %get3A_1005] : memref<4x72x128xf32, #tpu.memory_space<vmem>> -> memref<1x72x128xf32, #tpu.memory_space<vmem>>
      %get3A_1007 = tpu.memref_squeeze %get3A_1006 : memref<1x72x128xf32, #tpu.memory_space<vmem>> -> memref<72x128xf32, #tpu.memory_space<vmem>>
      %get3A_1008 = arith.index_cast %while3A_985 : i32 to index
      %get3A_1009 = arith.constant 0 : index
      %get3A_1010 = tpu.vector_load %get3A_1007[%get3A_1008, %get3A_1009] {strides = array<i32>} : memref<72x128xf32, #tpu.memory_space<vmem>>, vector<16xf32>,
      %gt3A_1011 = arith.cmpf ogt, %get3A_1010, %while3A_986 : vector<16xf32>
      %select_n3A_1012 = arith.select %gt3A_1011, %get3A_1010, %while3A_986 : vector<16xi1>, vector<16xf32>
      %select_n3A_1013 = arith.select %gt3A_1011, %broadcast_in_dim3A_1003, %while3A_994 : vector<16xi1>, vector<16xi32>
      %get3A_1014 = arith.constant 0 : i32
      %get3A_1015 = arith.constant 0 : i32
      %get3A_1016 = tpu.memref_slice %arg10[%while3A_454, %get3A_1014, %get3A_1015] : memref<4x72x128xf32, #tpu.memory_space<vmem>> -> memref<1x72x128xf32, #tpu.memory_space<vmem>>
      %get3A_1017 = tpu.memref_squeeze %get3A_1016 : memref<1x72x128xf32, #tpu.memory_space<vmem>> -> memref<72x128xf32, #tpu.memory_space<vmem>>
      %get3A_1018 = arith.index_cast %while3A_985 : i32 to index
      %get3A_1019 = arith.constant 16 : index
      %get3A_1020 = tpu.vector_load %get3A_1017[%get3A_1018, %get3A_1019] {strides = array<i32>} : memref<72x128xf32, #tpu.memory_space<vmem>>, vector<16xf32>,
      %gt3A_1021 = arith.cmpf ogt, %get3A_1020, %while3A_987 : vector<16xf32>
      %select_n3A_1022 = arith.select %gt3A_1021, %get3A_1020, %while3A_987 : vector<16xi1>, vector<16xf32>
      %select_n3A_1023 = arith.select %gt3A_1021, %broadcast_in_dim3A_1003, %while3A_995 : vector<16xi1>, vector<16xi32>
      %get3A_1024 = arith.constant 0 : i32
      %get3A_1025 = arith.constant 0 : i32
      %get3A_1026 = tpu.memref_slice %arg10[%while3A_454, %get3A_1024, %get3A_1025] : memref<4x72x128xf32, #tpu.memory_space<vmem>> -> memref<1x72x128xf32, #tpu.memory_space<vmem>>
      %get3A_1027 = tpu.memref_squeeze %get3A_1026 : memref<1x72x128xf32, #tpu.memory_space<vmem>> -> memref<72x128xf32, #tpu.memory_space<vmem>>
      %get3A_1028 = arith.index_cast %while3A_985 : i32 to index
      %get3A_1029 = arith.constant 32 : index
      %get3A_1030 = tpu.vector_load %get3A_1027[%get3A_1028, %get3A_1029] {strides = array<i32>} : memref<72x128xf32, #tpu.memory_space<vmem>>, vector<16xf32>,
      %gt3A_1031 = arith.cmpf ogt, %get3A_1030, %while3A_988 : vector<16xf32>
      %select_n3A_1032 = arith.select %gt3A_1031, %get3A_1030, %while3A_988 : vector<16xi1>, vector<16xf32>
      %select_n3A_1033 = arith.select %gt3A_1031, %broadcast_in_dim3A_1003, %while3A_996 : vector<16xi1>, vector<16xi32>
      %get3A_1034 = arith.constant 0 : i32
      %get3A_1035 = arith.constant 0 : i32
      %get3A_1036 = tpu.memref_slice %arg10[%while3A_454, %get3A_1034, %get3A_1035] : memref<4x72x128xf32, #tpu.memory_space<vmem>> -> memref<1x72x128xf32, #tpu.memory_space<vmem>>
      %get3A_1037 = tpu.memref_squeeze %get3A_1036 : memref<1x72x128xf32, #tpu.memory_space<vmem>> -> memref<72x128xf32, #tpu.memory_space<vmem>>
      %get3A_1038 = arith.index_cast %while3A_985 : i32 to index
      %get3A_1039 = arith.constant 48 : index
      %get3A_1040 = tpu.vector_load %get3A_1037[%get3A_1038, %get3A_1039] {strides = array<i32>} : memref<72x128xf32, #tpu.memory_space<vmem>>, vector<16xf32>,
      %gt3A_1041 = arith.cmpf ogt, %get3A_1040, %while3A_989 : vector<16xf32>
      %select_n3A_1042 = arith.select %gt3A_1041, %get3A_1040, %while3A_989 : vector<16xi1>, vector<16xf32>
      %select_n3A_1043 = arith.select %gt3A_1041, %broadcast_in_dim3A_1003, %while3A_997 : vector<16xi1>, vector<16xi32>
      %get3A_1044 = arith.constant 0 : i32
      %get3A_1045 = arith.constant 0 : i32
      %get3A_1046 = tpu.memref_slice %arg10[%while3A_454, %get3A_1044, %get3A_1045] : memref<4x72x128xf32, #tpu.memory_space<vmem>> -> memref<1x72x128xf32, #tpu.memory_space<vmem>>
      %get3A_1047 = tpu.memref_squeeze %get3A_1046 : memref<1x72x128xf32, #tpu.memory_space<vmem>> -> memref<72x128xf32, #tpu.memory_space<vmem>>
      %get3A_1048 = arith.index_cast %while3A_985 : i32 to index
      %get3A_1049 = arith.constant 64 : index
      %get3A_1050 = tpu.vector_load %get3A_1047[%get3A_1048, %get3A_1049] {strides = array<i32>} : memref<72x128xf32, #tpu.memory_space<vmem>>, vector<16xf32>,
      %gt3A_1051 = arith.cmpf ogt, %get3A_1050, %while3A_990 : vector<16xf32>
      %select_n3A_1052 = arith.select %gt3A_1051, %get3A_1050, %while3A_990 : vector<16xi1>, vector<16xf32>
      %select_n3A_1053 = arith.select %gt3A_1051, %broadcast_in_dim3A_1003, %while3A_998 : vector<16xi1>, vector<16xi32>
      %get3A_1054 = arith.constant 0 : i32
      %get3A_1055 = arith.constant 0 : i32
      %get3A_1056 = tpu.memref_slice %arg10[%while3A_454, %get3A_1054, %get3A_1055] : memref<4x72x128xf32, #tpu.memory_space<vmem>> -> memref<1x72x128xf32, #tpu.memory_space<vmem>>
      %get3A_1057 = tpu.memref_squeeze %get3A_1056 : memref<1x72x128xf32, #tpu.memory_space<vmem>> -> memref<72x128xf32, #tpu.memory_space<vmem>>
      %get3A_1058 = arith.index_cast %while3A_985 : i32 to index
      %get3A_1059 = arith.constant 80 : index
      %get3A_1060 = tpu.vector_load %get3A_1057[%get3A_1058, %get3A_1059] {strides = array<i32>} : memref<72x128xf32, #tpu.memory_space<vmem>>, vector<16xf32>,
      %gt3A_1061 = arith.cmpf ogt, %get3A_1060, %while3A_991 : vector<16xf32>
      %select_n3A_1062 = arith.select %gt3A_1061, %get3A_1060, %while3A_991 : vector<16xi1>, vector<16xf32>
      %select_n3A_1063 = arith.select %gt3A_1061, %broadcast_in_dim3A_1003, %while3A_999 : vector<16xi1>, vector<16xi32>
      %get3A_1064 = arith.constant 0 : i32
      %get3A_1065 = arith.constant 0 : i32
      %get3A_1066 = tpu.memref_slice %arg10[%while3A_454, %get3A_1064, %get3A_1065] : memref<4x72x128xf32, #tpu.memory_space<vmem>> -> memref<1x72x128xf32, #tpu.memory_space<vmem>>
      %get3A_1067 = tpu.memref_squeeze %get3A_1066 : memref<1x72x128xf32, #tpu.memory_space<vmem>> -> memref<72x128xf32, #tpu.memory_space<vmem>>
      %get3A_1068 = arith.index_cast %while3A_985 : i32 to index
      %get3A_1069 = arith.constant 96 : index
      %get3A_1070 = tpu.vector_load %get3A_1067[%get3A_1068, %get3A_1069] {strides = array<i32>} : memref<72x128xf32, #tpu.memory_space<vmem>>, vector<16xf32>,
      %gt3A_1071 = arith.cmpf ogt, %get3A_1070, %while3A_992 : vector<16xf32>
      %select_n3A_1072 = arith.select %gt3A_1071, %get3A_1070, %while3A_992 : vector<16xi1>, vector<16xf32>
      %select_n3A_1073 = arith.select %gt3A_1071, %broadcast_in_dim3A_1003, %while3A_1000 : vector<16xi1>, vector<16xi32>
      %get3A_1074 = arith.constant 0 : i32
      %get3A_1075 = arith.constant 0 : i32
      %get3A_1076 = tpu.memref_slice %arg10[%while3A_454, %get3A_1074, %get3A_1075] : memref<4x72x128xf32, #tpu.memory_space<vmem>> -> memref<1x72x128xf32, #tpu.memory_space<vmem>>
      %get3A_1077 = tpu.memref_squeeze %get3A_1076 : memref<1x72x128xf32, #tpu.memory_space<vmem>> -> memref<72x128xf32, #tpu.memory_space<vmem>>
      %get3A_1078 = arith.index_cast %while3A_985 : i32 to index
      %get3A_1079 = arith.constant 112 : index
      %get3A_1080 = tpu.vector_load %get3A_1077[%get3A_1078, %get3A_1079] {strides = array<i32>} : memref<72x128xf32, #tpu.memory_space<vmem>>, vector<16xf32>,
      %gt3A_1081 = arith.cmpf ogt, %get3A_1080, %while3A_993 : vector<16xf32>
      %select_n3A_1082 = arith.select %gt3A_1081, %get3A_1080, %while3A_993 : vector<16xi1>, vector<16xf32>
      %select_n3A_1083 = arith.select %gt3A_1081, %broadcast_in_dim3A_1003, %while3A_1001 : vector<16xi1>, vector<16xi32>
      scf.yield %select_n3A_1012, %select_n3A_1022, %select_n3A_1032, %select_n3A_1042, %select_n3A_1052, %select_n3A_1062, %select_n3A_1072, %select_n3A_1082, %select_n3A_1013, %select_n3A_1023, %select_n3A_1033, %select_n3A_1043, %select_n3A_1053, %select_n3A_1063, %select_n3A_1073, %select_n3A_1083 : vector<16xf32>, vector<16xf32>, vector<16xf32>, vector<16xf32>, vector<16xf32>, vector<16xf32>, vector<16xf32>, vector<16xf32>, vector<16xi32>, vector<16xi32>, vector<16xi32>, vector<16xi32>, vector<16xi32>, vector<16xi32>, vector<16xi32>, vector<16xi32>
    }
    %while3A_463 = arith.constant 1 : i32
    %while3A_464:16 = scf.for %while3A_985 = %while3A_460 to %while3A_456 step %while3A_463 iter_args(%while3A_986 = %while3A_462#0, %while3A_987 = %while3A_462#1, %while3A_988 = %while3A_462#2, %while3A_989 = %while3A_462#3, %while3A_990 = %while3A_462#4, %while3A_991 = %while3A_462#5, %while3A_992 = %while3A_462#6, %while3A_993 = %while3A_462#7, %while3A_994 = %while3A_462#8, %while3A_995 = %while3A_462#9, %while3A_996 = %while3A_462#10, %while3A_997 = %while3A_462#11, %while3A_998 = %while3A_462#12, %while3A_999 = %while3A_462#13, %while3A_1000 = %while3A_462#14, %while3A_1001 = %while3A_462#15) -> (vector<16xf32>, vector<16xf32>, vector<16xf32>, vector<16xf32>, vector<16xf32>, vector<16xf32>, vector<16xf32>, vector<16xf32>, vector<16xi32>, vector<16xi32>, vector<16xi32>, vector<16xi32>, vector<16xi32>, vector<16xi32>, vector<16xi32>, vector<16xi32>)  : i32 {
      %add3A_1002 = arith.addi %multiple_of3A_57, %while3A_985 : i32
      %broadcast_in_dim3A_1003 = vector.broadcast %add3A_1002 : i32 to vector<16xi32>
      %get3A_1004 = arith.constant 0 : i32
      %get3A_1005 = arith.constant 0 : i32
      %get3A_1006 = tpu.memref_slice %arg10[%while3A_454, %get3A_1004, %get3A_1005] : memref<4x72x128xf32, #tpu.memory_space<vmem>> -> memref<1x72x128xf32, #tpu.memory_space<vmem>>
      %get3A_1007 = tpu.memref_squeeze %get3A_1006 : memref<1x72x128xf32, #tpu.memory_space<vmem>> -> memref<72x128xf32, #tpu.memory_space<vmem>>
      %get3A_1008 = arith.index_cast %while3A_985 : i32 to index
      %get3A_1009 = arith.constant 0 : index
      %get3A_1010 = tpu.vector_load %get3A_1007[%get3A_1008, %get3A_1009] {strides = array<i32>} : memref<72x128xf32, #tpu.memory_space<vmem>>, vector<16xf32>,
      %gt3A_1011 = arith.cmpf ogt, %get3A_1010, %while3A_986 : vector<16xf32>
      %select_n3A_1012 = arith.select %gt3A_1011, %get3A_1010, %while3A_986 : vector<16xi1>, vector<16xf32>
      %select_n3A_1013 = arith.select %gt3A_1011, %broadcast_in_dim3A_1003, %while3A_994 : vector<16xi1>, vector<16xi32>
      %get3A_1014 = arith.constant 0 : i32
      %get3A_1015 = arith.constant 0 : i32
      %get3A_1016 = tpu.memref_slice %arg10[%while3A_454, %get3A_1014, %get3A_1015] : memref<4x72x128xf32, #tpu.memory_space<vmem>> -> memref<1x72x128xf32, #tpu.memory_space<vmem>>
      %get3A_1017 = tpu.memref_squeeze %get3A_1016 : memref<1x72x128xf32, #tpu.memory_space<vmem>> -> memref<72x128xf32, #tpu.memory_space<vmem>>
      %get3A_1018 = arith.index_cast %while3A_985 : i32 to index
      %get3A_1019 = arith.constant 16 : index
      %get3A_1020 = tpu.vector_load %get3A_1017[%get3A_1018, %get3A_1019] {strides = array<i32>} : memref<72x128xf32, #tpu.memory_space<vmem>>, vector<16xf32>,
      %gt3A_1021 = arith.cmpf ogt, %get3A_1020, %while3A_987 : vector<16xf32>
      %select_n3A_1022 = arith.select %gt3A_1021, %get3A_1020, %while3A_987 : vector<16xi1>, vector<16xf32>
      %select_n3A_1023 = arith.select %gt3A_1021, %broadcast_in_dim3A_1003, %while3A_995 : vector<16xi1>, vector<16xi32>
      %get3A_1024 = arith.constant 0 : i32
      %get3A_1025 = arith.constant 0 : i32
      %get3A_1026 = tpu.memref_slice %arg10[%while3A_454, %get3A_1024, %get3A_1025] : memref<4x72x128xf32, #tpu.memory_space<vmem>> -> memref<1x72x128xf32, #tpu.memory_space<vmem>>
      %get3A_1027 = tpu.memref_squeeze %get3A_1026 : memref<1x72x128xf32, #tpu.memory_space<vmem>> -> memref<72x128xf32, #tpu.memory_space<vmem>>
      %get3A_1028 = arith.index_cast %while3A_985 : i32 to index
      %get3A_1029 = arith.constant 32 : index
      %get3A_1030 = tpu.vector_load %get3A_1027[%get3A_1028, %get3A_1029] {strides = array<i32>} : memref<72x128xf32, #tpu.memory_space<vmem>>, vector<16xf32>,
      %gt3A_1031 = arith.cmpf ogt, %get3A_1030, %while3A_988 : vector<16xf32>
      %select_n3A_1032 = arith.select %gt3A_1031, %get3A_1030, %while3A_988 : vector<16xi1>, vector<16xf32>
      %select_n3A_1033 = arith.select %gt3A_1031, %broadcast_in_dim3A_1003, %while3A_996 : vector<16xi1>, vector<16xi32>
      %get3A_1034 = arith.constant 0 : i32
      %get3A_1035 = arith.constant 0 : i32
      %get3A_1036 = tpu.memref_slice %arg10[%while3A_454, %get3A_1034, %get3A_1035] : memref<4x72x128xf32, #tpu.memory_space<vmem>> -> memref<1x72x128xf32, #tpu.memory_space<vmem>>
      %get3A_1037 = tpu.memref_squeeze %get3A_1036 : memref<1x72x128xf32, #tpu.memory_space<vmem>> -> memref<72x128xf32, #tpu.memory_space<vmem>>
      %get3A_1038 = arith.index_cast %while3A_985 : i32 to index
      %get3A_1039 = arith.constant 48 : index
      %get3A_1040 = tpu.vector_load %get3A_1037[%get3A_1038, %get3A_1039] {strides = array<i32>} : memref<72x128xf32, #tpu.memory_space<vmem>>, vector<16xf32>,
      %gt3A_1041 = arith.cmpf ogt, %get3A_1040, %while3A_989 : vector<16xf32>
      %select_n3A_1042 = arith.select %gt3A_1041, %get3A_1040, %while3A_989 : vector<16xi1>, vector<16xf32>
      %select_n3A_1043 = arith.select %gt3A_1041, %broadcast_in_dim3A_1003, %while3A_997 : vector<16xi1>, vector<16xi32>
      %get3A_1044 = arith.constant 0 : i32
      %get3A_1045 = arith.constant 0 : i32
      %get3A_1046 = tpu.memref_slice %arg10[%while3A_454, %get3A_1044, %get3A_1045] : memref<4x72x128xf32, #tpu.memory_space<vmem>> -> memref<1x72x128xf32, #tpu.memory_space<vmem>>
      %get3A_1047 = tpu.memref_squeeze %get3A_1046 : memref<1x72x128xf32, #tpu.memory_space<vmem>> -> memref<72x128xf32, #tpu.memory_space<vmem>>
      %get3A_1048 = arith.index_cast %while3A_985 : i32 to index
      %get3A_1049 = arith.constant 64 : index
      %get3A_1050 = tpu.vector_load %get3A_1047[%get3A_1048, %get3A_1049] {strides = array<i32>} : memref<72x128xf32, #tpu.memory_space<vmem>>, vector<16xf32>,
      %gt3A_1051 = arith.cmpf ogt, %get3A_1050, %while3A_990 : vector<16xf32>
      %select_n3A_1052 = arith.select %gt3A_1051, %get3A_1050, %while3A_990 : vector<16xi1>, vector<16xf32>
      %select_n3A_1053 = arith.select %gt3A_1051, %broadcast_in_dim3A_1003, %while3A_998 : vector<16xi1>, vector<16xi32>
      %get3A_1054 = arith.constant 0 : i32
      %get3A_1055 = arith.constant 0 : i32
      %get3A_1056 = tpu.memref_slice %arg10[%while3A_454, %get3A_1054, %get3A_1055] : memref<4x72x128xf32, #tpu.memory_space<vmem>> -> memref<1x72x128xf32, #tpu.memory_space<vmem>>
      %get3A_1057 = tpu.memref_squeeze %get3A_1056 : memref<1x72x128xf32, #tpu.memory_space<vmem>> -> memref<72x128xf32, #tpu.memory_space<vmem>>
      %get3A_1058 = arith.index_cast %while3A_985 : i32 to index
      %get3A_1059 = arith.constant 80 : index
      %get3A_1060 = tpu.vector_load %get3A_1057[%get3A_1058, %get3A_1059] {strides = array<i32>} : memref<72x128xf32, #tpu.memory_space<vmem>>, vector<16xf32>,
      %gt3A_1061 = arith.cmpf ogt, %get3A_1060, %while3A_991 : vector<16xf32>
      %select_n3A_1062 = arith.select %gt3A_1061, %get3A_1060, %while3A_991 : vector<16xi1>, vector<16xf32>
      %select_n3A_1063 = arith.select %gt3A_1061, %broadcast_in_dim3A_1003, %while3A_999 : vector<16xi1>, vector<16xi32>
      %get3A_1064 = arith.constant 0 : i32
      %get3A_1065 = arith.constant 0 : i32
      %get3A_1066 = tpu.memref_slice %arg10[%while3A_454, %get3A_1064, %get3A_1065] : memref<4x72x128xf32, #tpu.memory_space<vmem>> -> memref<1x72x128xf32, #tpu.memory_space<vmem>>
      %get3A_1067 = tpu.memref_squeeze %get3A_1066 : memref<1x72x128xf32, #tpu.memory_space<vmem>> -> memref<72x128xf32, #tpu.memory_space<vmem>>
      %get3A_1068 = arith.index_cast %while3A_985 : i32 to index
      %get3A_1069 = arith.constant 96 : index
      %get3A_1070 = tpu.vector_load %get3A_1067[%get3A_1068, %get3A_1069] {strides = array<i32>} : memref<72x128xf32, #tpu.memory_space<vmem>>, vector<16xf32>,
      %gt3A_1071 = arith.cmpf ogt, %get3A_1070, %while3A_992 : vector<16xf32>
      %select_n3A_1072 = arith.select %gt3A_1071, %get3A_1070, %while3A_992 : vector<16xi1>, vector<16xf32>
      %select_n3A_1073 = arith.select %gt3A_1071, %broadcast_in_dim3A_1003, %while3A_1000 : vector<16xi1>, vector<16xi32>
      %get3A_1074 = arith.constant 0 : i32
      %get3A_1075 = arith.constant 0 : i32
      %get3A_1076 = tpu.memref_slice %arg10[%while3A_454, %get3A_1074, %get3A_1075] : memref<4x72x128xf32, #tpu.memory_space<vmem>> -> memref<1x72x128xf32, #tpu.memory_space<vmem>>
      %get3A_1077 = tpu.memref_squeeze %get3A_1076 : memref<1x72x128xf32, #tpu.memory_space<vmem>> -> memref<72x128xf32, #tpu.memory_space<vmem>>
      %get3A_1078 = arith.index_cast %while3A_985 : i32 to index
      %get3A_1079 = arith.constant 112 : index
      %get3A_1080 = tpu.vector_load %get3A_1077[%get3A_1078, %get3A_1079] {strides = array<i32>} : memref<72x128xf32, #tpu.memory_space<vmem>>, vector<16xf32>,
      %gt3A_1081 = arith.cmpf ogt, %get3A_1080, %while3A_993 : vector<16xf32>
      %select_n3A_1082 = arith.select %gt3A_1081, %get3A_1080, %while3A_993 : vector<16xi1>, vector<16xf32>
      %select_n3A_1083 = arith.select %gt3A_1081, %broadcast_in_dim3A_1003, %while3A_1001 : vector<16xi1>, vector<16xi32>
      scf.yield %select_n3A_1012, %select_n3A_1022, %select_n3A_1032, %select_n3A_1042, %select_n3A_1052, %select_n3A_1062, %select_n3A_1072, %select_n3A_1082, %select_n3A_1013, %select_n3A_1023, %select_n3A_1033, %select_n3A_1043, %select_n3A_1053, %select_n3A_1063, %select_n3A_1073, %select_n3A_1083 : vector<16xf32>, vector<16xf32>, vector<16xf32>, vector<16xf32>, vector<16xf32>, vector<16xf32>, vector<16xf32>, vector<16xf32>, vector<16xi32>, vector<16xi32>, vector<16xi32>, vector<16xi32>, vector<16xi32>, vector<16xi32>, vector<16xi32>, vector<16xi32>
    }
    %swap3A = arith.constant 0 : i32
    %swap3A_465 = arith.index_cast %swap3A : i32 to index
    %swap3A_466 = arith.constant 0 : index
    %swap3A_467 = tpu.vector_load %arg11[%swap3A_465, %swap3A_466] {strides = array<i32>} : memref<4x128xi32, #tpu.memory_space<vmem>>, vector<16xi32>,
    tpu.vector_store %arg11[%swap3A_465, %swap3A_466], %while3A_464#8 {strides = array<i32>} : memref<4x128xi32, #tpu.memory_space<vmem>>, vector<16xi32>,
    %swap3A_468 = arith.constant 0 : i32
    %swap3A_469 = arith.index_cast %swap3A_468 : i32 to index
    %swap3A_470 = arith.constant 16 : index
    %swap3A_471 = tpu.vector_load %arg11[%swap3A_469, %swap3A_470] {strides = array<i32>} : memref<4x128xi32, #tpu.memory_space<vmem>>, vector<16xi32>,
    tpu.vector_store %arg11[%swap3A_469, %swap3A_470], %while3A_464#9 {strides = array<i32>} : memref<4x128xi32, #tpu.memory_space<vmem>>, vector<16xi32>,
    %swap3A_472 = arith.constant 0 : i32
    %swap3A_473 = arith.index_cast %swap3A_472 : i32 to index
    %swap3A_474 = arith.constant 32 : index
    %swap3A_475 = tpu.vector_load %arg11[%swap3A_473, %swap3A_474] {strides = array<i32>} : memref<4x128xi32, #tpu.memory_space<vmem>>, vector<16xi32>,
    tpu.vector_store %arg11[%swap3A_473, %swap3A_474], %while3A_464#10 {strides = array<i32>} : memref<4x128xi32, #tpu.memory_space<vmem>>, vector<16xi32>,
    %swap3A_476 = arith.constant 0 : i32
    %swap3A_477 = arith.index_cast %swap3A_476 : i32 to index
    %swap3A_478 = arith.constant 48 : index
    %swap3A_479 = tpu.vector_load %arg11[%swap3A_477, %swap3A_478] {strides = array<i32>} : memref<4x128xi32, #tpu.memory_space<vmem>>, vector<16xi32>,
    tpu.vector_store %arg11[%swap3A_477, %swap3A_478], %while3A_464#11 {strides = array<i32>} : memref<4x128xi32, #tpu.memory_space<vmem>>, vector<16xi32>,
    %swap3A_480 = arith.constant 0 : i32
    %swap3A_481 = arith.index_cast %swap3A_480 : i32 to index
    %swap3A_482 = arith.constant 64 : index
    %swap3A_483 = tpu.vector_load %arg11[%swap3A_481, %swap3A_482] {strides = array<i32>} : memref<4x128xi32, #tpu.memory_space<vmem>>, vector<16xi32>,
    tpu.vector_store %arg11[%swap3A_481, %swap3A_482], %while3A_464#12 {strides = array<i32>} : memref<4x128xi32, #tpu.memory_space<vmem>>, vector<16xi32>,
    %swap3A_484 = arith.constant 0 : i32
    %swap3A_485 = arith.index_cast %swap3A_484 : i32 to index
    %swap3A_486 = arith.constant 80 : index
    %swap3A_487 = tpu.vector_load %arg11[%swap3A_485, %swap3A_486] {strides = array<i32>} : memref<4x128xi32, #tpu.memory_space<vmem>>, vector<16xi32>,
    tpu.vector_store %arg11[%swap3A_485, %swap3A_486], %while3A_464#13 {strides = array<i32>} : memref<4x128xi32, #tpu.memory_space<vmem>>, vector<16xi32>,
    %swap3A_488 = arith.constant 0 : i32
    %swap3A_489 = arith.index_cast %swap3A_488 : i32 to index
    %swap3A_490 = arith.constant 96 : index
    %swap3A_491 = tpu.vector_load %arg11[%swap3A_489, %swap3A_490] {strides = array<i32>} : memref<4x128xi32, #tpu.memory_space<vmem>>, vector<16xi32>,
    tpu.vector_store %arg11[%swap3A_489, %swap3A_490], %while3A_464#14 {strides = array<i32>} : memref<4x128xi32, #tpu.memory_space<vmem>>, vector<16xi32>,
    %swap3A_492 = arith.constant 0 : i32
    %swap3A_493 = arith.index_cast %swap3A_492 : i32 to index
    %swap3A_494 = arith.constant 112 : index
    %swap3A_495 = tpu.vector_load %arg11[%swap3A_493, %swap3A_494] {strides = array<i32>} : memref<4x128xi32, #tpu.memory_space<vmem>>, vector<16xi32>,
    tpu.vector_store %arg11[%swap3A_493, %swap3A_494], %while3A_464#15 {strides = array<i32>} : memref<4x128xi32, #tpu.memory_space<vmem>>, vector<16xi32>,
    %add3A_496 = arith.constant 4 : i32
    %add3A_497 = arith.addi %div3A_1, %add3A_496 : i32
    %broadcast_in_dim3A_498 = arith.constant 0xFF800000 : f32
    %broadcast_in_dim3A_499 = vector.broadcast %broadcast_in_dim3A_498 : f32 to vector<16xf32>
    %broadcast_in_dim3A_500 = arith.constant 0xFF800000 : f32
    %broadcast_in_dim3A_501 = vector.broadcast %broadcast_in_dim3A_500 : f32 to vector<16xf32>
    %broadcast_in_dim3A_502 = arith.constant 0xFF800000 : f32
    %broadcast_in_dim3A_503 = vector.broadcast %broadcast_in_dim3A_502 : f32 to vector<16xf32>
    %broadcast_in_dim3A_504 = arith.constant 0xFF800000 : f32
    %broadcast_in_dim3A_505 = vector.broadcast %broadcast_in_dim3A_504 : f32 to vector<16xf32>
    %broadcast_in_dim3A_506 = arith.constant 0xFF800000 : f32
    %broadcast_in_dim3A_507 = vector.broadcast %broadcast_in_dim3A_506 : f32 to vector<16xf32>
    %broadcast_in_dim3A_508 = arith.constant 0xFF800000 : f32
    %broadcast_in_dim3A_509 = vector.broadcast %broadcast_in_dim3A_508 : f32 to vector<16xf32>
    %broadcast_in_dim3A_510 = arith.constant 0xFF800000 : f32
    %broadcast_in_dim3A_511 = vector.broadcast %broadcast_in_dim3A_510 : f32 to vector<16xf32>
    %broadcast_in_dim3A_512 = arith.constant 0xFF800000 : f32
    %broadcast_in_dim3A_513 = vector.broadcast %broadcast_in_dim3A_512 : f32 to vector<16xf32>
    %broadcast_in_dim3A_514 = vector.broadcast %squeeze3A_20 : i32 to vector<16xi32>
    %broadcast_in_dim3A_515 = vector.broadcast %squeeze3A_20 : i32 to vector<16xi32>
    %broadcast_in_dim3A_516 = vector.broadcast %squeeze3A_20 : i32 to vector<16xi32>
    %broadcast_in_dim3A_517 = vector.broadcast %squeeze3A_20 : i32 to vector<16xi32>
    %broadcast_in_dim3A_518 = vector.broadcast %squeeze3A_20 : i32 to vector<16xi32>
    %broadcast_in_dim3A_519 = vector.broadcast %squeeze3A_20 : i32 to vector<16xi32>
    %broadcast_in_dim3A_520 = vector.broadcast %squeeze3A_20 : i32 to vector<16xi32>
    %broadcast_in_dim3A_521 = vector.broadcast %squeeze3A_20 : i32 to vector<16xi32>
    %sub3A_522 = arith.subi %squeeze3A_20, %multiple_of3A_83 : i32
    %sub3A_523 = arith.subi %min3A_66, %multiple_of3A_83 : i32
    %while3A_524 = arith.constant 1 : i32
    %while3A_525 = arith.subi %sub3A_523, %sub3A_522 : i32
    %while3A_526 = arith.addi %sub3A_522, %while3A_525 : i32
    %while3A_527 = arith.constant 1 : i32
    %while3A_528 = arith.divsi %while3A_525, %while3A_527 : i32
    %while3A_529 = arith.muli %while3A_528, %while3A_527 : i32
    %while3A_530 = arith.addi %sub3A_522, %while3A_529 : i32
    %while3A_531 = arith.constant 1 : i32
    %while3A_532:16 = scf.for %while3A_985 = %sub3A_522 to %while3A_530 step %while3A_531 iter_args(%while3A_986 = %broadcast_in_dim3A_499, %while3A_987 = %broadcast_in_dim3A_501, %while3A_988 = %broadcast_in_dim3A_503, %while3A_989 = %broadcast_in_dim3A_505, %while3A_990 = %broadcast_in_dim3A_507, %while3A_991 = %broadcast_in_dim3A_509, %while3A_992 = %broadcast_in_dim3A_511, %while3A_993 = %broadcast_in_dim3A_513, %while3A_994 = %broadcast_in_dim3A_514, %while3A_995 = %broadcast_in_dim3A_515, %while3A_996 = %broadcast_in_dim3A_516, %while3A_997 = %broadcast_in_dim3A_517, %while3A_998 = %broadcast_in_dim3A_518, %while3A_999 = %broadcast_in_dim3A_519, %while3A_1000 = %broadcast_in_dim3A_520, %while3A_1001 = %broadcast_in_dim3A_521) -> (vector<16xf32>, vector<16xf32>, vector<16xf32>, vector<16xf32>, vector<16xf32>, vector<16xf32>, vector<16xf32>, vector<16xf32>, vector<16xi32>, vector<16xi32>, vector<16xi32>, vector<16xi32>, vector<16xi32>, vector<16xi32>, vector<16xi32>, vector<16xi32>)  : i32 {
      %add3A_1002 = arith.addi %multiple_of3A_83, %while3A_985 : i32
      %broadcast_in_dim3A_1003 = vector.broadcast %add3A_1002 : i32 to vector<16xi32>
      %get3A_1004 = arith.constant 0 : i32
      %get3A_1005 = arith.constant 0 : i32
      %get3A_1006 = tpu.memref_slice %arg9[%while3A_524, %get3A_1004, %get3A_1005] : memref<4x72x128xf32, #tpu.memory_space<vmem>> -> memref<1x72x128xf32, #tpu.memory_space<vmem>>
      %get3A_1007 = tpu.memref_squeeze %get3A_1006 : memref<1x72x128xf32, #tpu.memory_space<vmem>> -> memref<72x128xf32, #tpu.memory_space<vmem>>
      %get3A_1008 = arith.index_cast %while3A_985 : i32 to index
      %get3A_1009 = arith.constant 0 : index
      %get3A_1010 = tpu.vector_load %get3A_1007[%get3A_1008, %get3A_1009] {strides = array<i32>} : memref<72x128xf32, #tpu.memory_space<vmem>>, vector<16xf32>,
      %gt3A_1011 = arith.cmpf ogt, %get3A_1010, %while3A_986 : vector<16xf32>
      %select_n3A_1012 = arith.select %gt3A_1011, %get3A_1010, %while3A_986 : vector<16xi1>, vector<16xf32>
      %select_n3A_1013 = arith.select %gt3A_1011, %broadcast_in_dim3A_1003, %while3A_994 : vector<16xi1>, vector<16xi32>
      %get3A_1014 = arith.constant 0 : i32
      %get3A_1015 = arith.constant 0 : i32
      %get3A_1016 = tpu.memref_slice %arg9[%while3A_524, %get3A_1014, %get3A_1015] : memref<4x72x128xf32, #tpu.memory_space<vmem>> -> memref<1x72x128xf32, #tpu.memory_space<vmem>>
      %get3A_1017 = tpu.memref_squeeze %get3A_1016 : memref<1x72x128xf32, #tpu.memory_space<vmem>> -> memref<72x128xf32, #tpu.memory_space<vmem>>
      %get3A_1018 = arith.index_cast %while3A_985 : i32 to index
      %get3A_1019 = arith.constant 16 : index
      %get3A_1020 = tpu.vector_load %get3A_1017[%get3A_1018, %get3A_1019] {strides = array<i32>} : memref<72x128xf32, #tpu.memory_space<vmem>>, vector<16xf32>,
      %gt3A_1021 = arith.cmpf ogt, %get3A_1020, %while3A_987 : vector<16xf32>
      %select_n3A_1022 = arith.select %gt3A_1021, %get3A_1020, %while3A_987 : vector<16xi1>, vector<16xf32>
      %select_n3A_1023 = arith.select %gt3A_1021, %broadcast_in_dim3A_1003, %while3A_995 : vector<16xi1>, vector<16xi32>
      %get3A_1024 = arith.constant 0 : i32
      %get3A_1025 = arith.constant 0 : i32
      %get3A_1026 = tpu.memref_slice %arg9[%while3A_524, %get3A_1024, %get3A_1025] : memref<4x72x128xf32, #tpu.memory_space<vmem>> -> memref<1x72x128xf32, #tpu.memory_space<vmem>>
      %get3A_1027 = tpu.memref_squeeze %get3A_1026 : memref<1x72x128xf32, #tpu.memory_space<vmem>> -> memref<72x128xf32, #tpu.memory_space<vmem>>
      %get3A_1028 = arith.index_cast %while3A_985 : i32 to index
      %get3A_1029 = arith.constant 32 : index
      %get3A_1030 = tpu.vector_load %get3A_1027[%get3A_1028, %get3A_1029] {strides = array<i32>} : memref<72x128xf32, #tpu.memory_space<vmem>>, vector<16xf32>,
      %gt3A_1031 = arith.cmpf ogt, %get3A_1030, %while3A_988 : vector<16xf32>
      %select_n3A_1032 = arith.select %gt3A_1031, %get3A_1030, %while3A_988 : vector<16xi1>, vector<16xf32>
      %select_n3A_1033 = arith.select %gt3A_1031, %broadcast_in_dim3A_1003, %while3A_996 : vector<16xi1>, vector<16xi32>
      %get3A_1034 = arith.constant 0 : i32
      %get3A_1035 = arith.constant 0 : i32
      %get3A_1036 = tpu.memref_slice %arg9[%while3A_524, %get3A_1034, %get3A_1035] : memref<4x72x128xf32, #tpu.memory_space<vmem>> -> memref<1x72x128xf32, #tpu.memory_space<vmem>>
      %get3A_1037 = tpu.memref_squeeze %get3A_1036 : memref<1x72x128xf32, #tpu.memory_space<vmem>> -> memref<72x128xf32, #tpu.memory_space<vmem>>
      %get3A_1038 = arith.index_cast %while3A_985 : i32 to index
      %get3A_1039 = arith.constant 48 : index
      %get3A_1040 = tpu.vector_load %get3A_1037[%get3A_1038, %get3A_1039] {strides = array<i32>} : memref<72x128xf32, #tpu.memory_space<vmem>>, vector<16xf32>,
      %gt3A_1041 = arith.cmpf ogt, %get3A_1040, %while3A_989 : vector<16xf32>
      %select_n3A_1042 = arith.select %gt3A_1041, %get3A_1040, %while3A_989 : vector<16xi1>, vector<16xf32>
      %select_n3A_1043 = arith.select %gt3A_1041, %broadcast_in_dim3A_1003, %while3A_997 : vector<16xi1>, vector<16xi32>
      %get3A_1044 = arith.constant 0 : i32
      %get3A_1045 = arith.constant 0 : i32
      %get3A_1046 = tpu.memref_slice %arg9[%while3A_524, %get3A_1044, %get3A_1045] : memref<4x72x128xf32, #tpu.memory_space<vmem>> -> memref<1x72x128xf32, #tpu.memory_space<vmem>>
      %get3A_1047 = tpu.memref_squeeze %get3A_1046 : memref<1x72x128xf32, #tpu.memory_space<vmem>> -> memref<72x128xf32, #tpu.memory_space<vmem>>
      %get3A_1048 = arith.index_cast %while3A_985 : i32 to index
      %get3A_1049 = arith.constant 64 : index
      %get3A_1050 = tpu.vector_load %get3A_1047[%get3A_1048, %get3A_1049] {strides = array<i32>} : memref<72x128xf32, #tpu.memory_space<vmem>>, vector<16xf32>,
      %gt3A_1051 = arith.cmpf ogt, %get3A_1050, %while3A_990 : vector<16xf32>
      %select_n3A_1052 = arith.select %gt3A_1051, %get3A_1050, %while3A_990 : vector<16xi1>, vector<16xf32>
      %select_n3A_1053 = arith.select %gt3A_1051, %broadcast_in_dim3A_1003, %while3A_998 : vector<16xi1>, vector<16xi32>
      %get3A_1054 = arith.constant 0 : i32
      %get3A_1055 = arith.constant 0 : i32
      %get3A_1056 = tpu.memref_slice %arg9[%while3A_524, %get3A_1054, %get3A_1055] : memref<4x72x128xf32, #tpu.memory_space<vmem>> -> memref<1x72x128xf32, #tpu.memory_space<vmem>>
      %get3A_1057 = tpu.memref_squeeze %get3A_1056 : memref<1x72x128xf32, #tpu.memory_space<vmem>> -> memref<72x128xf32, #tpu.memory_space<vmem>>
      %get3A_1058 = arith.index_cast %while3A_985 : i32 to index
      %get3A_1059 = arith.constant 80 : index
      %get3A_1060 = tpu.vector_load %get3A_1057[%get3A_1058, %get3A_1059] {strides = array<i32>} : memref<72x128xf32, #tpu.memory_space<vmem>>, vector<16xf32>,
      %gt3A_1061 = arith.cmpf ogt, %get3A_1060, %while3A_991 : vector<16xf32>
      %select_n3A_1062 = arith.select %gt3A_1061, %get3A_1060, %while3A_991 : vector<16xi1>, vector<16xf32>
      %select_n3A_1063 = arith.select %gt3A_1061, %broadcast_in_dim3A_1003, %while3A_999 : vector<16xi1>, vector<16xi32>
      %get3A_1064 = arith.constant 0 : i32
      %get3A_1065 = arith.constant 0 : i32
      %get3A_1066 = tpu.memref_slice %arg9[%while3A_524, %get3A_1064, %get3A_1065] : memref<4x72x128xf32, #tpu.memory_space<vmem>> -> memref<1x72x128xf32, #tpu.memory_space<vmem>>
      %get3A_1067 = tpu.memref_squeeze %get3A_1066 : memref<1x72x128xf32, #tpu.memory_space<vmem>> -> memref<72x128xf32, #tpu.memory_space<vmem>>
      %get3A_1068 = arith.index_cast %while3A_985 : i32 to index
      %get3A_1069 = arith.constant 96 : index
      %get3A_1070 = tpu.vector_load %get3A_1067[%get3A_1068, %get3A_1069] {strides = array<i32>} : memref<72x128xf32, #tpu.memory_space<vmem>>, vector<16xf32>,
      %gt3A_1071 = arith.cmpf ogt, %get3A_1070, %while3A_992 : vector<16xf32>
      %select_n3A_1072 = arith.select %gt3A_1071, %get3A_1070, %while3A_992 : vector<16xi1>, vector<16xf32>
      %select_n3A_1073 = arith.select %gt3A_1071, %broadcast_in_dim3A_1003, %while3A_1000 : vector<16xi1>, vector<16xi32>
      %get3A_1074 = arith.constant 0 : i32
      %get3A_1075 = arith.constant 0 : i32
      %get3A_1076 = tpu.memref_slice %arg9[%while3A_524, %get3A_1074, %get3A_1075] : memref<4x72x128xf32, #tpu.memory_space<vmem>> -> memref<1x72x128xf32, #tpu.memory_space<vmem>>
      %get3A_1077 = tpu.memref_squeeze %get3A_1076 : memref<1x72x128xf32, #tpu.memory_space<vmem>> -> memref<72x128xf32, #tpu.memory_space<vmem>>
      %get3A_1078 = arith.index_cast %while3A_985 : i32 to index
      %get3A_1079 = arith.constant 112 : index
      %get3A_1080 = tpu.vector_load %get3A_1077[%get3A_1078, %get3A_1079] {strides = array<i32>} : memref<72x128xf32, #tpu.memory_space<vmem>>, vector<16xf32>,
      %gt3A_1081 = arith.cmpf ogt, %get3A_1080, %while3A_993 : vector<16xf32>
      %select_n3A_1082 = arith.select %gt3A_1081, %get3A_1080, %while3A_993 : vector<16xi1>, vector<16xf32>
      %select_n3A_1083 = arith.select %gt3A_1081, %broadcast_in_dim3A_1003, %while3A_1001 : vector<16xi1>, vector<16xi32>
      scf.yield %select_n3A_1012, %select_n3A_1022, %select_n3A_1032, %select_n3A_1042, %select_n3A_1052, %select_n3A_1062, %select_n3A_1072, %select_n3A_1082, %select_n3A_1013, %select_n3A_1023, %select_n3A_1033, %select_n3A_1043, %select_n3A_1053, %select_n3A_1063, %select_n3A_1073, %select_n3A_1083 : vector<16xf32>, vector<16xf32>, vector<16xf32>, vector<16xf32>, vector<16xf32>, vector<16xf32>, vector<16xf32>, vector<16xf32>, vector<16xi32>, vector<16xi32>, vector<16xi32>, vector<16xi32>, vector<16xi32>, vector<16xi32>, vector<16xi32>, vector<16xi32>
    }
    %while3A_533 = arith.constant 1 : i32
    %while3A_534:16 = scf.for %while3A_985 = %while3A_530 to %while3A_526 step %while3A_533 iter_args(%while3A_986 = %while3A_532#0, %while3A_987 = %while3A_532#1, %while3A_988 = %while3A_532#2, %while3A_989 = %while3A_532#3, %while3A_990 = %while3A_532#4, %while3A_991 = %while3A_532#5, %while3A_992 = %while3A_532#6, %while3A_993 = %while3A_532#7, %while3A_994 = %while3A_532#8, %while3A_995 = %while3A_532#9, %while3A_996 = %while3A_532#10, %while3A_997 = %while3A_532#11, %while3A_998 = %while3A_532#12, %while3A_999 = %while3A_532#13, %while3A_1000 = %while3A_532#14, %while3A_1001 = %while3A_532#15) -> (vector<16xf32>, vector<16xf32>, vector<16xf32>, vector<16xf32>, vector<16xf32>, vector<16xf32>, vector<16xf32>, vector<16xf32>, vector<16xi32>, vector<16xi32>, vector<16xi32>, vector<16xi32>, vector<16xi32>, vector<16xi32>, vector<16xi32>, vector<16xi32>)  : i32 {
      %add3A_1002 = arith.addi %multiple_of3A_83, %while3A_985 : i32
      %broadcast_in_dim3A_1003 = vector.broadcast %add3A_1002 : i32 to vector<16xi32>
      %get3A_1004 = arith.constant 0 : i32
      %get3A_1005 = arith.constant 0 : i32
      %get3A_1006 = tpu.memref_slice %arg9[%while3A_524, %get3A_1004, %get3A_1005] : memref<4x72x128xf32, #tpu.memory_space<vmem>> -> memref<1x72x128xf32, #tpu.memory_space<vmem>>
      %get3A_1007 = tpu.memref_squeeze %get3A_1006 : memref<1x72x128xf32, #tpu.memory_space<vmem>> -> memref<72x128xf32, #tpu.memory_space<vmem>>
      %get3A_1008 = arith.index_cast %while3A_985 : i32 to index
      %get3A_1009 = arith.constant 0 : index
      %get3A_1010 = tpu.vector_load %get3A_1007[%get3A_1008, %get3A_1009] {strides = array<i32>} : memref<72x128xf32, #tpu.memory_space<vmem>>, vector<16xf32>,
      %gt3A_1011 = arith.cmpf ogt, %get3A_1010, %while3A_986 : vector<16xf32>
      %select_n3A_1012 = arith.select %gt3A_1011, %get3A_1010, %while3A_986 : vector<16xi1>, vector<16xf32>
      %select_n3A_1013 = arith.select %gt3A_1011, %broadcast_in_dim3A_1003, %while3A_994 : vector<16xi1>, vector<16xi32>
      %get3A_1014 = arith.constant 0 : i32
      %get3A_1015 = arith.constant 0 : i32
      %get3A_1016 = tpu.memref_slice %arg9[%while3A_524, %get3A_1014, %get3A_1015] : memref<4x72x128xf32, #tpu.memory_space<vmem>> -> memref<1x72x128xf32, #tpu.memory_space<vmem>>
      %get3A_1017 = tpu.memref_squeeze %get3A_1016 : memref<1x72x128xf32, #tpu.memory_space<vmem>> -> memref<72x128xf32, #tpu.memory_space<vmem>>
      %get3A_1018 = arith.index_cast %while3A_985 : i32 to index
      %get3A_1019 = arith.constant 16 : index
      %get3A_1020 = tpu.vector_load %get3A_1017[%get3A_1018, %get3A_1019] {strides = array<i32>} : memref<72x128xf32, #tpu.memory_space<vmem>>, vector<16xf32>,
      %gt3A_1021 = arith.cmpf ogt, %get3A_1020, %while3A_987 : vector<16xf32>
      %select_n3A_1022 = arith.select %gt3A_1021, %get3A_1020, %while3A_987 : vector<16xi1>, vector<16xf32>
      %select_n3A_1023 = arith.select %gt3A_1021, %broadcast_in_dim3A_1003, %while3A_995 : vector<16xi1>, vector<16xi32>
      %get3A_1024 = arith.constant 0 : i32
      %get3A_1025 = arith.constant 0 : i32
      %get3A_1026 = tpu.memref_slice %arg9[%while3A_524, %get3A_1024, %get3A_1025] : memref<4x72x128xf32, #tpu.memory_space<vmem>> -> memref<1x72x128xf32, #tpu.memory_space<vmem>>
      %get3A_1027 = tpu.memref_squeeze %get3A_1026 : memref<1x72x128xf32, #tpu.memory_space<vmem>> -> memref<72x128xf32, #tpu.memory_space<vmem>>
      %get3A_1028 = arith.index_cast %while3A_985 : i32 to index
      %get3A_1029 = arith.constant 32 : index
      %get3A_1030 = tpu.vector_load %get3A_1027[%get3A_1028, %get3A_1029] {strides = array<i32>} : memref<72x128xf32, #tpu.memory_space<vmem>>, vector<16xf32>,
      %gt3A_1031 = arith.cmpf ogt, %get3A_1030, %while3A_988 : vector<16xf32>
      %select_n3A_1032 = arith.select %gt3A_1031, %get3A_1030, %while3A_988 : vector<16xi1>, vector<16xf32>
      %select_n3A_1033 = arith.select %gt3A_1031, %broadcast_in_dim3A_1003, %while3A_996 : vector<16xi1>, vector<16xi32>
      %get3A_1034 = arith.constant 0 : i32
      %get3A_1035 = arith.constant 0 : i32
      %get3A_1036 = tpu.memref_slice %arg9[%while3A_524, %get3A_1034, %get3A_1035] : memref<4x72x128xf32, #tpu.memory_space<vmem>> -> memref<1x72x128xf32, #tpu.memory_space<vmem>>
      %get3A_1037 = tpu.memref_squeeze %get3A_1036 : memref<1x72x128xf32, #tpu.memory_space<vmem>> -> memref<72x128xf32, #tpu.memory_space<vmem>>
      %get3A_1038 = arith.index_cast %while3A_985 : i32 to index
      %get3A_1039 = arith.constant 48 : index
      %get3A_1040 = tpu.vector_load %get3A_1037[%get3A_1038, %get3A_1039] {strides = array<i32>} : memref<72x128xf32, #tpu.memory_space<vmem>>, vector<16xf32>,
      %gt3A_1041 = arith.cmpf ogt, %get3A_1040, %while3A_989 : vector<16xf32>
      %select_n3A_1042 = arith.select %gt3A_1041, %get3A_1040, %while3A_989 : vector<16xi1>, vector<16xf32>
      %select_n3A_1043 = arith.select %gt3A_1041, %broadcast_in_dim3A_1003, %while3A_997 : vector<16xi1>, vector<16xi32>
      %get3A_1044 = arith.constant 0 : i32
      %get3A_1045 = arith.constant 0 : i32
      %get3A_1046 = tpu.memref_slice %arg9[%while3A_524, %get3A_1044, %get3A_1045] : memref<4x72x128xf32, #tpu.memory_space<vmem>> -> memref<1x72x128xf32, #tpu.memory_space<vmem>>
      %get3A_1047 = tpu.memref_squeeze %get3A_1046 : memref<1x72x128xf32, #tpu.memory_space<vmem>> -> memref<72x128xf32, #tpu.memory_space<vmem>>
      %get3A_1048 = arith.index_cast %while3A_985 : i32 to index
      %get3A_1049 = arith.constant 64 : index
      %get3A_1050 = tpu.vector_load %get3A_1047[%get3A_1048, %get3A_1049] {strides = array<i32>} : memref<72x128xf32, #tpu.memory_space<vmem>>, vector<16xf32>,
      %gt3A_1051 = arith.cmpf ogt, %get3A_1050, %while3A_990 : vector<16xf32>
      %select_n3A_1052 = arith.select %gt3A_1051, %get3A_1050, %while3A_990 : vector<16xi1>, vector<16xf32>
      %select_n3A_1053 = arith.select %gt3A_1051, %broadcast_in_dim3A_1003, %while3A_998 : vector<16xi1>, vector<16xi32>
      %get3A_1054 = arith.constant 0 : i32
      %get3A_1055 = arith.constant 0 : i32
      %get3A_1056 = tpu.memref_slice %arg9[%while3A_524, %get3A_1054, %get3A_1055] : memref<4x72x128xf32, #tpu.memory_space<vmem>> -> memref<1x72x128xf32, #tpu.memory_space<vmem>>
      %get3A_1057 = tpu.memref_squeeze %get3A_1056 : memref<1x72x128xf32, #tpu.memory_space<vmem>> -> memref<72x128xf32, #tpu.memory_space<vmem>>
      %get3A_1058 = arith.index_cast %while3A_985 : i32 to index
      %get3A_1059 = arith.constant 80 : index
      %get3A_1060 = tpu.vector_load %get3A_1057[%get3A_1058, %get3A_1059] {strides = array<i32>} : memref<72x128xf32, #tpu.memory_space<vmem>>, vector<16xf32>,
      %gt3A_1061 = arith.cmpf ogt, %get3A_1060, %while3A_991 : vector<16xf32>
      %select_n3A_1062 = arith.select %gt3A_1061, %get3A_1060, %while3A_991 : vector<16xi1>, vector<16xf32>
      %select_n3A_1063 = arith.select %gt3A_1061, %broadcast_in_dim3A_1003, %while3A_999 : vector<16xi1>, vector<16xi32>
      %get3A_1064 = arith.constant 0 : i32
      %get3A_1065 = arith.constant 0 : i32
      %get3A_1066 = tpu.memref_slice %arg9[%while3A_524, %get3A_1064, %get3A_1065] : memref<4x72x128xf32, #tpu.memory_space<vmem>> -> memref<1x72x128xf32, #tpu.memory_space<vmem>>
      %get3A_1067 = tpu.memref_squeeze %get3A_1066 : memref<1x72x128xf32, #tpu.memory_space<vmem>> -> memref<72x128xf32, #tpu.memory_space<vmem>>
      %get3A_1068 = arith.index_cast %while3A_985 : i32 to index
      %get3A_1069 = arith.constant 96 : index
      %get3A_1070 = tpu.vector_load %get3A_1067[%get3A_1068, %get3A_1069] {strides = array<i32>} : memref<72x128xf32, #tpu.memory_space<vmem>>, vector<16xf32>,
      %gt3A_1071 = arith.cmpf ogt, %get3A_1070, %while3A_992 : vector<16xf32>
      %select_n3A_1072 = arith.select %gt3A_1071, %get3A_1070, %while3A_992 : vector<16xi1>, vector<16xf32>
      %select_n3A_1073 = arith.select %gt3A_1071, %broadcast_in_dim3A_1003, %while3A_1000 : vector<16xi1>, vector<16xi32>
      %get3A_1074 = arith.constant 0 : i32
      %get3A_1075 = arith.constant 0 : i32
      %get3A_1076 = tpu.memref_slice %arg9[%while3A_524, %get3A_1074, %get3A_1075] : memref<4x72x128xf32, #tpu.memory_space<vmem>> -> memref<1x72x128xf32, #tpu.memory_space<vmem>>
      %get3A_1077 = tpu.memref_squeeze %get3A_1076 : memref<1x72x128xf32, #tpu.memory_space<vmem>> -> memref<72x128xf32, #tpu.memory_space<vmem>>
      %get3A_1078 = arith.index_cast %while3A_985 : i32 to index
      %get3A_1079 = arith.constant 112 : index
      %get3A_1080 = tpu.vector_load %get3A_1077[%get3A_1078, %get3A_1079] {strides = array<i32>} : memref<72x128xf32, #tpu.memory_space<vmem>>, vector<16xf32>,
      %gt3A_1081 = arith.cmpf ogt, %get3A_1080, %while3A_993 : vector<16xf32>
      %select_n3A_1082 = arith.select %gt3A_1081, %get3A_1080, %while3A_993 : vector<16xi1>, vector<16xf32>
      %select_n3A_1083 = arith.select %gt3A_1081, %broadcast_in_dim3A_1003, %while3A_1001 : vector<16xi1>, vector<16xi32>
      scf.yield %select_n3A_1012, %select_n3A_1022, %select_n3A_1032, %select_n3A_1042, %select_n3A_1052, %select_n3A_1062, %select_n3A_1072, %select_n3A_1082, %select_n3A_1013, %select_n3A_1023, %select_n3A_1033, %select_n3A_1043, %select_n3A_1053, %select_n3A_1063, %select_n3A_1073, %select_n3A_1083 : vector<16xf32>, vector<16xf32>, vector<16xf32>, vector<16xf32>, vector<16xf32>, vector<16xf32>, vector<16xf32>, vector<16xf32>, vector<16xi32>, vector<16xi32>, vector<16xi32>, vector<16xi32>, vector<16xi32>, vector<16xi32>, vector<16xi32>, vector<16xi32>
    }
    %get3A_535 = arith.index_cast %add3A_497 : i32 to index
    %get3A_536 = arith.constant 0 : index
    %get3A_537 = tpu.vector_load %arg7[%get3A_535, %get3A_536] {strides = array<i32>} : memref<16x128xf32, #tpu.memory_space<vmem>>, vector<16xf32>,
    %get3A_538 = arith.index_cast %add3A_497 : i32 to index
    %get3A_539 = arith.constant 0 : index
    %get3A_540 = tpu.vector_load %arg8[%get3A_538, %get3A_539] {strides = array<i32>} : memref<16x128xi32, #tpu.memory_space<vmem>>, vector<16xi32>,
    %gt3A_541 = arith.cmpf ogt, %get3A_537, %while3A_534#0 : vector<16xf32>
    %select_n3A_542 = arith.select %gt3A_541, %get3A_537, %while3A_534#0 : vector<16xi1>, vector<16xf32>
    %select_n3A_543 = arith.select %gt3A_541, %get3A_540, %while3A_534#8 : vector<16xi1>, vector<16xi32>
    %get3A_544 = arith.index_cast %add3A_497 : i32 to index
    %get3A_545 = arith.constant 16 : index
    %get3A_546 = tpu.vector_load %arg7[%get3A_544, %get3A_545] {strides = array<i32>} : memref<16x128xf32, #tpu.memory_space<vmem>>, vector<16xf32>,
    %get3A_547 = arith.index_cast %add3A_497 : i32 to index
    %get3A_548 = arith.constant 16 : index
    %get3A_549 = tpu.vector_load %arg8[%get3A_547, %get3A_548] {strides = array<i32>} : memref<16x128xi32, #tpu.memory_space<vmem>>, vector<16xi32>,
    %gt3A_550 = arith.cmpf ogt, %get3A_546, %while3A_534#1 : vector<16xf32>
    %select_n3A_551 = arith.select %gt3A_550, %get3A_546, %while3A_534#1 : vector<16xi1>, vector<16xf32>
    %select_n3A_552 = arith.select %gt3A_550, %get3A_549, %while3A_534#9 : vector<16xi1>, vector<16xi32>
    %get3A_553 = arith.index_cast %add3A_497 : i32 to index
    %get3A_554 = arith.constant 32 : index
    %get3A_555 = tpu.vector_load %arg7[%get3A_553, %get3A_554] {strides = array<i32>} : memref<16x128xf32, #tpu.memory_space<vmem>>, vector<16xf32>,
    %get3A_556 = arith.index_cast %add3A_497 : i32 to index
    %get3A_557 = arith.constant 32 : index
    %get3A_558 = tpu.vector_load %arg8[%get3A_556, %get3A_557] {strides = array<i32>} : memref<16x128xi32, #tpu.memory_space<vmem>>, vector<16xi32>,
    %gt3A_559 = arith.cmpf ogt, %get3A_555, %while3A_534#2 : vector<16xf32>
    %select_n3A_560 = arith.select %gt3A_559, %get3A_555, %while3A_534#2 : vector<16xi1>, vector<16xf32>
    %select_n3A_561 = arith.select %gt3A_559, %get3A_558, %while3A_534#10 : vector<16xi1>, vector<16xi32>
    %get3A_562 = arith.index_cast %add3A_497 : i32 to index
    %get3A_563 = arith.constant 48 : index
    %get3A_564 = tpu.vector_load %arg7[%get3A_562, %get3A_563] {strides = array<i32>} : memref<16x128xf32, #tpu.memory_space<vmem>>, vector<16xf32>,
    %get3A_565 = arith.index_cast %add3A_497 : i32 to index
    %get3A_566 = arith.constant 48 : index
    %get3A_567 = tpu.vector_load %arg8[%get3A_565, %get3A_566] {strides = array<i32>} : memref<16x128xi32, #tpu.memory_space<vmem>>, vector<16xi32>,
    %gt3A_568 = arith.cmpf ogt, %get3A_564, %while3A_534#3 : vector<16xf32>
    %select_n3A_569 = arith.select %gt3A_568, %get3A_564, %while3A_534#3 : vector<16xi1>, vector<16xf32>
    %select_n3A_570 = arith.select %gt3A_568, %get3A_567, %while3A_534#11 : vector<16xi1>, vector<16xi32>
    %get3A_571 = arith.index_cast %add3A_497 : i32 to index
    %get3A_572 = arith.constant 64 : index
    %get3A_573 = tpu.vector_load %arg7[%get3A_571, %get3A_572] {strides = array<i32>} : memref<16x128xf32, #tpu.memory_space<vmem>>, vector<16xf32>,
    %get3A_574 = arith.index_cast %add3A_497 : i32 to index
    %get3A_575 = arith.constant 64 : index
    %get3A_576 = tpu.vector_load %arg8[%get3A_574, %get3A_575] {strides = array<i32>} : memref<16x128xi32, #tpu.memory_space<vmem>>, vector<16xi32>,
    %gt3A_577 = arith.cmpf ogt, %get3A_573, %while3A_534#4 : vector<16xf32>
    %select_n3A_578 = arith.select %gt3A_577, %get3A_573, %while3A_534#4 : vector<16xi1>, vector<16xf32>
    %select_n3A_579 = arith.select %gt3A_577, %get3A_576, %while3A_534#12 : vector<16xi1>, vector<16xi32>
    %get3A_580 = arith.index_cast %add3A_497 : i32 to index
    %get3A_581 = arith.constant 80 : index
    %get3A_582 = tpu.vector_load %arg7[%get3A_580, %get3A_581] {strides = array<i32>} : memref<16x128xf32, #tpu.memory_space<vmem>>, vector<16xf32>,
    %get3A_583 = arith.index_cast %add3A_497 : i32 to index
    %get3A_584 = arith.constant 80 : index
    %get3A_585 = tpu.vector_load %arg8[%get3A_583, %get3A_584] {strides = array<i32>} : memref<16x128xi32, #tpu.memory_space<vmem>>, vector<16xi32>,
    %gt3A_586 = arith.cmpf ogt, %get3A_582, %while3A_534#5 : vector<16xf32>
    %select_n3A_587 = arith.select %gt3A_586, %get3A_582, %while3A_534#5 : vector<16xi1>, vector<16xf32>
    %select_n3A_588 = arith.select %gt3A_586, %get3A_585, %while3A_534#13 : vector<16xi1>, vector<16xi32>
    %get3A_589 = arith.index_cast %add3A_497 : i32 to index
    %get3A_590 = arith.constant 96 : index
    %get3A_591 = tpu.vector_load %arg7[%get3A_589, %get3A_590] {strides = array<i32>} : memref<16x128xf32, #tpu.memory_space<vmem>>, vector<16xf32>,
    %get3A_592 = arith.index_cast %add3A_497 : i32 to index
    %get3A_593 = arith.constant 96 : index
    %get3A_594 = tpu.vector_load %arg8[%get3A_592, %get3A_593] {strides = array<i32>} : memref<16x128xi32, #tpu.memory_space<vmem>>, vector<16xi32>,
    %gt3A_595 = arith.cmpf ogt, %get3A_591, %while3A_534#6 : vector<16xf32>
    %select_n3A_596 = arith.select %gt3A_595, %get3A_591, %while3A_534#6 : vector<16xi1>, vector<16xf32>
    %select_n3A_597 = arith.select %gt3A_595, %get3A_594, %while3A_534#14 : vector<16xi1>, vector<16xi32>
    %get3A_598 = arith.index_cast %add3A_497 : i32 to index
    %get3A_599 = arith.constant 112 : index
    %get3A_600 = tpu.vector_load %arg7[%get3A_598, %get3A_599] {strides = array<i32>} : memref<16x128xf32, #tpu.memory_space<vmem>>, vector<16xf32>,
    %get3A_601 = arith.index_cast %add3A_497 : i32 to index
    %get3A_602 = arith.constant 112 : index
    %get3A_603 = tpu.vector_load %arg8[%get3A_601, %get3A_602] {strides = array<i32>} : memref<16x128xi32, #tpu.memory_space<vmem>>, vector<16xi32>,
    %gt3A_604 = arith.cmpf ogt, %get3A_600, %while3A_534#7 : vector<16xf32>
    %select_n3A_605 = arith.select %gt3A_604, %get3A_600, %while3A_534#7 : vector<16xi1>, vector<16xf32>
    %select_n3A_606 = arith.select %gt3A_604, %get3A_603, %while3A_534#15 : vector<16xi1>, vector<16xi32>
    %sub3A_607 = arith.subi %select_n3A_70, %multiple_of3A_84 : i32
    %sub3A_608 = arith.subi %squeeze3A_28, %multiple_of3A_84 : i32
    %while3A_609 = arith.constant 1 : i32
    %while3A_610 = arith.subi %sub3A_608, %sub3A_607 : i32
    %while3A_611 = arith.addi %sub3A_607, %while3A_610 : i32
    %while3A_612 = arith.constant 1 : i32
    %while3A_613 = arith.divsi %while3A_610, %while3A_612 : i32
    %while3A_614 = arith.muli %while3A_613, %while3A_612 : i32
    %while3A_615 = arith.addi %sub3A_607, %while3A_614 : i32
    %while3A_616 = arith.constant 1 : i32
    %while3A_617:16 = scf.for %while3A_985 = %sub3A_607 to %while3A_615 step %while3A_616 iter_args(%while3A_986 = %select_n3A_542, %while3A_987 = %select_n3A_551, %while3A_988 = %select_n3A_560, %while3A_989 = %select_n3A_569, %while3A_990 = %select_n3A_578, %while3A_991 = %select_n3A_587, %while3A_992 = %select_n3A_596, %while3A_993 = %select_n3A_605, %while3A_994 = %select_n3A_543, %while3A_995 = %select_n3A_552, %while3A_996 = %select_n3A_561, %while3A_997 = %select_n3A_570, %while3A_998 = %select_n3A_579, %while3A_999 = %select_n3A_588, %while3A_1000 = %select_n3A_597, %while3A_1001 = %select_n3A_606) -> (vector<16xf32>, vector<16xf32>, vector<16xf32>, vector<16xf32>, vector<16xf32>, vector<16xf32>, vector<16xf32>, vector<16xf32>, vector<16xi32>, vector<16xi32>, vector<16xi32>, vector<16xi32>, vector<16xi32>, vector<16xi32>, vector<16xi32>, vector<16xi32>)  : i32 {
      %add3A_1002 = arith.addi %multiple_of3A_84, %while3A_985 : i32
      %broadcast_in_dim3A_1003 = vector.broadcast %add3A_1002 : i32 to vector<16xi32>
      %get3A_1004 = arith.constant 0 : i32
      %get3A_1005 = arith.constant 0 : i32
      %get3A_1006 = tpu.memref_slice %arg10[%while3A_609, %get3A_1004, %get3A_1005] : memref<4x72x128xf32, #tpu.memory_space<vmem>> -> memref<1x72x128xf32, #tpu.memory_space<vmem>>
      %get3A_1007 = tpu.memref_squeeze %get3A_1006 : memref<1x72x128xf32, #tpu.memory_space<vmem>> -> memref<72x128xf32, #tpu.memory_space<vmem>>
      %get3A_1008 = arith.index_cast %while3A_985 : i32 to index
      %get3A_1009 = arith.constant 0 : index
      %get3A_1010 = tpu.vector_load %get3A_1007[%get3A_1008, %get3A_1009] {strides = array<i32>} : memref<72x128xf32, #tpu.memory_space<vmem>>, vector<16xf32>,
      %gt3A_1011 = arith.cmpf ogt, %get3A_1010, %while3A_986 : vector<16xf32>
      %select_n3A_1012 = arith.select %gt3A_1011, %get3A_1010, %while3A_986 : vector<16xi1>, vector<16xf32>
      %select_n3A_1013 = arith.select %gt3A_1011, %broadcast_in_dim3A_1003, %while3A_994 : vector<16xi1>, vector<16xi32>
      %get3A_1014 = arith.constant 0 : i32
      %get3A_1015 = arith.constant 0 : i32
      %get3A_1016 = tpu.memref_slice %arg10[%while3A_609, %get3A_1014, %get3A_1015] : memref<4x72x128xf32, #tpu.memory_space<vmem>> -> memref<1x72x128xf32, #tpu.memory_space<vmem>>
      %get3A_1017 = tpu.memref_squeeze %get3A_1016 : memref<1x72x128xf32, #tpu.memory_space<vmem>> -> memref<72x128xf32, #tpu.memory_space<vmem>>
      %get3A_1018 = arith.index_cast %while3A_985 : i32 to index
      %get3A_1019 = arith.constant 16 : index
      %get3A_1020 = tpu.vector_load %get3A_1017[%get3A_1018, %get3A_1019] {strides = array<i32>} : memref<72x128xf32, #tpu.memory_space<vmem>>, vector<16xf32>,
      %gt3A_1021 = arith.cmpf ogt, %get3A_1020, %while3A_987 : vector<16xf32>
      %select_n3A_1022 = arith.select %gt3A_1021, %get3A_1020, %while3A_987 : vector<16xi1>, vector<16xf32>
      %select_n3A_1023 = arith.select %gt3A_1021, %broadcast_in_dim3A_1003, %while3A_995 : vector<16xi1>, vector<16xi32>
      %get3A_1024 = arith.constant 0 : i32
      %get3A_1025 = arith.constant 0 : i32
      %get3A_1026 = tpu.memref_slice %arg10[%while3A_609, %get3A_1024, %get3A_1025] : memref<4x72x128xf32, #tpu.memory_space<vmem>> -> memref<1x72x128xf32, #tpu.memory_space<vmem>>
      %get3A_1027 = tpu.memref_squeeze %get3A_1026 : memref<1x72x128xf32, #tpu.memory_space<vmem>> -> memref<72x128xf32, #tpu.memory_space<vmem>>
      %get3A_1028 = arith.index_cast %while3A_985 : i32 to index
      %get3A_1029 = arith.constant 32 : index
      %get3A_1030 = tpu.vector_load %get3A_1027[%get3A_1028, %get3A_1029] {strides = array<i32>} : memref<72x128xf32, #tpu.memory_space<vmem>>, vector<16xf32>,
      %gt3A_1031 = arith.cmpf ogt, %get3A_1030, %while3A_988 : vector<16xf32>
      %select_n3A_1032 = arith.select %gt3A_1031, %get3A_1030, %while3A_988 : vector<16xi1>, vector<16xf32>
      %select_n3A_1033 = arith.select %gt3A_1031, %broadcast_in_dim3A_1003, %while3A_996 : vector<16xi1>, vector<16xi32>
      %get3A_1034 = arith.constant 0 : i32
      %get3A_1035 = arith.constant 0 : i32
      %get3A_1036 = tpu.memref_slice %arg10[%while3A_609, %get3A_1034, %get3A_1035] : memref<4x72x128xf32, #tpu.memory_space<vmem>> -> memref<1x72x128xf32, #tpu.memory_space<vmem>>
      %get3A_1037 = tpu.memref_squeeze %get3A_1036 : memref<1x72x128xf32, #tpu.memory_space<vmem>> -> memref<72x128xf32, #tpu.memory_space<vmem>>
      %get3A_1038 = arith.index_cast %while3A_985 : i32 to index
      %get3A_1039 = arith.constant 48 : index
      %get3A_1040 = tpu.vector_load %get3A_1037[%get3A_1038, %get3A_1039] {strides = array<i32>} : memref<72x128xf32, #tpu.memory_space<vmem>>, vector<16xf32>,
      %gt3A_1041 = arith.cmpf ogt, %get3A_1040, %while3A_989 : vector<16xf32>
      %select_n3A_1042 = arith.select %gt3A_1041, %get3A_1040, %while3A_989 : vector<16xi1>, vector<16xf32>
      %select_n3A_1043 = arith.select %gt3A_1041, %broadcast_in_dim3A_1003, %while3A_997 : vector<16xi1>, vector<16xi32>
      %get3A_1044 = arith.constant 0 : i32
      %get3A_1045 = arith.constant 0 : i32
      %get3A_1046 = tpu.memref_slice %arg10[%while3A_609, %get3A_1044, %get3A_1045] : memref<4x72x128xf32, #tpu.memory_space<vmem>> -> memref<1x72x128xf32, #tpu.memory_space<vmem>>
      %get3A_1047 = tpu.memref_squeeze %get3A_1046 : memref<1x72x128xf32, #tpu.memory_space<vmem>> -> memref<72x128xf32, #tpu.memory_space<vmem>>
      %get3A_1048 = arith.index_cast %while3A_985 : i32 to index
      %get3A_1049 = arith.constant 64 : index
      %get3A_1050 = tpu.vector_load %get3A_1047[%get3A_1048, %get3A_1049] {strides = array<i32>} : memref<72x128xf32, #tpu.memory_space<vmem>>, vector<16xf32>,
      %gt3A_1051 = arith.cmpf ogt, %get3A_1050, %while3A_990 : vector<16xf32>
      %select_n3A_1052 = arith.select %gt3A_1051, %get3A_1050, %while3A_990 : vector<16xi1>, vector<16xf32>
      %select_n3A_1053 = arith.select %gt3A_1051, %broadcast_in_dim3A_1003, %while3A_998 : vector<16xi1>, vector<16xi32>
      %get3A_1054 = arith.constant 0 : i32
      %get3A_1055 = arith.constant 0 : i32
      %get3A_1056 = tpu.memref_slice %arg10[%while3A_609, %get3A_1054, %get3A_1055] : memref<4x72x128xf32, #tpu.memory_space<vmem>> -> memref<1x72x128xf32, #tpu.memory_space<vmem>>
      %get3A_1057 = tpu.memref_squeeze %get3A_1056 : memref<1x72x128xf32, #tpu.memory_space<vmem>> -> memref<72x128xf32, #tpu.memory_space<vmem>>
      %get3A_1058 = arith.index_cast %while3A_985 : i32 to index
      %get3A_1059 = arith.constant 80 : index
      %get3A_1060 = tpu.vector_load %get3A_1057[%get3A_1058, %get3A_1059] {strides = array<i32>} : memref<72x128xf32, #tpu.memory_space<vmem>>, vector<16xf32>,
      %gt3A_1061 = arith.cmpf ogt, %get3A_1060, %while3A_991 : vector<16xf32>
      %select_n3A_1062 = arith.select %gt3A_1061, %get3A_1060, %while3A_991 : vector<16xi1>, vector<16xf32>
      %select_n3A_1063 = arith.select %gt3A_1061, %broadcast_in_dim3A_1003, %while3A_999 : vector<16xi1>, vector<16xi32>
      %get3A_1064 = arith.constant 0 : i32
      %get3A_1065 = arith.constant 0 : i32
      %get3A_1066 = tpu.memref_slice %arg10[%while3A_609, %get3A_1064, %get3A_1065] : memref<4x72x128xf32, #tpu.memory_space<vmem>> -> memref<1x72x128xf32, #tpu.memory_space<vmem>>
      %get3A_1067 = tpu.memref_squeeze %get3A_1066 : memref<1x72x128xf32, #tpu.memory_space<vmem>> -> memref<72x128xf32, #tpu.memory_space<vmem>>
      %get3A_1068 = arith.index_cast %while3A_985 : i32 to index
      %get3A_1069 = arith.constant 96 : index
      %get3A_1070 = tpu.vector_load %get3A_1067[%get3A_1068, %get3A_1069] {strides = array<i32>} : memref<72x128xf32, #tpu.memory_space<vmem>>, vector<16xf32>,
      %gt3A_1071 = arith.cmpf ogt, %get3A_1070, %while3A_992 : vector<16xf32>
      %select_n3A_1072 = arith.select %gt3A_1071, %get3A_1070, %while3A_992 : vector<16xi1>, vector<16xf32>
      %select_n3A_1073 = arith.select %gt3A_1071, %broadcast_in_dim3A_1003, %while3A_1000 : vector<16xi1>, vector<16xi32>
      %get3A_1074 = arith.constant 0 : i32
      %get3A_1075 = arith.constant 0 : i32
      %get3A_1076 = tpu.memref_slice %arg10[%while3A_609, %get3A_1074, %get3A_1075] : memref<4x72x128xf32, #tpu.memory_space<vmem>> -> memref<1x72x128xf32, #tpu.memory_space<vmem>>
      %get3A_1077 = tpu.memref_squeeze %get3A_1076 : memref<1x72x128xf32, #tpu.memory_space<vmem>> -> memref<72x128xf32, #tpu.memory_space<vmem>>
      %get3A_1078 = arith.index_cast %while3A_985 : i32 to index
      %get3A_1079 = arith.constant 112 : index
      %get3A_1080 = tpu.vector_load %get3A_1077[%get3A_1078, %get3A_1079] {strides = array<i32>} : memref<72x128xf32, #tpu.memory_space<vmem>>, vector<16xf32>,
      %gt3A_1081 = arith.cmpf ogt, %get3A_1080, %while3A_993 : vector<16xf32>
      %select_n3A_1082 = arith.select %gt3A_1081, %get3A_1080, %while3A_993 : vector<16xi1>, vector<16xf32>
      %select_n3A_1083 = arith.select %gt3A_1081, %broadcast_in_dim3A_1003, %while3A_1001 : vector<16xi1>, vector<16xi32>
      scf.yield %select_n3A_1012, %select_n3A_1022, %select_n3A_1032, %select_n3A_1042, %select_n3A_1052, %select_n3A_1062, %select_n3A_1072, %select_n3A_1082, %select_n3A_1013, %select_n3A_1023, %select_n3A_1033, %select_n3A_1043, %select_n3A_1053, %select_n3A_1063, %select_n3A_1073, %select_n3A_1083 : vector<16xf32>, vector<16xf32>, vector<16xf32>, vector<16xf32>, vector<16xf32>, vector<16xf32>, vector<16xf32>, vector<16xf32>, vector<16xi32>, vector<16xi32>, vector<16xi32>, vector<16xi32>, vector<16xi32>, vector<16xi32>, vector<16xi32>, vector<16xi32>
    }
    %while3A_618 = arith.constant 1 : i32
    %while3A_619:16 = scf.for %while3A_985 = %while3A_615 to %while3A_611 step %while3A_618 iter_args(%while3A_986 = %while3A_617#0, %while3A_987 = %while3A_617#1, %while3A_988 = %while3A_617#2, %while3A_989 = %while3A_617#3, %while3A_990 = %while3A_617#4, %while3A_991 = %while3A_617#5, %while3A_992 = %while3A_617#6, %while3A_993 = %while3A_617#7, %while3A_994 = %while3A_617#8, %while3A_995 = %while3A_617#9, %while3A_996 = %while3A_617#10, %while3A_997 = %while3A_617#11, %while3A_998 = %while3A_617#12, %while3A_999 = %while3A_617#13, %while3A_1000 = %while3A_617#14, %while3A_1001 = %while3A_617#15) -> (vector<16xf32>, vector<16xf32>, vector<16xf32>, vector<16xf32>, vector<16xf32>, vector<16xf32>, vector<16xf32>, vector<16xf32>, vector<16xi32>, vector<16xi32>, vector<16xi32>, vector<16xi32>, vector<16xi32>, vector<16xi32>, vector<16xi32>, vector<16xi32>)  : i32 {
      %add3A_1002 = arith.addi %multiple_of3A_84, %while3A_985 : i32
      %broadcast_in_dim3A_1003 = vector.broadcast %add3A_1002 : i32 to vector<16xi32>
      %get3A_1004 = arith.constant 0 : i32
      %get3A_1005 = arith.constant 0 : i32
      %get3A_1006 = tpu.memref_slice %arg10[%while3A_609, %get3A_1004, %get3A_1005] : memref<4x72x128xf32, #tpu.memory_space<vmem>> -> memref<1x72x128xf32, #tpu.memory_space<vmem>>
      %get3A_1007 = tpu.memref_squeeze %get3A_1006 : memref<1x72x128xf32, #tpu.memory_space<vmem>> -> memref<72x128xf32, #tpu.memory_space<vmem>>
      %get3A_1008 = arith.index_cast %while3A_985 : i32 to index
      %get3A_1009 = arith.constant 0 : index
      %get3A_1010 = tpu.vector_load %get3A_1007[%get3A_1008, %get3A_1009] {strides = array<i32>} : memref<72x128xf32, #tpu.memory_space<vmem>>, vector<16xf32>,
      %gt3A_1011 = arith.cmpf ogt, %get3A_1010, %while3A_986 : vector<16xf32>
      %select_n3A_1012 = arith.select %gt3A_1011, %get3A_1010, %while3A_986 : vector<16xi1>, vector<16xf32>
      %select_n3A_1013 = arith.select %gt3A_1011, %broadcast_in_dim3A_1003, %while3A_994 : vector<16xi1>, vector<16xi32>
      %get3A_1014 = arith.constant 0 : i32
      %get3A_1015 = arith.constant 0 : i32
      %get3A_1016 = tpu.memref_slice %arg10[%while3A_609, %get3A_1014, %get3A_1015] : memref<4x72x128xf32, #tpu.memory_space<vmem>> -> memref<1x72x128xf32, #tpu.memory_space<vmem>>
      %get3A_1017 = tpu.memref_squeeze %get3A_1016 : memref<1x72x128xf32, #tpu.memory_space<vmem>> -> memref<72x128xf32, #tpu.memory_space<vmem>>
      %get3A_1018 = arith.index_cast %while3A_985 : i32 to index
      %get3A_1019 = arith.constant 16 : index
      %get3A_1020 = tpu.vector_load %get3A_1017[%get3A_1018, %get3A_1019] {strides = array<i32>} : memref<72x128xf32, #tpu.memory_space<vmem>>, vector<16xf32>,
      %gt3A_1021 = arith.cmpf ogt, %get3A_1020, %while3A_987 : vector<16xf32>
      %select_n3A_1022 = arith.select %gt3A_1021, %get3A_1020, %while3A_987 : vector<16xi1>, vector<16xf32>
      %select_n3A_1023 = arith.select %gt3A_1021, %broadcast_in_dim3A_1003, %while3A_995 : vector<16xi1>, vector<16xi32>
      %get3A_1024 = arith.constant 0 : i32
      %get3A_1025 = arith.constant 0 : i32
      %get3A_1026 = tpu.memref_slice %arg10[%while3A_609, %get3A_1024, %get3A_1025] : memref<4x72x128xf32, #tpu.memory_space<vmem>> -> memref<1x72x128xf32, #tpu.memory_space<vmem>>
      %get3A_1027 = tpu.memref_squeeze %get3A_1026 : memref<1x72x128xf32, #tpu.memory_space<vmem>> -> memref<72x128xf32, #tpu.memory_space<vmem>>
      %get3A_1028 = arith.index_cast %while3A_985 : i32 to index
      %get3A_1029 = arith.constant 32 : index
      %get3A_1030 = tpu.vector_load %get3A_1027[%get3A_1028, %get3A_1029] {strides = array<i32>} : memref<72x128xf32, #tpu.memory_space<vmem>>, vector<16xf32>,
      %gt3A_1031 = arith.cmpf ogt, %get3A_1030, %while3A_988 : vector<16xf32>
      %select_n3A_1032 = arith.select %gt3A_1031, %get3A_1030, %while3A_988 : vector<16xi1>, vector<16xf32>
      %select_n3A_1033 = arith.select %gt3A_1031, %broadcast_in_dim3A_1003, %while3A_996 : vector<16xi1>, vector<16xi32>
      %get3A_1034 = arith.constant 0 : i32
      %get3A_1035 = arith.constant 0 : i32
      %get3A_1036 = tpu.memref_slice %arg10[%while3A_609, %get3A_1034, %get3A_1035] : memref<4x72x128xf32, #tpu.memory_space<vmem>> -> memref<1x72x128xf32, #tpu.memory_space<vmem>>
      %get3A_1037 = tpu.memref_squeeze %get3A_1036 : memref<1x72x128xf32, #tpu.memory_space<vmem>> -> memref<72x128xf32, #tpu.memory_space<vmem>>
      %get3A_1038 = arith.index_cast %while3A_985 : i32 to index
      %get3A_1039 = arith.constant 48 : index
      %get3A_1040 = tpu.vector_load %get3A_1037[%get3A_1038, %get3A_1039] {strides = array<i32>} : memref<72x128xf32, #tpu.memory_space<vmem>>, vector<16xf32>,
      %gt3A_1041 = arith.cmpf ogt, %get3A_1040, %while3A_989 : vector<16xf32>
      %select_n3A_1042 = arith.select %gt3A_1041, %get3A_1040, %while3A_989 : vector<16xi1>, vector<16xf32>
      %select_n3A_1043 = arith.select %gt3A_1041, %broadcast_in_dim3A_1003, %while3A_997 : vector<16xi1>, vector<16xi32>
      %get3A_1044 = arith.constant 0 : i32
      %get3A_1045 = arith.constant 0 : i32
      %get3A_1046 = tpu.memref_slice %arg10[%while3A_609, %get3A_1044, %get3A_1045] : memref<4x72x128xf32, #tpu.memory_space<vmem>> -> memref<1x72x128xf32, #tpu.memory_space<vmem>>
      %get3A_1047 = tpu.memref_squeeze %get3A_1046 : memref<1x72x128xf32, #tpu.memory_space<vmem>> -> memref<72x128xf32, #tpu.memory_space<vmem>>
      %get3A_1048 = arith.index_cast %while3A_985 : i32 to index
      %get3A_1049 = arith.constant 64 : index
      %get3A_1050 = tpu.vector_load %get3A_1047[%get3A_1048, %get3A_1049] {strides = array<i32>} : memref<72x128xf32, #tpu.memory_space<vmem>>, vector<16xf32>,
      %gt3A_1051 = arith.cmpf ogt, %get3A_1050, %while3A_990 : vector<16xf32>
      %select_n3A_1052 = arith.select %gt3A_1051, %get3A_1050, %while3A_990 : vector<16xi1>, vector<16xf32>
      %select_n3A_1053 = arith.select %gt3A_1051, %broadcast_in_dim3A_1003, %while3A_998 : vector<16xi1>, vector<16xi32>
      %get3A_1054 = arith.constant 0 : i32
      %get3A_1055 = arith.constant 0 : i32
      %get3A_1056 = tpu.memref_slice %arg10[%while3A_609, %get3A_1054, %get3A_1055] : memref<4x72x128xf32, #tpu.memory_space<vmem>> -> memref<1x72x128xf32, #tpu.memory_space<vmem>>
      %get3A_1057 = tpu.memref_squeeze %get3A_1056 : memref<1x72x128xf32, #tpu.memory_space<vmem>> -> memref<72x128xf32, #tpu.memory_space<vmem>>
      %get3A_1058 = arith.index_cast %while3A_985 : i32 to index
      %get3A_1059 = arith.constant 80 : index
      %get3A_1060 = tpu.vector_load %get3A_1057[%get3A_1058, %get3A_1059] {strides = array<i32>} : memref<72x128xf32, #tpu.memory_space<vmem>>, vector<16xf32>,
      %gt3A_1061 = arith.cmpf ogt, %get3A_1060, %while3A_991 : vector<16xf32>
      %select_n3A_1062 = arith.select %gt3A_1061, %get3A_1060, %while3A_991 : vector<16xi1>, vector<16xf32>
      %select_n3A_1063 = arith.select %gt3A_1061, %broadcast_in_dim3A_1003, %while3A_999 : vector<16xi1>, vector<16xi32>
      %get3A_1064 = arith.constant 0 : i32
      %get3A_1065 = arith.constant 0 : i32
      %get3A_1066 = tpu.memref_slice %arg10[%while3A_609, %get3A_1064, %get3A_1065] : memref<4x72x128xf32, #tpu.memory_space<vmem>> -> memref<1x72x128xf32, #tpu.memory_space<vmem>>
      %get3A_1067 = tpu.memref_squeeze %get3A_1066 : memref<1x72x128xf32, #tpu.memory_space<vmem>> -> memref<72x128xf32, #tpu.memory_space<vmem>>
      %get3A_1068 = arith.index_cast %while3A_985 : i32 to index
      %get3A_1069 = arith.constant 96 : index
      %get3A_1070 = tpu.vector_load %get3A_1067[%get3A_1068, %get3A_1069] {strides = array<i32>} : memref<72x128xf32, #tpu.memory_space<vmem>>, vector<16xf32>,
      %gt3A_1071 = arith.cmpf ogt, %get3A_1070, %while3A_992 : vector<16xf32>
      %select_n3A_1072 = arith.select %gt3A_1071, %get3A_1070, %while3A_992 : vector<16xi1>, vector<16xf32>
      %select_n3A_1073 = arith.select %gt3A_1071, %broadcast_in_dim3A_1003, %while3A_1000 : vector<16xi1>, vector<16xi32>
      %get3A_1074 = arith.constant 0 : i32
      %get3A_1075 = arith.constant 0 : i32
      %get3A_1076 = tpu.memref_slice %arg10[%while3A_609, %get3A_1074, %get3A_1075] : memref<4x72x128xf32, #tpu.memory_space<vmem>> -> memref<1x72x128xf32, #tpu.memory_space<vmem>>
      %get3A_1077 = tpu.memref_squeeze %get3A_1076 : memref<1x72x128xf32, #tpu.memory_space<vmem>> -> memref<72x128xf32, #tpu.memory_space<vmem>>
      %get3A_1078 = arith.index_cast %while3A_985 : i32 to index
      %get3A_1079 = arith.constant 112 : index
      %get3A_1080 = tpu.vector_load %get3A_1077[%get3A_1078, %get3A_1079] {strides = array<i32>} : memref<72x128xf32, #tpu.memory_space<vmem>>, vector<16xf32>,
      %gt3A_1081 = arith.cmpf ogt, %get3A_1080, %while3A_993 : vector<16xf32>
      %select_n3A_1082 = arith.select %gt3A_1081, %get3A_1080, %while3A_993 : vector<16xi1>, vector<16xf32>
      %select_n3A_1083 = arith.select %gt3A_1081, %broadcast_in_dim3A_1003, %while3A_1001 : vector<16xi1>, vector<16xi32>
      scf.yield %select_n3A_1012, %select_n3A_1022, %select_n3A_1032, %select_n3A_1042, %select_n3A_1052, %select_n3A_1062, %select_n3A_1072, %select_n3A_1082, %select_n3A_1013, %select_n3A_1023, %select_n3A_1033, %select_n3A_1043, %select_n3A_1053, %select_n3A_1063, %select_n3A_1073, %select_n3A_1083 : vector<16xf32>, vector<16xf32>, vector<16xf32>, vector<16xf32>, vector<16xf32>, vector<16xf32>, vector<16xf32>, vector<16xf32>, vector<16xi32>, vector<16xi32>, vector<16xi32>, vector<16xi32>, vector<16xi32>, vector<16xi32>, vector<16xi32>, vector<16xi32>
    }
    %swap3A_620 = arith.constant 1 : i32
    %swap3A_621 = arith.index_cast %swap3A_620 : i32 to index
    %swap3A_622 = arith.constant 0 : index
    %swap3A_623 = tpu.vector_load %arg11[%swap3A_621, %swap3A_622] {strides = array<i32>} : memref<4x128xi32, #tpu.memory_space<vmem>>, vector<16xi32>,
    tpu.vector_store %arg11[%swap3A_621, %swap3A_622], %while3A_619#8 {strides = array<i32>} : memref<4x128xi32, #tpu.memory_space<vmem>>, vector<16xi32>,
    %swap3A_624 = arith.constant 1 : i32
    %swap3A_625 = arith.index_cast %swap3A_624 : i32 to index
    %swap3A_626 = arith.constant 16 : index
    %swap3A_627 = tpu.vector_load %arg11[%swap3A_625, %swap3A_626] {strides = array<i32>} : memref<4x128xi32, #tpu.memory_space<vmem>>, vector<16xi32>,
    tpu.vector_store %arg11[%swap3A_625, %swap3A_626], %while3A_619#9 {strides = array<i32>} : memref<4x128xi32, #tpu.memory_space<vmem>>, vector<16xi32>,
    %swap3A_628 = arith.constant 1 : i32
    %swap3A_629 = arith.index_cast %swap3A_628 : i32 to index
    %swap3A_630 = arith.constant 32 : index
    %swap3A_631 = tpu.vector_load %arg11[%swap3A_629, %swap3A_630] {strides = array<i32>} : memref<4x128xi32, #tpu.memory_space<vmem>>, vector<16xi32>,
    tpu.vector_store %arg11[%swap3A_629, %swap3A_630], %while3A_619#10 {strides = array<i32>} : memref<4x128xi32, #tpu.memory_space<vmem>>, vector<16xi32>,
    %swap3A_632 = arith.constant 1 : i32
    %swap3A_633 = arith.index_cast %swap3A_632 : i32 to index
    %swap3A_634 = arith.constant 48 : index
    %swap3A_635 = tpu.vector_load %arg11[%swap3A_633, %swap3A_634] {strides = array<i32>} : memref<4x128xi32, #tpu.memory_space<vmem>>, vector<16xi32>,
    tpu.vector_store %arg11[%swap3A_633, %swap3A_634], %while3A_619#11 {strides = array<i32>} : memref<4x128xi32, #tpu.memory_space<vmem>>, vector<16xi32>,
    %swap3A_636 = arith.constant 1 : i32
    %swap3A_637 = arith.index_cast %swap3A_636 : i32 to index
    %swap3A_638 = arith.constant 64 : index
    %swap3A_639 = tpu.vector_load %arg11[%swap3A_637, %swap3A_638] {strides = array<i32>} : memref<4x128xi32, #tpu.memory_space<vmem>>, vector<16xi32>,
    tpu.vector_store %arg11[%swap3A_637, %swap3A_638], %while3A_619#12 {strides = array<i32>} : memref<4x128xi32, #tpu.memory_space<vmem>>, vector<16xi32>,
    %swap3A_640 = arith.constant 1 : i32
    %swap3A_641 = arith.index_cast %swap3A_640 : i32 to index
    %swap3A_642 = arith.constant 80 : index
    %swap3A_643 = tpu.vector_load %arg11[%swap3A_641, %swap3A_642] {strides = array<i32>} : memref<4x128xi32, #tpu.memory_space<vmem>>, vector<16xi32>,
    tpu.vector_store %arg11[%swap3A_641, %swap3A_642], %while3A_619#13 {strides = array<i32>} : memref<4x128xi32, #tpu.memory_space<vmem>>, vector<16xi32>,
    %swap3A_644 = arith.constant 1 : i32
    %swap3A_645 = arith.index_cast %swap3A_644 : i32 to index
    %swap3A_646 = arith.constant 96 : index
    %swap3A_647 = tpu.vector_load %arg11[%swap3A_645, %swap3A_646] {strides = array<i32>} : memref<4x128xi32, #tpu.memory_space<vmem>>, vector<16xi32>,
    tpu.vector_store %arg11[%swap3A_645, %swap3A_646], %while3A_619#14 {strides = array<i32>} : memref<4x128xi32, #tpu.memory_space<vmem>>, vector<16xi32>,
    %swap3A_648 = arith.constant 1 : i32
    %swap3A_649 = arith.index_cast %swap3A_648 : i32 to index
    %swap3A_650 = arith.constant 112 : index
    %swap3A_651 = tpu.vector_load %arg11[%swap3A_649, %swap3A_650] {strides = array<i32>} : memref<4x128xi32, #tpu.memory_space<vmem>>, vector<16xi32>,
    tpu.vector_store %arg11[%swap3A_649, %swap3A_650], %while3A_619#15 {strides = array<i32>} : memref<4x128xi32, #tpu.memory_space<vmem>>, vector<16xi32>,
    %add3A_652 = arith.constant 8 : i32
    %add3A_653 = arith.addi %div3A_1, %add3A_652 : i32
    %broadcast_in_dim3A_654 = arith.constant 0xFF800000 : f32
    %broadcast_in_dim3A_655 = vector.broadcast %broadcast_in_dim3A_654 : f32 to vector<16xf32>
    %broadcast_in_dim3A_656 = arith.constant 0xFF800000 : f32
    %broadcast_in_dim3A_657 = vector.broadcast %broadcast_in_dim3A_656 : f32 to vector<16xf32>
    %broadcast_in_dim3A_658 = arith.constant 0xFF800000 : f32
    %broadcast_in_dim3A_659 = vector.broadcast %broadcast_in_dim3A_658 : f32 to vector<16xf32>
    %broadcast_in_dim3A_660 = arith.constant 0xFF800000 : f32
    %broadcast_in_dim3A_661 = vector.broadcast %broadcast_in_dim3A_660 : f32 to vector<16xf32>
    %broadcast_in_dim3A_662 = arith.constant 0xFF800000 : f32
    %broadcast_in_dim3A_663 = vector.broadcast %broadcast_in_dim3A_662 : f32 to vector<16xf32>
    %broadcast_in_dim3A_664 = arith.constant 0xFF800000 : f32
    %broadcast_in_dim3A_665 = vector.broadcast %broadcast_in_dim3A_664 : f32 to vector<16xf32>
    %broadcast_in_dim3A_666 = arith.constant 0xFF800000 : f32
    %broadcast_in_dim3A_667 = vector.broadcast %broadcast_in_dim3A_666 : f32 to vector<16xf32>
    %broadcast_in_dim3A_668 = arith.constant 0xFF800000 : f32
    %broadcast_in_dim3A_669 = vector.broadcast %broadcast_in_dim3A_668 : f32 to vector<16xf32>
    %broadcast_in_dim3A_670 = vector.broadcast %squeeze3A_22 : i32 to vector<16xi32>
    %broadcast_in_dim3A_671 = vector.broadcast %squeeze3A_22 : i32 to vector<16xi32>
    %broadcast_in_dim3A_672 = vector.broadcast %squeeze3A_22 : i32 to vector<16xi32>
    %broadcast_in_dim3A_673 = vector.broadcast %squeeze3A_22 : i32 to vector<16xi32>
    %broadcast_in_dim3A_674 = vector.broadcast %squeeze3A_22 : i32 to vector<16xi32>
    %broadcast_in_dim3A_675 = vector.broadcast %squeeze3A_22 : i32 to vector<16xi32>
    %broadcast_in_dim3A_676 = vector.broadcast %squeeze3A_22 : i32 to vector<16xi32>
    %broadcast_in_dim3A_677 = vector.broadcast %squeeze3A_22 : i32 to vector<16xi32>
    %sub3A_678 = arith.subi %squeeze3A_22, %multiple_of3A_110 : i32
    %sub3A_679 = arith.subi %min3A_93, %multiple_of3A_110 : i32
    %while3A_680 = arith.constant 2 : i32
    %while3A_681 = arith.subi %sub3A_679, %sub3A_678 : i32
    %while3A_682 = arith.addi %sub3A_678, %while3A_681 : i32
    %while3A_683 = arith.constant 1 : i32
    %while3A_684 = arith.divsi %while3A_681, %while3A_683 : i32
    %while3A_685 = arith.muli %while3A_684, %while3A_683 : i32
    %while3A_686 = arith.addi %sub3A_678, %while3A_685 : i32
    %while3A_687 = arith.constant 1 : i32
    %while3A_688:16 = scf.for %while3A_985 = %sub3A_678 to %while3A_686 step %while3A_687 iter_args(%while3A_986 = %broadcast_in_dim3A_655, %while3A_987 = %broadcast_in_dim3A_657, %while3A_988 = %broadcast_in_dim3A_659, %while3A_989 = %broadcast_in_dim3A_661, %while3A_990 = %broadcast_in_dim3A_663, %while3A_991 = %broadcast_in_dim3A_665, %while3A_992 = %broadcast_in_dim3A_667, %while3A_993 = %broadcast_in_dim3A_669, %while3A_994 = %broadcast_in_dim3A_670, %while3A_995 = %broadcast_in_dim3A_671, %while3A_996 = %broadcast_in_dim3A_672, %while3A_997 = %broadcast_in_dim3A_673, %while3A_998 = %broadcast_in_dim3A_674, %while3A_999 = %broadcast_in_dim3A_675, %while3A_1000 = %broadcast_in_dim3A_676, %while3A_1001 = %broadcast_in_dim3A_677) -> (vector<16xf32>, vector<16xf32>, vector<16xf32>, vector<16xf32>, vector<16xf32>, vector<16xf32>, vector<16xf32>, vector<16xf32>, vector<16xi32>, vector<16xi32>, vector<16xi32>, vector<16xi32>, vector<16xi32>, vector<16xi32>, vector<16xi32>, vector<16xi32>)  : i32 {
      %add3A_1002 = arith.addi %multiple_of3A_110, %while3A_985 : i32
      %broadcast_in_dim3A_1003 = vector.broadcast %add3A_1002 : i32 to vector<16xi32>
      %get3A_1004 = arith.constant 0 : i32
      %get3A_1005 = arith.constant 0 : i32
      %get3A_1006 = tpu.memref_slice %arg9[%while3A_680, %get3A_1004, %get3A_1005] : memref<4x72x128xf32, #tpu.memory_space<vmem>> -> memref<1x72x128xf32, #tpu.memory_space<vmem>>
      %get3A_1007 = tpu.memref_squeeze %get3A_1006 : memref<1x72x128xf32, #tpu.memory_space<vmem>> -> memref<72x128xf32, #tpu.memory_space<vmem>>
      %get3A_1008 = arith.index_cast %while3A_985 : i32 to index
      %get3A_1009 = arith.constant 0 : index
      %get3A_1010 = tpu.vector_load %get3A_1007[%get3A_1008, %get3A_1009] {strides = array<i32>} : memref<72x128xf32, #tpu.memory_space<vmem>>, vector<16xf32>,
      %gt3A_1011 = arith.cmpf ogt, %get3A_1010, %while3A_986 : vector<16xf32>
      %select_n3A_1012 = arith.select %gt3A_1011, %get3A_1010, %while3A_986 : vector<16xi1>, vector<16xf32>
      %select_n3A_1013 = arith.select %gt3A_1011, %broadcast_in_dim3A_1003, %while3A_994 : vector<16xi1>, vector<16xi32>
      %get3A_1014 = arith.constant 0 : i32
      %get3A_1015 = arith.constant 0 : i32
      %get3A_1016 = tpu.memref_slice %arg9[%while3A_680, %get3A_1014, %get3A_1015] : memref<4x72x128xf32, #tpu.memory_space<vmem>> -> memref<1x72x128xf32, #tpu.memory_space<vmem>>
      %get3A_1017 = tpu.memref_squeeze %get3A_1016 : memref<1x72x128xf32, #tpu.memory_space<vmem>> -> memref<72x128xf32, #tpu.memory_space<vmem>>
      %get3A_1018 = arith.index_cast %while3A_985 : i32 to index
      %get3A_1019 = arith.constant 16 : index
      %get3A_1020 = tpu.vector_load %get3A_1017[%get3A_1018, %get3A_1019] {strides = array<i32>} : memref<72x128xf32, #tpu.memory_space<vmem>>, vector<16xf32>,
      %gt3A_1021 = arith.cmpf ogt, %get3A_1020, %while3A_987 : vector<16xf32>
      %select_n3A_1022 = arith.select %gt3A_1021, %get3A_1020, %while3A_987 : vector<16xi1>, vector<16xf32>
      %select_n3A_1023 = arith.select %gt3A_1021, %broadcast_in_dim3A_1003, %while3A_995 : vector<16xi1>, vector<16xi32>
      %get3A_1024 = arith.constant 0 : i32
      %get3A_1025 = arith.constant 0 : i32
      %get3A_1026 = tpu.memref_slice %arg9[%while3A_680, %get3A_1024, %get3A_1025] : memref<4x72x128xf32, #tpu.memory_space<vmem>> -> memref<1x72x128xf32, #tpu.memory_space<vmem>>
      %get3A_1027 = tpu.memref_squeeze %get3A_1026 : memref<1x72x128xf32, #tpu.memory_space<vmem>> -> memref<72x128xf32, #tpu.memory_space<vmem>>
      %get3A_1028 = arith.index_cast %while3A_985 : i32 to index
      %get3A_1029 = arith.constant 32 : index
      %get3A_1030 = tpu.vector_load %get3A_1027[%get3A_1028, %get3A_1029] {strides = array<i32>} : memref<72x128xf32, #tpu.memory_space<vmem>>, vector<16xf32>,
      %gt3A_1031 = arith.cmpf ogt, %get3A_1030, %while3A_988 : vector<16xf32>
      %select_n3A_1032 = arith.select %gt3A_1031, %get3A_1030, %while3A_988 : vector<16xi1>, vector<16xf32>
      %select_n3A_1033 = arith.select %gt3A_1031, %broadcast_in_dim3A_1003, %while3A_996 : vector<16xi1>, vector<16xi32>
      %get3A_1034 = arith.constant 0 : i32
      %get3A_1035 = arith.constant 0 : i32
      %get3A_1036 = tpu.memref_slice %arg9[%while3A_680, %get3A_1034, %get3A_1035] : memref<4x72x128xf32, #tpu.memory_space<vmem>> -> memref<1x72x128xf32, #tpu.memory_space<vmem>>
      %get3A_1037 = tpu.memref_squeeze %get3A_1036 : memref<1x72x128xf32, #tpu.memory_space<vmem>> -> memref<72x128xf32, #tpu.memory_space<vmem>>
      %get3A_1038 = arith.index_cast %while3A_985 : i32 to index
      %get3A_1039 = arith.constant 48 : index
      %get3A_1040 = tpu.vector_load %get3A_1037[%get3A_1038, %get3A_1039] {strides = array<i32>} : memref<72x128xf32, #tpu.memory_space<vmem>>, vector<16xf32>,
      %gt3A_1041 = arith.cmpf ogt, %get3A_1040, %while3A_989 : vector<16xf32>
      %select_n3A_1042 = arith.select %gt3A_1041, %get3A_1040, %while3A_989 : vector<16xi1>, vector<16xf32>
      %select_n3A_1043 = arith.select %gt3A_1041, %broadcast_in_dim3A_1003, %while3A_997 : vector<16xi1>, vector<16xi32>
      %get3A_1044 = arith.constant 0 : i32
      %get3A_1045 = arith.constant 0 : i32
      %get3A_1046 = tpu.memref_slice %arg9[%while3A_680, %get3A_1044, %get3A_1045] : memref<4x72x128xf32, #tpu.memory_space<vmem>> -> memref<1x72x128xf32, #tpu.memory_space<vmem>>
      %get3A_1047 = tpu.memref_squeeze %get3A_1046 : memref<1x72x128xf32, #tpu.memory_space<vmem>> -> memref<72x128xf32, #tpu.memory_space<vmem>>
      %get3A_1048 = arith.index_cast %while3A_985 : i32 to index
      %get3A_1049 = arith.constant 64 : index
      %get3A_1050 = tpu.vector_load %get3A_1047[%get3A_1048, %get3A_1049] {strides = array<i32>} : memref<72x128xf32, #tpu.memory_space<vmem>>, vector<16xf32>,
      %gt3A_1051 = arith.cmpf ogt, %get3A_1050, %while3A_990 : vector<16xf32>
      %select_n3A_1052 = arith.select %gt3A_1051, %get3A_1050, %while3A_990 : vector<16xi1>, vector<16xf32>
      %select_n3A_1053 = arith.select %gt3A_1051, %broadcast_in_dim3A_1003, %while3A_998 : vector<16xi1>, vector<16xi32>
      %get3A_1054 = arith.constant 0 : i32
      %get3A_1055 = arith.constant 0 : i32
      %get3A_1056 = tpu.memref_slice %arg9[%while3A_680, %get3A_1054, %get3A_1055] : memref<4x72x128xf32, #tpu.memory_space<vmem>> -> memref<1x72x128xf32, #tpu.memory_space<vmem>>
      %get3A_1057 = tpu.memref_squeeze %get3A_1056 : memref<1x72x128xf32, #tpu.memory_space<vmem>> -> memref<72x128xf32, #tpu.memory_space<vmem>>
      %get3A_1058 = arith.index_cast %while3A_985 : i32 to index
      %get3A_1059 = arith.constant 80 : index
      %get3A_1060 = tpu.vector_load %get3A_1057[%get3A_1058, %get3A_1059] {strides = array<i32>} : memref<72x128xf32, #tpu.memory_space<vmem>>, vector<16xf32>,
      %gt3A_1061 = arith.cmpf ogt, %get3A_1060, %while3A_991 : vector<16xf32>
      %select_n3A_1062 = arith.select %gt3A_1061, %get3A_1060, %while3A_991 : vector<16xi1>, vector<16xf32>
      %select_n3A_1063 = arith.select %gt3A_1061, %broadcast_in_dim3A_1003, %while3A_999 : vector<16xi1>, vector<16xi32>
      %get3A_1064 = arith.constant 0 : i32
      %get3A_1065 = arith.constant 0 : i32
      %get3A_1066 = tpu.memref_slice %arg9[%while3A_680, %get3A_1064, %get3A_1065] : memref<4x72x128xf32, #tpu.memory_space<vmem>> -> memref<1x72x128xf32, #tpu.memory_space<vmem>>
      %get3A_1067 = tpu.memref_squeeze %get3A_1066 : memref<1x72x128xf32, #tpu.memory_space<vmem>> -> memref<72x128xf32, #tpu.memory_space<vmem>>
      %get3A_1068 = arith.index_cast %while3A_985 : i32 to index
      %get3A_1069 = arith.constant 96 : index
      %get3A_1070 = tpu.vector_load %get3A_1067[%get3A_1068, %get3A_1069] {strides = array<i32>} : memref<72x128xf32, #tpu.memory_space<vmem>>, vector<16xf32>,
      %gt3A_1071 = arith.cmpf ogt, %get3A_1070, %while3A_992 : vector<16xf32>
      %select_n3A_1072 = arith.select %gt3A_1071, %get3A_1070, %while3A_992 : vector<16xi1>, vector<16xf32>
      %select_n3A_1073 = arith.select %gt3A_1071, %broadcast_in_dim3A_1003, %while3A_1000 : vector<16xi1>, vector<16xi32>
      %get3A_1074 = arith.constant 0 : i32
      %get3A_1075 = arith.constant 0 : i32
      %get3A_1076 = tpu.memref_slice %arg9[%while3A_680, %get3A_1074, %get3A_1075] : memref<4x72x128xf32, #tpu.memory_space<vmem>> -> memref<1x72x128xf32, #tpu.memory_space<vmem>>
      %get3A_1077 = tpu.memref_squeeze %get3A_1076 : memref<1x72x128xf32, #tpu.memory_space<vmem>> -> memref<72x128xf32, #tpu.memory_space<vmem>>
      %get3A_1078 = arith.index_cast %while3A_985 : i32 to index
      %get3A_1079 = arith.constant 112 : index
      %get3A_1080 = tpu.vector_load %get3A_1077[%get3A_1078, %get3A_1079] {strides = array<i32>} : memref<72x128xf32, #tpu.memory_space<vmem>>, vector<16xf32>,
      %gt3A_1081 = arith.cmpf ogt, %get3A_1080, %while3A_993 : vector<16xf32>
      %select_n3A_1082 = arith.select %gt3A_1081, %get3A_1080, %while3A_993 : vector<16xi1>, vector<16xf32>
      %select_n3A_1083 = arith.select %gt3A_1081, %broadcast_in_dim3A_1003, %while3A_1001 : vector<16xi1>, vector<16xi32>
      scf.yield %select_n3A_1012, %select_n3A_1022, %select_n3A_1032, %select_n3A_1042, %select_n3A_1052, %select_n3A_1062, %select_n3A_1072, %select_n3A_1082, %select_n3A_1013, %select_n3A_1023, %select_n3A_1033, %select_n3A_1043, %select_n3A_1053, %select_n3A_1063, %select_n3A_1073, %select_n3A_1083 : vector<16xf32>, vector<16xf32>, vector<16xf32>, vector<16xf32>, vector<16xf32>, vector<16xf32>, vector<16xf32>, vector<16xf32>, vector<16xi32>, vector<16xi32>, vector<16xi32>, vector<16xi32>, vector<16xi32>, vector<16xi32>, vector<16xi32>, vector<16xi32>
    }
    %while3A_689 = arith.constant 1 : i32
    %while3A_690:16 = scf.for %while3A_985 = %while3A_686 to %while3A_682 step %while3A_689 iter_args(%while3A_986 = %while3A_688#0, %while3A_987 = %while3A_688#1, %while3A_988 = %while3A_688#2, %while3A_989 = %while3A_688#3, %while3A_990 = %while3A_688#4, %while3A_991 = %while3A_688#5, %while3A_992 = %while3A_688#6, %while3A_993 = %while3A_688#7, %while3A_994 = %while3A_688#8, %while3A_995 = %while3A_688#9, %while3A_996 = %while3A_688#10, %while3A_997 = %while3A_688#11, %while3A_998 = %while3A_688#12, %while3A_999 = %while3A_688#13, %while3A_1000 = %while3A_688#14, %while3A_1001 = %while3A_688#15) -> (vector<16xf32>, vector<16xf32>, vector<16xf32>, vector<16xf32>, vector<16xf32>, vector<16xf32>, vector<16xf32>, vector<16xf32>, vector<16xi32>, vector<16xi32>, vector<16xi32>, vector<16xi32>, vector<16xi32>, vector<16xi32>, vector<16xi32>, vector<16xi32>)  : i32 {
      %add3A_1002 = arith.addi %multiple_of3A_110, %while3A_985 : i32
      %broadcast_in_dim3A_1003 = vector.broadcast %add3A_1002 : i32 to vector<16xi32>
      %get3A_1004 = arith.constant 0 : i32
      %get3A_1005 = arith.constant 0 : i32
      %get3A_1006 = tpu.memref_slice %arg9[%while3A_680, %get3A_1004, %get3A_1005] : memref<4x72x128xf32, #tpu.memory_space<vmem>> -> memref<1x72x128xf32, #tpu.memory_space<vmem>>
      %get3A_1007 = tpu.memref_squeeze %get3A_1006 : memref<1x72x128xf32, #tpu.memory_space<vmem>> -> memref<72x128xf32, #tpu.memory_space<vmem>>
      %get3A_1008 = arith.index_cast %while3A_985 : i32 to index
      %get3A_1009 = arith.constant 0 : index
      %get3A_1010 = tpu.vector_load %get3A_1007[%get3A_1008, %get3A_1009] {strides = array<i32>} : memref<72x128xf32, #tpu.memory_space<vmem>>, vector<16xf32>,
      %gt3A_1011 = arith.cmpf ogt, %get3A_1010, %while3A_986 : vector<16xf32>
      %select_n3A_1012 = arith.select %gt3A_1011, %get3A_1010, %while3A_986 : vector<16xi1>, vector<16xf32>
      %select_n3A_1013 = arith.select %gt3A_1011, %broadcast_in_dim3A_1003, %while3A_994 : vector<16xi1>, vector<16xi32>
      %get3A_1014 = arith.constant 0 : i32
      %get3A_1015 = arith.constant 0 : i32
      %get3A_1016 = tpu.memref_slice %arg9[%while3A_680, %get3A_1014, %get3A_1015] : memref<4x72x128xf32, #tpu.memory_space<vmem>> -> memref<1x72x128xf32, #tpu.memory_space<vmem>>
      %get3A_1017 = tpu.memref_squeeze %get3A_1016 : memref<1x72x128xf32, #tpu.memory_space<vmem>> -> memref<72x128xf32, #tpu.memory_space<vmem>>
      %get3A_1018 = arith.index_cast %while3A_985 : i32 to index
      %get3A_1019 = arith.constant 16 : index
      %get3A_1020 = tpu.vector_load %get3A_1017[%get3A_1018, %get3A_1019] {strides = array<i32>} : memref<72x128xf32, #tpu.memory_space<vmem>>, vector<16xf32>,
      %gt3A_1021 = arith.cmpf ogt, %get3A_1020, %while3A_987 : vector<16xf32>
      %select_n3A_1022 = arith.select %gt3A_1021, %get3A_1020, %while3A_987 : vector<16xi1>, vector<16xf32>
      %select_n3A_1023 = arith.select %gt3A_1021, %broadcast_in_dim3A_1003, %while3A_995 : vector<16xi1>, vector<16xi32>
      %get3A_1024 = arith.constant 0 : i32
      %get3A_1025 = arith.constant 0 : i32
      %get3A_1026 = tpu.memref_slice %arg9[%while3A_680, %get3A_1024, %get3A_1025] : memref<4x72x128xf32, #tpu.memory_space<vmem>> -> memref<1x72x128xf32, #tpu.memory_space<vmem>>
      %get3A_1027 = tpu.memref_squeeze %get3A_1026 : memref<1x72x128xf32, #tpu.memory_space<vmem>> -> memref<72x128xf32, #tpu.memory_space<vmem>>
      %get3A_1028 = arith.index_cast %while3A_985 : i32 to index
      %get3A_1029 = arith.constant 32 : index
      %get3A_1030 = tpu.vector_load %get3A_1027[%get3A_1028, %get3A_1029] {strides = array<i32>} : memref<72x128xf32, #tpu.memory_space<vmem>>, vector<16xf32>,
      %gt3A_1031 = arith.cmpf ogt, %get3A_1030, %while3A_988 : vector<16xf32>
      %select_n3A_1032 = arith.select %gt3A_1031, %get3A_1030, %while3A_988 : vector<16xi1>, vector<16xf32>
      %select_n3A_1033 = arith.select %gt3A_1031, %broadcast_in_dim3A_1003, %while3A_996 : vector<16xi1>, vector<16xi32>
      %get3A_1034 = arith.constant 0 : i32
      %get3A_1035 = arith.constant 0 : i32
      %get3A_1036 = tpu.memref_slice %arg9[%while3A_680, %get3A_1034, %get3A_1035] : memref<4x72x128xf32, #tpu.memory_space<vmem>> -> memref<1x72x128xf32, #tpu.memory_space<vmem>>
      %get3A_1037 = tpu.memref_squeeze %get3A_1036 : memref<1x72x128xf32, #tpu.memory_space<vmem>> -> memref<72x128xf32, #tpu.memory_space<vmem>>
      %get3A_1038 = arith.index_cast %while3A_985 : i32 to index
      %get3A_1039 = arith.constant 48 : index
      %get3A_1040 = tpu.vector_load %get3A_1037[%get3A_1038, %get3A_1039] {strides = array<i32>} : memref<72x128xf32, #tpu.memory_space<vmem>>, vector<16xf32>,
      %gt3A_1041 = arith.cmpf ogt, %get3A_1040, %while3A_989 : vector<16xf32>
      %select_n3A_1042 = arith.select %gt3A_1041, %get3A_1040, %while3A_989 : vector<16xi1>, vector<16xf32>
      %select_n3A_1043 = arith.select %gt3A_1041, %broadcast_in_dim3A_1003, %while3A_997 : vector<16xi1>, vector<16xi32>
      %get3A_1044 = arith.constant 0 : i32
      %get3A_1045 = arith.constant 0 : i32
      %get3A_1046 = tpu.memref_slice %arg9[%while3A_680, %get3A_1044, %get3A_1045] : memref<4x72x128xf32, #tpu.memory_space<vmem>> -> memref<1x72x128xf32, #tpu.memory_space<vmem>>
      %get3A_1047 = tpu.memref_squeeze %get3A_1046 : memref<1x72x128xf32, #tpu.memory_space<vmem>> -> memref<72x128xf32, #tpu.memory_space<vmem>>
      %get3A_1048 = arith.index_cast %while3A_985 : i32 to index
      %get3A_1049 = arith.constant 64 : index
      %get3A_1050 = tpu.vector_load %get3A_1047[%get3A_1048, %get3A_1049] {strides = array<i32>} : memref<72x128xf32, #tpu.memory_space<vmem>>, vector<16xf32>,
      %gt3A_1051 = arith.cmpf ogt, %get3A_1050, %while3A_990 : vector<16xf32>
      %select_n3A_1052 = arith.select %gt3A_1051, %get3A_1050, %while3A_990 : vector<16xi1>, vector<16xf32>
      %select_n3A_1053 = arith.select %gt3A_1051, %broadcast_in_dim3A_1003, %while3A_998 : vector<16xi1>, vector<16xi32>
      %get3A_1054 = arith.constant 0 : i32
      %get3A_1055 = arith.constant 0 : i32
      %get3A_1056 = tpu.memref_slice %arg9[%while3A_680, %get3A_1054, %get3A_1055] : memref<4x72x128xf32, #tpu.memory_space<vmem>> -> memref<1x72x128xf32, #tpu.memory_space<vmem>>
      %get3A_1057 = tpu.memref_squeeze %get3A_1056 : memref<1x72x128xf32, #tpu.memory_space<vmem>> -> memref<72x128xf32, #tpu.memory_space<vmem>>
      %get3A_1058 = arith.index_cast %while3A_985 : i32 to index
      %get3A_1059 = arith.constant 80 : index
      %get3A_1060 = tpu.vector_load %get3A_1057[%get3A_1058, %get3A_1059] {strides = array<i32>} : memref<72x128xf32, #tpu.memory_space<vmem>>, vector<16xf32>,
      %gt3A_1061 = arith.cmpf ogt, %get3A_1060, %while3A_991 : vector<16xf32>
      %select_n3A_1062 = arith.select %gt3A_1061, %get3A_1060, %while3A_991 : vector<16xi1>, vector<16xf32>
      %select_n3A_1063 = arith.select %gt3A_1061, %broadcast_in_dim3A_1003, %while3A_999 : vector<16xi1>, vector<16xi32>
      %get3A_1064 = arith.constant 0 : i32
      %get3A_1065 = arith.constant 0 : i32
      %get3A_1066 = tpu.memref_slice %arg9[%while3A_680, %get3A_1064, %get3A_1065] : memref<4x72x128xf32, #tpu.memory_space<vmem>> -> memref<1x72x128xf32, #tpu.memory_space<vmem>>
      %get3A_1067 = tpu.memref_squeeze %get3A_1066 : memref<1x72x128xf32, #tpu.memory_space<vmem>> -> memref<72x128xf32, #tpu.memory_space<vmem>>
      %get3A_1068 = arith.index_cast %while3A_985 : i32 to index
      %get3A_1069 = arith.constant 96 : index
      %get3A_1070 = tpu.vector_load %get3A_1067[%get3A_1068, %get3A_1069] {strides = array<i32>} : memref<72x128xf32, #tpu.memory_space<vmem>>, vector<16xf32>,
      %gt3A_1071 = arith.cmpf ogt, %get3A_1070, %while3A_992 : vector<16xf32>
      %select_n3A_1072 = arith.select %gt3A_1071, %get3A_1070, %while3A_992 : vector<16xi1>, vector<16xf32>
      %select_n3A_1073 = arith.select %gt3A_1071, %broadcast_in_dim3A_1003, %while3A_1000 : vector<16xi1>, vector<16xi32>
      %get3A_1074 = arith.constant 0 : i32
      %get3A_1075 = arith.constant 0 : i32
      %get3A_1076 = tpu.memref_slice %arg9[%while3A_680, %get3A_1074, %get3A_1075] : memref<4x72x128xf32, #tpu.memory_space<vmem>> -> memref<1x72x128xf32, #tpu.memory_space<vmem>>
      %get3A_1077 = tpu.memref_squeeze %get3A_1076 : memref<1x72x128xf32, #tpu.memory_space<vmem>> -> memref<72x128xf32, #tpu.memory_space<vmem>>
      %get3A_1078 = arith.index_cast %while3A_985 : i32 to index
      %get3A_1079 = arith.constant 112 : index
      %get3A_1080 = tpu.vector_load %get3A_1077[%get3A_1078, %get3A_1079] {strides = array<i32>} : memref<72x128xf32, #tpu.memory_space<vmem>>, vector<16xf32>,
      %gt3A_1081 = arith.cmpf ogt, %get3A_1080, %while3A_993 : vector<16xf32>
      %select_n3A_1082 = arith.select %gt3A_1081, %get3A_1080, %while3A_993 : vector<16xi1>, vector<16xf32>
      %select_n3A_1083 = arith.select %gt3A_1081, %broadcast_in_dim3A_1003, %while3A_1001 : vector<16xi1>, vector<16xi32>
      scf.yield %select_n3A_1012, %select_n3A_1022, %select_n3A_1032, %select_n3A_1042, %select_n3A_1052, %select_n3A_1062, %select_n3A_1072, %select_n3A_1082, %select_n3A_1013, %select_n3A_1023, %select_n3A_1033, %select_n3A_1043, %select_n3A_1053, %select_n3A_1063, %select_n3A_1073, %select_n3A_1083 : vector<16xf32>, vector<16xf32>, vector<16xf32>, vector<16xf32>, vector<16xf32>, vector<16xf32>, vector<16xf32>, vector<16xf32>, vector<16xi32>, vector<16xi32>, vector<16xi32>, vector<16xi32>, vector<16xi32>, vector<16xi32>, vector<16xi32>, vector<16xi32>
    }
    %get3A_691 = arith.index_cast %add3A_653 : i32 to index
    %get3A_692 = arith.constant 0 : index
    %get3A_693 = tpu.vector_load %arg7[%get3A_691, %get3A_692] {strides = array<i32>} : memref<16x128xf32, #tpu.memory_space<vmem>>, vector<16xf32>,
    %get3A_694 = arith.index_cast %add3A_653 : i32 to index
    %get3A_695 = arith.constant 0 : index
    %get3A_696 = tpu.vector_load %arg8[%get3A_694, %get3A_695] {strides = array<i32>} : memref<16x128xi32, #tpu.memory_space<vmem>>, vector<16xi32>,
    %gt3A_697 = arith.cmpf ogt, %get3A_693, %while3A_690#0 : vector<16xf32>
    %select_n3A_698 = arith.select %gt3A_697, %get3A_693, %while3A_690#0 : vector<16xi1>, vector<16xf32>
    %select_n3A_699 = arith.select %gt3A_697, %get3A_696, %while3A_690#8 : vector<16xi1>, vector<16xi32>
    %get3A_700 = arith.index_cast %add3A_653 : i32 to index
    %get3A_701 = arith.constant 16 : index
    %get3A_702 = tpu.vector_load %arg7[%get3A_700, %get3A_701] {strides = array<i32>} : memref<16x128xf32, #tpu.memory_space<vmem>>, vector<16xf32>,
    %get3A_703 = arith.index_cast %add3A_653 : i32 to index
    %get3A_704 = arith.constant 16 : index
    %get3A_705 = tpu.vector_load %arg8[%get3A_703, %get3A_704] {strides = array<i32>} : memref<16x128xi32, #tpu.memory_space<vmem>>, vector<16xi32>,
    %gt3A_706 = arith.cmpf ogt, %get3A_702, %while3A_690#1 : vector<16xf32>
    %select_n3A_707 = arith.select %gt3A_706, %get3A_702, %while3A_690#1 : vector<16xi1>, vector<16xf32>
    %select_n3A_708 = arith.select %gt3A_706, %get3A_705, %while3A_690#9 : vector<16xi1>, vector<16xi32>
    %get3A_709 = arith.index_cast %add3A_653 : i32 to index
    %get3A_710 = arith.constant 32 : index
    %get3A_711 = tpu.vector_load %arg7[%get3A_709, %get3A_710] {strides = array<i32>} : memref<16x128xf32, #tpu.memory_space<vmem>>, vector<16xf32>,
    %get3A_712 = arith.index_cast %add3A_653 : i32 to index
    %get3A_713 = arith.constant 32 : index
    %get3A_714 = tpu.vector_load %arg8[%get3A_712, %get3A_713] {strides = array<i32>} : memref<16x128xi32, #tpu.memory_space<vmem>>, vector<16xi32>,
    %gt3A_715 = arith.cmpf ogt, %get3A_711, %while3A_690#2 : vector<16xf32>
    %select_n3A_716 = arith.select %gt3A_715, %get3A_711, %while3A_690#2 : vector<16xi1>, vector<16xf32>
    %select_n3A_717 = arith.select %gt3A_715, %get3A_714, %while3A_690#10 : vector<16xi1>, vector<16xi32>
    %get3A_718 = arith.index_cast %add3A_653 : i32 to index
    %get3A_719 = arith.constant 48 : index
    %get3A_720 = tpu.vector_load %arg7[%get3A_718, %get3A_719] {strides = array<i32>} : memref<16x128xf32, #tpu.memory_space<vmem>>, vector<16xf32>,
    %get3A_721 = arith.index_cast %add3A_653 : i32 to index
    %get3A_722 = arith.constant 48 : index
    %get3A_723 = tpu.vector_load %arg8[%get3A_721, %get3A_722] {strides = array<i32>} : memref<16x128xi32, #tpu.memory_space<vmem>>, vector<16xi32>,
    %gt3A_724 = arith.cmpf ogt, %get3A_720, %while3A_690#3 : vector<16xf32>
    %select_n3A_725 = arith.select %gt3A_724, %get3A_720, %while3A_690#3 : vector<16xi1>, vector<16xf32>
    %select_n3A_726 = arith.select %gt3A_724, %get3A_723, %while3A_690#11 : vector<16xi1>, vector<16xi32>
    %get3A_727 = arith.index_cast %add3A_653 : i32 to index
    %get3A_728 = arith.constant 64 : index
    %get3A_729 = tpu.vector_load %arg7[%get3A_727, %get3A_728] {strides = array<i32>} : memref<16x128xf32, #tpu.memory_space<vmem>>, vector<16xf32>,
    %get3A_730 = arith.index_cast %add3A_653 : i32 to index
    %get3A_731 = arith.constant 64 : index
    %get3A_732 = tpu.vector_load %arg8[%get3A_730, %get3A_731] {strides = array<i32>} : memref<16x128xi32, #tpu.memory_space<vmem>>, vector<16xi32>,
    %gt3A_733 = arith.cmpf ogt, %get3A_729, %while3A_690#4 : vector<16xf32>
    %select_n3A_734 = arith.select %gt3A_733, %get3A_729, %while3A_690#4 : vector<16xi1>, vector<16xf32>
    %select_n3A_735 = arith.select %gt3A_733, %get3A_732, %while3A_690#12 : vector<16xi1>, vector<16xi32>
    %get3A_736 = arith.index_cast %add3A_653 : i32 to index
    %get3A_737 = arith.constant 80 : index
    %get3A_738 = tpu.vector_load %arg7[%get3A_736, %get3A_737] {strides = array<i32>} : memref<16x128xf32, #tpu.memory_space<vmem>>, vector<16xf32>,
    %get3A_739 = arith.index_cast %add3A_653 : i32 to index
    %get3A_740 = arith.constant 80 : index
    %get3A_741 = tpu.vector_load %arg8[%get3A_739, %get3A_740] {strides = array<i32>} : memref<16x128xi32, #tpu.memory_space<vmem>>, vector<16xi32>,
    %gt3A_742 = arith.cmpf ogt, %get3A_738, %while3A_690#5 : vector<16xf32>
    %select_n3A_743 = arith.select %gt3A_742, %get3A_738, %while3A_690#5 : vector<16xi1>, vector<16xf32>
    %select_n3A_744 = arith.select %gt3A_742, %get3A_741, %while3A_690#13 : vector<16xi1>, vector<16xi32>
    %get3A_745 = arith.index_cast %add3A_653 : i32 to index
    %get3A_746 = arith.constant 96 : index
    %get3A_747 = tpu.vector_load %arg7[%get3A_745, %get3A_746] {strides = array<i32>} : memref<16x128xf32, #tpu.memory_space<vmem>>, vector<16xf32>,
    %get3A_748 = arith.index_cast %add3A_653 : i32 to index
    %get3A_749 = arith.constant 96 : index
    %get3A_750 = tpu.vector_load %arg8[%get3A_748, %get3A_749] {strides = array<i32>} : memref<16x128xi32, #tpu.memory_space<vmem>>, vector<16xi32>,
    %gt3A_751 = arith.cmpf ogt, %get3A_747, %while3A_690#6 : vector<16xf32>
    %select_n3A_752 = arith.select %gt3A_751, %get3A_747, %while3A_690#6 : vector<16xi1>, vector<16xf32>
    %select_n3A_753 = arith.select %gt3A_751, %get3A_750, %while3A_690#14 : vector<16xi1>, vector<16xi32>
    %get3A_754 = arith.index_cast %add3A_653 : i32 to index
    %get3A_755 = arith.constant 112 : index
    %get3A_756 = tpu.vector_load %arg7[%get3A_754, %get3A_755] {strides = array<i32>} : memref<16x128xf32, #tpu.memory_space<vmem>>, vector<16xf32>,
    %get3A_757 = arith.index_cast %add3A_653 : i32 to index
    %get3A_758 = arith.constant 112 : index
    %get3A_759 = tpu.vector_load %arg8[%get3A_757, %get3A_758] {strides = array<i32>} : memref<16x128xi32, #tpu.memory_space<vmem>>, vector<16xi32>,
    %gt3A_760 = arith.cmpf ogt, %get3A_756, %while3A_690#7 : vector<16xf32>
    %select_n3A_761 = arith.select %gt3A_760, %get3A_756, %while3A_690#7 : vector<16xi1>, vector<16xf32>
    %select_n3A_762 = arith.select %gt3A_760, %get3A_759, %while3A_690#15 : vector<16xi1>, vector<16xi32>
    %sub3A_763 = arith.subi %select_n3A_97, %multiple_of3A_111 : i32
    %sub3A_764 = arith.subi %squeeze3A_30, %multiple_of3A_111 : i32
    %while3A_765 = arith.constant 2 : i32
    %while3A_766 = arith.subi %sub3A_764, %sub3A_763 : i32
    %while3A_767 = arith.addi %sub3A_763, %while3A_766 : i32
    %while3A_768 = arith.constant 1 : i32
    %while3A_769 = arith.divsi %while3A_766, %while3A_768 : i32
    %while3A_770 = arith.muli %while3A_769, %while3A_768 : i32
    %while3A_771 = arith.addi %sub3A_763, %while3A_770 : i32
    %while3A_772 = arith.constant 1 : i32
    %while3A_773:16 = scf.for %while3A_985 = %sub3A_763 to %while3A_771 step %while3A_772 iter_args(%while3A_986 = %select_n3A_698, %while3A_987 = %select_n3A_707, %while3A_988 = %select_n3A_716, %while3A_989 = %select_n3A_725, %while3A_990 = %select_n3A_734, %while3A_991 = %select_n3A_743, %while3A_992 = %select_n3A_752, %while3A_993 = %select_n3A_761, %while3A_994 = %select_n3A_699, %while3A_995 = %select_n3A_708, %while3A_996 = %select_n3A_717, %while3A_997 = %select_n3A_726, %while3A_998 = %select_n3A_735, %while3A_999 = %select_n3A_744, %while3A_1000 = %select_n3A_753, %while3A_1001 = %select_n3A_762) -> (vector<16xf32>, vector<16xf32>, vector<16xf32>, vector<16xf32>, vector<16xf32>, vector<16xf32>, vector<16xf32>, vector<16xf32>, vector<16xi32>, vector<16xi32>, vector<16xi32>, vector<16xi32>, vector<16xi32>, vector<16xi32>, vector<16xi32>, vector<16xi32>)  : i32 {
      %add3A_1002 = arith.addi %multiple_of3A_111, %while3A_985 : i32
      %broadcast_in_dim3A_1003 = vector.broadcast %add3A_1002 : i32 to vector<16xi32>
      %get3A_1004 = arith.constant 0 : i32
      %get3A_1005 = arith.constant 0 : i32
      %get3A_1006 = tpu.memref_slice %arg10[%while3A_765, %get3A_1004, %get3A_1005] : memref<4x72x128xf32, #tpu.memory_space<vmem>> -> memref<1x72x128xf32, #tpu.memory_space<vmem>>
      %get3A_1007 = tpu.memref_squeeze %get3A_1006 : memref<1x72x128xf32, #tpu.memory_space<vmem>> -> memref<72x128xf32, #tpu.memory_space<vmem>>
      %get3A_1008 = arith.index_cast %while3A_985 : i32 to index
      %get3A_1009 = arith.constant 0 : index
      %get3A_1010 = tpu.vector_load %get3A_1007[%get3A_1008, %get3A_1009] {strides = array<i32>} : memref<72x128xf32, #tpu.memory_space<vmem>>, vector<16xf32>,
      %gt3A_1011 = arith.cmpf ogt, %get3A_1010, %while3A_986 : vector<16xf32>
      %select_n3A_1012 = arith.select %gt3A_1011, %get3A_1010, %while3A_986 : vector<16xi1>, vector<16xf32>
      %select_n3A_1013 = arith.select %gt3A_1011, %broadcast_in_dim3A_1003, %while3A_994 : vector<16xi1>, vector<16xi32>
      %get3A_1014 = arith.constant 0 : i32
      %get3A_1015 = arith.constant 0 : i32
      %get3A_1016 = tpu.memref_slice %arg10[%while3A_765, %get3A_1014, %get3A_1015] : memref<4x72x128xf32, #tpu.memory_space<vmem>> -> memref<1x72x128xf32, #tpu.memory_space<vmem>>
      %get3A_1017 = tpu.memref_squeeze %get3A_1016 : memref<1x72x128xf32, #tpu.memory_space<vmem>> -> memref<72x128xf32, #tpu.memory_space<vmem>>
      %get3A_1018 = arith.index_cast %while3A_985 : i32 to index
      %get3A_1019 = arith.constant 16 : index
      %get3A_1020 = tpu.vector_load %get3A_1017[%get3A_1018, %get3A_1019] {strides = array<i32>} : memref<72x128xf32, #tpu.memory_space<vmem>>, vector<16xf32>,
      %gt3A_1021 = arith.cmpf ogt, %get3A_1020, %while3A_987 : vector<16xf32>
      %select_n3A_1022 = arith.select %gt3A_1021, %get3A_1020, %while3A_987 : vector<16xi1>, vector<16xf32>
      %select_n3A_1023 = arith.select %gt3A_1021, %broadcast_in_dim3A_1003, %while3A_995 : vector<16xi1>, vector<16xi32>
      %get3A_1024 = arith.constant 0 : i32
      %get3A_1025 = arith.constant 0 : i32
      %get3A_1026 = tpu.memref_slice %arg10[%while3A_765, %get3A_1024, %get3A_1025] : memref<4x72x128xf32, #tpu.memory_space<vmem>> -> memref<1x72x128xf32, #tpu.memory_space<vmem>>
      %get3A_1027 = tpu.memref_squeeze %get3A_1026 : memref<1x72x128xf32, #tpu.memory_space<vmem>> -> memref<72x128xf32, #tpu.memory_space<vmem>>
      %get3A_1028 = arith.index_cast %while3A_985 : i32 to index
      %get3A_1029 = arith.constant 32 : index
      %get3A_1030 = tpu.vector_load %get3A_1027[%get3A_1028, %get3A_1029] {strides = array<i32>} : memref<72x128xf32, #tpu.memory_space<vmem>>, vector<16xf32>,
      %gt3A_1031 = arith.cmpf ogt, %get3A_1030, %while3A_988 : vector<16xf32>
      %select_n3A_1032 = arith.select %gt3A_1031, %get3A_1030, %while3A_988 : vector<16xi1>, vector<16xf32>
      %select_n3A_1033 = arith.select %gt3A_1031, %broadcast_in_dim3A_1003, %while3A_996 : vector<16xi1>, vector<16xi32>
      %get3A_1034 = arith.constant 0 : i32
      %get3A_1035 = arith.constant 0 : i32
      %get3A_1036 = tpu.memref_slice %arg10[%while3A_765, %get3A_1034, %get3A_1035] : memref<4x72x128xf32, #tpu.memory_space<vmem>> -> memref<1x72x128xf32, #tpu.memory_space<vmem>>
      %get3A_1037 = tpu.memref_squeeze %get3A_1036 : memref<1x72x128xf32, #tpu.memory_space<vmem>> -> memref<72x128xf32, #tpu.memory_space<vmem>>
      %get3A_1038 = arith.index_cast %while3A_985 : i32 to index
      %get3A_1039 = arith.constant 48 : index
      %get3A_1040 = tpu.vector_load %get3A_1037[%get3A_1038, %get3A_1039] {strides = array<i32>} : memref<72x128xf32, #tpu.memory_space<vmem>>, vector<16xf32>,
      %gt3A_1041 = arith.cmpf ogt, %get3A_1040, %while3A_989 : vector<16xf32>
      %select_n3A_1042 = arith.select %gt3A_1041, %get3A_1040, %while3A_989 : vector<16xi1>, vector<16xf32>
      %select_n3A_1043 = arith.select %gt3A_1041, %broadcast_in_dim3A_1003, %while3A_997 : vector<16xi1>, vector<16xi32>
      %get3A_1044 = arith.constant 0 : i32
      %get3A_1045 = arith.constant 0 : i32
      %get3A_1046 = tpu.memref_slice %arg10[%while3A_765, %get3A_1044, %get3A_1045] : memref<4x72x128xf32, #tpu.memory_space<vmem>> -> memref<1x72x128xf32, #tpu.memory_space<vmem>>
      %get3A_1047 = tpu.memref_squeeze %get3A_1046 : memref<1x72x128xf32, #tpu.memory_space<vmem>> -> memref<72x128xf32, #tpu.memory_space<vmem>>
      %get3A_1048 = arith.index_cast %while3A_985 : i32 to index
      %get3A_1049 = arith.constant 64 : index
      %get3A_1050 = tpu.vector_load %get3A_1047[%get3A_1048, %get3A_1049] {strides = array<i32>} : memref<72x128xf32, #tpu.memory_space<vmem>>, vector<16xf32>,
      %gt3A_1051 = arith.cmpf ogt, %get3A_1050, %while3A_990 : vector<16xf32>
      %select_n3A_1052 = arith.select %gt3A_1051, %get3A_1050, %while3A_990 : vector<16xi1>, vector<16xf32>
      %select_n3A_1053 = arith.select %gt3A_1051, %broadcast_in_dim3A_1003, %while3A_998 : vector<16xi1>, vector<16xi32>
      %get3A_1054 = arith.constant 0 : i32
      %get3A_1055 = arith.constant 0 : i32
      %get3A_1056 = tpu.memref_slice %arg10[%while3A_765, %get3A_1054, %get3A_1055] : memref<4x72x128xf32, #tpu.memory_space<vmem>> -> memref<1x72x128xf32, #tpu.memory_space<vmem>>
      %get3A_1057 = tpu.memref_squeeze %get3A_1056 : memref<1x72x128xf32, #tpu.memory_space<vmem>> -> memref<72x128xf32, #tpu.memory_space<vmem>>
      %get3A_1058 = arith.index_cast %while3A_985 : i32 to index
      %get3A_1059 = arith.constant 80 : index
      %get3A_1060 = tpu.vector_load %get3A_1057[%get3A_1058, %get3A_1059] {strides = array<i32>} : memref<72x128xf32, #tpu.memory_space<vmem>>, vector<16xf32>,
      %gt3A_1061 = arith.cmpf ogt, %get3A_1060, %while3A_991 : vector<16xf32>
      %select_n3A_1062 = arith.select %gt3A_1061, %get3A_1060, %while3A_991 : vector<16xi1>, vector<16xf32>
      %select_n3A_1063 = arith.select %gt3A_1061, %broadcast_in_dim3A_1003, %while3A_999 : vector<16xi1>, vector<16xi32>
      %get3A_1064 = arith.constant 0 : i32
      %get3A_1065 = arith.constant 0 : i32
      %get3A_1066 = tpu.memref_slice %arg10[%while3A_765, %get3A_1064, %get3A_1065] : memref<4x72x128xf32, #tpu.memory_space<vmem>> -> memref<1x72x128xf32, #tpu.memory_space<vmem>>
      %get3A_1067 = tpu.memref_squeeze %get3A_1066 : memref<1x72x128xf32, #tpu.memory_space<vmem>> -> memref<72x128xf32, #tpu.memory_space<vmem>>
      %get3A_1068 = arith.index_cast %while3A_985 : i32 to index
      %get3A_1069 = arith.constant 96 : index
      %get3A_1070 = tpu.vector_load %get3A_1067[%get3A_1068, %get3A_1069] {strides = array<i32>} : memref<72x128xf32, #tpu.memory_space<vmem>>, vector<16xf32>,
      %gt3A_1071 = arith.cmpf ogt, %get3A_1070, %while3A_992 : vector<16xf32>
      %select_n3A_1072 = arith.select %gt3A_1071, %get3A_1070, %while3A_992 : vector<16xi1>, vector<16xf32>
      %select_n3A_1073 = arith.select %gt3A_1071, %broadcast_in_dim3A_1003, %while3A_1000 : vector<16xi1>, vector<16xi32>
      %get3A_1074 = arith.constant 0 : i32
      %get3A_1075 = arith.constant 0 : i32
      %get3A_1076 = tpu.memref_slice %arg10[%while3A_765, %get3A_1074, %get3A_1075] : memref<4x72x128xf32, #tpu.memory_space<vmem>> -> memref<1x72x128xf32, #tpu.memory_space<vmem>>
      %get3A_1077 = tpu.memref_squeeze %get3A_1076 : memref<1x72x128xf32, #tpu.memory_space<vmem>> -> memref<72x128xf32, #tpu.memory_space<vmem>>
      %get3A_1078 = arith.index_cast %while3A_985 : i32 to index
      %get3A_1079 = arith.constant 112 : index
      %get3A_1080 = tpu.vector_load %get3A_1077[%get3A_1078, %get3A_1079] {strides = array<i32>} : memref<72x128xf32, #tpu.memory_space<vmem>>, vector<16xf32>,
      %gt3A_1081 = arith.cmpf ogt, %get3A_1080, %while3A_993 : vector<16xf32>
      %select_n3A_1082 = arith.select %gt3A_1081, %get3A_1080, %while3A_993 : vector<16xi1>, vector<16xf32>
      %select_n3A_1083 = arith.select %gt3A_1081, %broadcast_in_dim3A_1003, %while3A_1001 : vector<16xi1>, vector<16xi32>
      scf.yield %select_n3A_1012, %select_n3A_1022, %select_n3A_1032, %select_n3A_1042, %select_n3A_1052, %select_n3A_1062, %select_n3A_1072, %select_n3A_1082, %select_n3A_1013, %select_n3A_1023, %select_n3A_1033, %select_n3A_1043, %select_n3A_1053, %select_n3A_1063, %select_n3A_1073, %select_n3A_1083 : vector<16xf32>, vector<16xf32>, vector<16xf32>, vector<16xf32>, vector<16xf32>, vector<16xf32>, vector<16xf32>, vector<16xf32>, vector<16xi32>, vector<16xi32>, vector<16xi32>, vector<16xi32>, vector<16xi32>, vector<16xi32>, vector<16xi32>, vector<16xi32>
    }
    %while3A_774 = arith.constant 1 : i32
    %while3A_775:16 = scf.for %while3A_985 = %while3A_771 to %while3A_767 step %while3A_774 iter_args(%while3A_986 = %while3A_773#0, %while3A_987 = %while3A_773#1, %while3A_988 = %while3A_773#2, %while3A_989 = %while3A_773#3, %while3A_990 = %while3A_773#4, %while3A_991 = %while3A_773#5, %while3A_992 = %while3A_773#6, %while3A_993 = %while3A_773#7, %while3A_994 = %while3A_773#8, %while3A_995 = %while3A_773#9, %while3A_996 = %while3A_773#10, %while3A_997 = %while3A_773#11, %while3A_998 = %while3A_773#12, %while3A_999 = %while3A_773#13, %while3A_1000 = %while3A_773#14, %while3A_1001 = %while3A_773#15) -> (vector<16xf32>, vector<16xf32>, vector<16xf32>, vector<16xf32>, vector<16xf32>, vector<16xf32>, vector<16xf32>, vector<16xf32>, vector<16xi32>, vector<16xi32>, vector<16xi32>, vector<16xi32>, vector<16xi32>, vector<16xi32>, vector<16xi32>, vector<16xi32>)  : i32 {
      %add3A_1002 = arith.addi %multiple_of3A_111, %while3A_985 : i32
      %broadcast_in_dim3A_1003 = vector.broadcast %add3A_1002 : i32 to vector<16xi32>
      %get3A_1004 = arith.constant 0 : i32
      %get3A_1005 = arith.constant 0 : i32
      %get3A_1006 = tpu.memref_slice %arg10[%while3A_765, %get3A_1004, %get3A_1005] : memref<4x72x128xf32, #tpu.memory_space<vmem>> -> memref<1x72x128xf32, #tpu.memory_space<vmem>>
      %get3A_1007 = tpu.memref_squeeze %get3A_1006 : memref<1x72x128xf32, #tpu.memory_space<vmem>> -> memref<72x128xf32, #tpu.memory_space<vmem>>
      %get3A_1008 = arith.index_cast %while3A_985 : i32 to index
      %get3A_1009 = arith.constant 0 : index
      %get3A_1010 = tpu.vector_load %get3A_1007[%get3A_1008, %get3A_1009] {strides = array<i32>} : memref<72x128xf32, #tpu.memory_space<vmem>>, vector<16xf32>,
      %gt3A_1011 = arith.cmpf ogt, %get3A_1010, %while3A_986 : vector<16xf32>
      %select_n3A_1012 = arith.select %gt3A_1011, %get3A_1010, %while3A_986 : vector<16xi1>, vector<16xf32>
      %select_n3A_1013 = arith.select %gt3A_1011, %broadcast_in_dim3A_1003, %while3A_994 : vector<16xi1>, vector<16xi32>
      %get3A_1014 = arith.constant 0 : i32
      %get3A_1015 = arith.constant 0 : i32
      %get3A_1016 = tpu.memref_slice %arg10[%while3A_765, %get3A_1014, %get3A_1015] : memref<4x72x128xf32, #tpu.memory_space<vmem>> -> memref<1x72x128xf32, #tpu.memory_space<vmem>>
      %get3A_1017 = tpu.memref_squeeze %get3A_1016 : memref<1x72x128xf32, #tpu.memory_space<vmem>> -> memref<72x128xf32, #tpu.memory_space<vmem>>
      %get3A_1018 = arith.index_cast %while3A_985 : i32 to index
      %get3A_1019 = arith.constant 16 : index
      %get3A_1020 = tpu.vector_load %get3A_1017[%get3A_1018, %get3A_1019] {strides = array<i32>} : memref<72x128xf32, #tpu.memory_space<vmem>>, vector<16xf32>,
      %gt3A_1021 = arith.cmpf ogt, %get3A_1020, %while3A_987 : vector<16xf32>
      %select_n3A_1022 = arith.select %gt3A_1021, %get3A_1020, %while3A_987 : vector<16xi1>, vector<16xf32>
      %select_n3A_1023 = arith.select %gt3A_1021, %broadcast_in_dim3A_1003, %while3A_995 : vector<16xi1>, vector<16xi32>
      %get3A_1024 = arith.constant 0 : i32
      %get3A_1025 = arith.constant 0 : i32
      %get3A_1026 = tpu.memref_slice %arg10[%while3A_765, %get3A_1024, %get3A_1025] : memref<4x72x128xf32, #tpu.memory_space<vmem>> -> memref<1x72x128xf32, #tpu.memory_space<vmem>>
      %get3A_1027 = tpu.memref_squeeze %get3A_1026 : memref<1x72x128xf32, #tpu.memory_space<vmem>> -> memref<72x128xf32, #tpu.memory_space<vmem>>
      %get3A_1028 = arith.index_cast %while3A_985 : i32 to index
      %get3A_1029 = arith.constant 32 : index
      %get3A_1030 = tpu.vector_load %get3A_1027[%get3A_1028, %get3A_1029] {strides = array<i32>} : memref<72x128xf32, #tpu.memory_space<vmem>>, vector<16xf32>,
      %gt3A_1031 = arith.cmpf ogt, %get3A_1030, %while3A_988 : vector<16xf32>
      %select_n3A_1032 = arith.select %gt3A_1031, %get3A_1030, %while3A_988 : vector<16xi1>, vector<16xf32>
      %select_n3A_1033 = arith.select %gt3A_1031, %broadcast_in_dim3A_1003, %while3A_996 : vector<16xi1>, vector<16xi32>
      %get3A_1034 = arith.constant 0 : i32
      %get3A_1035 = arith.constant 0 : i32
      %get3A_1036 = tpu.memref_slice %arg10[%while3A_765, %get3A_1034, %get3A_1035] : memref<4x72x128xf32, #tpu.memory_space<vmem>> -> memref<1x72x128xf32, #tpu.memory_space<vmem>>
      %get3A_1037 = tpu.memref_squeeze %get3A_1036 : memref<1x72x128xf32, #tpu.memory_space<vmem>> -> memref<72x128xf32, #tpu.memory_space<vmem>>
      %get3A_1038 = arith.index_cast %while3A_985 : i32 to index
      %get3A_1039 = arith.constant 48 : index
      %get3A_1040 = tpu.vector_load %get3A_1037[%get3A_1038, %get3A_1039] {strides = array<i32>} : memref<72x128xf32, #tpu.memory_space<vmem>>, vector<16xf32>,
      %gt3A_1041 = arith.cmpf ogt, %get3A_1040, %while3A_989 : vector<16xf32>
      %select_n3A_1042 = arith.select %gt3A_1041, %get3A_1040, %while3A_989 : vector<16xi1>, vector<16xf32>
      %select_n3A_1043 = arith.select %gt3A_1041, %broadcast_in_dim3A_1003, %while3A_997 : vector<16xi1>, vector<16xi32>
      %get3A_1044 = arith.constant 0 : i32
      %get3A_1045 = arith.constant 0 : i32
      %get3A_1046 = tpu.memref_slice %arg10[%while3A_765, %get3A_1044, %get3A_1045] : memref<4x72x128xf32, #tpu.memory_space<vmem>> -> memref<1x72x128xf32, #tpu.memory_space<vmem>>
      %get3A_1047 = tpu.memref_squeeze %get3A_1046 : memref<1x72x128xf32, #tpu.memory_space<vmem>> -> memref<72x128xf32, #tpu.memory_space<vmem>>
      %get3A_1048 = arith.index_cast %while3A_985 : i32 to index
      %get3A_1049 = arith.constant 64 : index
      %get3A_1050 = tpu.vector_load %get3A_1047[%get3A_1048, %get3A_1049] {strides = array<i32>} : memref<72x128xf32, #tpu.memory_space<vmem>>, vector<16xf32>,
      %gt3A_1051 = arith.cmpf ogt, %get3A_1050, %while3A_990 : vector<16xf32>
      %select_n3A_1052 = arith.select %gt3A_1051, %get3A_1050, %while3A_990 : vector<16xi1>, vector<16xf32>
      %select_n3A_1053 = arith.select %gt3A_1051, %broadcast_in_dim3A_1003, %while3A_998 : vector<16xi1>, vector<16xi32>
      %get3A_1054 = arith.constant 0 : i32
      %get3A_1055 = arith.constant 0 : i32
      %get3A_1056 = tpu.memref_slice %arg10[%while3A_765, %get3A_1054, %get3A_1055] : memref<4x72x128xf32, #tpu.memory_space<vmem>> -> memref<1x72x128xf32, #tpu.memory_space<vmem>>
      %get3A_1057 = tpu.memref_squeeze %get3A_1056 : memref<1x72x128xf32, #tpu.memory_space<vmem>> -> memref<72x128xf32, #tpu.memory_space<vmem>>
      %get3A_1058 = arith.index_cast %while3A_985 : i32 to index
      %get3A_1059 = arith.constant 80 : index
      %get3A_1060 = tpu.vector_load %get3A_1057[%get3A_1058, %get3A_1059] {strides = array<i32>} : memref<72x128xf32, #tpu.memory_space<vmem>>, vector<16xf32>,
      %gt3A_1061 = arith.cmpf ogt, %get3A_1060, %while3A_991 : vector<16xf32>
      %select_n3A_1062 = arith.select %gt3A_1061, %get3A_1060, %while3A_991 : vector<16xi1>, vector<16xf32>
      %select_n3A_1063 = arith.select %gt3A_1061, %broadcast_in_dim3A_1003, %while3A_999 : vector<16xi1>, vector<16xi32>
      %get3A_1064 = arith.constant 0 : i32
      %get3A_1065 = arith.constant 0 : i32
      %get3A_1066 = tpu.memref_slice %arg10[%while3A_765, %get3A_1064, %get3A_1065] : memref<4x72x128xf32, #tpu.memory_space<vmem>> -> memref<1x72x128xf32, #tpu.memory_space<vmem>>
      %get3A_1067 = tpu.memref_squeeze %get3A_1066 : memref<1x72x128xf32, #tpu.memory_space<vmem>> -> memref<72x128xf32, #tpu.memory_space<vmem>>
      %get3A_1068 = arith.index_cast %while3A_985 : i32 to index
      %get3A_1069 = arith.constant 96 : index
      %get3A_1070 = tpu.vector_load %get3A_1067[%get3A_1068, %get3A_1069] {strides = array<i32>} : memref<72x128xf32, #tpu.memory_space<vmem>>, vector<16xf32>,
      %gt3A_1071 = arith.cmpf ogt, %get3A_1070, %while3A_992 : vector<16xf32>
      %select_n3A_1072 = arith.select %gt3A_1071, %get3A_1070, %while3A_992 : vector<16xi1>, vector<16xf32>
      %select_n3A_1073 = arith.select %gt3A_1071, %broadcast_in_dim3A_1003, %while3A_1000 : vector<16xi1>, vector<16xi32>
      %get3A_1074 = arith.constant 0 : i32
      %get3A_1075 = arith.constant 0 : i32
      %get3A_1076 = tpu.memref_slice %arg10[%while3A_765, %get3A_1074, %get3A_1075] : memref<4x72x128xf32, #tpu.memory_space<vmem>> -> memref<1x72x128xf32, #tpu.memory_space<vmem>>
      %get3A_1077 = tpu.memref_squeeze %get3A_1076 : memref<1x72x128xf32, #tpu.memory_space<vmem>> -> memref<72x128xf32, #tpu.memory_space<vmem>>
      %get3A_1078 = arith.index_cast %while3A_985 : i32 to index
      %get3A_1079 = arith.constant 112 : index
      %get3A_1080 = tpu.vector_load %get3A_1077[%get3A_1078, %get3A_1079] {strides = array<i32>} : memref<72x128xf32, #tpu.memory_space<vmem>>, vector<16xf32>,
      %gt3A_1081 = arith.cmpf ogt, %get3A_1080, %while3A_993 : vector<16xf32>
      %select_n3A_1082 = arith.select %gt3A_1081, %get3A_1080, %while3A_993 : vector<16xi1>, vector<16xf32>
      %select_n3A_1083 = arith.select %gt3A_1081, %broadcast_in_dim3A_1003, %while3A_1001 : vector<16xi1>, vector<16xi32>
      scf.yield %select_n3A_1012, %select_n3A_1022, %select_n3A_1032, %select_n3A_1042, %select_n3A_1052, %select_n3A_1062, %select_n3A_1072, %select_n3A_1082, %select_n3A_1013, %select_n3A_1023, %select_n3A_1033, %select_n3A_1043, %select_n3A_1053, %select_n3A_1063, %select_n3A_1073, %select_n3A_1083 : vector<16xf32>, vector<16xf32>, vector<16xf32>, vector<16xf32>, vector<16xf32>, vector<16xf32>, vector<16xf32>, vector<16xf32>, vector<16xi32>, vector<16xi32>, vector<16xi32>, vector<16xi32>, vector<16xi32>, vector<16xi32>, vector<16xi32>, vector<16xi32>
    }
    %swap3A_776 = arith.constant 2 : i32
    %swap3A_777 = arith.index_cast %swap3A_776 : i32 to index
    %swap3A_778 = arith.constant 0 : index
    %swap3A_779 = tpu.vector_load %arg11[%swap3A_777, %swap3A_778] {strides = array<i32>} : memref<4x128xi32, #tpu.memory_space<vmem>>, vector<16xi32>,
    tpu.vector_store %arg11[%swap3A_777, %swap3A_778], %while3A_775#8 {strides = array<i32>} : memref<4x128xi32, #tpu.memory_space<vmem>>, vector<16xi32>,
    %swap3A_780 = arith.constant 2 : i32
    %swap3A_781 = arith.index_cast %swap3A_780 : i32 to index
    %swap3A_782 = arith.constant 16 : index
    %swap3A_783 = tpu.vector_load %arg11[%swap3A_781, %swap3A_782] {strides = array<i32>} : memref<4x128xi32, #tpu.memory_space<vmem>>, vector<16xi32>,
    tpu.vector_store %arg11[%swap3A_781, %swap3A_782], %while3A_775#9 {strides = array<i32>} : memref<4x128xi32, #tpu.memory_space<vmem>>, vector<16xi32>,
    %swap3A_784 = arith.constant 2 : i32
    %swap3A_785 = arith.index_cast %swap3A_784 : i32 to index
    %swap3A_786 = arith.constant 32 : index
    %swap3A_787 = tpu.vector_load %arg11[%swap3A_785, %swap3A_786] {strides = array<i32>} : memref<4x128xi32, #tpu.memory_space<vmem>>, vector<16xi32>,
    tpu.vector_store %arg11[%swap3A_785, %swap3A_786], %while3A_775#10 {strides = array<i32>} : memref<4x128xi32, #tpu.memory_space<vmem>>, vector<16xi32>,
    %swap3A_788 = arith.constant 2 : i32
    %swap3A_789 = arith.index_cast %swap3A_788 : i32 to index
    %swap3A_790 = arith.constant 48 : index
    %swap3A_791 = tpu.vector_load %arg11[%swap3A_789, %swap3A_790] {strides = array<i32>} : memref<4x128xi32, #tpu.memory_space<vmem>>, vector<16xi32>,
    tpu.vector_store %arg11[%swap3A_789, %swap3A_790], %while3A_775#11 {strides = array<i32>} : memref<4x128xi32, #tpu.memory_space<vmem>>, vector<16xi32>,
    %swap3A_792 = arith.constant 2 : i32
    %swap3A_793 = arith.index_cast %swap3A_792 : i32 to index
    %swap3A_794 = arith.constant 64 : index
    %swap3A_795 = tpu.vector_load %arg11[%swap3A_793, %swap3A_794] {strides = array<i32>} : memref<4x128xi32, #tpu.memory_space<vmem>>, vector<16xi32>,
    tpu.vector_store %arg11[%swap3A_793, %swap3A_794], %while3A_775#12 {strides = array<i32>} : memref<4x128xi32, #tpu.memory_space<vmem>>, vector<16xi32>,
    %swap3A_796 = arith.constant 2 : i32
    %swap3A_797 = arith.index_cast %swap3A_796 : i32 to index
    %swap3A_798 = arith.constant 80 : index
    %swap3A_799 = tpu.vector_load %arg11[%swap3A_797, %swap3A_798] {strides = array<i32>} : memref<4x128xi32, #tpu.memory_space<vmem>>, vector<16xi32>,
    tpu.vector_store %arg11[%swap3A_797, %swap3A_798], %while3A_775#13 {strides = array<i32>} : memref<4x128xi32, #tpu.memory_space<vmem>>, vector<16xi32>,
    %swap3A_800 = arith.constant 2 : i32
    %swap3A_801 = arith.index_cast %swap3A_800 : i32 to index
    %swap3A_802 = arith.constant 96 : index
    %swap3A_803 = tpu.vector_load %arg11[%swap3A_801, %swap3A_802] {strides = array<i32>} : memref<4x128xi32, #tpu.memory_space<vmem>>, vector<16xi32>,
    tpu.vector_store %arg11[%swap3A_801, %swap3A_802], %while3A_775#14 {strides = array<i32>} : memref<4x128xi32, #tpu.memory_space<vmem>>, vector<16xi32>,
    %swap3A_804 = arith.constant 2 : i32
    %swap3A_805 = arith.index_cast %swap3A_804 : i32 to index
    %swap3A_806 = arith.constant 112 : index
    %swap3A_807 = tpu.vector_load %arg11[%swap3A_805, %swap3A_806] {strides = array<i32>} : memref<4x128xi32, #tpu.memory_space<vmem>>, vector<16xi32>,
    tpu.vector_store %arg11[%swap3A_805, %swap3A_806], %while3A_775#15 {strides = array<i32>} : memref<4x128xi32, #tpu.memory_space<vmem>>, vector<16xi32>,
    %add3A_808 = arith.constant 12 : i32
    %add3A_809 = arith.addi %div3A_1, %add3A_808 : i32
    %broadcast_in_dim3A_810 = arith.constant 0xFF800000 : f32
    %broadcast_in_dim3A_811 = vector.broadcast %broadcast_in_dim3A_810 : f32 to vector<16xf32>
    %broadcast_in_dim3A_812 = arith.constant 0xFF800000 : f32
    %broadcast_in_dim3A_813 = vector.broadcast %broadcast_in_dim3A_812 : f32 to vector<16xf32>
    %broadcast_in_dim3A_814 = arith.constant 0xFF800000 : f32
    %broadcast_in_dim3A_815 = vector.broadcast %broadcast_in_dim3A_814 : f32 to vector<16xf32>
    %broadcast_in_dim3A_816 = arith.constant 0xFF800000 : f32
    %broadcast_in_dim3A_817 = vector.broadcast %broadcast_in_dim3A_816 : f32 to vector<16xf32>
    %broadcast_in_dim3A_818 = arith.constant 0xFF800000 : f32
    %broadcast_in_dim3A_819 = vector.broadcast %broadcast_in_dim3A_818 : f32 to vector<16xf32>
    %broadcast_in_dim3A_820 = arith.constant 0xFF800000 : f32
    %broadcast_in_dim3A_821 = vector.broadcast %broadcast_in_dim3A_820 : f32 to vector<16xf32>
    %broadcast_in_dim3A_822 = arith.constant 0xFF800000 : f32
    %broadcast_in_dim3A_823 = vector.broadcast %broadcast_in_dim3A_822 : f32 to vector<16xf32>
    %broadcast_in_dim3A_824 = arith.constant 0xFF800000 : f32
    %broadcast_in_dim3A_825 = vector.broadcast %broadcast_in_dim3A_824 : f32 to vector<16xf32>
    %broadcast_in_dim3A_826 = vector.broadcast %squeeze3A_24 : i32 to vector<16xi32>
    %broadcast_in_dim3A_827 = vector.broadcast %squeeze3A_24 : i32 to vector<16xi32>
    %broadcast_in_dim3A_828 = vector.broadcast %squeeze3A_24 : i32 to vector<16xi32>
    %broadcast_in_dim3A_829 = vector.broadcast %squeeze3A_24 : i32 to vector<16xi32>
    %broadcast_in_dim3A_830 = vector.broadcast %squeeze3A_24 : i32 to vector<16xi32>
    %broadcast_in_dim3A_831 = vector.broadcast %squeeze3A_24 : i32 to vector<16xi32>
    %broadcast_in_dim3A_832 = vector.broadcast %squeeze3A_24 : i32 to vector<16xi32>
    %broadcast_in_dim3A_833 = vector.broadcast %squeeze3A_24 : i32 to vector<16xi32>
    %sub3A_834 = arith.subi %squeeze3A_24, %multiple_of3A_137 : i32
    %sub3A_835 = arith.subi %min3A_120, %multiple_of3A_137 : i32
    %while3A_836 = arith.constant 3 : i32
    %while3A_837 = arith.subi %sub3A_835, %sub3A_834 : i32
    %while3A_838 = arith.addi %sub3A_834, %while3A_837 : i32
    %while3A_839 = arith.constant 1 : i32
    %while3A_840 = arith.divsi %while3A_837, %while3A_839 : i32
    %while3A_841 = arith.muli %while3A_840, %while3A_839 : i32
    %while3A_842 = arith.addi %sub3A_834, %while3A_841 : i32
    %while3A_843 = arith.constant 1 : i32
    %while3A_844:16 = scf.for %while3A_985 = %sub3A_834 to %while3A_842 step %while3A_843 iter_args(%while3A_986 = %broadcast_in_dim3A_811, %while3A_987 = %broadcast_in_dim3A_813, %while3A_988 = %broadcast_in_dim3A_815, %while3A_989 = %broadcast_in_dim3A_817, %while3A_990 = %broadcast_in_dim3A_819, %while3A_991 = %broadcast_in_dim3A_821, %while3A_992 = %broadcast_in_dim3A_823, %while3A_993 = %broadcast_in_dim3A_825, %while3A_994 = %broadcast_in_dim3A_826, %while3A_995 = %broadcast_in_dim3A_827, %while3A_996 = %broadcast_in_dim3A_828, %while3A_997 = %broadcast_in_dim3A_829, %while3A_998 = %broadcast_in_dim3A_830, %while3A_999 = %broadcast_in_dim3A_831, %while3A_1000 = %broadcast_in_dim3A_832, %while3A_1001 = %broadcast_in_dim3A_833) -> (vector<16xf32>, vector<16xf32>, vector<16xf32>, vector<16xf32>, vector<16xf32>, vector<16xf32>, vector<16xf32>, vector<16xf32>, vector<16xi32>, vector<16xi32>, vector<16xi32>, vector<16xi32>, vector<16xi32>, vector<16xi32>, vector<16xi32>, vector<16xi32>)  : i32 {
      %add3A_1002 = arith.addi %multiple_of3A_137, %while3A_985 : i32
      %broadcast_in_dim3A_1003 = vector.broadcast %add3A_1002 : i32 to vector<16xi32>
      %get3A_1004 = arith.constant 0 : i32
      %get3A_1005 = arith.constant 0 : i32
      %get3A_1006 = tpu.memref_slice %arg9[%while3A_836, %get3A_1004, %get3A_1005] : memref<4x72x128xf32, #tpu.memory_space<vmem>> -> memref<1x72x128xf32, #tpu.memory_space<vmem>>
      %get3A_1007 = tpu.memref_squeeze %get3A_1006 : memref<1x72x128xf32, #tpu.memory_space<vmem>> -> memref<72x128xf32, #tpu.memory_space<vmem>>
      %get3A_1008 = arith.index_cast %while3A_985 : i32 to index
      %get3A_1009 = arith.constant 0 : index
      %get3A_1010 = tpu.vector_load %get3A_1007[%get3A_1008, %get3A_1009] {strides = array<i32>} : memref<72x128xf32, #tpu.memory_space<vmem>>, vector<16xf32>,
      %gt3A_1011 = arith.cmpf ogt, %get3A_1010, %while3A_986 : vector<16xf32>
      %select_n3A_1012 = arith.select %gt3A_1011, %get3A_1010, %while3A_986 : vector<16xi1>, vector<16xf32>
      %select_n3A_1013 = arith.select %gt3A_1011, %broadcast_in_dim3A_1003, %while3A_994 : vector<16xi1>, vector<16xi32>
      %get3A_1014 = arith.constant 0 : i32
      %get3A_1015 = arith.constant 0 : i32
      %get3A_1016 = tpu.memref_slice %arg9[%while3A_836, %get3A_1014, %get3A_1015] : memref<4x72x128xf32, #tpu.memory_space<vmem>> -> memref<1x72x128xf32, #tpu.memory_space<vmem>>
      %get3A_1017 = tpu.memref_squeeze %get3A_1016 : memref<1x72x128xf32, #tpu.memory_space<vmem>> -> memref<72x128xf32, #tpu.memory_space<vmem>>
      %get3A_1018 = arith.index_cast %while3A_985 : i32 to index
      %get3A_1019 = arith.constant 16 : index
      %get3A_1020 = tpu.vector_load %get3A_1017[%get3A_1018, %get3A_1019] {strides = array<i32>} : memref<72x128xf32, #tpu.memory_space<vmem>>, vector<16xf32>,
      %gt3A_1021 = arith.cmpf ogt, %get3A_1020, %while3A_987 : vector<16xf32>
      %select_n3A_1022 = arith.select %gt3A_1021, %get3A_1020, %while3A_987 : vector<16xi1>, vector<16xf32>
      %select_n3A_1023 = arith.select %gt3A_1021, %broadcast_in_dim3A_1003, %while3A_995 : vector<16xi1>, vector<16xi32>
      %get3A_1024 = arith.constant 0 : i32
      %get3A_1025 = arith.constant 0 : i32
      %get3A_1026 = tpu.memref_slice %arg9[%while3A_836, %get3A_1024, %get3A_1025] : memref<4x72x128xf32, #tpu.memory_space<vmem>> -> memref<1x72x128xf32, #tpu.memory_space<vmem>>
      %get3A_1027 = tpu.memref_squeeze %get3A_1026 : memref<1x72x128xf32, #tpu.memory_space<vmem>> -> memref<72x128xf32, #tpu.memory_space<vmem>>
      %get3A_1028 = arith.index_cast %while3A_985 : i32 to index
      %get3A_1029 = arith.constant 32 : index
      %get3A_1030 = tpu.vector_load %get3A_1027[%get3A_1028, %get3A_1029] {strides = array<i32>} : memref<72x128xf32, #tpu.memory_space<vmem>>, vector<16xf32>,
      %gt3A_1031 = arith.cmpf ogt, %get3A_1030, %while3A_988 : vector<16xf32>
      %select_n3A_1032 = arith.select %gt3A_1031, %get3A_1030, %while3A_988 : vector<16xi1>, vector<16xf32>
      %select_n3A_1033 = arith.select %gt3A_1031, %broadcast_in_dim3A_1003, %while3A_996 : vector<16xi1>, vector<16xi32>
      %get3A_1034 = arith.constant 0 : i32
      %get3A_1035 = arith.constant 0 : i32
      %get3A_1036 = tpu.memref_slice %arg9[%while3A_836, %get3A_1034, %get3A_1035] : memref<4x72x128xf32, #tpu.memory_space<vmem>> -> memref<1x72x128xf32, #tpu.memory_space<vmem>>
      %get3A_1037 = tpu.memref_squeeze %get3A_1036 : memref<1x72x128xf32, #tpu.memory_space<vmem>> -> memref<72x128xf32, #tpu.memory_space<vmem>>
      %get3A_1038 = arith.index_cast %while3A_985 : i32 to index
      %get3A_1039 = arith.constant 48 : index
      %get3A_1040 = tpu.vector_load %get3A_1037[%get3A_1038, %get3A_1039] {strides = array<i32>} : memref<72x128xf32, #tpu.memory_space<vmem>>, vector<16xf32>,
      %gt3A_1041 = arith.cmpf ogt, %get3A_1040, %while3A_989 : vector<16xf32>
      %select_n3A_1042 = arith.select %gt3A_1041, %get3A_1040, %while3A_989 : vector<16xi1>, vector<16xf32>
      %select_n3A_1043 = arith.select %gt3A_1041, %broadcast_in_dim3A_1003, %while3A_997 : vector<16xi1>, vector<16xi32>
      %get3A_1044 = arith.constant 0 : i32
      %get3A_1045 = arith.constant 0 : i32
      %get3A_1046 = tpu.memref_slice %arg9[%while3A_836, %get3A_1044, %get3A_1045] : memref<4x72x128xf32, #tpu.memory_space<vmem>> -> memref<1x72x128xf32, #tpu.memory_space<vmem>>
      %get3A_1047 = tpu.memref_squeeze %get3A_1046 : memref<1x72x128xf32, #tpu.memory_space<vmem>> -> memref<72x128xf32, #tpu.memory_space<vmem>>
      %get3A_1048 = arith.index_cast %while3A_985 : i32 to index
      %get3A_1049 = arith.constant 64 : index
      %get3A_1050 = tpu.vector_load %get3A_1047[%get3A_1048, %get3A_1049] {strides = array<i32>} : memref<72x128xf32, #tpu.memory_space<vmem>>, vector<16xf32>,
      %gt3A_1051 = arith.cmpf ogt, %get3A_1050, %while3A_990 : vector<16xf32>
      %select_n3A_1052 = arith.select %gt3A_1051, %get3A_1050, %while3A_990 : vector<16xi1>, vector<16xf32>
      %select_n3A_1053 = arith.select %gt3A_1051, %broadcast_in_dim3A_1003, %while3A_998 : vector<16xi1>, vector<16xi32>
      %get3A_1054 = arith.constant 0 : i32
      %get3A_1055 = arith.constant 0 : i32
      %get3A_1056 = tpu.memref_slice %arg9[%while3A_836, %get3A_1054, %get3A_1055] : memref<4x72x128xf32, #tpu.memory_space<vmem>> -> memref<1x72x128xf32, #tpu.memory_space<vmem>>
      %get3A_1057 = tpu.memref_squeeze %get3A_1056 : memref<1x72x128xf32, #tpu.memory_space<vmem>> -> memref<72x128xf32, #tpu.memory_space<vmem>>
      %get3A_1058 = arith.index_cast %while3A_985 : i32 to index
      %get3A_1059 = arith.constant 80 : index
      %get3A_1060 = tpu.vector_load %get3A_1057[%get3A_1058, %get3A_1059] {strides = array<i32>} : memref<72x128xf32, #tpu.memory_space<vmem>>, vector<16xf32>,
      %gt3A_1061 = arith.cmpf ogt, %get3A_1060, %while3A_991 : vector<16xf32>
      %select_n3A_1062 = arith.select %gt3A_1061, %get3A_1060, %while3A_991 : vector<16xi1>, vector<16xf32>
      %select_n3A_1063 = arith.select %gt3A_1061, %broadcast_in_dim3A_1003, %while3A_999 : vector<16xi1>, vector<16xi32>
      %get3A_1064 = arith.constant 0 : i32
      %get3A_1065 = arith.constant 0 : i32
      %get3A_1066 = tpu.memref_slice %arg9[%while3A_836, %get3A_1064, %get3A_1065] : memref<4x72x128xf32, #tpu.memory_space<vmem>> -> memref<1x72x128xf32, #tpu.memory_space<vmem>>
      %get3A_1067 = tpu.memref_squeeze %get3A_1066 : memref<1x72x128xf32, #tpu.memory_space<vmem>> -> memref<72x128xf32, #tpu.memory_space<vmem>>
      %get3A_1068 = arith.index_cast %while3A_985 : i32 to index
      %get3A_1069 = arith.constant 96 : index
      %get3A_1070 = tpu.vector_load %get3A_1067[%get3A_1068, %get3A_1069] {strides = array<i32>} : memref<72x128xf32, #tpu.memory_space<vmem>>, vector<16xf32>,
      %gt3A_1071 = arith.cmpf ogt, %get3A_1070, %while3A_992 : vector<16xf32>
      %select_n3A_1072 = arith.select %gt3A_1071, %get3A_1070, %while3A_992 : vector<16xi1>, vector<16xf32>
      %select_n3A_1073 = arith.select %gt3A_1071, %broadcast_in_dim3A_1003, %while3A_1000 : vector<16xi1>, vector<16xi32>
      %get3A_1074 = arith.constant 0 : i32
      %get3A_1075 = arith.constant 0 : i32
      %get3A_1076 = tpu.memref_slice %arg9[%while3A_836, %get3A_1074, %get3A_1075] : memref<4x72x128xf32, #tpu.memory_space<vmem>> -> memref<1x72x128xf32, #tpu.memory_space<vmem>>
      %get3A_1077 = tpu.memref_squeeze %get3A_1076 : memref<1x72x128xf32, #tpu.memory_space<vmem>> -> memref<72x128xf32, #tpu.memory_space<vmem>>
      %get3A_1078 = arith.index_cast %while3A_985 : i32 to index
      %get3A_1079 = arith.constant 112 : index
      %get3A_1080 = tpu.vector_load %get3A_1077[%get3A_1078, %get3A_1079] {strides = array<i32>} : memref<72x128xf32, #tpu.memory_space<vmem>>, vector<16xf32>,
      %gt3A_1081 = arith.cmpf ogt, %get3A_1080, %while3A_993 : vector<16xf32>
      %select_n3A_1082 = arith.select %gt3A_1081, %get3A_1080, %while3A_993 : vector<16xi1>, vector<16xf32>
      %select_n3A_1083 = arith.select %gt3A_1081, %broadcast_in_dim3A_1003, %while3A_1001 : vector<16xi1>, vector<16xi32>
      scf.yield %select_n3A_1012, %select_n3A_1022, %select_n3A_1032, %select_n3A_1042, %select_n3A_1052, %select_n3A_1062, %select_n3A_1072, %select_n3A_1082, %select_n3A_1013, %select_n3A_1023, %select_n3A_1033, %select_n3A_1043, %select_n3A_1053, %select_n3A_1063, %select_n3A_1073, %select_n3A_1083 : vector<16xf32>, vector<16xf32>, vector<16xf32>, vector<16xf32>, vector<16xf32>, vector<16xf32>, vector<16xf32>, vector<16xf32>, vector<16xi32>, vector<16xi32>, vector<16xi32>, vector<16xi32>, vector<16xi32>, vector<16xi32>, vector<16xi32>, vector<16xi32>
    }
    %while3A_845 = arith.constant 1 : i32
    %while3A_846:16 = scf.for %while3A_985 = %while3A_842 to %while3A_838 step %while3A_845 iter_args(%while3A_986 = %while3A_844#0, %while3A_987 = %while3A_844#1, %while3A_988 = %while3A_844#2, %while3A_989 = %while3A_844#3, %while3A_990 = %while3A_844#4, %while3A_991 = %while3A_844#5, %while3A_992 = %while3A_844#6, %while3A_993 = %while3A_844#7, %while3A_994 = %while3A_844#8, %while3A_995 = %while3A_844#9, %while3A_996 = %while3A_844#10, %while3A_997 = %while3A_844#11, %while3A_998 = %while3A_844#12, %while3A_999 = %while3A_844#13, %while3A_1000 = %while3A_844#14, %while3A_1001 = %while3A_844#15) -> (vector<16xf32>, vector<16xf32>, vector<16xf32>, vector<16xf32>, vector<16xf32>, vector<16xf32>, vector<16xf32>, vector<16xf32>, vector<16xi32>, vector<16xi32>, vector<16xi32>, vector<16xi32>, vector<16xi32>, vector<16xi32>, vector<16xi32>, vector<16xi32>)  : i32 {
      %add3A_1002 = arith.addi %multiple_of3A_137, %while3A_985 : i32
      %broadcast_in_dim3A_1003 = vector.broadcast %add3A_1002 : i32 to vector<16xi32>
      %get3A_1004 = arith.constant 0 : i32
      %get3A_1005 = arith.constant 0 : i32
      %get3A_1006 = tpu.memref_slice %arg9[%while3A_836, %get3A_1004, %get3A_1005] : memref<4x72x128xf32, #tpu.memory_space<vmem>> -> memref<1x72x128xf32, #tpu.memory_space<vmem>>
      %get3A_1007 = tpu.memref_squeeze %get3A_1006 : memref<1x72x128xf32, #tpu.memory_space<vmem>> -> memref<72x128xf32, #tpu.memory_space<vmem>>
      %get3A_1008 = arith.index_cast %while3A_985 : i32 to index
      %get3A_1009 = arith.constant 0 : index
      %get3A_1010 = tpu.vector_load %get3A_1007[%get3A_1008, %get3A_1009] {strides = array<i32>} : memref<72x128xf32, #tpu.memory_space<vmem>>, vector<16xf32>,
      %gt3A_1011 = arith.cmpf ogt, %get3A_1010, %while3A_986 : vector<16xf32>
      %select_n3A_1012 = arith.select %gt3A_1011, %get3A_1010, %while3A_986 : vector<16xi1>, vector<16xf32>
      %select_n3A_1013 = arith.select %gt3A_1011, %broadcast_in_dim3A_1003, %while3A_994 : vector<16xi1>, vector<16xi32>
      %get3A_1014 = arith.constant 0 : i32
      %get3A_1015 = arith.constant 0 : i32
      %get3A_1016 = tpu.memref_slice %arg9[%while3A_836, %get3A_1014, %get3A_1015] : memref<4x72x128xf32, #tpu.memory_space<vmem>> -> memref<1x72x128xf32, #tpu.memory_space<vmem>>
      %get3A_1017 = tpu.memref_squeeze %get3A_1016 : memref<1x72x128xf32, #tpu.memory_space<vmem>> -> memref<72x128xf32, #tpu.memory_space<vmem>>
      %get3A_1018 = arith.index_cast %while3A_985 : i32 to index
      %get3A_1019 = arith.constant 16 : index
      %get3A_1020 = tpu.vector_load %get3A_1017[%get3A_1018, %get3A_1019] {strides = array<i32>} : memref<72x128xf32, #tpu.memory_space<vmem>>, vector<16xf32>,
      %gt3A_1021 = arith.cmpf ogt, %get3A_1020, %while3A_987 : vector<16xf32>
      %select_n3A_1022 = arith.select %gt3A_1021, %get3A_1020, %while3A_987 : vector<16xi1>, vector<16xf32>
      %select_n3A_1023 = arith.select %gt3A_1021, %broadcast_in_dim3A_1003, %while3A_995 : vector<16xi1>, vector<16xi32>
      %get3A_1024 = arith.constant 0 : i32
      %get3A_1025 = arith.constant 0 : i32
      %get3A_1026 = tpu.memref_slice %arg9[%while3A_836, %get3A_1024, %get3A_1025] : memref<4x72x128xf32, #tpu.memory_space<vmem>> -> memref<1x72x128xf32, #tpu.memory_space<vmem>>
      %get3A_1027 = tpu.memref_squeeze %get3A_1026 : memref<1x72x128xf32, #tpu.memory_space<vmem>> -> memref<72x128xf32, #tpu.memory_space<vmem>>
      %get3A_1028 = arith.index_cast %while3A_985 : i32 to index
      %get3A_1029 = arith.constant 32 : index
      %get3A_1030 = tpu.vector_load %get3A_1027[%get3A_1028, %get3A_1029] {strides = array<i32>} : memref<72x128xf32, #tpu.memory_space<vmem>>, vector<16xf32>,
      %gt3A_1031 = arith.cmpf ogt, %get3A_1030, %while3A_988 : vector<16xf32>
      %select_n3A_1032 = arith.select %gt3A_1031, %get3A_1030, %while3A_988 : vector<16xi1>, vector<16xf32>
      %select_n3A_1033 = arith.select %gt3A_1031, %broadcast_in_dim3A_1003, %while3A_996 : vector<16xi1>, vector<16xi32>
      %get3A_1034 = arith.constant 0 : i32
      %get3A_1035 = arith.constant 0 : i32
      %get3A_1036 = tpu.memref_slice %arg9[%while3A_836, %get3A_1034, %get3A_1035] : memref<4x72x128xf32, #tpu.memory_space<vmem>> -> memref<1x72x128xf32, #tpu.memory_space<vmem>>
      %get3A_1037 = tpu.memref_squeeze %get3A_1036 : memref<1x72x128xf32, #tpu.memory_space<vmem>> -> memref<72x128xf32, #tpu.memory_space<vmem>>
      %get3A_1038 = arith.index_cast %while3A_985 : i32 to index
      %get3A_1039 = arith.constant 48 : index
      %get3A_1040 = tpu.vector_load %get3A_1037[%get3A_1038, %get3A_1039] {strides = array<i32>} : memref<72x128xf32, #tpu.memory_space<vmem>>, vector<16xf32>,
      %gt3A_1041 = arith.cmpf ogt, %get3A_1040, %while3A_989 : vector<16xf32>
      %select_n3A_1042 = arith.select %gt3A_1041, %get3A_1040, %while3A_989 : vector<16xi1>, vector<16xf32>
      %select_n3A_1043 = arith.select %gt3A_1041, %broadcast_in_dim3A_1003, %while3A_997 : vector<16xi1>, vector<16xi32>
      %get3A_1044 = arith.constant 0 : i32
      %get3A_1045 = arith.constant 0 : i32
      %get3A_1046 = tpu.memref_slice %arg9[%while3A_836, %get3A_1044, %get3A_1045] : memref<4x72x128xf32, #tpu.memory_space<vmem>> -> memref<1x72x128xf32, #tpu.memory_space<vmem>>
      %get3A_1047 = tpu.memref_squeeze %get3A_1046 : memref<1x72x128xf32, #tpu.memory_space<vmem>> -> memref<72x128xf32, #tpu.memory_space<vmem>>
      %get3A_1048 = arith.index_cast %while3A_985 : i32 to index
      %get3A_1049 = arith.constant 64 : index
      %get3A_1050 = tpu.vector_load %get3A_1047[%get3A_1048, %get3A_1049] {strides = array<i32>} : memref<72x128xf32, #tpu.memory_space<vmem>>, vector<16xf32>,
      %gt3A_1051 = arith.cmpf ogt, %get3A_1050, %while3A_990 : vector<16xf32>
      %select_n3A_1052 = arith.select %gt3A_1051, %get3A_1050, %while3A_990 : vector<16xi1>, vector<16xf32>
      %select_n3A_1053 = arith.select %gt3A_1051, %broadcast_in_dim3A_1003, %while3A_998 : vector<16xi1>, vector<16xi32>
      %get3A_1054 = arith.constant 0 : i32
      %get3A_1055 = arith.constant 0 : i32
      %get3A_1056 = tpu.memref_slice %arg9[%while3A_836, %get3A_1054, %get3A_1055] : memref<4x72x128xf32, #tpu.memory_space<vmem>> -> memref<1x72x128xf32, #tpu.memory_space<vmem>>
      %get3A_1057 = tpu.memref_squeeze %get3A_1056 : memref<1x72x128xf32, #tpu.memory_space<vmem>> -> memref<72x128xf32, #tpu.memory_space<vmem>>
      %get3A_1058 = arith.index_cast %while3A_985 : i32 to index
      %get3A_1059 = arith.constant 80 : index
      %get3A_1060 = tpu.vector_load %get3A_1057[%get3A_1058, %get3A_1059] {strides = array<i32>} : memref<72x128xf32, #tpu.memory_space<vmem>>, vector<16xf32>,
      %gt3A_1061 = arith.cmpf ogt, %get3A_1060, %while3A_991 : vector<16xf32>
      %select_n3A_1062 = arith.select %gt3A_1061, %get3A_1060, %while3A_991 : vector<16xi1>, vector<16xf32>
      %select_n3A_1063 = arith.select %gt3A_1061, %broadcast_in_dim3A_1003, %while3A_999 : vector<16xi1>, vector<16xi32>
      %get3A_1064 = arith.constant 0 : i32
      %get3A_1065 = arith.constant 0 : i32
      %get3A_1066 = tpu.memref_slice %arg9[%while3A_836, %get3A_1064, %get3A_1065] : memref<4x72x128xf32, #tpu.memory_space<vmem>> -> memref<1x72x128xf32, #tpu.memory_space<vmem>>
      %get3A_1067 = tpu.memref_squeeze %get3A_1066 : memref<1x72x128xf32, #tpu.memory_space<vmem>> -> memref<72x128xf32, #tpu.memory_space<vmem>>
      %get3A_1068 = arith.index_cast %while3A_985 : i32 to index
      %get3A_1069 = arith.constant 96 : index
      %get3A_1070 = tpu.vector_load %get3A_1067[%get3A_1068, %get3A_1069] {strides = array<i32>} : memref<72x128xf32, #tpu.memory_space<vmem>>, vector<16xf32>,
      %gt3A_1071 = arith.cmpf ogt, %get3A_1070, %while3A_992 : vector<16xf32>
      %select_n3A_1072 = arith.select %gt3A_1071, %get3A_1070, %while3A_992 : vector<16xi1>, vector<16xf32>
      %select_n3A_1073 = arith.select %gt3A_1071, %broadcast_in_dim3A_1003, %while3A_1000 : vector<16xi1>, vector<16xi32>
      %get3A_1074 = arith.constant 0 : i32
      %get3A_1075 = arith.constant 0 : i32
      %get3A_1076 = tpu.memref_slice %arg9[%while3A_836, %get3A_1074, %get3A_1075] : memref<4x72x128xf32, #tpu.memory_space<vmem>> -> memref<1x72x128xf32, #tpu.memory_space<vmem>>
      %get3A_1077 = tpu.memref_squeeze %get3A_1076 : memref<1x72x128xf32, #tpu.memory_space<vmem>> -> memref<72x128xf32, #tpu.memory_space<vmem>>
      %get3A_1078 = arith.index_cast %while3A_985 : i32 to index
      %get3A_1079 = arith.constant 112 : index
      %get3A_1080 = tpu.vector_load %get3A_1077[%get3A_1078, %get3A_1079] {strides = array<i32>} : memref<72x128xf32, #tpu.memory_space<vmem>>, vector<16xf32>,
      %gt3A_1081 = arith.cmpf ogt, %get3A_1080, %while3A_993 : vector<16xf32>
      %select_n3A_1082 = arith.select %gt3A_1081, %get3A_1080, %while3A_993 : vector<16xi1>, vector<16xf32>
      %select_n3A_1083 = arith.select %gt3A_1081, %broadcast_in_dim3A_1003, %while3A_1001 : vector<16xi1>, vector<16xi32>
      scf.yield %select_n3A_1012, %select_n3A_1022, %select_n3A_1032, %select_n3A_1042, %select_n3A_1052, %select_n3A_1062, %select_n3A_1072, %select_n3A_1082, %select_n3A_1013, %select_n3A_1023, %select_n3A_1033, %select_n3A_1043, %select_n3A_1053, %select_n3A_1063, %select_n3A_1073, %select_n3A_1083 : vector<16xf32>, vector<16xf32>, vector<16xf32>, vector<16xf32>, vector<16xf32>, vector<16xf32>, vector<16xf32>, vector<16xf32>, vector<16xi32>, vector<16xi32>, vector<16xi32>, vector<16xi32>, vector<16xi32>, vector<16xi32>, vector<16xi32>, vector<16xi32>
    }
    %get3A_847 = arith.index_cast %add3A_809 : i32 to index
    %get3A_848 = arith.constant 0 : index
    %get3A_849 = tpu.vector_load %arg7[%get3A_847, %get3A_848] {strides = array<i32>} : memref<16x128xf32, #tpu.memory_space<vmem>>, vector<16xf32>,
    %get3A_850 = arith.index_cast %add3A_809 : i32 to index
    %get3A_851 = arith.constant 0 : index
    %get3A_852 = tpu.vector_load %arg8[%get3A_850, %get3A_851] {strides = array<i32>} : memref<16x128xi32, #tpu.memory_space<vmem>>, vector<16xi32>,
    %gt3A_853 = arith.cmpf ogt, %get3A_849, %while3A_846#0 : vector<16xf32>
    %select_n3A_854 = arith.select %gt3A_853, %get3A_849, %while3A_846#0 : vector<16xi1>, vector<16xf32>
    %select_n3A_855 = arith.select %gt3A_853, %get3A_852, %while3A_846#8 : vector<16xi1>, vector<16xi32>
    %get3A_856 = arith.index_cast %add3A_809 : i32 to index
    %get3A_857 = arith.constant 16 : index
    %get3A_858 = tpu.vector_load %arg7[%get3A_856, %get3A_857] {strides = array<i32>} : memref<16x128xf32, #tpu.memory_space<vmem>>, vector<16xf32>,
    %get3A_859 = arith.index_cast %add3A_809 : i32 to index
    %get3A_860 = arith.constant 16 : index
    %get3A_861 = tpu.vector_load %arg8[%get3A_859, %get3A_860] {strides = array<i32>} : memref<16x128xi32, #tpu.memory_space<vmem>>, vector<16xi32>,
    %gt3A_862 = arith.cmpf ogt, %get3A_858, %while3A_846#1 : vector<16xf32>
    %select_n3A_863 = arith.select %gt3A_862, %get3A_858, %while3A_846#1 : vector<16xi1>, vector<16xf32>
    %select_n3A_864 = arith.select %gt3A_862, %get3A_861, %while3A_846#9 : vector<16xi1>, vector<16xi32>
    %get3A_865 = arith.index_cast %add3A_809 : i32 to index
    %get3A_866 = arith.constant 32 : index
    %get3A_867 = tpu.vector_load %arg7[%get3A_865, %get3A_866] {strides = array<i32>} : memref<16x128xf32, #tpu.memory_space<vmem>>, vector<16xf32>,
    %get3A_868 = arith.index_cast %add3A_809 : i32 to index
    %get3A_869 = arith.constant 32 : index
    %get3A_870 = tpu.vector_load %arg8[%get3A_868, %get3A_869] {strides = array<i32>} : memref<16x128xi32, #tpu.memory_space<vmem>>, vector<16xi32>,
    %gt3A_871 = arith.cmpf ogt, %get3A_867, %while3A_846#2 : vector<16xf32>
    %select_n3A_872 = arith.select %gt3A_871, %get3A_867, %while3A_846#2 : vector<16xi1>, vector<16xf32>
    %select_n3A_873 = arith.select %gt3A_871, %get3A_870, %while3A_846#10 : vector<16xi1>, vector<16xi32>
    %get3A_874 = arith.index_cast %add3A_809 : i32 to index
    %get3A_875 = arith.constant 48 : index
    %get3A_876 = tpu.vector_load %arg7[%get3A_874, %get3A_875] {strides = array<i32>} : memref<16x128xf32, #tpu.memory_space<vmem>>, vector<16xf32>,
    %get3A_877 = arith.index_cast %add3A_809 : i32 to index
    %get3A_878 = arith.constant 48 : index
    %get3A_879 = tpu.vector_load %arg8[%get3A_877, %get3A_878] {strides = array<i32>} : memref<16x128xi32, #tpu.memory_space<vmem>>, vector<16xi32>,
    %gt3A_880 = arith.cmpf ogt, %get3A_876, %while3A_846#3 : vector<16xf32>
    %select_n3A_881 = arith.select %gt3A_880, %get3A_876, %while3A_846#3 : vector<16xi1>, vector<16xf32>
    %select_n3A_882 = arith.select %gt3A_880, %get3A_879, %while3A_846#11 : vector<16xi1>, vector<16xi32>
    %get3A_883 = arith.index_cast %add3A_809 : i32 to index
    %get3A_884 = arith.constant 64 : index
    %get3A_885 = tpu.vector_load %arg7[%get3A_883, %get3A_884] {strides = array<i32>} : memref<16x128xf32, #tpu.memory_space<vmem>>, vector<16xf32>,
    %get3A_886 = arith.index_cast %add3A_809 : i32 to index
    %get3A_887 = arith.constant 64 : index
    %get3A_888 = tpu.vector_load %arg8[%get3A_886, %get3A_887] {strides = array<i32>} : memref<16x128xi32, #tpu.memory_space<vmem>>, vector<16xi32>,
    %gt3A_889 = arith.cmpf ogt, %get3A_885, %while3A_846#4 : vector<16xf32>
    %select_n3A_890 = arith.select %gt3A_889, %get3A_885, %while3A_846#4 : vector<16xi1>, vector<16xf32>
    %select_n3A_891 = arith.select %gt3A_889, %get3A_888, %while3A_846#12 : vector<16xi1>, vector<16xi32>
    %get3A_892 = arith.index_cast %add3A_809 : i32 to index
    %get3A_893 = arith.constant 80 : index
    %get3A_894 = tpu.vector_load %arg7[%get3A_892, %get3A_893] {strides = array<i32>} : memref<16x128xf32, #tpu.memory_space<vmem>>, vector<16xf32>,
    %get3A_895 = arith.index_cast %add3A_809 : i32 to index
    %get3A_896 = arith.constant 80 : index
    %get3A_897 = tpu.vector_load %arg8[%get3A_895, %get3A_896] {strides = array<i32>} : memref<16x128xi32, #tpu.memory_space<vmem>>, vector<16xi32>,
    %gt3A_898 = arith.cmpf ogt, %get3A_894, %while3A_846#5 : vector<16xf32>
    %select_n3A_899 = arith.select %gt3A_898, %get3A_894, %while3A_846#5 : vector<16xi1>, vector<16xf32>
    %select_n3A_900 = arith.select %gt3A_898, %get3A_897, %while3A_846#13 : vector<16xi1>, vector<16xi32>
    %get3A_901 = arith.index_cast %add3A_809 : i32 to index
    %get3A_902 = arith.constant 96 : index
    %get3A_903 = tpu.vector_load %arg7[%get3A_901, %get3A_902] {strides = array<i32>} : memref<16x128xf32, #tpu.memory_space<vmem>>, vector<16xf32>,
    %get3A_904 = arith.index_cast %add3A_809 : i32 to index
    %get3A_905 = arith.constant 96 : index
    %get3A_906 = tpu.vector_load %arg8[%get3A_904, %get3A_905] {strides = array<i32>} : memref<16x128xi32, #tpu.memory_space<vmem>>, vector<16xi32>,
    %gt3A_907 = arith.cmpf ogt, %get3A_903, %while3A_846#6 : vector<16xf32>
    %select_n3A_908 = arith.select %gt3A_907, %get3A_903, %while3A_846#6 : vector<16xi1>, vector<16xf32>
    %select_n3A_909 = arith.select %gt3A_907, %get3A_906, %while3A_846#14 : vector<16xi1>, vector<16xi32>
    %get3A_910 = arith.index_cast %add3A_809 : i32 to index
    %get3A_911 = arith.constant 112 : index
    %get3A_912 = tpu.vector_load %arg7[%get3A_910, %get3A_911] {strides = array<i32>} : memref<16x128xf32, #tpu.memory_space<vmem>>, vector<16xf32>,
    %get3A_913 = arith.index_cast %add3A_809 : i32 to index
    %get3A_914 = arith.constant 112 : index
    %get3A_915 = tpu.vector_load %arg8[%get3A_913, %get3A_914] {strides = array<i32>} : memref<16x128xi32, #tpu.memory_space<vmem>>, vector<16xi32>,
    %gt3A_916 = arith.cmpf ogt, %get3A_912, %while3A_846#7 : vector<16xf32>
    %select_n3A_917 = arith.select %gt3A_916, %get3A_912, %while3A_846#7 : vector<16xi1>, vector<16xf32>
    %select_n3A_918 = arith.select %gt3A_916, %get3A_915, %while3A_846#15 : vector<16xi1>, vector<16xi32>
    %sub3A_919 = arith.subi %select_n3A_124, %multiple_of3A_138 : i32
    %sub3A_920 = arith.subi %squeeze3A_32, %multiple_of3A_138 : i32
    %while3A_921 = arith.constant 3 : i32
    %while3A_922 = arith.subi %sub3A_920, %sub3A_919 : i32
    %while3A_923 = arith.addi %sub3A_919, %while3A_922 : i32
    %while3A_924 = arith.constant 1 : i32
    %while3A_925 = arith.divsi %while3A_922, %while3A_924 : i32
    %while3A_926 = arith.muli %while3A_925, %while3A_924 : i32
    %while3A_927 = arith.addi %sub3A_919, %while3A_926 : i32
    %while3A_928 = arith.constant 1 : i32
    %while3A_929:16 = scf.for %while3A_985 = %sub3A_919 to %while3A_927 step %while3A_928 iter_args(%while3A_986 = %select_n3A_854, %while3A_987 = %select_n3A_863, %while3A_988 = %select_n3A_872, %while3A_989 = %select_n3A_881, %while3A_990 = %select_n3A_890, %while3A_991 = %select_n3A_899, %while3A_992 = %select_n3A_908, %while3A_993 = %select_n3A_917, %while3A_994 = %select_n3A_855, %while3A_995 = %select_n3A_864, %while3A_996 = %select_n3A_873, %while3A_997 = %select_n3A_882, %while3A_998 = %select_n3A_891, %while3A_999 = %select_n3A_900, %while3A_1000 = %select_n3A_909, %while3A_1001 = %select_n3A_918) -> (vector<16xf32>, vector<16xf32>, vector<16xf32>, vector<16xf32>, vector<16xf32>, vector<16xf32>, vector<16xf32>, vector<16xf32>, vector<16xi32>, vector<16xi32>, vector<16xi32>, vector<16xi32>, vector<16xi32>, vector<16xi32>, vector<16xi32>, vector<16xi32>)  : i32 {
      %add3A_1002 = arith.addi %multiple_of3A_138, %while3A_985 : i32
      %broadcast_in_dim3A_1003 = vector.broadcast %add3A_1002 : i32 to vector<16xi32>
      %get3A_1004 = arith.constant 0 : i32
      %get3A_1005 = arith.constant 0 : i32
      %get3A_1006 = tpu.memref_slice %arg10[%while3A_921, %get3A_1004, %get3A_1005] : memref<4x72x128xf32, #tpu.memory_space<vmem>> -> memref<1x72x128xf32, #tpu.memory_space<vmem>>
      %get3A_1007 = tpu.memref_squeeze %get3A_1006 : memref<1x72x128xf32, #tpu.memory_space<vmem>> -> memref<72x128xf32, #tpu.memory_space<vmem>>
      %get3A_1008 = arith.index_cast %while3A_985 : i32 to index
      %get3A_1009 = arith.constant 0 : index
      %get3A_1010 = tpu.vector_load %get3A_1007[%get3A_1008, %get3A_1009] {strides = array<i32>} : memref<72x128xf32, #tpu.memory_space<vmem>>, vector<16xf32>,
      %gt3A_1011 = arith.cmpf ogt, %get3A_1010, %while3A_986 : vector<16xf32>
      %select_n3A_1012 = arith.select %gt3A_1011, %get3A_1010, %while3A_986 : vector<16xi1>, vector<16xf32>
      %select_n3A_1013 = arith.select %gt3A_1011, %broadcast_in_dim3A_1003, %while3A_994 : vector<16xi1>, vector<16xi32>
      %get3A_1014 = arith.constant 0 : i32
      %get3A_1015 = arith.constant 0 : i32
      %get3A_1016 = tpu.memref_slice %arg10[%while3A_921, %get3A_1014, %get3A_1015] : memref<4x72x128xf32, #tpu.memory_space<vmem>> -> memref<1x72x128xf32, #tpu.memory_space<vmem>>
      %get3A_1017 = tpu.memref_squeeze %get3A_1016 : memref<1x72x128xf32, #tpu.memory_space<vmem>> -> memref<72x128xf32, #tpu.memory_space<vmem>>
      %get3A_1018 = arith.index_cast %while3A_985 : i32 to index
      %get3A_1019 = arith.constant 16 : index
      %get3A_1020 = tpu.vector_load %get3A_1017[%get3A_1018, %get3A_1019] {strides = array<i32>} : memref<72x128xf32, #tpu.memory_space<vmem>>, vector<16xf32>,
      %gt3A_1021 = arith.cmpf ogt, %get3A_1020, %while3A_987 : vector<16xf32>
      %select_n3A_1022 = arith.select %gt3A_1021, %get3A_1020, %while3A_987 : vector<16xi1>, vector<16xf32>
      %select_n3A_1023 = arith.select %gt3A_1021, %broadcast_in_dim3A_1003, %while3A_995 : vector<16xi1>, vector<16xi32>
      %get3A_1024 = arith.constant 0 : i32
      %get3A_1025 = arith.constant 0 : i32
      %get3A_1026 = tpu.memref_slice %arg10[%while3A_921, %get3A_1024, %get3A_1025] : memref<4x72x128xf32, #tpu.memory_space<vmem>> -> memref<1x72x128xf32, #tpu.memory_space<vmem>>
      %get3A_1027 = tpu.memref_squeeze %get3A_1026 : memref<1x72x128xf32, #tpu.memory_space<vmem>> -> memref<72x128xf32, #tpu.memory_space<vmem>>
      %get3A_1028 = arith.index_cast %while3A_985 : i32 to index
      %get3A_1029 = arith.constant 32 : index
      %get3A_1030 = tpu.vector_load %get3A_1027[%get3A_1028, %get3A_1029] {strides = array<i32>} : memref<72x128xf32, #tpu.memory_space<vmem>>, vector<16xf32>,
      %gt3A_1031 = arith.cmpf ogt, %get3A_1030, %while3A_988 : vector<16xf32>
      %select_n3A_1032 = arith.select %gt3A_1031, %get3A_1030, %while3A_988 : vector<16xi1>, vector<16xf32>
      %select_n3A_1033 = arith.select %gt3A_1031, %broadcast_in_dim3A_1003, %while3A_996 : vector<16xi1>, vector<16xi32>
      %get3A_1034 = arith.constant 0 : i32
      %get3A_1035 = arith.constant 0 : i32
      %get3A_1036 = tpu.memref_slice %arg10[%while3A_921, %get3A_1034, %get3A_1035] : memref<4x72x128xf32, #tpu.memory_space<vmem>> -> memref<1x72x128xf32, #tpu.memory_space<vmem>>
      %get3A_1037 = tpu.memref_squeeze %get3A_1036 : memref<1x72x128xf32, #tpu.memory_space<vmem>> -> memref<72x128xf32, #tpu.memory_space<vmem>>
      %get3A_1038 = arith.index_cast %while3A_985 : i32 to index
      %get3A_1039 = arith.constant 48 : index
      %get3A_1040 = tpu.vector_load %get3A_1037[%get3A_1038, %get3A_1039] {strides = array<i32>} : memref<72x128xf32, #tpu.memory_space<vmem>>, vector<16xf32>,
      %gt3A_1041 = arith.cmpf ogt, %get3A_1040, %while3A_989 : vector<16xf32>
      %select_n3A_1042 = arith.select %gt3A_1041, %get3A_1040, %while3A_989 : vector<16xi1>, vector<16xf32>
      %select_n3A_1043 = arith.select %gt3A_1041, %broadcast_in_dim3A_1003, %while3A_997 : vector<16xi1>, vector<16xi32>
      %get3A_1044 = arith.constant 0 : i32
      %get3A_1045 = arith.constant 0 : i32
      %get3A_1046 = tpu.memref_slice %arg10[%while3A_921, %get3A_1044, %get3A_1045] : memref<4x72x128xf32, #tpu.memory_space<vmem>> -> memref<1x72x128xf32, #tpu.memory_space<vmem>>
      %get3A_1047 = tpu.memref_squeeze %get3A_1046 : memref<1x72x128xf32, #tpu.memory_space<vmem>> -> memref<72x128xf32, #tpu.memory_space<vmem>>
      %get3A_1048 = arith.index_cast %while3A_985 : i32 to index
      %get3A_1049 = arith.constant 64 : index
      %get3A_1050 = tpu.vector_load %get3A_1047[%get3A_1048, %get3A_1049] {strides = array<i32>} : memref<72x128xf32, #tpu.memory_space<vmem>>, vector<16xf32>,
      %gt3A_1051 = arith.cmpf ogt, %get3A_1050, %while3A_990 : vector<16xf32>
      %select_n3A_1052 = arith.select %gt3A_1051, %get3A_1050, %while3A_990 : vector<16xi1>, vector<16xf32>
      %select_n3A_1053 = arith.select %gt3A_1051, %broadcast_in_dim3A_1003, %while3A_998 : vector<16xi1>, vector<16xi32>
      %get3A_1054 = arith.constant 0 : i32
      %get3A_1055 = arith.constant 0 : i32
      %get3A_1056 = tpu.memref_slice %arg10[%while3A_921, %get3A_1054, %get3A_1055] : memref<4x72x128xf32, #tpu.memory_space<vmem>> -> memref<1x72x128xf32, #tpu.memory_space<vmem>>
      %get3A_1057 = tpu.memref_squeeze %get3A_1056 : memref<1x72x128xf32, #tpu.memory_space<vmem>> -> memref<72x128xf32, #tpu.memory_space<vmem>>
      %get3A_1058 = arith.index_cast %while3A_985 : i32 to index
      %get3A_1059 = arith.constant 80 : index
      %get3A_1060 = tpu.vector_load %get3A_1057[%get3A_1058, %get3A_1059] {strides = array<i32>} : memref<72x128xf32, #tpu.memory_space<vmem>>, vector<16xf32>,
      %gt3A_1061 = arith.cmpf ogt, %get3A_1060, %while3A_991 : vector<16xf32>
      %select_n3A_1062 = arith.select %gt3A_1061, %get3A_1060, %while3A_991 : vector<16xi1>, vector<16xf32>
      %select_n3A_1063 = arith.select %gt3A_1061, %broadcast_in_dim3A_1003, %while3A_999 : vector<16xi1>, vector<16xi32>
      %get3A_1064 = arith.constant 0 : i32
      %get3A_1065 = arith.constant 0 : i32
      %get3A_1066 = tpu.memref_slice %arg10[%while3A_921, %get3A_1064, %get3A_1065] : memref<4x72x128xf32, #tpu.memory_space<vmem>> -> memref<1x72x128xf32, #tpu.memory_space<vmem>>
      %get3A_1067 = tpu.memref_squeeze %get3A_1066 : memref<1x72x128xf32, #tpu.memory_space<vmem>> -> memref<72x128xf32, #tpu.memory_space<vmem>>
      %get3A_1068 = arith.index_cast %while3A_985 : i32 to index
      %get3A_1069 = arith.constant 96 : index
      %get3A_1070 = tpu.vector_load %get3A_1067[%get3A_1068, %get3A_1069] {strides = array<i32>} : memref<72x128xf32, #tpu.memory_space<vmem>>, vector<16xf32>,
      %gt3A_1071 = arith.cmpf ogt, %get3A_1070, %while3A_992 : vector<16xf32>
      %select_n3A_1072 = arith.select %gt3A_1071, %get3A_1070, %while3A_992 : vector<16xi1>, vector<16xf32>
      %select_n3A_1073 = arith.select %gt3A_1071, %broadcast_in_dim3A_1003, %while3A_1000 : vector<16xi1>, vector<16xi32>
      %get3A_1074 = arith.constant 0 : i32
      %get3A_1075 = arith.constant 0 : i32
      %get3A_1076 = tpu.memref_slice %arg10[%while3A_921, %get3A_1074, %get3A_1075] : memref<4x72x128xf32, #tpu.memory_space<vmem>> -> memref<1x72x128xf32, #tpu.memory_space<vmem>>
      %get3A_1077 = tpu.memref_squeeze %get3A_1076 : memref<1x72x128xf32, #tpu.memory_space<vmem>> -> memref<72x128xf32, #tpu.memory_space<vmem>>
      %get3A_1078 = arith.index_cast %while3A_985 : i32 to index
      %get3A_1079 = arith.constant 112 : index
      %get3A_1080 = tpu.vector_load %get3A_1077[%get3A_1078, %get3A_1079] {strides = array<i32>} : memref<72x128xf32, #tpu.memory_space<vmem>>, vector<16xf32>,
      %gt3A_1081 = arith.cmpf ogt, %get3A_1080, %while3A_993 : vector<16xf32>
      %select_n3A_1082 = arith.select %gt3A_1081, %get3A_1080, %while3A_993 : vector<16xi1>, vector<16xf32>
      %select_n3A_1083 = arith.select %gt3A_1081, %broadcast_in_dim3A_1003, %while3A_1001 : vector<16xi1>, vector<16xi32>
      scf.yield %select_n3A_1012, %select_n3A_1022, %select_n3A_1032, %select_n3A_1042, %select_n3A_1052, %select_n3A_1062, %select_n3A_1072, %select_n3A_1082, %select_n3A_1013, %select_n3A_1023, %select_n3A_1033, %select_n3A_1043, %select_n3A_1053, %select_n3A_1063, %select_n3A_1073, %select_n3A_1083 : vector<16xf32>, vector<16xf32>, vector<16xf32>, vector<16xf32>, vector<16xf32>, vector<16xf32>, vector<16xf32>, vector<16xf32>, vector<16xi32>, vector<16xi32>, vector<16xi32>, vector<16xi32>, vector<16xi32>, vector<16xi32>, vector<16xi32>, vector<16xi32>
    }
    %while3A_930 = arith.constant 1 : i32
    %while3A_931:16 = scf.for %while3A_985 = %while3A_927 to %while3A_923 step %while3A_930 iter_args(%while3A_986 = %while3A_929#0, %while3A_987 = %while3A_929#1, %while3A_988 = %while3A_929#2, %while3A_989 = %while3A_929#3, %while3A_990 = %while3A_929#4, %while3A_991 = %while3A_929#5, %while3A_992 = %while3A_929#6, %while3A_993 = %while3A_929#7, %while3A_994 = %while3A_929#8, %while3A_995 = %while3A_929#9, %while3A_996 = %while3A_929#10, %while3A_997 = %while3A_929#11, %while3A_998 = %while3A_929#12, %while3A_999 = %while3A_929#13, %while3A_1000 = %while3A_929#14, %while3A_1001 = %while3A_929#15) -> (vector<16xf32>, vector<16xf32>, vector<16xf32>, vector<16xf32>, vector<16xf32>, vector<16xf32>, vector<16xf32>, vector<16xf32>, vector<16xi32>, vector<16xi32>, vector<16xi32>, vector<16xi32>, vector<16xi32>, vector<16xi32>, vector<16xi32>, vector<16xi32>)  : i32 {
      %add3A_1002 = arith.addi %multiple_of3A_138, %while3A_985 : i32
      %broadcast_in_dim3A_1003 = vector.broadcast %add3A_1002 : i32 to vector<16xi32>
      %get3A_1004 = arith.constant 0 : i32
      %get3A_1005 = arith.constant 0 : i32
      %get3A_1006 = tpu.memref_slice %arg10[%while3A_921, %get3A_1004, %get3A_1005] : memref<4x72x128xf32, #tpu.memory_space<vmem>> -> memref<1x72x128xf32, #tpu.memory_space<vmem>>
      %get3A_1007 = tpu.memref_squeeze %get3A_1006 : memref<1x72x128xf32, #tpu.memory_space<vmem>> -> memref<72x128xf32, #tpu.memory_space<vmem>>
      %get3A_1008 = arith.index_cast %while3A_985 : i32 to index
      %get3A_1009 = arith.constant 0 : index
      %get3A_1010 = tpu.vector_load %get3A_1007[%get3A_1008, %get3A_1009] {strides = array<i32>} : memref<72x128xf32, #tpu.memory_space<vmem>>, vector<16xf32>,
      %gt3A_1011 = arith.cmpf ogt, %get3A_1010, %while3A_986 : vector<16xf32>
      %select_n3A_1012 = arith.select %gt3A_1011, %get3A_1010, %while3A_986 : vector<16xi1>, vector<16xf32>
      %select_n3A_1013 = arith.select %gt3A_1011, %broadcast_in_dim3A_1003, %while3A_994 : vector<16xi1>, vector<16xi32>
      %get3A_1014 = arith.constant 0 : i32
      %get3A_1015 = arith.constant 0 : i32
      %get3A_1016 = tpu.memref_slice %arg10[%while3A_921, %get3A_1014, %get3A_1015] : memref<4x72x128xf32, #tpu.memory_space<vmem>> -> memref<1x72x128xf32, #tpu.memory_space<vmem>>
      %get3A_1017 = tpu.memref_squeeze %get3A_1016 : memref<1x72x128xf32, #tpu.memory_space<vmem>> -> memref<72x128xf32, #tpu.memory_space<vmem>>
      %get3A_1018 = arith.index_cast %while3A_985 : i32 to index
      %get3A_1019 = arith.constant 16 : index
      %get3A_1020 = tpu.vector_load %get3A_1017[%get3A_1018, %get3A_1019] {strides = array<i32>} : memref<72x128xf32, #tpu.memory_space<vmem>>, vector<16xf32>,
      %gt3A_1021 = arith.cmpf ogt, %get3A_1020, %while3A_987 : vector<16xf32>
      %select_n3A_1022 = arith.select %gt3A_1021, %get3A_1020, %while3A_987 : vector<16xi1>, vector<16xf32>
      %select_n3A_1023 = arith.select %gt3A_1021, %broadcast_in_dim3A_1003, %while3A_995 : vector<16xi1>, vector<16xi32>
      %get3A_1024 = arith.constant 0 : i32
      %get3A_1025 = arith.constant 0 : i32
      %get3A_1026 = tpu.memref_slice %arg10[%while3A_921, %get3A_1024, %get3A_1025] : memref<4x72x128xf32, #tpu.memory_space<vmem>> -> memref<1x72x128xf32, #tpu.memory_space<vmem>>
      %get3A_1027 = tpu.memref_squeeze %get3A_1026 : memref<1x72x128xf32, #tpu.memory_space<vmem>> -> memref<72x128xf32, #tpu.memory_space<vmem>>
      %get3A_1028 = arith.index_cast %while3A_985 : i32 to index
      %get3A_1029 = arith.constant 32 : index
      %get3A_1030 = tpu.vector_load %get3A_1027[%get3A_1028, %get3A_1029] {strides = array<i32>} : memref<72x128xf32, #tpu.memory_space<vmem>>, vector<16xf32>,
      %gt3A_1031 = arith.cmpf ogt, %get3A_1030, %while3A_988 : vector<16xf32>
      %select_n3A_1032 = arith.select %gt3A_1031, %get3A_1030, %while3A_988 : vector<16xi1>, vector<16xf32>
      %select_n3A_1033 = arith.select %gt3A_1031, %broadcast_in_dim3A_1003, %while3A_996 : vector<16xi1>, vector<16xi32>
      %get3A_1034 = arith.constant 0 : i32
      %get3A_1035 = arith.constant 0 : i32
      %get3A_1036 = tpu.memref_slice %arg10[%while3A_921, %get3A_1034, %get3A_1035] : memref<4x72x128xf32, #tpu.memory_space<vmem>> -> memref<1x72x128xf32, #tpu.memory_space<vmem>>
      %get3A_1037 = tpu.memref_squeeze %get3A_1036 : memref<1x72x128xf32, #tpu.memory_space<vmem>> -> memref<72x128xf32, #tpu.memory_space<vmem>>
      %get3A_1038 = arith.index_cast %while3A_985 : i32 to index
      %get3A_1039 = arith.constant 48 : index
      %get3A_1040 = tpu.vector_load %get3A_1037[%get3A_1038, %get3A_1039] {strides = array<i32>} : memref<72x128xf32, #tpu.memory_space<vmem>>, vector<16xf32>,
      %gt3A_1041 = arith.cmpf ogt, %get3A_1040, %while3A_989 : vector<16xf32>
      %select_n3A_1042 = arith.select %gt3A_1041, %get3A_1040, %while3A_989 : vector<16xi1>, vector<16xf32>
      %select_n3A_1043 = arith.select %gt3A_1041, %broadcast_in_dim3A_1003, %while3A_997 : vector<16xi1>, vector<16xi32>
      %get3A_1044 = arith.constant 0 : i32
      %get3A_1045 = arith.constant 0 : i32
      %get3A_1046 = tpu.memref_slice %arg10[%while3A_921, %get3A_1044, %get3A_1045] : memref<4x72x128xf32, #tpu.memory_space<vmem>> -> memref<1x72x128xf32, #tpu.memory_space<vmem>>
      %get3A_1047 = tpu.memref_squeeze %get3A_1046 : memref<1x72x128xf32, #tpu.memory_space<vmem>> -> memref<72x128xf32, #tpu.memory_space<vmem>>
      %get3A_1048 = arith.index_cast %while3A_985 : i32 to index
      %get3A_1049 = arith.constant 64 : index
      %get3A_1050 = tpu.vector_load %get3A_1047[%get3A_1048, %get3A_1049] {strides = array<i32>} : memref<72x128xf32, #tpu.memory_space<vmem>>, vector<16xf32>,
      %gt3A_1051 = arith.cmpf ogt, %get3A_1050, %while3A_990 : vector<16xf32>
      %select_n3A_1052 = arith.select %gt3A_1051, %get3A_1050, %while3A_990 : vector<16xi1>, vector<16xf32>
      %select_n3A_1053 = arith.select %gt3A_1051, %broadcast_in_dim3A_1003, %while3A_998 : vector<16xi1>, vector<16xi32>
      %get3A_1054 = arith.constant 0 : i32
      %get3A_1055 = arith.constant 0 : i32
      %get3A_1056 = tpu.memref_slice %arg10[%while3A_921, %get3A_1054, %get3A_1055] : memref<4x72x128xf32, #tpu.memory_space<vmem>> -> memref<1x72x128xf32, #tpu.memory_space<vmem>>
      %get3A_1057 = tpu.memref_squeeze %get3A_1056 : memref<1x72x128xf32, #tpu.memory_space<vmem>> -> memref<72x128xf32, #tpu.memory_space<vmem>>
      %get3A_1058 = arith.index_cast %while3A_985 : i32 to index
      %get3A_1059 = arith.constant 80 : index
      %get3A_1060 = tpu.vector_load %get3A_1057[%get3A_1058, %get3A_1059] {strides = array<i32>} : memref<72x128xf32, #tpu.memory_space<vmem>>, vector<16xf32>,
      %gt3A_1061 = arith.cmpf ogt, %get3A_1060, %while3A_991 : vector<16xf32>
      %select_n3A_1062 = arith.select %gt3A_1061, %get3A_1060, %while3A_991 : vector<16xi1>, vector<16xf32>
      %select_n3A_1063 = arith.select %gt3A_1061, %broadcast_in_dim3A_1003, %while3A_999 : vector<16xi1>, vector<16xi32>
      %get3A_1064 = arith.constant 0 : i32
      %get3A_1065 = arith.constant 0 : i32
      %get3A_1066 = tpu.memref_slice %arg10[%while3A_921, %get3A_1064, %get3A_1065] : memref<4x72x128xf32, #tpu.memory_space<vmem>> -> memref<1x72x128xf32, #tpu.memory_space<vmem>>
      %get3A_1067 = tpu.memref_squeeze %get3A_1066 : memref<1x72x128xf32, #tpu.memory_space<vmem>> -> memref<72x128xf32, #tpu.memory_space<vmem>>
      %get3A_1068 = arith.index_cast %while3A_985 : i32 to index
      %get3A_1069 = arith.constant 96 : index
      %get3A_1070 = tpu.vector_load %get3A_1067[%get3A_1068, %get3A_1069] {strides = array<i32>} : memref<72x128xf32, #tpu.memory_space<vmem>>, vector<16xf32>,
      %gt3A_1071 = arith.cmpf ogt, %get3A_1070, %while3A_992 : vector<16xf32>
      %select_n3A_1072 = arith.select %gt3A_1071, %get3A_1070, %while3A_992 : vector<16xi1>, vector<16xf32>
      %select_n3A_1073 = arith.select %gt3A_1071, %broadcast_in_dim3A_1003, %while3A_1000 : vector<16xi1>, vector<16xi32>
      %get3A_1074 = arith.constant 0 : i32
      %get3A_1075 = arith.constant 0 : i32
      %get3A_1076 = tpu.memref_slice %arg10[%while3A_921, %get3A_1074, %get3A_1075] : memref<4x72x128xf32, #tpu.memory_space<vmem>> -> memref<1x72x128xf32, #tpu.memory_space<vmem>>
      %get3A_1077 = tpu.memref_squeeze %get3A_1076 : memref<1x72x128xf32, #tpu.memory_space<vmem>> -> memref<72x128xf32, #tpu.memory_space<vmem>>
      %get3A_1078 = arith.index_cast %while3A_985 : i32 to index
      %get3A_1079 = arith.constant 112 : index
      %get3A_1080 = tpu.vector_load %get3A_1077[%get3A_1078, %get3A_1079] {strides = array<i32>} : memref<72x128xf32, #tpu.memory_space<vmem>>, vector<16xf32>,
      %gt3A_1081 = arith.cmpf ogt, %get3A_1080, %while3A_993 : vector<16xf32>
      %select_n3A_1082 = arith.select %gt3A_1081, %get3A_1080, %while3A_993 : vector<16xi1>, vector<16xf32>
      %select_n3A_1083 = arith.select %gt3A_1081, %broadcast_in_dim3A_1003, %while3A_1001 : vector<16xi1>, vector<16xi32>
      scf.yield %select_n3A_1012, %select_n3A_1022, %select_n3A_1032, %select_n3A_1042, %select_n3A_1052, %select_n3A_1062, %select_n3A_1072, %select_n3A_1082, %select_n3A_1013, %select_n3A_1023, %select_n3A_1033, %select_n3A_1043, %select_n3A_1053, %select_n3A_1063, %select_n3A_1073, %select_n3A_1083 : vector<16xf32>, vector<16xf32>, vector<16xf32>, vector<16xf32>, vector<16xf32>, vector<16xf32>, vector<16xf32>, vector<16xf32>, vector<16xi32>, vector<16xi32>, vector<16xi32>, vector<16xi32>, vector<16xi32>, vector<16xi32>, vector<16xi32>, vector<16xi32>
    }
    %swap3A_932 = arith.constant 3 : i32
    %swap3A_933 = arith.index_cast %swap3A_932 : i32 to index
    %swap3A_934 = arith.constant 0 : index
    %swap3A_935 = tpu.vector_load %arg11[%swap3A_933, %swap3A_934] {strides = array<i32>} : memref<4x128xi32, #tpu.memory_space<vmem>>, vector<16xi32>,
    tpu.vector_store %arg11[%swap3A_933, %swap3A_934], %while3A_931#8 {strides = array<i32>} : memref<4x128xi32, #tpu.memory_space<vmem>>, vector<16xi32>,
    %swap3A_936 = arith.constant 3 : i32
    %swap3A_937 = arith.index_cast %swap3A_936 : i32 to index
    %swap3A_938 = arith.constant 16 : index
    %swap3A_939 = tpu.vector_load %arg11[%swap3A_937, %swap3A_938] {strides = array<i32>} : memref<4x128xi32, #tpu.memory_space<vmem>>, vector<16xi32>,
    tpu.vector_store %arg11[%swap3A_937, %swap3A_938], %while3A_931#9 {strides = array<i32>} : memref<4x128xi32, #tpu.memory_space<vmem>>, vector<16xi32>,
    %swap3A_940 = arith.constant 3 : i32
    %swap3A_941 = arith.index_cast %swap3A_940 : i32 to index
    %swap3A_942 = arith.constant 32 : index
    %swap3A_943 = tpu.vector_load %arg11[%swap3A_941, %swap3A_942] {strides = array<i32>} : memref<4x128xi32, #tpu.memory_space<vmem>>, vector<16xi32>,
    tpu.vector_store %arg11[%swap3A_941, %swap3A_942], %while3A_931#10 {strides = array<i32>} : memref<4x128xi32, #tpu.memory_space<vmem>>, vector<16xi32>,
    %swap3A_944 = arith.constant 3 : i32
    %swap3A_945 = arith.index_cast %swap3A_944 : i32 to index
    %swap3A_946 = arith.constant 48 : index
    %swap3A_947 = tpu.vector_load %arg11[%swap3A_945, %swap3A_946] {strides = array<i32>} : memref<4x128xi32, #tpu.memory_space<vmem>>, vector<16xi32>,
    tpu.vector_store %arg11[%swap3A_945, %swap3A_946], %while3A_931#11 {strides = array<i32>} : memref<4x128xi32, #tpu.memory_space<vmem>>, vector<16xi32>,
    %swap3A_948 = arith.constant 3 : i32
    %swap3A_949 = arith.index_cast %swap3A_948 : i32 to index
    %swap3A_950 = arith.constant 64 : index
    %swap3A_951 = tpu.vector_load %arg11[%swap3A_949, %swap3A_950] {strides = array<i32>} : memref<4x128xi32, #tpu.memory_space<vmem>>, vector<16xi32>,
    tpu.vector_store %arg11[%swap3A_949, %swap3A_950], %while3A_931#12 {strides = array<i32>} : memref<4x128xi32, #tpu.memory_space<vmem>>, vector<16xi32>,
    %swap3A_952 = arith.constant 3 : i32
    %swap3A_953 = arith.index_cast %swap3A_952 : i32 to index
    %swap3A_954 = arith.constant 80 : index
    %swap3A_955 = tpu.vector_load %arg11[%swap3A_953, %swap3A_954] {strides = array<i32>} : memref<4x128xi32, #tpu.memory_space<vmem>>, vector<16xi32>,
    tpu.vector_store %arg11[%swap3A_953, %swap3A_954], %while3A_931#13 {strides = array<i32>} : memref<4x128xi32, #tpu.memory_space<vmem>>, vector<16xi32>,
    %swap3A_956 = arith.constant 3 : i32
    %swap3A_957 = arith.index_cast %swap3A_956 : i32 to index
    %swap3A_958 = arith.constant 96 : index
    %swap3A_959 = tpu.vector_load %arg11[%swap3A_957, %swap3A_958] {strides = array<i32>} : memref<4x128xi32, #tpu.memory_space<vmem>>, vector<16xi32>,
    tpu.vector_store %arg11[%swap3A_957, %swap3A_958], %while3A_931#14 {strides = array<i32>} : memref<4x128xi32, #tpu.memory_space<vmem>>, vector<16xi32>,
    %swap3A_960 = arith.constant 3 : i32
    %swap3A_961 = arith.index_cast %swap3A_960 : i32 to index
    %swap3A_962 = arith.constant 112 : index
    %swap3A_963 = tpu.vector_load %arg11[%swap3A_961, %swap3A_962] {strides = array<i32>} : memref<4x128xi32, #tpu.memory_space<vmem>>, vector<16xi32>,
    tpu.vector_store %arg11[%swap3A_961, %swap3A_962], %while3A_931#15 {strides = array<i32>} : memref<4x128xi32, #tpu.memory_space<vmem>>, vector<16xi32>,
    %add3A_964 = arith.constant 0 : i32
    %add3A_965 = arith.addi %div3A_1, %add3A_964 : i32
    %mul3A_966 = arith.constant 128 : i32
    %mul3A_967 = arith.muli %rem3A_0, %mul3A_966 : i32
    %run_scoped3A = arith.constant 0 : i32
    "tpu.region"() ({
      %run_scoped3A_985 = tpu.sem_alloc : memref<!tpu.dma_semaphore, #tpu.memory_space<semaphore_mem>>
      %dma_start3A_986 = arith.constant 0 : i32
      %dma_start3A_987 = tpu.memref_slice %arg11[%run_scoped3A, %dma_start3A_986] : memref<4x128xi32, #tpu.memory_space<vmem>> -> memref<1x128xi32, #tpu.memory_space<vmem>>
      %dma_start3A_988 = tpu.memref_squeeze %dma_start3A_987 : memref<1x128xi32, #tpu.memory_space<vmem>> -> memref<128xi32, #tpu.memory_space<vmem>>
      %dma_start3A_989 = tpu.memref_slice %arg13[%add3A_965, %mul3A_967] : memref<16x512xi32, #tpu.memory_space<vmem_shared>> -> memref<1x128xi32, #tpu.memory_space<vmem_shared>>
      %dma_start3A_990 = tpu.memref_squeeze %dma_start3A_989 : memref<1x128xi32, #tpu.memory_space<vmem_shared>> -> memref<128xi32, #tpu.memory_space<vmem_shared>>
      %dma_start3A_991 = tpu.memref_slice %arg13[%add3A_965, %mul3A_967] : memref<16x512xi32, #tpu.memory_space<vmem_shared>> -> memref<1x128xi32, #tpu.memory_space<vmem_shared>>
      %dma_start3A_992 = tpu.memref_squeeze %dma_start3A_991 : memref<1x128xi32, #tpu.memory_space<vmem_shared>> -> memref<128xi32, #tpu.memory_space<vmem_shared>>
      %dma_start3A_993 = arith.constant 0 : i32
      %dma_start3A_994 = tpu.memref_slice %arg11[%run_scoped3A, %dma_start3A_993] : memref<4x128xi32, #tpu.memory_space<vmem>> -> memref<1x128xi32, #tpu.memory_space<vmem>>
      %dma_start3A_995 = tpu.memref_squeeze %dma_start3A_994 : memref<1x128xi32, #tpu.memory_space<vmem>> -> memref<128xi32, #tpu.memory_space<vmem>>
      tpu.enqueue_dma source(%dma_start3A_995 : memref<128xi32, #tpu.memory_space<vmem>>) target(%dma_start3A_992 : memref<128xi32, #tpu.memory_space<vmem_shared>>) target_semaphore(%run_scoped3A_985 : memref<!tpu.dma_semaphore, #tpu.memory_space<semaphore_mem>>)
      %dma_wait3A_996 = arith.constant 0 : i32
      %dma_wait3A_997 = tpu.memref_slice %arg11[%run_scoped3A, %dma_wait3A_996] : memref<4x128xi32, #tpu.memory_space<vmem>> -> memref<1x128xi32, #tpu.memory_space<vmem>>
      %dma_wait3A_998 = tpu.memref_squeeze %dma_wait3A_997 : memref<1x128xi32, #tpu.memory_space<vmem>> -> memref<128xi32, #tpu.memory_space<vmem>>
      %dma_wait3A_999 = tpu.memref_slice %arg13[%add3A_965, %mul3A_967] : memref<16x512xi32, #tpu.memory_space<vmem_shared>> -> memref<1x128xi32, #tpu.memory_space<vmem_shared>>
      %dma_wait3A_1000 = tpu.memref_squeeze %dma_wait3A_999 : memref<1x128xi32, #tpu.memory_space<vmem_shared>> -> memref<128xi32, #tpu.memory_space<vmem_shared>>
      %dma_wait3A_1001 = tpu.memref_slice %arg13[%add3A_965, %mul3A_967] : memref<16x512xi32, #tpu.memory_space<vmem_shared>> -> memref<1x128xi32, #tpu.memory_space<vmem_shared>>
      %dma_wait3A_1002 = tpu.memref_squeeze %dma_wait3A_1001 : memref<1x128xi32, #tpu.memory_space<vmem_shared>> -> memref<128xi32, #tpu.memory_space<vmem_shared>>
      %dma_wait3A_1003 = arith.constant 0 : i32
      %dma_wait3A_1004 = tpu.memref_slice %arg11[%run_scoped3A, %dma_wait3A_1003] : memref<4x128xi32, #tpu.memory_space<vmem>> -> memref<1x128xi32, #tpu.memory_space<vmem>>
      %dma_wait3A_1005 = tpu.memref_squeeze %dma_wait3A_1004 : memref<1x128xi32, #tpu.memory_space<vmem>> -> memref<128xi32, #tpu.memory_space<vmem>>
      tpu.wait_dma2 semaphore(%run_scoped3A_985 : memref<!tpu.dma_semaphore, #tpu.memory_space<semaphore_mem>>) src(%dma_wait3A_1005 : memref<128xi32, #tpu.memory_space<vmem>>) dst(%dma_wait3A_1002 : memref<128xi32, #tpu.memory_space<vmem_shared>>)
      tpu.yield
    }) : () -> ()
    %add3A_968 = arith.constant 4 : i32
    %add3A_969 = arith.addi %div3A_1, %add3A_968 : i32
    %mul3A_970 = arith.constant 128 : i32
    %mul3A_971 = arith.muli %rem3A_0, %mul3A_970 : i32
    %run_scoped3A_972 = arith.constant 1 : i32
    "tpu.region"() ({
      %run_scoped3A_985 = tpu.sem_alloc : memref<!tpu.dma_semaphore, #tpu.memory_space<semaphore_mem>>
      %dma_start3A_986 = arith.constant 0 : i32
      %dma_start3A_987 = tpu.memref_slice %arg11[%run_scoped3A_972, %dma_start3A_986] : memref<4x128xi32, #tpu.memory_space<vmem>> -> memref<1x128xi32, #tpu.memory_space<vmem>>
      %dma_start3A_988 = tpu.memref_squeeze %dma_start3A_987 : memref<1x128xi32, #tpu.memory_space<vmem>> -> memref<128xi32, #tpu.memory_space<vmem>>
      %dma_start3A_989 = tpu.memref_slice %arg13[%add3A_969, %mul3A_971] : memref<16x512xi32, #tpu.memory_space<vmem_shared>> -> memref<1x128xi32, #tpu.memory_space<vmem_shared>>
      %dma_start3A_990 = tpu.memref_squeeze %dma_start3A_989 : memref<1x128xi32, #tpu.memory_space<vmem_shared>> -> memref<128xi32, #tpu.memory_space<vmem_shared>>
      %dma_start3A_991 = tpu.memref_slice %arg13[%add3A_969, %mul3A_971] : memref<16x512xi32, #tpu.memory_space<vmem_shared>> -> memref<1x128xi32, #tpu.memory_space<vmem_shared>>
      %dma_start3A_992 = tpu.memref_squeeze %dma_start3A_991 : memref<1x128xi32, #tpu.memory_space<vmem_shared>> -> memref<128xi32, #tpu.memory_space<vmem_shared>>
      %dma_start3A_993 = arith.constant 0 : i32
      %dma_start3A_994 = tpu.memref_slice %arg11[%run_scoped3A_972, %dma_start3A_993] : memref<4x128xi32, #tpu.memory_space<vmem>> -> memref<1x128xi32, #tpu.memory_space<vmem>>
      %dma_start3A_995 = tpu.memref_squeeze %dma_start3A_994 : memref<1x128xi32, #tpu.memory_space<vmem>> -> memref<128xi32, #tpu.memory_space<vmem>>
      tpu.enqueue_dma source(%dma_start3A_995 : memref<128xi32, #tpu.memory_space<vmem>>) target(%dma_start3A_992 : memref<128xi32, #tpu.memory_space<vmem_shared>>) target_semaphore(%run_scoped3A_985 : memref<!tpu.dma_semaphore, #tpu.memory_space<semaphore_mem>>)
      %dma_wait3A_996 = arith.constant 0 : i32
      %dma_wait3A_997 = tpu.memref_slice %arg11[%run_scoped3A_972, %dma_wait3A_996] : memref<4x128xi32, #tpu.memory_space<vmem>> -> memref<1x128xi32, #tpu.memory_space<vmem>>
      %dma_wait3A_998 = tpu.memref_squeeze %dma_wait3A_997 : memref<1x128xi32, #tpu.memory_space<vmem>> -> memref<128xi32, #tpu.memory_space<vmem>>
      %dma_wait3A_999 = tpu.memref_slice %arg13[%add3A_969, %mul3A_971] : memref<16x512xi32, #tpu.memory_space<vmem_shared>> -> memref<1x128xi32, #tpu.memory_space<vmem_shared>>
      %dma_wait3A_1000 = tpu.memref_squeeze %dma_wait3A_999 : memref<1x128xi32, #tpu.memory_space<vmem_shared>> -> memref<128xi32, #tpu.memory_space<vmem_shared>>
      %dma_wait3A_1001 = tpu.memref_slice %arg13[%add3A_969, %mul3A_971] : memref<16x512xi32, #tpu.memory_space<vmem_shared>> -> memref<1x128xi32, #tpu.memory_space<vmem_shared>>
      %dma_wait3A_1002 = tpu.memref_squeeze %dma_wait3A_1001 : memref<1x128xi32, #tpu.memory_space<vmem_shared>> -> memref<128xi32, #tpu.memory_space<vmem_shared>>
      %dma_wait3A_1003 = arith.constant 0 : i32
      %dma_wait3A_1004 = tpu.memref_slice %arg11[%run_scoped3A_972, %dma_wait3A_1003] : memref<4x128xi32, #tpu.memory_space<vmem>> -> memref<1x128xi32, #tpu.memory_space<vmem>>
      %dma_wait3A_1005 = tpu.memref_squeeze %dma_wait3A_1004 : memref<1x128xi32, #tpu.memory_space<vmem>> -> memref<128xi32, #tpu.memory_space<vmem>>
      tpu.wait_dma2 semaphore(%run_scoped3A_985 : memref<!tpu.dma_semaphore, #tpu.memory_space<semaphore_mem>>) src(%dma_wait3A_1005 : memref<128xi32, #tpu.memory_space<vmem>>) dst(%dma_wait3A_1002 : memref<128xi32, #tpu.memory_space<vmem_shared>>)
      tpu.yield
    }) : () -> ()
    %add3A_973 = arith.constant 8 : i32
    %add3A_974 = arith.addi %div3A_1, %add3A_973 : i32
    %mul3A_975 = arith.constant 128 : i32
    %mul3A_976 = arith.muli %rem3A_0, %mul3A_975 : i32
    %run_scoped3A_977 = arith.constant 2 : i32
    "tpu.region"() ({
      %run_scoped3A_985 = tpu.sem_alloc : memref<!tpu.dma_semaphore, #tpu.memory_space<semaphore_mem>>
      %dma_start3A_986 = arith.constant 0 : i32
      %dma_start3A_987 = tpu.memref_slice %arg11[%run_scoped3A_977, %dma_start3A_986] : memref<4x128xi32, #tpu.memory_space<vmem>> -> memref<1x128xi32, #tpu.memory_space<vmem>>
      %dma_start3A_988 = tpu.memref_squeeze %dma_start3A_987 : memref<1x128xi32, #tpu.memory_space<vmem>> -> memref<128xi32, #tpu.memory_space<vmem>>
      %dma_start3A_989 = tpu.memref_slice %arg13[%add3A_974, %mul3A_976] : memref<16x512xi32, #tpu.memory_space<vmem_shared>> -> memref<1x128xi32, #tpu.memory_space<vmem_shared>>
      %dma_start3A_990 = tpu.memref_squeeze %dma_start3A_989 : memref<1x128xi32, #tpu.memory_space<vmem_shared>> -> memref<128xi32, #tpu.memory_space<vmem_shared>>
      %dma_start3A_991 = tpu.memref_slice %arg13[%add3A_974, %mul3A_976] : memref<16x512xi32, #tpu.memory_space<vmem_shared>> -> memref<1x128xi32, #tpu.memory_space<vmem_shared>>
      %dma_start3A_992 = tpu.memref_squeeze %dma_start3A_991 : memref<1x128xi32, #tpu.memory_space<vmem_shared>> -> memref<128xi32, #tpu.memory_space<vmem_shared>>
      %dma_start3A_993 = arith.constant 0 : i32
      %dma_start3A_994 = tpu.memref_slice %arg11[%run_scoped3A_977, %dma_start3A_993] : memref<4x128xi32, #tpu.memory_space<vmem>> -> memref<1x128xi32, #tpu.memory_space<vmem>>
      %dma_start3A_995 = tpu.memref_squeeze %dma_start3A_994 : memref<1x128xi32, #tpu.memory_space<vmem>> -> memref<128xi32, #tpu.memory_space<vmem>>
      tpu.enqueue_dma source(%dma_start3A_995 : memref<128xi32, #tpu.memory_space<vmem>>) target(%dma_start3A_992 : memref<128xi32, #tpu.memory_space<vmem_shared>>) target_semaphore(%run_scoped3A_985 : memref<!tpu.dma_semaphore, #tpu.memory_space<semaphore_mem>>)
      %dma_wait3A_996 = arith.constant 0 : i32
      %dma_wait3A_997 = tpu.memref_slice %arg11[%run_scoped3A_977, %dma_wait3A_996] : memref<4x128xi32, #tpu.memory_space<vmem>> -> memref<1x128xi32, #tpu.memory_space<vmem>>
      %dma_wait3A_998 = tpu.memref_squeeze %dma_wait3A_997 : memref<1x128xi32, #tpu.memory_space<vmem>> -> memref<128xi32, #tpu.memory_space<vmem>>
      %dma_wait3A_999 = tpu.memref_slice %arg13[%add3A_974, %mul3A_976] : memref<16x512xi32, #tpu.memory_space<vmem_shared>> -> memref<1x128xi32, #tpu.memory_space<vmem_shared>>
      %dma_wait3A_1000 = tpu.memref_squeeze %dma_wait3A_999 : memref<1x128xi32, #tpu.memory_space<vmem_shared>> -> memref<128xi32, #tpu.memory_space<vmem_shared>>
      %dma_wait3A_1001 = tpu.memref_slice %arg13[%add3A_974, %mul3A_976] : memref<16x512xi32, #tpu.memory_space<vmem_shared>> -> memref<1x128xi32, #tpu.memory_space<vmem_shared>>
      %dma_wait3A_1002 = tpu.memref_squeeze %dma_wait3A_1001 : memref<1x128xi32, #tpu.memory_space<vmem_shared>> -> memref<128xi32, #tpu.memory_space<vmem_shared>>
      %dma_wait3A_1003 = arith.constant 0 : i32
      %dma_wait3A_1004 = tpu.memref_slice %arg11[%run_scoped3A_977, %dma_wait3A_1003] : memref<4x128xi32, #tpu.memory_space<vmem>> -> memref<1x128xi32, #tpu.memory_space<vmem>>
      %dma_wait3A_1005 = tpu.memref_squeeze %dma_wait3A_1004 : memref<1x128xi32, #tpu.memory_space<vmem>> -> memref<128xi32, #tpu.memory_space<vmem>>
      tpu.wait_dma2 semaphore(%run_scoped3A_985 : memref<!tpu.dma_semaphore, #tpu.memory_space<semaphore_mem>>) src(%dma_wait3A_1005 : memref<128xi32, #tpu.memory_space<vmem>>) dst(%dma_wait3A_1002 : memref<128xi32, #tpu.memory_space<vmem_shared>>)
      tpu.yield
    }) : () -> ()
    %add3A_978 = arith.constant 12 : i32
    %add3A_979 = arith.addi %div3A_1, %add3A_978 : i32
    %mul3A_980 = arith.constant 128 : i32
    %mul3A_981 = arith.muli %rem3A_0, %mul3A_980 : i32
    %run_scoped3A_982 = arith.constant 3 : i32
    "tpu.region"() ({
      %run_scoped3A_985 = tpu.sem_alloc : memref<!tpu.dma_semaphore, #tpu.memory_space<semaphore_mem>>
      %dma_start3A_986 = arith.constant 0 : i32
      %dma_start3A_987 = tpu.memref_slice %arg11[%run_scoped3A_982, %dma_start3A_986] : memref<4x128xi32, #tpu.memory_space<vmem>> -> memref<1x128xi32, #tpu.memory_space<vmem>>
      %dma_start3A_988 = tpu.memref_squeeze %dma_start3A_987 : memref<1x128xi32, #tpu.memory_space<vmem>> -> memref<128xi32, #tpu.memory_space<vmem>>
      %dma_start3A_989 = tpu.memref_slice %arg13[%add3A_979, %mul3A_981] : memref<16x512xi32, #tpu.memory_space<vmem_shared>> -> memref<1x128xi32, #tpu.memory_space<vmem_shared>>
      %dma_start3A_990 = tpu.memref_squeeze %dma_start3A_989 : memref<1x128xi32, #tpu.memory_space<vmem_shared>> -> memref<128xi32, #tpu.memory_space<vmem_shared>>
      %dma_start3A_991 = tpu.memref_slice %arg13[%add3A_979, %mul3A_981] : memref<16x512xi32, #tpu.memory_space<vmem_shared>> -> memref<1x128xi32, #tpu.memory_space<vmem_shared>>
      %dma_start3A_992 = tpu.memref_squeeze %dma_start3A_991 : memref<1x128xi32, #tpu.memory_space<vmem_shared>> -> memref<128xi32, #tpu.memory_space<vmem_shared>>
      %dma_start3A_993 = arith.constant 0 : i32
      %dma_start3A_994 = tpu.memref_slice %arg11[%run_scoped3A_982, %dma_start3A_993] : memref<4x128xi32, #tpu.memory_space<vmem>> -> memref<1x128xi32, #tpu.memory_space<vmem>>
      %dma_start3A_995 = tpu.memref_squeeze %dma_start3A_994 : memref<1x128xi32, #tpu.memory_space<vmem>> -> memref<128xi32, #tpu.memory_space<vmem>>
      tpu.enqueue_dma source(%dma_start3A_995 : memref<128xi32, #tpu.memory_space<vmem>>) target(%dma_start3A_992 : memref<128xi32, #tpu.memory_space<vmem_shared>>) target_semaphore(%run_scoped3A_985 : memref<!tpu.dma_semaphore, #tpu.memory_space<semaphore_mem>>)
      %dma_wait3A_996 = arith.constant 0 : i32
      %dma_wait3A_997 = tpu.memref_slice %arg11[%run_scoped3A_982, %dma_wait3A_996] : memref<4x128xi32, #tpu.memory_space<vmem>> -> memref<1x128xi32, #tpu.memory_space<vmem>>
      %dma_wait3A_998 = tpu.memref_squeeze %dma_wait3A_997 : memref<1x128xi32, #tpu.memory_space<vmem>> -> memref<128xi32, #tpu.memory_space<vmem>>
      %dma_wait3A_999 = tpu.memref_slice %arg13[%add3A_979, %mul3A_981] : memref<16x512xi32, #tpu.memory_space<vmem_shared>> -> memref<1x128xi32, #tpu.memory_space<vmem_shared>>
      %dma_wait3A_1000 = tpu.memref_squeeze %dma_wait3A_999 : memref<1x128xi32, #tpu.memory_space<vmem_shared>> -> memref<128xi32, #tpu.memory_space<vmem_shared>>
      %dma_wait3A_1001 = tpu.memref_slice %arg13[%add3A_979, %mul3A_981] : memref<16x512xi32, #tpu.memory_space<vmem_shared>> -> memref<1x128xi32, #tpu.memory_space<vmem_shared>>
      %dma_wait3A_1002 = tpu.memref_squeeze %dma_wait3A_1001 : memref<1x128xi32, #tpu.memory_space<vmem_shared>> -> memref<128xi32, #tpu.memory_space<vmem_shared>>
      %dma_wait3A_1003 = arith.constant 0 : i32
      %dma_wait3A_1004 = tpu.memref_slice %arg11[%run_scoped3A_982, %dma_wait3A_1003] : memref<4x128xi32, #tpu.memory_space<vmem>> -> memref<1x128xi32, #tpu.memory_space<vmem>>
      %dma_wait3A_1005 = tpu.memref_squeeze %dma_wait3A_1004 : memref<1x128xi32, #tpu.memory_space<vmem>> -> memref<128xi32, #tpu.memory_space<vmem>>
      tpu.wait_dma2 semaphore(%run_scoped3A_985 : memref<!tpu.dma_semaphore, #tpu.memory_space<semaphore_mem>>) src(%dma_wait3A_1005 : memref<128xi32, #tpu.memory_space<vmem>>) dst(%dma_wait3A_1002 : memref<128xi32, #tpu.memory_space<vmem_shared>>)
      tpu.yield
    }) : () -> ()
    %barrier3A = arith.constant 0 : index
    tpu.barrier barrier_id(%barrier3A)
    %eq3A = arith.constant 0 : i32
    %eq3A_983 = arith.cmpi eq, %arg1, %eq3A : i32
    %convert_element_type3A = arith.extui %eq3A_983 : i1 to i32
    %cond3A = arith.constant 0 : i32
    %cond3A_984 = arith.cmpi ne, %convert_element_type3A, %cond3A : i32
    scf.if %cond3A_984 {
      %mul3A_985 = arith.constant 512 : i32
      %mul3A_986 = arith.muli %arg0, %mul3A_985 : i32
      %multiple_of3A_987 = tpu.assume_multiple %mul3A_986, 512 : i32
      "tpu.region"() ({
        %run_scoped3A_988 = tpu.sem_alloc : memref<!tpu.dma_semaphore, #tpu.memory_space<semaphore_mem>>
        %dma_start3A_989 = arith.constant 0 : i32
        %dma_start3A_990 = tpu.memref_slice %arg6[%dma_start3A_989, %multiple_of3A_987] : memref<16x1024xi32, #tpu.memory_space<hbm>> -> memref<16x512xi32, #tpu.memory_space<hbm>>
        tpu.enqueue_dma source(%arg13 : memref<16x512xi32, #tpu.memory_space<vmem_shared>>) target(%dma_start3A_990 : memref<16x512xi32, #tpu.memory_space<hbm>>) target_semaphore(%run_scoped3A_988 : memref<!tpu.dma_semaphore, #tpu.memory_space<semaphore_mem>>)
        %dma_wait3A_991 = arith.constant 0 : i32
        %dma_wait3A_992 = tpu.memref_slice %arg6[%dma_wait3A_991, %multiple_of3A_987] : memref<16x1024xi32, #tpu.memory_space<hbm>> -> memref<16x512xi32, #tpu.memory_space<hbm>>
        tpu.wait_dma2 semaphore(%run_scoped3A_988 : memref<!tpu.dma_semaphore, #tpu.memory_space<semaphore_mem>>) src(%arg13 : memref<16x512xi32, #tpu.memory_space<vmem_shared>>) dst(%dma_wait3A_992 : memref<16x512xi32, #tpu.memory_space<hbm>>)
        tpu.yield
      }) : () -> ()
    } else {
    }
    return
  }
}

module attributes {stable_mosaic.version = 14 : i64} {
  func.func @body(%arg0: i32, %arg1: memref<17xi32, #tpu.memory_space<smem>>, %arg2: memref<2048x1024xf32, #tpu.memory_space<vmem>>, %arg3: memref<16x1024xf32, #tpu.memory_space<vmem>>, %arg4: memref<16x1024xi32, #tpu.memory_space<vmem>>, %arg5: memref<32x1024xf32, #tpu.memory_space<vmem>>, %arg6: memref<32x1024xi32, #tpu.memory_space<vmem>>, %arg7: memref<16x1024xf32, #tpu.memory_space<vmem>>, %arg8: memref<16x1024xi32, #tpu.memory_space<vmem>>) attributes {dimension_semantics = [#tpu.dimension_semantics<arbitrary>], iteration_bounds = array<i64: 16>, scalar_prefetch = 1 : i64, scratch_operands = 4 : i64, tpu.core_type = #tpu.core_type<tc>, window_params = [{transform_indices = @transform_0, window_bounds = array<i64: 2048, 1024>}, {pipeline_mode = #tpu.pipeline_mode<synchronous>, transform_indices = @transform_1, window_bounds = array<i64: 16, 1024>}, {pipeline_mode = #tpu.pipeline_mode<synchronous>, transform_indices = @transform_2, window_bounds = array<i64: 16, 1024>}]} {
    %mul3A = arith.constant 2048 : i32
    %mul3A_0 = arith.muli %arg0, %mul3A : i32
    %eq3A = arith.constant 0 : i32
    %eq3A_1 = arith.cmpi eq, %arg0, %eq3A : i32
    %convert_element_type3A = arith.extui %eq3A_1 : i1 to i32
    %cond3A = arith.constant 0 : i32
    %cond3A_2 = arith.cmpi ne, %convert_element_type3A, %cond3A : i32
    scf.if %cond3A_2 {
      %broadcast_in_dim3A_1148 = arith.constant 0xFF800000 : f32
      %broadcast_in_dim3A_1149 = vector.broadcast %broadcast_in_dim3A_1148 : f32 to vector<16x1024xf32>
      %swap3A_1150 = arith.constant 0 : index
      %swap3A_1151 = arith.constant 0 : index
      %swap3A_1152 = vector.load %arg7[%swap3A_1150, %swap3A_1151] : memref<16x1024xf32, #tpu.memory_space<vmem>>, vector<16x1024xf32>
      tpu.vector_store %arg7[%swap3A_1150, %swap3A_1151], %broadcast_in_dim3A_1149 {strides = array<i32>} : memref<16x1024xf32, #tpu.memory_space<vmem>>, vector<16x1024xf32>,
      %broadcast_in_dim3A_1153 = arith.constant 0 : i32
      %broadcast_in_dim3A_1154 = vector.broadcast %broadcast_in_dim3A_1153 : i32 to vector<16x1024xi32>
      %swap3A_1155 = arith.constant 0 : index
      %swap3A_1156 = arith.constant 0 : index
      %swap3A_1157 = vector.load %arg8[%swap3A_1155, %swap3A_1156] : memref<16x1024xi32, #tpu.memory_space<vmem>>, vector<16x1024xi32>
      tpu.vector_store %arg8[%swap3A_1155, %swap3A_1156], %broadcast_in_dim3A_1154 {strides = array<i32>} : memref<16x1024xi32, #tpu.memory_space<vmem>>, vector<16x1024xi32>,
    } else {
    }
    %get3A = arith.constant 0 : index
    %get3A_3 = arith.constant 0 : index
    %get3A_4 = vector.load %arg2[%get3A, %get3A_3] : memref<2048x1024xf32, #tpu.memory_space<vmem>>, vector<64x1024xf32>
    %reduce_max3A = arith.constant dense<0xFF800000> : vector<1024xf32>
    %reduce_max3A_5 = vector.multi_reduction <maximumf>, %get3A_4, %reduce_max3A [0] : vector<64x1024xf32> to vector<1024xf32>
    %broadcast_in_dim3A = vector.shape_cast %reduce_max3A_5 : vector<1024xf32> to vector<1x1024xf32>
    %iota3A = tpu.iota {dimensions = array<i32: 0>} : vector<64x1024xi32>
    %eq3A_6 = vector.broadcast %broadcast_in_dim3A : vector<1x1024xf32> to vector<64x1024xf32>
    %eq3A_7 = arith.cmpf oeq, %get3A_4, %eq3A_6 : vector<64x1024xf32>
    %jit3A = arith.constant 32768 : i32
    %broadcast_in_dim3A_8 = vector.broadcast %jit3A : i32 to vector<64x1024xi32>
    %select_n3A = arith.select %eq3A_7, %iota3A, %broadcast_in_dim3A_8 : vector<64x1024xi1>, vector<64x1024xi32>
    %reduce_min3A = arith.constant dense<2147483647> : vector<1024xi32>
    %reduce_min3A_9 = vector.multi_reduction <minsi>, %select_n3A, %reduce_min3A [0] : vector<64x1024xi32> to vector<1024xi32>
    %broadcast_in_dim3A_10 = vector.shape_cast %reduce_min3A_9 : vector<1024xi32> to vector<1x1024xi32>
    %swap3A = arith.constant 0 : index
    %swap3A_11 = arith.constant 0 : index
    %swap3A_12 = vector.load %arg5[%swap3A, %swap3A_11] : memref<32x1024xf32, #tpu.memory_space<vmem>>, vector<1x1024xf32>
    tpu.vector_store %arg5[%swap3A, %swap3A_11], %broadcast_in_dim3A {strides = array<i32>} : memref<32x1024xf32, #tpu.memory_space<vmem>>, vector<1x1024xf32>,
    %add3A = arith.constant 0 : i32
    %add3A_13 = arith.addi %mul3A_0, %add3A : i32
    %add3A_14 = vector.broadcast %add3A_13 : i32 to vector<1x1024xi32>
    %add3A_15 = arith.addi %broadcast_in_dim3A_10, %add3A_14 : vector<1x1024xi32>
    %swap3A_16 = arith.constant 0 : index
    %swap3A_17 = arith.constant 0 : index
    %swap3A_18 = vector.load %arg6[%swap3A_16, %swap3A_17] : memref<32x1024xi32, #tpu.memory_space<vmem>>, vector<1x1024xi32>
    tpu.vector_store %arg6[%swap3A_16, %swap3A_17], %add3A_15 {strides = array<i32>} : memref<32x1024xi32, #tpu.memory_space<vmem>>, vector<1x1024xi32>,
    %get3A_19 = arith.constant 64 : index
    %get3A_20 = arith.constant 0 : index
    %get3A_21 = vector.load %arg2[%get3A_19, %get3A_20] : memref<2048x1024xf32, #tpu.memory_space<vmem>>, vector<64x1024xf32>
    %reduce_max3A_22 = arith.constant dense<0xFF800000> : vector<1024xf32>
    %reduce_max3A_23 = vector.multi_reduction <maximumf>, %get3A_21, %reduce_max3A_22 [0] : vector<64x1024xf32> to vector<1024xf32>
    %broadcast_in_dim3A_24 = vector.shape_cast %reduce_max3A_23 : vector<1024xf32> to vector<1x1024xf32>
    %iota3A_25 = tpu.iota {dimensions = array<i32: 0>} : vector<64x1024xi32>
    %eq3A_26 = vector.broadcast %broadcast_in_dim3A_24 : vector<1x1024xf32> to vector<64x1024xf32>
    %eq3A_27 = arith.cmpf oeq, %get3A_21, %eq3A_26 : vector<64x1024xf32>
    %jit3A_28 = arith.constant 32768 : i32
    %broadcast_in_dim3A_29 = vector.broadcast %jit3A_28 : i32 to vector<64x1024xi32>
    %select_n3A_30 = arith.select %eq3A_27, %iota3A_25, %broadcast_in_dim3A_29 : vector<64x1024xi1>, vector<64x1024xi32>
    %reduce_min3A_31 = arith.constant dense<2147483647> : vector<1024xi32>
    %reduce_min3A_32 = vector.multi_reduction <minsi>, %select_n3A_30, %reduce_min3A_31 [0] : vector<64x1024xi32> to vector<1024xi32>
    %broadcast_in_dim3A_33 = vector.shape_cast %reduce_min3A_32 : vector<1024xi32> to vector<1x1024xi32>
    %swap3A_34 = arith.constant 1 : index
    %swap3A_35 = arith.constant 0 : index
    %swap3A_36 = vector.load %arg5[%swap3A_34, %swap3A_35] : memref<32x1024xf32, #tpu.memory_space<vmem>>, vector<1x1024xf32>
    tpu.vector_store %arg5[%swap3A_34, %swap3A_35], %broadcast_in_dim3A_24 {strides = array<i32>} : memref<32x1024xf32, #tpu.memory_space<vmem>>, vector<1x1024xf32>,
    %add3A_37 = arith.constant 64 : i32
    %add3A_38 = arith.addi %mul3A_0, %add3A_37 : i32
    %add3A_39 = vector.broadcast %add3A_38 : i32 to vector<1x1024xi32>
    %add3A_40 = arith.addi %broadcast_in_dim3A_33, %add3A_39 : vector<1x1024xi32>
    %swap3A_41 = arith.constant 1 : index
    %swap3A_42 = arith.constant 0 : index
    %swap3A_43 = vector.load %arg6[%swap3A_41, %swap3A_42] : memref<32x1024xi32, #tpu.memory_space<vmem>>, vector<1x1024xi32>
    tpu.vector_store %arg6[%swap3A_41, %swap3A_42], %add3A_40 {strides = array<i32>} : memref<32x1024xi32, #tpu.memory_space<vmem>>, vector<1x1024xi32>,
    %get3A_44 = arith.constant 128 : index
    %get3A_45 = arith.constant 0 : index
    %get3A_46 = vector.load %arg2[%get3A_44, %get3A_45] : memref<2048x1024xf32, #tpu.memory_space<vmem>>, vector<64x1024xf32>
    %reduce_max3A_47 = arith.constant dense<0xFF800000> : vector<1024xf32>
    %reduce_max3A_48 = vector.multi_reduction <maximumf>, %get3A_46, %reduce_max3A_47 [0] : vector<64x1024xf32> to vector<1024xf32>
    %broadcast_in_dim3A_49 = vector.shape_cast %reduce_max3A_48 : vector<1024xf32> to vector<1x1024xf32>
    %iota3A_50 = tpu.iota {dimensions = array<i32: 0>} : vector<64x1024xi32>
    %eq3A_51 = vector.broadcast %broadcast_in_dim3A_49 : vector<1x1024xf32> to vector<64x1024xf32>
    %eq3A_52 = arith.cmpf oeq, %get3A_46, %eq3A_51 : vector<64x1024xf32>
    %jit3A_53 = arith.constant 32768 : i32
    %broadcast_in_dim3A_54 = vector.broadcast %jit3A_53 : i32 to vector<64x1024xi32>
    %select_n3A_55 = arith.select %eq3A_52, %iota3A_50, %broadcast_in_dim3A_54 : vector<64x1024xi1>, vector<64x1024xi32>
    %reduce_min3A_56 = arith.constant dense<2147483647> : vector<1024xi32>
    %reduce_min3A_57 = vector.multi_reduction <minsi>, %select_n3A_55, %reduce_min3A_56 [0] : vector<64x1024xi32> to vector<1024xi32>
    %broadcast_in_dim3A_58 = vector.shape_cast %reduce_min3A_57 : vector<1024xi32> to vector<1x1024xi32>
    %swap3A_59 = arith.constant 2 : index
    %swap3A_60 = arith.constant 0 : index
    %swap3A_61 = vector.load %arg5[%swap3A_59, %swap3A_60] : memref<32x1024xf32, #tpu.memory_space<vmem>>, vector<1x1024xf32>
    tpu.vector_store %arg5[%swap3A_59, %swap3A_60], %broadcast_in_dim3A_49 {strides = array<i32>} : memref<32x1024xf32, #tpu.memory_space<vmem>>, vector<1x1024xf32>,
    %add3A_62 = arith.constant 128 : i32
    %add3A_63 = arith.addi %mul3A_0, %add3A_62 : i32
    %add3A_64 = vector.broadcast %add3A_63 : i32 to vector<1x1024xi32>
    %add3A_65 = arith.addi %broadcast_in_dim3A_58, %add3A_64 : vector<1x1024xi32>
    %swap3A_66 = arith.constant 2 : index
    %swap3A_67 = arith.constant 0 : index
    %swap3A_68 = vector.load %arg6[%swap3A_66, %swap3A_67] : memref<32x1024xi32, #tpu.memory_space<vmem>>, vector<1x1024xi32>
    tpu.vector_store %arg6[%swap3A_66, %swap3A_67], %add3A_65 {strides = array<i32>} : memref<32x1024xi32, #tpu.memory_space<vmem>>, vector<1x1024xi32>,
    %get3A_69 = arith.constant 192 : index
    %get3A_70 = arith.constant 0 : index
    %get3A_71 = vector.load %arg2[%get3A_69, %get3A_70] : memref<2048x1024xf32, #tpu.memory_space<vmem>>, vector<64x1024xf32>
    %reduce_max3A_72 = arith.constant dense<0xFF800000> : vector<1024xf32>
    %reduce_max3A_73 = vector.multi_reduction <maximumf>, %get3A_71, %reduce_max3A_72 [0] : vector<64x1024xf32> to vector<1024xf32>
    %broadcast_in_dim3A_74 = vector.shape_cast %reduce_max3A_73 : vector<1024xf32> to vector<1x1024xf32>
    %iota3A_75 = tpu.iota {dimensions = array<i32: 0>} : vector<64x1024xi32>
    %eq3A_76 = vector.broadcast %broadcast_in_dim3A_74 : vector<1x1024xf32> to vector<64x1024xf32>
    %eq3A_77 = arith.cmpf oeq, %get3A_71, %eq3A_76 : vector<64x1024xf32>
    %jit3A_78 = arith.constant 32768 : i32
    %broadcast_in_dim3A_79 = vector.broadcast %jit3A_78 : i32 to vector<64x1024xi32>
    %select_n3A_80 = arith.select %eq3A_77, %iota3A_75, %broadcast_in_dim3A_79 : vector<64x1024xi1>, vector<64x1024xi32>
    %reduce_min3A_81 = arith.constant dense<2147483647> : vector<1024xi32>
    %reduce_min3A_82 = vector.multi_reduction <minsi>, %select_n3A_80, %reduce_min3A_81 [0] : vector<64x1024xi32> to vector<1024xi32>
    %broadcast_in_dim3A_83 = vector.shape_cast %reduce_min3A_82 : vector<1024xi32> to vector<1x1024xi32>
    %swap3A_84 = arith.constant 3 : index
    %swap3A_85 = arith.constant 0 : index
    %swap3A_86 = vector.load %arg5[%swap3A_84, %swap3A_85] : memref<32x1024xf32, #tpu.memory_space<vmem>>, vector<1x1024xf32>
    tpu.vector_store %arg5[%swap3A_84, %swap3A_85], %broadcast_in_dim3A_74 {strides = array<i32>} : memref<32x1024xf32, #tpu.memory_space<vmem>>, vector<1x1024xf32>,
    %add3A_87 = arith.constant 192 : i32
    %add3A_88 = arith.addi %mul3A_0, %add3A_87 : i32
    %add3A_89 = vector.broadcast %add3A_88 : i32 to vector<1x1024xi32>
    %add3A_90 = arith.addi %broadcast_in_dim3A_83, %add3A_89 : vector<1x1024xi32>
    %swap3A_91 = arith.constant 3 : index
    %swap3A_92 = arith.constant 0 : index
    %swap3A_93 = vector.load %arg6[%swap3A_91, %swap3A_92] : memref<32x1024xi32, #tpu.memory_space<vmem>>, vector<1x1024xi32>
    tpu.vector_store %arg6[%swap3A_91, %swap3A_92], %add3A_90 {strides = array<i32>} : memref<32x1024xi32, #tpu.memory_space<vmem>>, vector<1x1024xi32>,
    %get3A_94 = arith.constant 256 : index
    %get3A_95 = arith.constant 0 : index
    %get3A_96 = vector.load %arg2[%get3A_94, %get3A_95] : memref<2048x1024xf32, #tpu.memory_space<vmem>>, vector<64x1024xf32>
    %reduce_max3A_97 = arith.constant dense<0xFF800000> : vector<1024xf32>
    %reduce_max3A_98 = vector.multi_reduction <maximumf>, %get3A_96, %reduce_max3A_97 [0] : vector<64x1024xf32> to vector<1024xf32>
    %broadcast_in_dim3A_99 = vector.shape_cast %reduce_max3A_98 : vector<1024xf32> to vector<1x1024xf32>
    %iota3A_100 = tpu.iota {dimensions = array<i32: 0>} : vector<64x1024xi32>
    %eq3A_101 = vector.broadcast %broadcast_in_dim3A_99 : vector<1x1024xf32> to vector<64x1024xf32>
    %eq3A_102 = arith.cmpf oeq, %get3A_96, %eq3A_101 : vector<64x1024xf32>
    %jit3A_103 = arith.constant 32768 : i32
    %broadcast_in_dim3A_104 = vector.broadcast %jit3A_103 : i32 to vector<64x1024xi32>
    %select_n3A_105 = arith.select %eq3A_102, %iota3A_100, %broadcast_in_dim3A_104 : vector<64x1024xi1>, vector<64x1024xi32>
    %reduce_min3A_106 = arith.constant dense<2147483647> : vector<1024xi32>
    %reduce_min3A_107 = vector.multi_reduction <minsi>, %select_n3A_105, %reduce_min3A_106 [0] : vector<64x1024xi32> to vector<1024xi32>
    %broadcast_in_dim3A_108 = vector.shape_cast %reduce_min3A_107 : vector<1024xi32> to vector<1x1024xi32>
    %swap3A_109 = arith.constant 4 : index
    %swap3A_110 = arith.constant 0 : index
    %swap3A_111 = vector.load %arg5[%swap3A_109, %swap3A_110] : memref<32x1024xf32, #tpu.memory_space<vmem>>, vector<1x1024xf32>
    tpu.vector_store %arg5[%swap3A_109, %swap3A_110], %broadcast_in_dim3A_99 {strides = array<i32>} : memref<32x1024xf32, #tpu.memory_space<vmem>>, vector<1x1024xf32>,
    %add3A_112 = arith.constant 256 : i32
    %add3A_113 = arith.addi %mul3A_0, %add3A_112 : i32
    %add3A_114 = vector.broadcast %add3A_113 : i32 to vector<1x1024xi32>
    %add3A_115 = arith.addi %broadcast_in_dim3A_108, %add3A_114 : vector<1x1024xi32>
    %swap3A_116 = arith.constant 4 : index
    %swap3A_117 = arith.constant 0 : index
    %swap3A_118 = vector.load %arg6[%swap3A_116, %swap3A_117] : memref<32x1024xi32, #tpu.memory_space<vmem>>, vector<1x1024xi32>
    tpu.vector_store %arg6[%swap3A_116, %swap3A_117], %add3A_115 {strides = array<i32>} : memref<32x1024xi32, #tpu.memory_space<vmem>>, vector<1x1024xi32>,
    %get3A_119 = arith.constant 320 : index
    %get3A_120 = arith.constant 0 : index
    %get3A_121 = vector.load %arg2[%get3A_119, %get3A_120] : memref<2048x1024xf32, #tpu.memory_space<vmem>>, vector<64x1024xf32>
    %reduce_max3A_122 = arith.constant dense<0xFF800000> : vector<1024xf32>
    %reduce_max3A_123 = vector.multi_reduction <maximumf>, %get3A_121, %reduce_max3A_122 [0] : vector<64x1024xf32> to vector<1024xf32>
    %broadcast_in_dim3A_124 = vector.shape_cast %reduce_max3A_123 : vector<1024xf32> to vector<1x1024xf32>
    %iota3A_125 = tpu.iota {dimensions = array<i32: 0>} : vector<64x1024xi32>
    %eq3A_126 = vector.broadcast %broadcast_in_dim3A_124 : vector<1x1024xf32> to vector<64x1024xf32>
    %eq3A_127 = arith.cmpf oeq, %get3A_121, %eq3A_126 : vector<64x1024xf32>
    %jit3A_128 = arith.constant 32768 : i32
    %broadcast_in_dim3A_129 = vector.broadcast %jit3A_128 : i32 to vector<64x1024xi32>
    %select_n3A_130 = arith.select %eq3A_127, %iota3A_125, %broadcast_in_dim3A_129 : vector<64x1024xi1>, vector<64x1024xi32>
    %reduce_min3A_131 = arith.constant dense<2147483647> : vector<1024xi32>
    %reduce_min3A_132 = vector.multi_reduction <minsi>, %select_n3A_130, %reduce_min3A_131 [0] : vector<64x1024xi32> to vector<1024xi32>
    %broadcast_in_dim3A_133 = vector.shape_cast %reduce_min3A_132 : vector<1024xi32> to vector<1x1024xi32>
    %swap3A_134 = arith.constant 5 : index
    %swap3A_135 = arith.constant 0 : index
    %swap3A_136 = vector.load %arg5[%swap3A_134, %swap3A_135] : memref<32x1024xf32, #tpu.memory_space<vmem>>, vector<1x1024xf32>
    tpu.vector_store %arg5[%swap3A_134, %swap3A_135], %broadcast_in_dim3A_124 {strides = array<i32>} : memref<32x1024xf32, #tpu.memory_space<vmem>>, vector<1x1024xf32>,
    %add3A_137 = arith.constant 320 : i32
    %add3A_138 = arith.addi %mul3A_0, %add3A_137 : i32
    %add3A_139 = vector.broadcast %add3A_138 : i32 to vector<1x1024xi32>
    %add3A_140 = arith.addi %broadcast_in_dim3A_133, %add3A_139 : vector<1x1024xi32>
    %swap3A_141 = arith.constant 5 : index
    %swap3A_142 = arith.constant 0 : index
    %swap3A_143 = vector.load %arg6[%swap3A_141, %swap3A_142] : memref<32x1024xi32, #tpu.memory_space<vmem>>, vector<1x1024xi32>
    tpu.vector_store %arg6[%swap3A_141, %swap3A_142], %add3A_140 {strides = array<i32>} : memref<32x1024xi32, #tpu.memory_space<vmem>>, vector<1x1024xi32>,
    %get3A_144 = arith.constant 384 : index
    %get3A_145 = arith.constant 0 : index
    %get3A_146 = vector.load %arg2[%get3A_144, %get3A_145] : memref<2048x1024xf32, #tpu.memory_space<vmem>>, vector<64x1024xf32>
    %reduce_max3A_147 = arith.constant dense<0xFF800000> : vector<1024xf32>
    %reduce_max3A_148 = vector.multi_reduction <maximumf>, %get3A_146, %reduce_max3A_147 [0] : vector<64x1024xf32> to vector<1024xf32>
    %broadcast_in_dim3A_149 = vector.shape_cast %reduce_max3A_148 : vector<1024xf32> to vector<1x1024xf32>
    %iota3A_150 = tpu.iota {dimensions = array<i32: 0>} : vector<64x1024xi32>
    %eq3A_151 = vector.broadcast %broadcast_in_dim3A_149 : vector<1x1024xf32> to vector<64x1024xf32>
    %eq3A_152 = arith.cmpf oeq, %get3A_146, %eq3A_151 : vector<64x1024xf32>
    %jit3A_153 = arith.constant 32768 : i32
    %broadcast_in_dim3A_154 = vector.broadcast %jit3A_153 : i32 to vector<64x1024xi32>
    %select_n3A_155 = arith.select %eq3A_152, %iota3A_150, %broadcast_in_dim3A_154 : vector<64x1024xi1>, vector<64x1024xi32>
    %reduce_min3A_156 = arith.constant dense<2147483647> : vector<1024xi32>
    %reduce_min3A_157 = vector.multi_reduction <minsi>, %select_n3A_155, %reduce_min3A_156 [0] : vector<64x1024xi32> to vector<1024xi32>
    %broadcast_in_dim3A_158 = vector.shape_cast %reduce_min3A_157 : vector<1024xi32> to vector<1x1024xi32>
    %swap3A_159 = arith.constant 6 : index
    %swap3A_160 = arith.constant 0 : index
    %swap3A_161 = vector.load %arg5[%swap3A_159, %swap3A_160] : memref<32x1024xf32, #tpu.memory_space<vmem>>, vector<1x1024xf32>
    tpu.vector_store %arg5[%swap3A_159, %swap3A_160], %broadcast_in_dim3A_149 {strides = array<i32>} : memref<32x1024xf32, #tpu.memory_space<vmem>>, vector<1x1024xf32>,
    %add3A_162 = arith.constant 384 : i32
    %add3A_163 = arith.addi %mul3A_0, %add3A_162 : i32
    %add3A_164 = vector.broadcast %add3A_163 : i32 to vector<1x1024xi32>
    %add3A_165 = arith.addi %broadcast_in_dim3A_158, %add3A_164 : vector<1x1024xi32>
    %swap3A_166 = arith.constant 6 : index
    %swap3A_167 = arith.constant 0 : index
    %swap3A_168 = vector.load %arg6[%swap3A_166, %swap3A_167] : memref<32x1024xi32, #tpu.memory_space<vmem>>, vector<1x1024xi32>
    tpu.vector_store %arg6[%swap3A_166, %swap3A_167], %add3A_165 {strides = array<i32>} : memref<32x1024xi32, #tpu.memory_space<vmem>>, vector<1x1024xi32>,
    %get3A_169 = arith.constant 448 : index
    %get3A_170 = arith.constant 0 : index
    %get3A_171 = vector.load %arg2[%get3A_169, %get3A_170] : memref<2048x1024xf32, #tpu.memory_space<vmem>>, vector<64x1024xf32>
    %reduce_max3A_172 = arith.constant dense<0xFF800000> : vector<1024xf32>
    %reduce_max3A_173 = vector.multi_reduction <maximumf>, %get3A_171, %reduce_max3A_172 [0] : vector<64x1024xf32> to vector<1024xf32>
    %broadcast_in_dim3A_174 = vector.shape_cast %reduce_max3A_173 : vector<1024xf32> to vector<1x1024xf32>
    %iota3A_175 = tpu.iota {dimensions = array<i32: 0>} : vector<64x1024xi32>
    %eq3A_176 = vector.broadcast %broadcast_in_dim3A_174 : vector<1x1024xf32> to vector<64x1024xf32>
    %eq3A_177 = arith.cmpf oeq, %get3A_171, %eq3A_176 : vector<64x1024xf32>
    %jit3A_178 = arith.constant 32768 : i32
    %broadcast_in_dim3A_179 = vector.broadcast %jit3A_178 : i32 to vector<64x1024xi32>
    %select_n3A_180 = arith.select %eq3A_177, %iota3A_175, %broadcast_in_dim3A_179 : vector<64x1024xi1>, vector<64x1024xi32>
    %reduce_min3A_181 = arith.constant dense<2147483647> : vector<1024xi32>
    %reduce_min3A_182 = vector.multi_reduction <minsi>, %select_n3A_180, %reduce_min3A_181 [0] : vector<64x1024xi32> to vector<1024xi32>
    %broadcast_in_dim3A_183 = vector.shape_cast %reduce_min3A_182 : vector<1024xi32> to vector<1x1024xi32>
    %swap3A_184 = arith.constant 7 : index
    %swap3A_185 = arith.constant 0 : index
    %swap3A_186 = vector.load %arg5[%swap3A_184, %swap3A_185] : memref<32x1024xf32, #tpu.memory_space<vmem>>, vector<1x1024xf32>
    tpu.vector_store %arg5[%swap3A_184, %swap3A_185], %broadcast_in_dim3A_174 {strides = array<i32>} : memref<32x1024xf32, #tpu.memory_space<vmem>>, vector<1x1024xf32>,
    %add3A_187 = arith.constant 448 : i32
    %add3A_188 = arith.addi %mul3A_0, %add3A_187 : i32
    %add3A_189 = vector.broadcast %add3A_188 : i32 to vector<1x1024xi32>
    %add3A_190 = arith.addi %broadcast_in_dim3A_183, %add3A_189 : vector<1x1024xi32>
    %swap3A_191 = arith.constant 7 : index
    %swap3A_192 = arith.constant 0 : index
    %swap3A_193 = vector.load %arg6[%swap3A_191, %swap3A_192] : memref<32x1024xi32, #tpu.memory_space<vmem>>, vector<1x1024xi32>
    tpu.vector_store %arg6[%swap3A_191, %swap3A_192], %add3A_190 {strides = array<i32>} : memref<32x1024xi32, #tpu.memory_space<vmem>>, vector<1x1024xi32>,
    %get3A_194 = arith.constant 512 : index
    %get3A_195 = arith.constant 0 : index
    %get3A_196 = vector.load %arg2[%get3A_194, %get3A_195] : memref<2048x1024xf32, #tpu.memory_space<vmem>>, vector<64x1024xf32>
    %reduce_max3A_197 = arith.constant dense<0xFF800000> : vector<1024xf32>
    %reduce_max3A_198 = vector.multi_reduction <maximumf>, %get3A_196, %reduce_max3A_197 [0] : vector<64x1024xf32> to vector<1024xf32>
    %broadcast_in_dim3A_199 = vector.shape_cast %reduce_max3A_198 : vector<1024xf32> to vector<1x1024xf32>
    %iota3A_200 = tpu.iota {dimensions = array<i32: 0>} : vector<64x1024xi32>
    %eq3A_201 = vector.broadcast %broadcast_in_dim3A_199 : vector<1x1024xf32> to vector<64x1024xf32>
    %eq3A_202 = arith.cmpf oeq, %get3A_196, %eq3A_201 : vector<64x1024xf32>
    %jit3A_203 = arith.constant 32768 : i32
    %broadcast_in_dim3A_204 = vector.broadcast %jit3A_203 : i32 to vector<64x1024xi32>
    %select_n3A_205 = arith.select %eq3A_202, %iota3A_200, %broadcast_in_dim3A_204 : vector<64x1024xi1>, vector<64x1024xi32>
    %reduce_min3A_206 = arith.constant dense<2147483647> : vector<1024xi32>
    %reduce_min3A_207 = vector.multi_reduction <minsi>, %select_n3A_205, %reduce_min3A_206 [0] : vector<64x1024xi32> to vector<1024xi32>
    %broadcast_in_dim3A_208 = vector.shape_cast %reduce_min3A_207 : vector<1024xi32> to vector<1x1024xi32>
    %swap3A_209 = arith.constant 8 : index
    %swap3A_210 = arith.constant 0 : index
    %swap3A_211 = vector.load %arg5[%swap3A_209, %swap3A_210] : memref<32x1024xf32, #tpu.memory_space<vmem>>, vector<1x1024xf32>
    tpu.vector_store %arg5[%swap3A_209, %swap3A_210], %broadcast_in_dim3A_199 {strides = array<i32>} : memref<32x1024xf32, #tpu.memory_space<vmem>>, vector<1x1024xf32>,
    %add3A_212 = arith.constant 512 : i32
    %add3A_213 = arith.addi %mul3A_0, %add3A_212 : i32
    %add3A_214 = vector.broadcast %add3A_213 : i32 to vector<1x1024xi32>
    %add3A_215 = arith.addi %broadcast_in_dim3A_208, %add3A_214 : vector<1x1024xi32>
    %swap3A_216 = arith.constant 8 : index
    %swap3A_217 = arith.constant 0 : index
    %swap3A_218 = vector.load %arg6[%swap3A_216, %swap3A_217] : memref<32x1024xi32, #tpu.memory_space<vmem>>, vector<1x1024xi32>
    tpu.vector_store %arg6[%swap3A_216, %swap3A_217], %add3A_215 {strides = array<i32>} : memref<32x1024xi32, #tpu.memory_space<vmem>>, vector<1x1024xi32>,
    %get3A_219 = arith.constant 576 : index
    %get3A_220 = arith.constant 0 : index
    %get3A_221 = vector.load %arg2[%get3A_219, %get3A_220] : memref<2048x1024xf32, #tpu.memory_space<vmem>>, vector<64x1024xf32>
    %reduce_max3A_222 = arith.constant dense<0xFF800000> : vector<1024xf32>
    %reduce_max3A_223 = vector.multi_reduction <maximumf>, %get3A_221, %reduce_max3A_222 [0] : vector<64x1024xf32> to vector<1024xf32>
    %broadcast_in_dim3A_224 = vector.shape_cast %reduce_max3A_223 : vector<1024xf32> to vector<1x1024xf32>
    %iota3A_225 = tpu.iota {dimensions = array<i32: 0>} : vector<64x1024xi32>
    %eq3A_226 = vector.broadcast %broadcast_in_dim3A_224 : vector<1x1024xf32> to vector<64x1024xf32>
    %eq3A_227 = arith.cmpf oeq, %get3A_221, %eq3A_226 : vector<64x1024xf32>
    %jit3A_228 = arith.constant 32768 : i32
    %broadcast_in_dim3A_229 = vector.broadcast %jit3A_228 : i32 to vector<64x1024xi32>
    %select_n3A_230 = arith.select %eq3A_227, %iota3A_225, %broadcast_in_dim3A_229 : vector<64x1024xi1>, vector<64x1024xi32>
    %reduce_min3A_231 = arith.constant dense<2147483647> : vector<1024xi32>
    %reduce_min3A_232 = vector.multi_reduction <minsi>, %select_n3A_230, %reduce_min3A_231 [0] : vector<64x1024xi32> to vector<1024xi32>
    %broadcast_in_dim3A_233 = vector.shape_cast %reduce_min3A_232 : vector<1024xi32> to vector<1x1024xi32>
    %swap3A_234 = arith.constant 9 : index
    %swap3A_235 = arith.constant 0 : index
    %swap3A_236 = vector.load %arg5[%swap3A_234, %swap3A_235] : memref<32x1024xf32, #tpu.memory_space<vmem>>, vector<1x1024xf32>
    tpu.vector_store %arg5[%swap3A_234, %swap3A_235], %broadcast_in_dim3A_224 {strides = array<i32>} : memref<32x1024xf32, #tpu.memory_space<vmem>>, vector<1x1024xf32>,
    %add3A_237 = arith.constant 576 : i32
    %add3A_238 = arith.addi %mul3A_0, %add3A_237 : i32
    %add3A_239 = vector.broadcast %add3A_238 : i32 to vector<1x1024xi32>
    %add3A_240 = arith.addi %broadcast_in_dim3A_233, %add3A_239 : vector<1x1024xi32>
    %swap3A_241 = arith.constant 9 : index
    %swap3A_242 = arith.constant 0 : index
    %swap3A_243 = vector.load %arg6[%swap3A_241, %swap3A_242] : memref<32x1024xi32, #tpu.memory_space<vmem>>, vector<1x1024xi32>
    tpu.vector_store %arg6[%swap3A_241, %swap3A_242], %add3A_240 {strides = array<i32>} : memref<32x1024xi32, #tpu.memory_space<vmem>>, vector<1x1024xi32>,
    %get3A_244 = arith.constant 640 : index
    %get3A_245 = arith.constant 0 : index
    %get3A_246 = vector.load %arg2[%get3A_244, %get3A_245] : memref<2048x1024xf32, #tpu.memory_space<vmem>>, vector<64x1024xf32>
    %reduce_max3A_247 = arith.constant dense<0xFF800000> : vector<1024xf32>
    %reduce_max3A_248 = vector.multi_reduction <maximumf>, %get3A_246, %reduce_max3A_247 [0] : vector<64x1024xf32> to vector<1024xf32>
    %broadcast_in_dim3A_249 = vector.shape_cast %reduce_max3A_248 : vector<1024xf32> to vector<1x1024xf32>
    %iota3A_250 = tpu.iota {dimensions = array<i32: 0>} : vector<64x1024xi32>
    %eq3A_251 = vector.broadcast %broadcast_in_dim3A_249 : vector<1x1024xf32> to vector<64x1024xf32>
    %eq3A_252 = arith.cmpf oeq, %get3A_246, %eq3A_251 : vector<64x1024xf32>
    %jit3A_253 = arith.constant 32768 : i32
    %broadcast_in_dim3A_254 = vector.broadcast %jit3A_253 : i32 to vector<64x1024xi32>
    %select_n3A_255 = arith.select %eq3A_252, %iota3A_250, %broadcast_in_dim3A_254 : vector<64x1024xi1>, vector<64x1024xi32>
    %reduce_min3A_256 = arith.constant dense<2147483647> : vector<1024xi32>
    %reduce_min3A_257 = vector.multi_reduction <minsi>, %select_n3A_255, %reduce_min3A_256 [0] : vector<64x1024xi32> to vector<1024xi32>
    %broadcast_in_dim3A_258 = vector.shape_cast %reduce_min3A_257 : vector<1024xi32> to vector<1x1024xi32>
    %swap3A_259 = arith.constant 10 : index
    %swap3A_260 = arith.constant 0 : index
    %swap3A_261 = vector.load %arg5[%swap3A_259, %swap3A_260] : memref<32x1024xf32, #tpu.memory_space<vmem>>, vector<1x1024xf32>
    tpu.vector_store %arg5[%swap3A_259, %swap3A_260], %broadcast_in_dim3A_249 {strides = array<i32>} : memref<32x1024xf32, #tpu.memory_space<vmem>>, vector<1x1024xf32>,
    %add3A_262 = arith.constant 640 : i32
    %add3A_263 = arith.addi %mul3A_0, %add3A_262 : i32
    %add3A_264 = vector.broadcast %add3A_263 : i32 to vector<1x1024xi32>
    %add3A_265 = arith.addi %broadcast_in_dim3A_258, %add3A_264 : vector<1x1024xi32>
    %swap3A_266 = arith.constant 10 : index
    %swap3A_267 = arith.constant 0 : index
    %swap3A_268 = vector.load %arg6[%swap3A_266, %swap3A_267] : memref<32x1024xi32, #tpu.memory_space<vmem>>, vector<1x1024xi32>
    tpu.vector_store %arg6[%swap3A_266, %swap3A_267], %add3A_265 {strides = array<i32>} : memref<32x1024xi32, #tpu.memory_space<vmem>>, vector<1x1024xi32>,
    %get3A_269 = arith.constant 704 : index
    %get3A_270 = arith.constant 0 : index
    %get3A_271 = vector.load %arg2[%get3A_269, %get3A_270] : memref<2048x1024xf32, #tpu.memory_space<vmem>>, vector<64x1024xf32>
    %reduce_max3A_272 = arith.constant dense<0xFF800000> : vector<1024xf32>
    %reduce_max3A_273 = vector.multi_reduction <maximumf>, %get3A_271, %reduce_max3A_272 [0] : vector<64x1024xf32> to vector<1024xf32>
    %broadcast_in_dim3A_274 = vector.shape_cast %reduce_max3A_273 : vector<1024xf32> to vector<1x1024xf32>
    %iota3A_275 = tpu.iota {dimensions = array<i32: 0>} : vector<64x1024xi32>
    %eq3A_276 = vector.broadcast %broadcast_in_dim3A_274 : vector<1x1024xf32> to vector<64x1024xf32>
    %eq3A_277 = arith.cmpf oeq, %get3A_271, %eq3A_276 : vector<64x1024xf32>
    %jit3A_278 = arith.constant 32768 : i32
    %broadcast_in_dim3A_279 = vector.broadcast %jit3A_278 : i32 to vector<64x1024xi32>
    %select_n3A_280 = arith.select %eq3A_277, %iota3A_275, %broadcast_in_dim3A_279 : vector<64x1024xi1>, vector<64x1024xi32>
    %reduce_min3A_281 = arith.constant dense<2147483647> : vector<1024xi32>
    %reduce_min3A_282 = vector.multi_reduction <minsi>, %select_n3A_280, %reduce_min3A_281 [0] : vector<64x1024xi32> to vector<1024xi32>
    %broadcast_in_dim3A_283 = vector.shape_cast %reduce_min3A_282 : vector<1024xi32> to vector<1x1024xi32>
    %swap3A_284 = arith.constant 11 : index
    %swap3A_285 = arith.constant 0 : index
    %swap3A_286 = vector.load %arg5[%swap3A_284, %swap3A_285] : memref<32x1024xf32, #tpu.memory_space<vmem>>, vector<1x1024xf32>
    tpu.vector_store %arg5[%swap3A_284, %swap3A_285], %broadcast_in_dim3A_274 {strides = array<i32>} : memref<32x1024xf32, #tpu.memory_space<vmem>>, vector<1x1024xf32>,
    %add3A_287 = arith.constant 704 : i32
    %add3A_288 = arith.addi %mul3A_0, %add3A_287 : i32
    %add3A_289 = vector.broadcast %add3A_288 : i32 to vector<1x1024xi32>
    %add3A_290 = arith.addi %broadcast_in_dim3A_283, %add3A_289 : vector<1x1024xi32>
    %swap3A_291 = arith.constant 11 : index
    %swap3A_292 = arith.constant 0 : index
    %swap3A_293 = vector.load %arg6[%swap3A_291, %swap3A_292] : memref<32x1024xi32, #tpu.memory_space<vmem>>, vector<1x1024xi32>
    tpu.vector_store %arg6[%swap3A_291, %swap3A_292], %add3A_290 {strides = array<i32>} : memref<32x1024xi32, #tpu.memory_space<vmem>>, vector<1x1024xi32>,
    %get3A_294 = arith.constant 768 : index
    %get3A_295 = arith.constant 0 : index
    %get3A_296 = vector.load %arg2[%get3A_294, %get3A_295] : memref<2048x1024xf32, #tpu.memory_space<vmem>>, vector<64x1024xf32>
    %reduce_max3A_297 = arith.constant dense<0xFF800000> : vector<1024xf32>
    %reduce_max3A_298 = vector.multi_reduction <maximumf>, %get3A_296, %reduce_max3A_297 [0] : vector<64x1024xf32> to vector<1024xf32>
    %broadcast_in_dim3A_299 = vector.shape_cast %reduce_max3A_298 : vector<1024xf32> to vector<1x1024xf32>
    %iota3A_300 = tpu.iota {dimensions = array<i32: 0>} : vector<64x1024xi32>
    %eq3A_301 = vector.broadcast %broadcast_in_dim3A_299 : vector<1x1024xf32> to vector<64x1024xf32>
    %eq3A_302 = arith.cmpf oeq, %get3A_296, %eq3A_301 : vector<64x1024xf32>
    %jit3A_303 = arith.constant 32768 : i32
    %broadcast_in_dim3A_304 = vector.broadcast %jit3A_303 : i32 to vector<64x1024xi32>
    %select_n3A_305 = arith.select %eq3A_302, %iota3A_300, %broadcast_in_dim3A_304 : vector<64x1024xi1>, vector<64x1024xi32>
    %reduce_min3A_306 = arith.constant dense<2147483647> : vector<1024xi32>
    %reduce_min3A_307 = vector.multi_reduction <minsi>, %select_n3A_305, %reduce_min3A_306 [0] : vector<64x1024xi32> to vector<1024xi32>
    %broadcast_in_dim3A_308 = vector.shape_cast %reduce_min3A_307 : vector<1024xi32> to vector<1x1024xi32>
    %swap3A_309 = arith.constant 12 : index
    %swap3A_310 = arith.constant 0 : index
    %swap3A_311 = vector.load %arg5[%swap3A_309, %swap3A_310] : memref<32x1024xf32, #tpu.memory_space<vmem>>, vector<1x1024xf32>
    tpu.vector_store %arg5[%swap3A_309, %swap3A_310], %broadcast_in_dim3A_299 {strides = array<i32>} : memref<32x1024xf32, #tpu.memory_space<vmem>>, vector<1x1024xf32>,
    %add3A_312 = arith.constant 768 : i32
    %add3A_313 = arith.addi %mul3A_0, %add3A_312 : i32
    %add3A_314 = vector.broadcast %add3A_313 : i32 to vector<1x1024xi32>
    %add3A_315 = arith.addi %broadcast_in_dim3A_308, %add3A_314 : vector<1x1024xi32>
    %swap3A_316 = arith.constant 12 : index
    %swap3A_317 = arith.constant 0 : index
    %swap3A_318 = vector.load %arg6[%swap3A_316, %swap3A_317] : memref<32x1024xi32, #tpu.memory_space<vmem>>, vector<1x1024xi32>
    tpu.vector_store %arg6[%swap3A_316, %swap3A_317], %add3A_315 {strides = array<i32>} : memref<32x1024xi32, #tpu.memory_space<vmem>>, vector<1x1024xi32>,
    %get3A_319 = arith.constant 832 : index
    %get3A_320 = arith.constant 0 : index
    %get3A_321 = vector.load %arg2[%get3A_319, %get3A_320] : memref<2048x1024xf32, #tpu.memory_space<vmem>>, vector<64x1024xf32>
    %reduce_max3A_322 = arith.constant dense<0xFF800000> : vector<1024xf32>
    %reduce_max3A_323 = vector.multi_reduction <maximumf>, %get3A_321, %reduce_max3A_322 [0] : vector<64x1024xf32> to vector<1024xf32>
    %broadcast_in_dim3A_324 = vector.shape_cast %reduce_max3A_323 : vector<1024xf32> to vector<1x1024xf32>
    %iota3A_325 = tpu.iota {dimensions = array<i32: 0>} : vector<64x1024xi32>
    %eq3A_326 = vector.broadcast %broadcast_in_dim3A_324 : vector<1x1024xf32> to vector<64x1024xf32>
    %eq3A_327 = arith.cmpf oeq, %get3A_321, %eq3A_326 : vector<64x1024xf32>
    %jit3A_328 = arith.constant 32768 : i32
    %broadcast_in_dim3A_329 = vector.broadcast %jit3A_328 : i32 to vector<64x1024xi32>
    %select_n3A_330 = arith.select %eq3A_327, %iota3A_325, %broadcast_in_dim3A_329 : vector<64x1024xi1>, vector<64x1024xi32>
    %reduce_min3A_331 = arith.constant dense<2147483647> : vector<1024xi32>
    %reduce_min3A_332 = vector.multi_reduction <minsi>, %select_n3A_330, %reduce_min3A_331 [0] : vector<64x1024xi32> to vector<1024xi32>
    %broadcast_in_dim3A_333 = vector.shape_cast %reduce_min3A_332 : vector<1024xi32> to vector<1x1024xi32>
    %swap3A_334 = arith.constant 13 : index
    %swap3A_335 = arith.constant 0 : index
    %swap3A_336 = vector.load %arg5[%swap3A_334, %swap3A_335] : memref<32x1024xf32, #tpu.memory_space<vmem>>, vector<1x1024xf32>
    tpu.vector_store %arg5[%swap3A_334, %swap3A_335], %broadcast_in_dim3A_324 {strides = array<i32>} : memref<32x1024xf32, #tpu.memory_space<vmem>>, vector<1x1024xf32>,
    %add3A_337 = arith.constant 832 : i32
    %add3A_338 = arith.addi %mul3A_0, %add3A_337 : i32
    %add3A_339 = vector.broadcast %add3A_338 : i32 to vector<1x1024xi32>
    %add3A_340 = arith.addi %broadcast_in_dim3A_333, %add3A_339 : vector<1x1024xi32>
    %swap3A_341 = arith.constant 13 : index
    %swap3A_342 = arith.constant 0 : index
    %swap3A_343 = vector.load %arg6[%swap3A_341, %swap3A_342] : memref<32x1024xi32, #tpu.memory_space<vmem>>, vector<1x1024xi32>
    tpu.vector_store %arg6[%swap3A_341, %swap3A_342], %add3A_340 {strides = array<i32>} : memref<32x1024xi32, #tpu.memory_space<vmem>>, vector<1x1024xi32>,
    %get3A_344 = arith.constant 896 : index
    %get3A_345 = arith.constant 0 : index
    %get3A_346 = vector.load %arg2[%get3A_344, %get3A_345] : memref<2048x1024xf32, #tpu.memory_space<vmem>>, vector<64x1024xf32>
    %reduce_max3A_347 = arith.constant dense<0xFF800000> : vector<1024xf32>
    %reduce_max3A_348 = vector.multi_reduction <maximumf>, %get3A_346, %reduce_max3A_347 [0] : vector<64x1024xf32> to vector<1024xf32>
    %broadcast_in_dim3A_349 = vector.shape_cast %reduce_max3A_348 : vector<1024xf32> to vector<1x1024xf32>
    %iota3A_350 = tpu.iota {dimensions = array<i32: 0>} : vector<64x1024xi32>
    %eq3A_351 = vector.broadcast %broadcast_in_dim3A_349 : vector<1x1024xf32> to vector<64x1024xf32>
    %eq3A_352 = arith.cmpf oeq, %get3A_346, %eq3A_351 : vector<64x1024xf32>
    %jit3A_353 = arith.constant 32768 : i32
    %broadcast_in_dim3A_354 = vector.broadcast %jit3A_353 : i32 to vector<64x1024xi32>
    %select_n3A_355 = arith.select %eq3A_352, %iota3A_350, %broadcast_in_dim3A_354 : vector<64x1024xi1>, vector<64x1024xi32>
    %reduce_min3A_356 = arith.constant dense<2147483647> : vector<1024xi32>
    %reduce_min3A_357 = vector.multi_reduction <minsi>, %select_n3A_355, %reduce_min3A_356 [0] : vector<64x1024xi32> to vector<1024xi32>
    %broadcast_in_dim3A_358 = vector.shape_cast %reduce_min3A_357 : vector<1024xi32> to vector<1x1024xi32>
    %swap3A_359 = arith.constant 14 : index
    %swap3A_360 = arith.constant 0 : index
    %swap3A_361 = vector.load %arg5[%swap3A_359, %swap3A_360] : memref<32x1024xf32, #tpu.memory_space<vmem>>, vector<1x1024xf32>
    tpu.vector_store %arg5[%swap3A_359, %swap3A_360], %broadcast_in_dim3A_349 {strides = array<i32>} : memref<32x1024xf32, #tpu.memory_space<vmem>>, vector<1x1024xf32>,
    %add3A_362 = arith.constant 896 : i32
    %add3A_363 = arith.addi %mul3A_0, %add3A_362 : i32
    %add3A_364 = vector.broadcast %add3A_363 : i32 to vector<1x1024xi32>
    %add3A_365 = arith.addi %broadcast_in_dim3A_358, %add3A_364 : vector<1x1024xi32>
    %swap3A_366 = arith.constant 14 : index
    %swap3A_367 = arith.constant 0 : index
    %swap3A_368 = vector.load %arg6[%swap3A_366, %swap3A_367] : memref<32x1024xi32, #tpu.memory_space<vmem>>, vector<1x1024xi32>
    tpu.vector_store %arg6[%swap3A_366, %swap3A_367], %add3A_365 {strides = array<i32>} : memref<32x1024xi32, #tpu.memory_space<vmem>>, vector<1x1024xi32>,
    %get3A_369 = arith.constant 960 : index
    %get3A_370 = arith.constant 0 : index
    %get3A_371 = vector.load %arg2[%get3A_369, %get3A_370] : memref<2048x1024xf32, #tpu.memory_space<vmem>>, vector<64x1024xf32>
    %reduce_max3A_372 = arith.constant dense<0xFF800000> : vector<1024xf32>
    %reduce_max3A_373 = vector.multi_reduction <maximumf>, %get3A_371, %reduce_max3A_372 [0] : vector<64x1024xf32> to vector<1024xf32>
    %broadcast_in_dim3A_374 = vector.shape_cast %reduce_max3A_373 : vector<1024xf32> to vector<1x1024xf32>
    %iota3A_375 = tpu.iota {dimensions = array<i32: 0>} : vector<64x1024xi32>
    %eq3A_376 = vector.broadcast %broadcast_in_dim3A_374 : vector<1x1024xf32> to vector<64x1024xf32>
    %eq3A_377 = arith.cmpf oeq, %get3A_371, %eq3A_376 : vector<64x1024xf32>
    %jit3A_378 = arith.constant 32768 : i32
    %broadcast_in_dim3A_379 = vector.broadcast %jit3A_378 : i32 to vector<64x1024xi32>
    %select_n3A_380 = arith.select %eq3A_377, %iota3A_375, %broadcast_in_dim3A_379 : vector<64x1024xi1>, vector<64x1024xi32>
    %reduce_min3A_381 = arith.constant dense<2147483647> : vector<1024xi32>
    %reduce_min3A_382 = vector.multi_reduction <minsi>, %select_n3A_380, %reduce_min3A_381 [0] : vector<64x1024xi32> to vector<1024xi32>
    %broadcast_in_dim3A_383 = vector.shape_cast %reduce_min3A_382 : vector<1024xi32> to vector<1x1024xi32>
    %swap3A_384 = arith.constant 15 : index
    %swap3A_385 = arith.constant 0 : index
    %swap3A_386 = vector.load %arg5[%swap3A_384, %swap3A_385] : memref<32x1024xf32, #tpu.memory_space<vmem>>, vector<1x1024xf32>
    tpu.vector_store %arg5[%swap3A_384, %swap3A_385], %broadcast_in_dim3A_374 {strides = array<i32>} : memref<32x1024xf32, #tpu.memory_space<vmem>>, vector<1x1024xf32>,
    %add3A_387 = arith.constant 960 : i32
    %add3A_388 = arith.addi %mul3A_0, %add3A_387 : i32
    %add3A_389 = vector.broadcast %add3A_388 : i32 to vector<1x1024xi32>
    %add3A_390 = arith.addi %broadcast_in_dim3A_383, %add3A_389 : vector<1x1024xi32>
    %swap3A_391 = arith.constant 15 : index
    %swap3A_392 = arith.constant 0 : index
    %swap3A_393 = vector.load %arg6[%swap3A_391, %swap3A_392] : memref<32x1024xi32, #tpu.memory_space<vmem>>, vector<1x1024xi32>
    tpu.vector_store %arg6[%swap3A_391, %swap3A_392], %add3A_390 {strides = array<i32>} : memref<32x1024xi32, #tpu.memory_space<vmem>>, vector<1x1024xi32>,
    %get3A_394 = arith.constant 1024 : index
    %get3A_395 = arith.constant 0 : index
    %get3A_396 = vector.load %arg2[%get3A_394, %get3A_395] : memref<2048x1024xf32, #tpu.memory_space<vmem>>, vector<64x1024xf32>
    %reduce_max3A_397 = arith.constant dense<0xFF800000> : vector<1024xf32>
    %reduce_max3A_398 = vector.multi_reduction <maximumf>, %get3A_396, %reduce_max3A_397 [0] : vector<64x1024xf32> to vector<1024xf32>
    %broadcast_in_dim3A_399 = vector.shape_cast %reduce_max3A_398 : vector<1024xf32> to vector<1x1024xf32>
    %iota3A_400 = tpu.iota {dimensions = array<i32: 0>} : vector<64x1024xi32>
    %eq3A_401 = vector.broadcast %broadcast_in_dim3A_399 : vector<1x1024xf32> to vector<64x1024xf32>
    %eq3A_402 = arith.cmpf oeq, %get3A_396, %eq3A_401 : vector<64x1024xf32>
    %jit3A_403 = arith.constant 32768 : i32
    %broadcast_in_dim3A_404 = vector.broadcast %jit3A_403 : i32 to vector<64x1024xi32>
    %select_n3A_405 = arith.select %eq3A_402, %iota3A_400, %broadcast_in_dim3A_404 : vector<64x1024xi1>, vector<64x1024xi32>
    %reduce_min3A_406 = arith.constant dense<2147483647> : vector<1024xi32>
    %reduce_min3A_407 = vector.multi_reduction <minsi>, %select_n3A_405, %reduce_min3A_406 [0] : vector<64x1024xi32> to vector<1024xi32>
    %broadcast_in_dim3A_408 = vector.shape_cast %reduce_min3A_407 : vector<1024xi32> to vector<1x1024xi32>
    %swap3A_409 = arith.constant 16 : index
    %swap3A_410 = arith.constant 0 : index
    %swap3A_411 = vector.load %arg5[%swap3A_409, %swap3A_410] : memref<32x1024xf32, #tpu.memory_space<vmem>>, vector<1x1024xf32>
    tpu.vector_store %arg5[%swap3A_409, %swap3A_410], %broadcast_in_dim3A_399 {strides = array<i32>} : memref<32x1024xf32, #tpu.memory_space<vmem>>, vector<1x1024xf32>,
    %add3A_412 = arith.constant 1024 : i32
    %add3A_413 = arith.addi %mul3A_0, %add3A_412 : i32
    %add3A_414 = vector.broadcast %add3A_413 : i32 to vector<1x1024xi32>
    %add3A_415 = arith.addi %broadcast_in_dim3A_408, %add3A_414 : vector<1x1024xi32>
    %swap3A_416 = arith.constant 16 : index
    %swap3A_417 = arith.constant 0 : index
    %swap3A_418 = vector.load %arg6[%swap3A_416, %swap3A_417] : memref<32x1024xi32, #tpu.memory_space<vmem>>, vector<1x1024xi32>
    tpu.vector_store %arg6[%swap3A_416, %swap3A_417], %add3A_415 {strides = array<i32>} : memref<32x1024xi32, #tpu.memory_space<vmem>>, vector<1x1024xi32>,
    %get3A_419 = arith.constant 1088 : index
    %get3A_420 = arith.constant 0 : index
    %get3A_421 = vector.load %arg2[%get3A_419, %get3A_420] : memref<2048x1024xf32, #tpu.memory_space<vmem>>, vector<64x1024xf32>
    %reduce_max3A_422 = arith.constant dense<0xFF800000> : vector<1024xf32>
    %reduce_max3A_423 = vector.multi_reduction <maximumf>, %get3A_421, %reduce_max3A_422 [0] : vector<64x1024xf32> to vector<1024xf32>
    %broadcast_in_dim3A_424 = vector.shape_cast %reduce_max3A_423 : vector<1024xf32> to vector<1x1024xf32>
    %iota3A_425 = tpu.iota {dimensions = array<i32: 0>} : vector<64x1024xi32>
    %eq3A_426 = vector.broadcast %broadcast_in_dim3A_424 : vector<1x1024xf32> to vector<64x1024xf32>
    %eq3A_427 = arith.cmpf oeq, %get3A_421, %eq3A_426 : vector<64x1024xf32>
    %jit3A_428 = arith.constant 32768 : i32
    %broadcast_in_dim3A_429 = vector.broadcast %jit3A_428 : i32 to vector<64x1024xi32>
    %select_n3A_430 = arith.select %eq3A_427, %iota3A_425, %broadcast_in_dim3A_429 : vector<64x1024xi1>, vector<64x1024xi32>
    %reduce_min3A_431 = arith.constant dense<2147483647> : vector<1024xi32>
    %reduce_min3A_432 = vector.multi_reduction <minsi>, %select_n3A_430, %reduce_min3A_431 [0] : vector<64x1024xi32> to vector<1024xi32>
    %broadcast_in_dim3A_433 = vector.shape_cast %reduce_min3A_432 : vector<1024xi32> to vector<1x1024xi32>
    %swap3A_434 = arith.constant 17 : index
    %swap3A_435 = arith.constant 0 : index
    %swap3A_436 = vector.load %arg5[%swap3A_434, %swap3A_435] : memref<32x1024xf32, #tpu.memory_space<vmem>>, vector<1x1024xf32>
    tpu.vector_store %arg5[%swap3A_434, %swap3A_435], %broadcast_in_dim3A_424 {strides = array<i32>} : memref<32x1024xf32, #tpu.memory_space<vmem>>, vector<1x1024xf32>,
    %add3A_437 = arith.constant 1088 : i32
    %add3A_438 = arith.addi %mul3A_0, %add3A_437 : i32
    %add3A_439 = vector.broadcast %add3A_438 : i32 to vector<1x1024xi32>
    %add3A_440 = arith.addi %broadcast_in_dim3A_433, %add3A_439 : vector<1x1024xi32>
    %swap3A_441 = arith.constant 17 : index
    %swap3A_442 = arith.constant 0 : index
    %swap3A_443 = vector.load %arg6[%swap3A_441, %swap3A_442] : memref<32x1024xi32, #tpu.memory_space<vmem>>, vector<1x1024xi32>
    tpu.vector_store %arg6[%swap3A_441, %swap3A_442], %add3A_440 {strides = array<i32>} : memref<32x1024xi32, #tpu.memory_space<vmem>>, vector<1x1024xi32>,
    %get3A_444 = arith.constant 1152 : index
    %get3A_445 = arith.constant 0 : index
    %get3A_446 = vector.load %arg2[%get3A_444, %get3A_445] : memref<2048x1024xf32, #tpu.memory_space<vmem>>, vector<64x1024xf32>
    %reduce_max3A_447 = arith.constant dense<0xFF800000> : vector<1024xf32>
    %reduce_max3A_448 = vector.multi_reduction <maximumf>, %get3A_446, %reduce_max3A_447 [0] : vector<64x1024xf32> to vector<1024xf32>
    %broadcast_in_dim3A_449 = vector.shape_cast %reduce_max3A_448 : vector<1024xf32> to vector<1x1024xf32>
    %iota3A_450 = tpu.iota {dimensions = array<i32: 0>} : vector<64x1024xi32>
    %eq3A_451 = vector.broadcast %broadcast_in_dim3A_449 : vector<1x1024xf32> to vector<64x1024xf32>
    %eq3A_452 = arith.cmpf oeq, %get3A_446, %eq3A_451 : vector<64x1024xf32>
    %jit3A_453 = arith.constant 32768 : i32
    %broadcast_in_dim3A_454 = vector.broadcast %jit3A_453 : i32 to vector<64x1024xi32>
    %select_n3A_455 = arith.select %eq3A_452, %iota3A_450, %broadcast_in_dim3A_454 : vector<64x1024xi1>, vector<64x1024xi32>
    %reduce_min3A_456 = arith.constant dense<2147483647> : vector<1024xi32>
    %reduce_min3A_457 = vector.multi_reduction <minsi>, %select_n3A_455, %reduce_min3A_456 [0] : vector<64x1024xi32> to vector<1024xi32>
    %broadcast_in_dim3A_458 = vector.shape_cast %reduce_min3A_457 : vector<1024xi32> to vector<1x1024xi32>
    %swap3A_459 = arith.constant 18 : index
    %swap3A_460 = arith.constant 0 : index
    %swap3A_461 = vector.load %arg5[%swap3A_459, %swap3A_460] : memref<32x1024xf32, #tpu.memory_space<vmem>>, vector<1x1024xf32>
    tpu.vector_store %arg5[%swap3A_459, %swap3A_460], %broadcast_in_dim3A_449 {strides = array<i32>} : memref<32x1024xf32, #tpu.memory_space<vmem>>, vector<1x1024xf32>,
    %add3A_462 = arith.constant 1152 : i32
    %add3A_463 = arith.addi %mul3A_0, %add3A_462 : i32
    %add3A_464 = vector.broadcast %add3A_463 : i32 to vector<1x1024xi32>
    %add3A_465 = arith.addi %broadcast_in_dim3A_458, %add3A_464 : vector<1x1024xi32>
    %swap3A_466 = arith.constant 18 : index
    %swap3A_467 = arith.constant 0 : index
    %swap3A_468 = vector.load %arg6[%swap3A_466, %swap3A_467] : memref<32x1024xi32, #tpu.memory_space<vmem>>, vector<1x1024xi32>
    tpu.vector_store %arg6[%swap3A_466, %swap3A_467], %add3A_465 {strides = array<i32>} : memref<32x1024xi32, #tpu.memory_space<vmem>>, vector<1x1024xi32>,
    %get3A_469 = arith.constant 1216 : index
    %get3A_470 = arith.constant 0 : index
    %get3A_471 = vector.load %arg2[%get3A_469, %get3A_470] : memref<2048x1024xf32, #tpu.memory_space<vmem>>, vector<64x1024xf32>
    %reduce_max3A_472 = arith.constant dense<0xFF800000> : vector<1024xf32>
    %reduce_max3A_473 = vector.multi_reduction <maximumf>, %get3A_471, %reduce_max3A_472 [0] : vector<64x1024xf32> to vector<1024xf32>
    %broadcast_in_dim3A_474 = vector.shape_cast %reduce_max3A_473 : vector<1024xf32> to vector<1x1024xf32>
    %iota3A_475 = tpu.iota {dimensions = array<i32: 0>} : vector<64x1024xi32>
    %eq3A_476 = vector.broadcast %broadcast_in_dim3A_474 : vector<1x1024xf32> to vector<64x1024xf32>
    %eq3A_477 = arith.cmpf oeq, %get3A_471, %eq3A_476 : vector<64x1024xf32>
    %jit3A_478 = arith.constant 32768 : i32
    %broadcast_in_dim3A_479 = vector.broadcast %jit3A_478 : i32 to vector<64x1024xi32>
    %select_n3A_480 = arith.select %eq3A_477, %iota3A_475, %broadcast_in_dim3A_479 : vector<64x1024xi1>, vector<64x1024xi32>
    %reduce_min3A_481 = arith.constant dense<2147483647> : vector<1024xi32>
    %reduce_min3A_482 = vector.multi_reduction <minsi>, %select_n3A_480, %reduce_min3A_481 [0] : vector<64x1024xi32> to vector<1024xi32>
    %broadcast_in_dim3A_483 = vector.shape_cast %reduce_min3A_482 : vector<1024xi32> to vector<1x1024xi32>
    %swap3A_484 = arith.constant 19 : index
    %swap3A_485 = arith.constant 0 : index
    %swap3A_486 = vector.load %arg5[%swap3A_484, %swap3A_485] : memref<32x1024xf32, #tpu.memory_space<vmem>>, vector<1x1024xf32>
    tpu.vector_store %arg5[%swap3A_484, %swap3A_485], %broadcast_in_dim3A_474 {strides = array<i32>} : memref<32x1024xf32, #tpu.memory_space<vmem>>, vector<1x1024xf32>,
    %add3A_487 = arith.constant 1216 : i32
    %add3A_488 = arith.addi %mul3A_0, %add3A_487 : i32
    %add3A_489 = vector.broadcast %add3A_488 : i32 to vector<1x1024xi32>
    %add3A_490 = arith.addi %broadcast_in_dim3A_483, %add3A_489 : vector<1x1024xi32>
    %swap3A_491 = arith.constant 19 : index
    %swap3A_492 = arith.constant 0 : index
    %swap3A_493 = vector.load %arg6[%swap3A_491, %swap3A_492] : memref<32x1024xi32, #tpu.memory_space<vmem>>, vector<1x1024xi32>
    tpu.vector_store %arg6[%swap3A_491, %swap3A_492], %add3A_490 {strides = array<i32>} : memref<32x1024xi32, #tpu.memory_space<vmem>>, vector<1x1024xi32>,
    %get3A_494 = arith.constant 1280 : index
    %get3A_495 = arith.constant 0 : index
    %get3A_496 = vector.load %arg2[%get3A_494, %get3A_495] : memref<2048x1024xf32, #tpu.memory_space<vmem>>, vector<64x1024xf32>
    %reduce_max3A_497 = arith.constant dense<0xFF800000> : vector<1024xf32>
    %reduce_max3A_498 = vector.multi_reduction <maximumf>, %get3A_496, %reduce_max3A_497 [0] : vector<64x1024xf32> to vector<1024xf32>
    %broadcast_in_dim3A_499 = vector.shape_cast %reduce_max3A_498 : vector<1024xf32> to vector<1x1024xf32>
    %iota3A_500 = tpu.iota {dimensions = array<i32: 0>} : vector<64x1024xi32>
    %eq3A_501 = vector.broadcast %broadcast_in_dim3A_499 : vector<1x1024xf32> to vector<64x1024xf32>
    %eq3A_502 = arith.cmpf oeq, %get3A_496, %eq3A_501 : vector<64x1024xf32>
    %jit3A_503 = arith.constant 32768 : i32
    %broadcast_in_dim3A_504 = vector.broadcast %jit3A_503 : i32 to vector<64x1024xi32>
    %select_n3A_505 = arith.select %eq3A_502, %iota3A_500, %broadcast_in_dim3A_504 : vector<64x1024xi1>, vector<64x1024xi32>
    %reduce_min3A_506 = arith.constant dense<2147483647> : vector<1024xi32>
    %reduce_min3A_507 = vector.multi_reduction <minsi>, %select_n3A_505, %reduce_min3A_506 [0] : vector<64x1024xi32> to vector<1024xi32>
    %broadcast_in_dim3A_508 = vector.shape_cast %reduce_min3A_507 : vector<1024xi32> to vector<1x1024xi32>
    %swap3A_509 = arith.constant 20 : index
    %swap3A_510 = arith.constant 0 : index
    %swap3A_511 = vector.load %arg5[%swap3A_509, %swap3A_510] : memref<32x1024xf32, #tpu.memory_space<vmem>>, vector<1x1024xf32>
    tpu.vector_store %arg5[%swap3A_509, %swap3A_510], %broadcast_in_dim3A_499 {strides = array<i32>} : memref<32x1024xf32, #tpu.memory_space<vmem>>, vector<1x1024xf32>,
    %add3A_512 = arith.constant 1280 : i32
    %add3A_513 = arith.addi %mul3A_0, %add3A_512 : i32
    %add3A_514 = vector.broadcast %add3A_513 : i32 to vector<1x1024xi32>
    %add3A_515 = arith.addi %broadcast_in_dim3A_508, %add3A_514 : vector<1x1024xi32>
    %swap3A_516 = arith.constant 20 : index
    %swap3A_517 = arith.constant 0 : index
    %swap3A_518 = vector.load %arg6[%swap3A_516, %swap3A_517] : memref<32x1024xi32, #tpu.memory_space<vmem>>, vector<1x1024xi32>
    tpu.vector_store %arg6[%swap3A_516, %swap3A_517], %add3A_515 {strides = array<i32>} : memref<32x1024xi32, #tpu.memory_space<vmem>>, vector<1x1024xi32>,
    %get3A_519 = arith.constant 1344 : index
    %get3A_520 = arith.constant 0 : index
    %get3A_521 = vector.load %arg2[%get3A_519, %get3A_520] : memref<2048x1024xf32, #tpu.memory_space<vmem>>, vector<64x1024xf32>
    %reduce_max3A_522 = arith.constant dense<0xFF800000> : vector<1024xf32>
    %reduce_max3A_523 = vector.multi_reduction <maximumf>, %get3A_521, %reduce_max3A_522 [0] : vector<64x1024xf32> to vector<1024xf32>
    %broadcast_in_dim3A_524 = vector.shape_cast %reduce_max3A_523 : vector<1024xf32> to vector<1x1024xf32>
    %iota3A_525 = tpu.iota {dimensions = array<i32: 0>} : vector<64x1024xi32>
    %eq3A_526 = vector.broadcast %broadcast_in_dim3A_524 : vector<1x1024xf32> to vector<64x1024xf32>
    %eq3A_527 = arith.cmpf oeq, %get3A_521, %eq3A_526 : vector<64x1024xf32>
    %jit3A_528 = arith.constant 32768 : i32
    %broadcast_in_dim3A_529 = vector.broadcast %jit3A_528 : i32 to vector<64x1024xi32>
    %select_n3A_530 = arith.select %eq3A_527, %iota3A_525, %broadcast_in_dim3A_529 : vector<64x1024xi1>, vector<64x1024xi32>
    %reduce_min3A_531 = arith.constant dense<2147483647> : vector<1024xi32>
    %reduce_min3A_532 = vector.multi_reduction <minsi>, %select_n3A_530, %reduce_min3A_531 [0] : vector<64x1024xi32> to vector<1024xi32>
    %broadcast_in_dim3A_533 = vector.shape_cast %reduce_min3A_532 : vector<1024xi32> to vector<1x1024xi32>
    %swap3A_534 = arith.constant 21 : index
    %swap3A_535 = arith.constant 0 : index
    %swap3A_536 = vector.load %arg5[%swap3A_534, %swap3A_535] : memref<32x1024xf32, #tpu.memory_space<vmem>>, vector<1x1024xf32>
    tpu.vector_store %arg5[%swap3A_534, %swap3A_535], %broadcast_in_dim3A_524 {strides = array<i32>} : memref<32x1024xf32, #tpu.memory_space<vmem>>, vector<1x1024xf32>,
    %add3A_537 = arith.constant 1344 : i32
    %add3A_538 = arith.addi %mul3A_0, %add3A_537 : i32
    %add3A_539 = vector.broadcast %add3A_538 : i32 to vector<1x1024xi32>
    %add3A_540 = arith.addi %broadcast_in_dim3A_533, %add3A_539 : vector<1x1024xi32>
    %swap3A_541 = arith.constant 21 : index
    %swap3A_542 = arith.constant 0 : index
    %swap3A_543 = vector.load %arg6[%swap3A_541, %swap3A_542] : memref<32x1024xi32, #tpu.memory_space<vmem>>, vector<1x1024xi32>
    tpu.vector_store %arg6[%swap3A_541, %swap3A_542], %add3A_540 {strides = array<i32>} : memref<32x1024xi32, #tpu.memory_space<vmem>>, vector<1x1024xi32>,
    %get3A_544 = arith.constant 1408 : index
    %get3A_545 = arith.constant 0 : index
    %get3A_546 = vector.load %arg2[%get3A_544, %get3A_545] : memref<2048x1024xf32, #tpu.memory_space<vmem>>, vector<64x1024xf32>
    %reduce_max3A_547 = arith.constant dense<0xFF800000> : vector<1024xf32>
    %reduce_max3A_548 = vector.multi_reduction <maximumf>, %get3A_546, %reduce_max3A_547 [0] : vector<64x1024xf32> to vector<1024xf32>
    %broadcast_in_dim3A_549 = vector.shape_cast %reduce_max3A_548 : vector<1024xf32> to vector<1x1024xf32>
    %iota3A_550 = tpu.iota {dimensions = array<i32: 0>} : vector<64x1024xi32>
    %eq3A_551 = vector.broadcast %broadcast_in_dim3A_549 : vector<1x1024xf32> to vector<64x1024xf32>
    %eq3A_552 = arith.cmpf oeq, %get3A_546, %eq3A_551 : vector<64x1024xf32>
    %jit3A_553 = arith.constant 32768 : i32
    %broadcast_in_dim3A_554 = vector.broadcast %jit3A_553 : i32 to vector<64x1024xi32>
    %select_n3A_555 = arith.select %eq3A_552, %iota3A_550, %broadcast_in_dim3A_554 : vector<64x1024xi1>, vector<64x1024xi32>
    %reduce_min3A_556 = arith.constant dense<2147483647> : vector<1024xi32>
    %reduce_min3A_557 = vector.multi_reduction <minsi>, %select_n3A_555, %reduce_min3A_556 [0] : vector<64x1024xi32> to vector<1024xi32>
    %broadcast_in_dim3A_558 = vector.shape_cast %reduce_min3A_557 : vector<1024xi32> to vector<1x1024xi32>
    %swap3A_559 = arith.constant 22 : index
    %swap3A_560 = arith.constant 0 : index
    %swap3A_561 = vector.load %arg5[%swap3A_559, %swap3A_560] : memref<32x1024xf32, #tpu.memory_space<vmem>>, vector<1x1024xf32>
    tpu.vector_store %arg5[%swap3A_559, %swap3A_560], %broadcast_in_dim3A_549 {strides = array<i32>} : memref<32x1024xf32, #tpu.memory_space<vmem>>, vector<1x1024xf32>,
    %add3A_562 = arith.constant 1408 : i32
    %add3A_563 = arith.addi %mul3A_0, %add3A_562 : i32
    %add3A_564 = vector.broadcast %add3A_563 : i32 to vector<1x1024xi32>
    %add3A_565 = arith.addi %broadcast_in_dim3A_558, %add3A_564 : vector<1x1024xi32>
    %swap3A_566 = arith.constant 22 : index
    %swap3A_567 = arith.constant 0 : index
    %swap3A_568 = vector.load %arg6[%swap3A_566, %swap3A_567] : memref<32x1024xi32, #tpu.memory_space<vmem>>, vector<1x1024xi32>
    tpu.vector_store %arg6[%swap3A_566, %swap3A_567], %add3A_565 {strides = array<i32>} : memref<32x1024xi32, #tpu.memory_space<vmem>>, vector<1x1024xi32>,
    %get3A_569 = arith.constant 1472 : index
    %get3A_570 = arith.constant 0 : index
    %get3A_571 = vector.load %arg2[%get3A_569, %get3A_570] : memref<2048x1024xf32, #tpu.memory_space<vmem>>, vector<64x1024xf32>
    %reduce_max3A_572 = arith.constant dense<0xFF800000> : vector<1024xf32>
    %reduce_max3A_573 = vector.multi_reduction <maximumf>, %get3A_571, %reduce_max3A_572 [0] : vector<64x1024xf32> to vector<1024xf32>
    %broadcast_in_dim3A_574 = vector.shape_cast %reduce_max3A_573 : vector<1024xf32> to vector<1x1024xf32>
    %iota3A_575 = tpu.iota {dimensions = array<i32: 0>} : vector<64x1024xi32>
    %eq3A_576 = vector.broadcast %broadcast_in_dim3A_574 : vector<1x1024xf32> to vector<64x1024xf32>
    %eq3A_577 = arith.cmpf oeq, %get3A_571, %eq3A_576 : vector<64x1024xf32>
    %jit3A_578 = arith.constant 32768 : i32
    %broadcast_in_dim3A_579 = vector.broadcast %jit3A_578 : i32 to vector<64x1024xi32>
    %select_n3A_580 = arith.select %eq3A_577, %iota3A_575, %broadcast_in_dim3A_579 : vector<64x1024xi1>, vector<64x1024xi32>
    %reduce_min3A_581 = arith.constant dense<2147483647> : vector<1024xi32>
    %reduce_min3A_582 = vector.multi_reduction <minsi>, %select_n3A_580, %reduce_min3A_581 [0] : vector<64x1024xi32> to vector<1024xi32>
    %broadcast_in_dim3A_583 = vector.shape_cast %reduce_min3A_582 : vector<1024xi32> to vector<1x1024xi32>
    %swap3A_584 = arith.constant 23 : index
    %swap3A_585 = arith.constant 0 : index
    %swap3A_586 = vector.load %arg5[%swap3A_584, %swap3A_585] : memref<32x1024xf32, #tpu.memory_space<vmem>>, vector<1x1024xf32>
    tpu.vector_store %arg5[%swap3A_584, %swap3A_585], %broadcast_in_dim3A_574 {strides = array<i32>} : memref<32x1024xf32, #tpu.memory_space<vmem>>, vector<1x1024xf32>,
    %add3A_587 = arith.constant 1472 : i32
    %add3A_588 = arith.addi %mul3A_0, %add3A_587 : i32
    %add3A_589 = vector.broadcast %add3A_588 : i32 to vector<1x1024xi32>
    %add3A_590 = arith.addi %broadcast_in_dim3A_583, %add3A_589 : vector<1x1024xi32>
    %swap3A_591 = arith.constant 23 : index
    %swap3A_592 = arith.constant 0 : index
    %swap3A_593 = vector.load %arg6[%swap3A_591, %swap3A_592] : memref<32x1024xi32, #tpu.memory_space<vmem>>, vector<1x1024xi32>
    tpu.vector_store %arg6[%swap3A_591, %swap3A_592], %add3A_590 {strides = array<i32>} : memref<32x1024xi32, #tpu.memory_space<vmem>>, vector<1x1024xi32>,
    %get3A_594 = arith.constant 1536 : index
    %get3A_595 = arith.constant 0 : index
    %get3A_596 = vector.load %arg2[%get3A_594, %get3A_595] : memref<2048x1024xf32, #tpu.memory_space<vmem>>, vector<64x1024xf32>
    %reduce_max3A_597 = arith.constant dense<0xFF800000> : vector<1024xf32>
    %reduce_max3A_598 = vector.multi_reduction <maximumf>, %get3A_596, %reduce_max3A_597 [0] : vector<64x1024xf32> to vector<1024xf32>
    %broadcast_in_dim3A_599 = vector.shape_cast %reduce_max3A_598 : vector<1024xf32> to vector<1x1024xf32>
    %iota3A_600 = tpu.iota {dimensions = array<i32: 0>} : vector<64x1024xi32>
    %eq3A_601 = vector.broadcast %broadcast_in_dim3A_599 : vector<1x1024xf32> to vector<64x1024xf32>
    %eq3A_602 = arith.cmpf oeq, %get3A_596, %eq3A_601 : vector<64x1024xf32>
    %jit3A_603 = arith.constant 32768 : i32
    %broadcast_in_dim3A_604 = vector.broadcast %jit3A_603 : i32 to vector<64x1024xi32>
    %select_n3A_605 = arith.select %eq3A_602, %iota3A_600, %broadcast_in_dim3A_604 : vector<64x1024xi1>, vector<64x1024xi32>
    %reduce_min3A_606 = arith.constant dense<2147483647> : vector<1024xi32>
    %reduce_min3A_607 = vector.multi_reduction <minsi>, %select_n3A_605, %reduce_min3A_606 [0] : vector<64x1024xi32> to vector<1024xi32>
    %broadcast_in_dim3A_608 = vector.shape_cast %reduce_min3A_607 : vector<1024xi32> to vector<1x1024xi32>
    %swap3A_609 = arith.constant 24 : index
    %swap3A_610 = arith.constant 0 : index
    %swap3A_611 = vector.load %arg5[%swap3A_609, %swap3A_610] : memref<32x1024xf32, #tpu.memory_space<vmem>>, vector<1x1024xf32>
    tpu.vector_store %arg5[%swap3A_609, %swap3A_610], %broadcast_in_dim3A_599 {strides = array<i32>} : memref<32x1024xf32, #tpu.memory_space<vmem>>, vector<1x1024xf32>,
    %add3A_612 = arith.constant 1536 : i32
    %add3A_613 = arith.addi %mul3A_0, %add3A_612 : i32
    %add3A_614 = vector.broadcast %add3A_613 : i32 to vector<1x1024xi32>
    %add3A_615 = arith.addi %broadcast_in_dim3A_608, %add3A_614 : vector<1x1024xi32>
    %swap3A_616 = arith.constant 24 : index
    %swap3A_617 = arith.constant 0 : index
    %swap3A_618 = vector.load %arg6[%swap3A_616, %swap3A_617] : memref<32x1024xi32, #tpu.memory_space<vmem>>, vector<1x1024xi32>
    tpu.vector_store %arg6[%swap3A_616, %swap3A_617], %add3A_615 {strides = array<i32>} : memref<32x1024xi32, #tpu.memory_space<vmem>>, vector<1x1024xi32>,
    %get3A_619 = arith.constant 1600 : index
    %get3A_620 = arith.constant 0 : index
    %get3A_621 = vector.load %arg2[%get3A_619, %get3A_620] : memref<2048x1024xf32, #tpu.memory_space<vmem>>, vector<64x1024xf32>
    %reduce_max3A_622 = arith.constant dense<0xFF800000> : vector<1024xf32>
    %reduce_max3A_623 = vector.multi_reduction <maximumf>, %get3A_621, %reduce_max3A_622 [0] : vector<64x1024xf32> to vector<1024xf32>
    %broadcast_in_dim3A_624 = vector.shape_cast %reduce_max3A_623 : vector<1024xf32> to vector<1x1024xf32>
    %iota3A_625 = tpu.iota {dimensions = array<i32: 0>} : vector<64x1024xi32>
    %eq3A_626 = vector.broadcast %broadcast_in_dim3A_624 : vector<1x1024xf32> to vector<64x1024xf32>
    %eq3A_627 = arith.cmpf oeq, %get3A_621, %eq3A_626 : vector<64x1024xf32>
    %jit3A_628 = arith.constant 32768 : i32
    %broadcast_in_dim3A_629 = vector.broadcast %jit3A_628 : i32 to vector<64x1024xi32>
    %select_n3A_630 = arith.select %eq3A_627, %iota3A_625, %broadcast_in_dim3A_629 : vector<64x1024xi1>, vector<64x1024xi32>
    %reduce_min3A_631 = arith.constant dense<2147483647> : vector<1024xi32>
    %reduce_min3A_632 = vector.multi_reduction <minsi>, %select_n3A_630, %reduce_min3A_631 [0] : vector<64x1024xi32> to vector<1024xi32>
    %broadcast_in_dim3A_633 = vector.shape_cast %reduce_min3A_632 : vector<1024xi32> to vector<1x1024xi32>
    %swap3A_634 = arith.constant 25 : index
    %swap3A_635 = arith.constant 0 : index
    %swap3A_636 = vector.load %arg5[%swap3A_634, %swap3A_635] : memref<32x1024xf32, #tpu.memory_space<vmem>>, vector<1x1024xf32>
    tpu.vector_store %arg5[%swap3A_634, %swap3A_635], %broadcast_in_dim3A_624 {strides = array<i32>} : memref<32x1024xf32, #tpu.memory_space<vmem>>, vector<1x1024xf32>,
    %add3A_637 = arith.constant 1600 : i32
    %add3A_638 = arith.addi %mul3A_0, %add3A_637 : i32
    %add3A_639 = vector.broadcast %add3A_638 : i32 to vector<1x1024xi32>
    %add3A_640 = arith.addi %broadcast_in_dim3A_633, %add3A_639 : vector<1x1024xi32>
    %swap3A_641 = arith.constant 25 : index
    %swap3A_642 = arith.constant 0 : index
    %swap3A_643 = vector.load %arg6[%swap3A_641, %swap3A_642] : memref<32x1024xi32, #tpu.memory_space<vmem>>, vector<1x1024xi32>
    tpu.vector_store %arg6[%swap3A_641, %swap3A_642], %add3A_640 {strides = array<i32>} : memref<32x1024xi32, #tpu.memory_space<vmem>>, vector<1x1024xi32>,
    %get3A_644 = arith.constant 1664 : index
    %get3A_645 = arith.constant 0 : index
    %get3A_646 = vector.load %arg2[%get3A_644, %get3A_645] : memref<2048x1024xf32, #tpu.memory_space<vmem>>, vector<64x1024xf32>
    %reduce_max3A_647 = arith.constant dense<0xFF800000> : vector<1024xf32>
    %reduce_max3A_648 = vector.multi_reduction <maximumf>, %get3A_646, %reduce_max3A_647 [0] : vector<64x1024xf32> to vector<1024xf32>
    %broadcast_in_dim3A_649 = vector.shape_cast %reduce_max3A_648 : vector<1024xf32> to vector<1x1024xf32>
    %iota3A_650 = tpu.iota {dimensions = array<i32: 0>} : vector<64x1024xi32>
    %eq3A_651 = vector.broadcast %broadcast_in_dim3A_649 : vector<1x1024xf32> to vector<64x1024xf32>
    %eq3A_652 = arith.cmpf oeq, %get3A_646, %eq3A_651 : vector<64x1024xf32>
    %jit3A_653 = arith.constant 32768 : i32
    %broadcast_in_dim3A_654 = vector.broadcast %jit3A_653 : i32 to vector<64x1024xi32>
    %select_n3A_655 = arith.select %eq3A_652, %iota3A_650, %broadcast_in_dim3A_654 : vector<64x1024xi1>, vector<64x1024xi32>
    %reduce_min3A_656 = arith.constant dense<2147483647> : vector<1024xi32>
    %reduce_min3A_657 = vector.multi_reduction <minsi>, %select_n3A_655, %reduce_min3A_656 [0] : vector<64x1024xi32> to vector<1024xi32>
    %broadcast_in_dim3A_658 = vector.shape_cast %reduce_min3A_657 : vector<1024xi32> to vector<1x1024xi32>
    %swap3A_659 = arith.constant 26 : index
    %swap3A_660 = arith.constant 0 : index
    %swap3A_661 = vector.load %arg5[%swap3A_659, %swap3A_660] : memref<32x1024xf32, #tpu.memory_space<vmem>>, vector<1x1024xf32>
    tpu.vector_store %arg5[%swap3A_659, %swap3A_660], %broadcast_in_dim3A_649 {strides = array<i32>} : memref<32x1024xf32, #tpu.memory_space<vmem>>, vector<1x1024xf32>,
    %add3A_662 = arith.constant 1664 : i32
    %add3A_663 = arith.addi %mul3A_0, %add3A_662 : i32
    %add3A_664 = vector.broadcast %add3A_663 : i32 to vector<1x1024xi32>
    %add3A_665 = arith.addi %broadcast_in_dim3A_658, %add3A_664 : vector<1x1024xi32>
    %swap3A_666 = arith.constant 26 : index
    %swap3A_667 = arith.constant 0 : index
    %swap3A_668 = vector.load %arg6[%swap3A_666, %swap3A_667] : memref<32x1024xi32, #tpu.memory_space<vmem>>, vector<1x1024xi32>
    tpu.vector_store %arg6[%swap3A_666, %swap3A_667], %add3A_665 {strides = array<i32>} : memref<32x1024xi32, #tpu.memory_space<vmem>>, vector<1x1024xi32>,
    %get3A_669 = arith.constant 1728 : index
    %get3A_670 = arith.constant 0 : index
    %get3A_671 = vector.load %arg2[%get3A_669, %get3A_670] : memref<2048x1024xf32, #tpu.memory_space<vmem>>, vector<64x1024xf32>
    %reduce_max3A_672 = arith.constant dense<0xFF800000> : vector<1024xf32>
    %reduce_max3A_673 = vector.multi_reduction <maximumf>, %get3A_671, %reduce_max3A_672 [0] : vector<64x1024xf32> to vector<1024xf32>
    %broadcast_in_dim3A_674 = vector.shape_cast %reduce_max3A_673 : vector<1024xf32> to vector<1x1024xf32>
    %iota3A_675 = tpu.iota {dimensions = array<i32: 0>} : vector<64x1024xi32>
    %eq3A_676 = vector.broadcast %broadcast_in_dim3A_674 : vector<1x1024xf32> to vector<64x1024xf32>
    %eq3A_677 = arith.cmpf oeq, %get3A_671, %eq3A_676 : vector<64x1024xf32>
    %jit3A_678 = arith.constant 32768 : i32
    %broadcast_in_dim3A_679 = vector.broadcast %jit3A_678 : i32 to vector<64x1024xi32>
    %select_n3A_680 = arith.select %eq3A_677, %iota3A_675, %broadcast_in_dim3A_679 : vector<64x1024xi1>, vector<64x1024xi32>
    %reduce_min3A_681 = arith.constant dense<2147483647> : vector<1024xi32>
    %reduce_min3A_682 = vector.multi_reduction <minsi>, %select_n3A_680, %reduce_min3A_681 [0] : vector<64x1024xi32> to vector<1024xi32>
    %broadcast_in_dim3A_683 = vector.shape_cast %reduce_min3A_682 : vector<1024xi32> to vector<1x1024xi32>
    %swap3A_684 = arith.constant 27 : index
    %swap3A_685 = arith.constant 0 : index
    %swap3A_686 = vector.load %arg5[%swap3A_684, %swap3A_685] : memref<32x1024xf32, #tpu.memory_space<vmem>>, vector<1x1024xf32>
    tpu.vector_store %arg5[%swap3A_684, %swap3A_685], %broadcast_in_dim3A_674 {strides = array<i32>} : memref<32x1024xf32, #tpu.memory_space<vmem>>, vector<1x1024xf32>,
    %add3A_687 = arith.constant 1728 : i32
    %add3A_688 = arith.addi %mul3A_0, %add3A_687 : i32
    %add3A_689 = vector.broadcast %add3A_688 : i32 to vector<1x1024xi32>
    %add3A_690 = arith.addi %broadcast_in_dim3A_683, %add3A_689 : vector<1x1024xi32>
    %swap3A_691 = arith.constant 27 : index
    %swap3A_692 = arith.constant 0 : index
    %swap3A_693 = vector.load %arg6[%swap3A_691, %swap3A_692] : memref<32x1024xi32, #tpu.memory_space<vmem>>, vector<1x1024xi32>
    tpu.vector_store %arg6[%swap3A_691, %swap3A_692], %add3A_690 {strides = array<i32>} : memref<32x1024xi32, #tpu.memory_space<vmem>>, vector<1x1024xi32>,
    %get3A_694 = arith.constant 1792 : index
    %get3A_695 = arith.constant 0 : index
    %get3A_696 = vector.load %arg2[%get3A_694, %get3A_695] : memref<2048x1024xf32, #tpu.memory_space<vmem>>, vector<64x1024xf32>
    %reduce_max3A_697 = arith.constant dense<0xFF800000> : vector<1024xf32>
    %reduce_max3A_698 = vector.multi_reduction <maximumf>, %get3A_696, %reduce_max3A_697 [0] : vector<64x1024xf32> to vector<1024xf32>
    %broadcast_in_dim3A_699 = vector.shape_cast %reduce_max3A_698 : vector<1024xf32> to vector<1x1024xf32>
    %iota3A_700 = tpu.iota {dimensions = array<i32: 0>} : vector<64x1024xi32>
    %eq3A_701 = vector.broadcast %broadcast_in_dim3A_699 : vector<1x1024xf32> to vector<64x1024xf32>
    %eq3A_702 = arith.cmpf oeq, %get3A_696, %eq3A_701 : vector<64x1024xf32>
    %jit3A_703 = arith.constant 32768 : i32
    %broadcast_in_dim3A_704 = vector.broadcast %jit3A_703 : i32 to vector<64x1024xi32>
    %select_n3A_705 = arith.select %eq3A_702, %iota3A_700, %broadcast_in_dim3A_704 : vector<64x1024xi1>, vector<64x1024xi32>
    %reduce_min3A_706 = arith.constant dense<2147483647> : vector<1024xi32>
    %reduce_min3A_707 = vector.multi_reduction <minsi>, %select_n3A_705, %reduce_min3A_706 [0] : vector<64x1024xi32> to vector<1024xi32>
    %broadcast_in_dim3A_708 = vector.shape_cast %reduce_min3A_707 : vector<1024xi32> to vector<1x1024xi32>
    %swap3A_709 = arith.constant 28 : index
    %swap3A_710 = arith.constant 0 : index
    %swap3A_711 = vector.load %arg5[%swap3A_709, %swap3A_710] : memref<32x1024xf32, #tpu.memory_space<vmem>>, vector<1x1024xf32>
    tpu.vector_store %arg5[%swap3A_709, %swap3A_710], %broadcast_in_dim3A_699 {strides = array<i32>} : memref<32x1024xf32, #tpu.memory_space<vmem>>, vector<1x1024xf32>,
    %add3A_712 = arith.constant 1792 : i32
    %add3A_713 = arith.addi %mul3A_0, %add3A_712 : i32
    %add3A_714 = vector.broadcast %add3A_713 : i32 to vector<1x1024xi32>
    %add3A_715 = arith.addi %broadcast_in_dim3A_708, %add3A_714 : vector<1x1024xi32>
    %swap3A_716 = arith.constant 28 : index
    %swap3A_717 = arith.constant 0 : index
    %swap3A_718 = vector.load %arg6[%swap3A_716, %swap3A_717] : memref<32x1024xi32, #tpu.memory_space<vmem>>, vector<1x1024xi32>
    tpu.vector_store %arg6[%swap3A_716, %swap3A_717], %add3A_715 {strides = array<i32>} : memref<32x1024xi32, #tpu.memory_space<vmem>>, vector<1x1024xi32>,
    %get3A_719 = arith.constant 1856 : index
    %get3A_720 = arith.constant 0 : index
    %get3A_721 = vector.load %arg2[%get3A_719, %get3A_720] : memref<2048x1024xf32, #tpu.memory_space<vmem>>, vector<64x1024xf32>
    %reduce_max3A_722 = arith.constant dense<0xFF800000> : vector<1024xf32>
    %reduce_max3A_723 = vector.multi_reduction <maximumf>, %get3A_721, %reduce_max3A_722 [0] : vector<64x1024xf32> to vector<1024xf32>
    %broadcast_in_dim3A_724 = vector.shape_cast %reduce_max3A_723 : vector<1024xf32> to vector<1x1024xf32>
    %iota3A_725 = tpu.iota {dimensions = array<i32: 0>} : vector<64x1024xi32>
    %eq3A_726 = vector.broadcast %broadcast_in_dim3A_724 : vector<1x1024xf32> to vector<64x1024xf32>
    %eq3A_727 = arith.cmpf oeq, %get3A_721, %eq3A_726 : vector<64x1024xf32>
    %jit3A_728 = arith.constant 32768 : i32
    %broadcast_in_dim3A_729 = vector.broadcast %jit3A_728 : i32 to vector<64x1024xi32>
    %select_n3A_730 = arith.select %eq3A_727, %iota3A_725, %broadcast_in_dim3A_729 : vector<64x1024xi1>, vector<64x1024xi32>
    %reduce_min3A_731 = arith.constant dense<2147483647> : vector<1024xi32>
    %reduce_min3A_732 = vector.multi_reduction <minsi>, %select_n3A_730, %reduce_min3A_731 [0] : vector<64x1024xi32> to vector<1024xi32>
    %broadcast_in_dim3A_733 = vector.shape_cast %reduce_min3A_732 : vector<1024xi32> to vector<1x1024xi32>
    %swap3A_734 = arith.constant 29 : index
    %swap3A_735 = arith.constant 0 : index
    %swap3A_736 = vector.load %arg5[%swap3A_734, %swap3A_735] : memref<32x1024xf32, #tpu.memory_space<vmem>>, vector<1x1024xf32>
    tpu.vector_store %arg5[%swap3A_734, %swap3A_735], %broadcast_in_dim3A_724 {strides = array<i32>} : memref<32x1024xf32, #tpu.memory_space<vmem>>, vector<1x1024xf32>,
    %add3A_737 = arith.constant 1856 : i32
    %add3A_738 = arith.addi %mul3A_0, %add3A_737 : i32
    %add3A_739 = vector.broadcast %add3A_738 : i32 to vector<1x1024xi32>
    %add3A_740 = arith.addi %broadcast_in_dim3A_733, %add3A_739 : vector<1x1024xi32>
    %swap3A_741 = arith.constant 29 : index
    %swap3A_742 = arith.constant 0 : index
    %swap3A_743 = vector.load %arg6[%swap3A_741, %swap3A_742] : memref<32x1024xi32, #tpu.memory_space<vmem>>, vector<1x1024xi32>
    tpu.vector_store %arg6[%swap3A_741, %swap3A_742], %add3A_740 {strides = array<i32>} : memref<32x1024xi32, #tpu.memory_space<vmem>>, vector<1x1024xi32>,
    %get3A_744 = arith.constant 1920 : index
    %get3A_745 = arith.constant 0 : index
    %get3A_746 = vector.load %arg2[%get3A_744, %get3A_745] : memref<2048x1024xf32, #tpu.memory_space<vmem>>, vector<64x1024xf32>
    %reduce_max3A_747 = arith.constant dense<0xFF800000> : vector<1024xf32>
    %reduce_max3A_748 = vector.multi_reduction <maximumf>, %get3A_746, %reduce_max3A_747 [0] : vector<64x1024xf32> to vector<1024xf32>
    %broadcast_in_dim3A_749 = vector.shape_cast %reduce_max3A_748 : vector<1024xf32> to vector<1x1024xf32>
    %iota3A_750 = tpu.iota {dimensions = array<i32: 0>} : vector<64x1024xi32>
    %eq3A_751 = vector.broadcast %broadcast_in_dim3A_749 : vector<1x1024xf32> to vector<64x1024xf32>
    %eq3A_752 = arith.cmpf oeq, %get3A_746, %eq3A_751 : vector<64x1024xf32>
    %jit3A_753 = arith.constant 32768 : i32
    %broadcast_in_dim3A_754 = vector.broadcast %jit3A_753 : i32 to vector<64x1024xi32>
    %select_n3A_755 = arith.select %eq3A_752, %iota3A_750, %broadcast_in_dim3A_754 : vector<64x1024xi1>, vector<64x1024xi32>
    %reduce_min3A_756 = arith.constant dense<2147483647> : vector<1024xi32>
    %reduce_min3A_757 = vector.multi_reduction <minsi>, %select_n3A_755, %reduce_min3A_756 [0] : vector<64x1024xi32> to vector<1024xi32>
    %broadcast_in_dim3A_758 = vector.shape_cast %reduce_min3A_757 : vector<1024xi32> to vector<1x1024xi32>
    %swap3A_759 = arith.constant 30 : index
    %swap3A_760 = arith.constant 0 : index
    %swap3A_761 = vector.load %arg5[%swap3A_759, %swap3A_760] : memref<32x1024xf32, #tpu.memory_space<vmem>>, vector<1x1024xf32>
    tpu.vector_store %arg5[%swap3A_759, %swap3A_760], %broadcast_in_dim3A_749 {strides = array<i32>} : memref<32x1024xf32, #tpu.memory_space<vmem>>, vector<1x1024xf32>,
    %add3A_762 = arith.constant 1920 : i32
    %add3A_763 = arith.addi %mul3A_0, %add3A_762 : i32
    %add3A_764 = vector.broadcast %add3A_763 : i32 to vector<1x1024xi32>
    %add3A_765 = arith.addi %broadcast_in_dim3A_758, %add3A_764 : vector<1x1024xi32>
    %swap3A_766 = arith.constant 30 : index
    %swap3A_767 = arith.constant 0 : index
    %swap3A_768 = vector.load %arg6[%swap3A_766, %swap3A_767] : memref<32x1024xi32, #tpu.memory_space<vmem>>, vector<1x1024xi32>
    tpu.vector_store %arg6[%swap3A_766, %swap3A_767], %add3A_765 {strides = array<i32>} : memref<32x1024xi32, #tpu.memory_space<vmem>>, vector<1x1024xi32>,
    %get3A_769 = arith.constant 1984 : index
    %get3A_770 = arith.constant 0 : index
    %get3A_771 = vector.load %arg2[%get3A_769, %get3A_770] : memref<2048x1024xf32, #tpu.memory_space<vmem>>, vector<64x1024xf32>
    %reduce_max3A_772 = arith.constant dense<0xFF800000> : vector<1024xf32>
    %reduce_max3A_773 = vector.multi_reduction <maximumf>, %get3A_771, %reduce_max3A_772 [0] : vector<64x1024xf32> to vector<1024xf32>
    %broadcast_in_dim3A_774 = vector.shape_cast %reduce_max3A_773 : vector<1024xf32> to vector<1x1024xf32>
    %iota3A_775 = tpu.iota {dimensions = array<i32: 0>} : vector<64x1024xi32>
    %eq3A_776 = vector.broadcast %broadcast_in_dim3A_774 : vector<1x1024xf32> to vector<64x1024xf32>
    %eq3A_777 = arith.cmpf oeq, %get3A_771, %eq3A_776 : vector<64x1024xf32>
    %jit3A_778 = arith.constant 32768 : i32
    %broadcast_in_dim3A_779 = vector.broadcast %jit3A_778 : i32 to vector<64x1024xi32>
    %select_n3A_780 = arith.select %eq3A_777, %iota3A_775, %broadcast_in_dim3A_779 : vector<64x1024xi1>, vector<64x1024xi32>
    %reduce_min3A_781 = arith.constant dense<2147483647> : vector<1024xi32>
    %reduce_min3A_782 = vector.multi_reduction <minsi>, %select_n3A_780, %reduce_min3A_781 [0] : vector<64x1024xi32> to vector<1024xi32>
    %broadcast_in_dim3A_783 = vector.shape_cast %reduce_min3A_782 : vector<1024xi32> to vector<1x1024xi32>
    %swap3A_784 = arith.constant 31 : index
    %swap3A_785 = arith.constant 0 : index
    %swap3A_786 = vector.load %arg5[%swap3A_784, %swap3A_785] : memref<32x1024xf32, #tpu.memory_space<vmem>>, vector<1x1024xf32>
    tpu.vector_store %arg5[%swap3A_784, %swap3A_785], %broadcast_in_dim3A_774 {strides = array<i32>} : memref<32x1024xf32, #tpu.memory_space<vmem>>, vector<1x1024xf32>,
    %add3A_787 = arith.constant 1984 : i32
    %add3A_788 = arith.addi %mul3A_0, %add3A_787 : i32
    %add3A_789 = vector.broadcast %add3A_788 : i32 to vector<1x1024xi32>
    %add3A_790 = arith.addi %broadcast_in_dim3A_783, %add3A_789 : vector<1x1024xi32>
    %swap3A_791 = arith.constant 31 : index
    %swap3A_792 = arith.constant 0 : index
    %swap3A_793 = vector.load %arg6[%swap3A_791, %swap3A_792] : memref<32x1024xi32, #tpu.memory_space<vmem>>, vector<1x1024xi32>
    tpu.vector_store %arg6[%swap3A_791, %swap3A_792], %add3A_790 {strides = array<i32>} : memref<32x1024xi32, #tpu.memory_space<vmem>>, vector<1x1024xi32>,
    %iota3A_794 = tpu.iota {dimensions = array<i32: 0>} : vector<32x1024xi32>
    %get3A_795 = arith.constant 0 : index
    %get3A_796 = memref.load %arg1[%get3A_795] : memref<17xi32, #tpu.memory_space<smem>>
    %get3A_797 = arith.constant 1 : index
    %get3A_798 = memref.load %arg1[%get3A_797] : memref<17xi32, #tpu.memory_space<smem>>
    %add3A_799 = arith.constant 63 : i32
    %add3A_800 = arith.addi %get3A_796, %add3A_799 : i32
    %div3A = arith.constant 64 : i32
    %div3A_801 = arith.divsi %add3A_800, %div3A : i32
    %mul3A_802 = arith.constant 64 : i32
    %mul3A_803 = arith.muli %div3A_801, %mul3A_802 : i32
    %max3A = arith.maxsi %mul3A_803, %mul3A_0 : i32
    %div3A_804 = arith.constant 64 : i32
    %div3A_805 = arith.divsi %get3A_798, %div3A_804 : i32
    %mul3A_806 = arith.constant 64 : i32
    %mul3A_807 = arith.muli %div3A_805, %mul3A_806 : i32
    %add3A_808 = arith.constant 2048 : i32
    %add3A_809 = arith.addi %mul3A_0, %add3A_808 : i32
    %min3A = arith.minsi %mul3A_807, %add3A_809 : i32
    %gt3A = arith.cmpi sgt, %min3A, %max3A : i32
    %convert_element_type3A_810 = arith.extui %gt3A : i1 to i32
    %cond3A_811 = arith.constant 0 : i32
    %cond3A_812 = arith.cmpi ne, %convert_element_type3A_810, %cond3A_811 : i32
    scf.if %cond3A_812 {
      %sub3A = arith.subi %max3A, %mul3A_0 : i32
      %div3A_1148 = arith.constant 64 : i32
      %div3A_1149 = arith.divsi %sub3A, %div3A_1148 : i32
      %sub3A_1150 = arith.subi %min3A, %mul3A_0 : i32
      %div3A_1151 = arith.constant 64 : i32
      %div3A_1152 = arith.divsi %sub3A_1150, %div3A_1151 : i32
      %ge3A = vector.broadcast %div3A_1149 : i32 to vector<32x1024xi32>
      %ge3A_1153 = arith.cmpi sge, %iota3A_794, %ge3A : vector<32x1024xi32>
      %lt3A = vector.broadcast %div3A_1152 : i32 to vector<32x1024xi32>
      %lt3A_1154 = arith.cmpi slt, %iota3A_794, %lt3A : vector<32x1024xi32>
      %and3A = arith.andi %ge3A_1153, %lt3A_1154 : vector<32x1024xi1>
      %get3A_1155 = arith.constant 0 : index
      %get3A_1156 = arith.constant 0 : index
      %get3A_1157 = vector.load %arg5[%get3A_1155, %get3A_1156] : memref<32x1024xf32, #tpu.memory_space<vmem>>, vector<32x1024xf32>
      %jit3A_1158 = arith.constant 0xFF800000 : f32
      %broadcast_in_dim3A_1159 = vector.broadcast %jit3A_1158 : f32 to vector<32x1024xf32>
      %select_n3A_1160 = arith.select %and3A, %get3A_1157, %broadcast_in_dim3A_1159 : vector<32x1024xi1>, vector<32x1024xf32>
      %reduce_max3A_1161 = arith.constant dense<0xFF800000> : vector<1024xf32>
      %reduce_max3A_1162 = vector.multi_reduction <maximumf>, %select_n3A_1160, %reduce_max3A_1161 [0] : vector<32x1024xf32> to vector<1024xf32>
      %broadcast_in_dim3A_1163 = vector.shape_cast %reduce_max3A_1162 : vector<1024xf32> to vector<1x1024xf32>
      %eq3A_1164 = vector.broadcast %broadcast_in_dim3A_1163 : vector<1x1024xf32> to vector<32x1024xf32>
      %eq3A_1165 = arith.cmpf oeq, %get3A_1157, %eq3A_1164 : vector<32x1024xf32>
      %and3A_1166 = arith.andi %and3A, %eq3A_1165 : vector<32x1024xi1>
      %get3A_1167 = arith.constant 0 : index
      %get3A_1168 = arith.constant 0 : index
      %get3A_1169 = vector.load %arg6[%get3A_1167, %get3A_1168] : memref<32x1024xi32, #tpu.memory_space<vmem>>, vector<32x1024xi32>
      %jit3A_1170 = arith.constant 32768 : i32
      %broadcast_in_dim3A_1171 = vector.broadcast %jit3A_1170 : i32 to vector<32x1024xi32>
      %select_n3A_1172 = arith.select %and3A_1166, %get3A_1169, %broadcast_in_dim3A_1171 : vector<32x1024xi1>, vector<32x1024xi32>
      %reduce_min3A_1173 = arith.constant dense<2147483647> : vector<1024xi32>
      %reduce_min3A_1174 = vector.multi_reduction <minsi>, %select_n3A_1172, %reduce_min3A_1173 [0] : vector<32x1024xi32> to vector<1024xi32>
      %broadcast_in_dim3A_1175 = vector.shape_cast %reduce_min3A_1174 : vector<1024xi32> to vector<1x1024xi32>
      %get3A_1176 = arith.constant 0 : index
      %get3A_1177 = arith.constant 0 : index
      %get3A_1178 = vector.load %arg7[%get3A_1176, %get3A_1177] : memref<16x1024xf32, #tpu.memory_space<vmem>>, vector<1x1024xf32>
      %gt3A_1179 = arith.cmpf ogt, %broadcast_in_dim3A_1163, %get3A_1178 : vector<1x1024xf32>
      %get3A_1180 = arith.constant 0 : index
      %get3A_1181 = arith.constant 0 : index
      %get3A_1182 = vector.load %arg7[%get3A_1180, %get3A_1181] : memref<16x1024xf32, #tpu.memory_space<vmem>>, vector<1x1024xf32>
      %select_n3A_1183 = arith.select %gt3A_1179, %broadcast_in_dim3A_1163, %get3A_1182 : vector<1x1024xi1>, vector<1x1024xf32>
      %swap3A_1184 = arith.constant 0 : index
      %swap3A_1185 = arith.constant 0 : index
      %swap3A_1186 = vector.load %arg7[%swap3A_1184, %swap3A_1185] : memref<16x1024xf32, #tpu.memory_space<vmem>>, vector<1x1024xf32>
      tpu.vector_store %arg7[%swap3A_1184, %swap3A_1185], %select_n3A_1183 {strides = array<i32>} : memref<16x1024xf32, #tpu.memory_space<vmem>>, vector<1x1024xf32>,
      %get3A_1187 = arith.constant 0 : index
      %get3A_1188 = arith.constant 0 : index
      %get3A_1189 = vector.load %arg8[%get3A_1187, %get3A_1188] : memref<16x1024xi32, #tpu.memory_space<vmem>>, vector<1x1024xi32>
      %select_n3A_1190 = arith.select %gt3A_1179, %broadcast_in_dim3A_1175, %get3A_1189 : vector<1x1024xi1>, vector<1x1024xi32>
      %swap3A_1191 = arith.constant 0 : index
      %swap3A_1192 = arith.constant 0 : index
      %swap3A_1193 = vector.load %arg8[%swap3A_1191, %swap3A_1192] : memref<16x1024xi32, #tpu.memory_space<vmem>>, vector<1x1024xi32>
      tpu.vector_store %arg8[%swap3A_1191, %swap3A_1192], %select_n3A_1190 {strides = array<i32>} : memref<16x1024xi32, #tpu.memory_space<vmem>>, vector<1x1024xi32>,
    } else {
    }
    %get3A_813 = arith.constant 1 : index
    %get3A_814 = memref.load %arg1[%get3A_813] : memref<17xi32, #tpu.memory_space<smem>>
    %get3A_815 = arith.constant 2 : index
    %get3A_816 = memref.load %arg1[%get3A_815] : memref<17xi32, #tpu.memory_space<smem>>
    %add3A_817 = arith.constant 63 : i32
    %add3A_818 = arith.addi %get3A_814, %add3A_817 : i32
    %div3A_819 = arith.constant 64 : i32
    %div3A_820 = arith.divsi %add3A_818, %div3A_819 : i32
    %mul3A_821 = arith.constant 64 : i32
    %mul3A_822 = arith.muli %div3A_820, %mul3A_821 : i32
    %max3A_823 = arith.maxsi %mul3A_822, %mul3A_0 : i32
    %div3A_824 = arith.constant 64 : i32
    %div3A_825 = arith.divsi %get3A_816, %div3A_824 : i32
    %mul3A_826 = arith.constant 64 : i32
    %mul3A_827 = arith.muli %div3A_825, %mul3A_826 : i32
    %add3A_828 = arith.constant 2048 : i32
    %add3A_829 = arith.addi %mul3A_0, %add3A_828 : i32
    %min3A_830 = arith.minsi %mul3A_827, %add3A_829 : i32
    %gt3A_831 = arith.cmpi sgt, %min3A_830, %max3A_823 : i32
    %convert_element_type3A_832 = arith.extui %gt3A_831 : i1 to i32
    %cond3A_833 = arith.constant 0 : i32
    %cond3A_834 = arith.cmpi ne, %convert_element_type3A_832, %cond3A_833 : i32
    scf.if %cond3A_834 {
      %sub3A = arith.subi %max3A_823, %mul3A_0 : i32
      %div3A_1148 = arith.constant 64 : i32
      %div3A_1149 = arith.divsi %sub3A, %div3A_1148 : i32
      %sub3A_1150 = arith.subi %min3A_830, %mul3A_0 : i32
      %div3A_1151 = arith.constant 64 : i32
      %div3A_1152 = arith.divsi %sub3A_1150, %div3A_1151 : i32
      %ge3A = vector.broadcast %div3A_1149 : i32 to vector<32x1024xi32>
      %ge3A_1153 = arith.cmpi sge, %iota3A_794, %ge3A : vector<32x1024xi32>
      %lt3A = vector.broadcast %div3A_1152 : i32 to vector<32x1024xi32>
      %lt3A_1154 = arith.cmpi slt, %iota3A_794, %lt3A : vector<32x1024xi32>
      %and3A = arith.andi %ge3A_1153, %lt3A_1154 : vector<32x1024xi1>
      %get3A_1155 = arith.constant 0 : index
      %get3A_1156 = arith.constant 0 : index
      %get3A_1157 = vector.load %arg5[%get3A_1155, %get3A_1156] : memref<32x1024xf32, #tpu.memory_space<vmem>>, vector<32x1024xf32>
      %jit3A_1158 = arith.constant 0xFF800000 : f32
      %broadcast_in_dim3A_1159 = vector.broadcast %jit3A_1158 : f32 to vector<32x1024xf32>
      %select_n3A_1160 = arith.select %and3A, %get3A_1157, %broadcast_in_dim3A_1159 : vector<32x1024xi1>, vector<32x1024xf32>
      %reduce_max3A_1161 = arith.constant dense<0xFF800000> : vector<1024xf32>
      %reduce_max3A_1162 = vector.multi_reduction <maximumf>, %select_n3A_1160, %reduce_max3A_1161 [0] : vector<32x1024xf32> to vector<1024xf32>
      %broadcast_in_dim3A_1163 = vector.shape_cast %reduce_max3A_1162 : vector<1024xf32> to vector<1x1024xf32>
      %eq3A_1164 = vector.broadcast %broadcast_in_dim3A_1163 : vector<1x1024xf32> to vector<32x1024xf32>
      %eq3A_1165 = arith.cmpf oeq, %get3A_1157, %eq3A_1164 : vector<32x1024xf32>
      %and3A_1166 = arith.andi %and3A, %eq3A_1165 : vector<32x1024xi1>
      %get3A_1167 = arith.constant 0 : index
      %get3A_1168 = arith.constant 0 : index
      %get3A_1169 = vector.load %arg6[%get3A_1167, %get3A_1168] : memref<32x1024xi32, #tpu.memory_space<vmem>>, vector<32x1024xi32>
      %jit3A_1170 = arith.constant 32768 : i32
      %broadcast_in_dim3A_1171 = vector.broadcast %jit3A_1170 : i32 to vector<32x1024xi32>
      %select_n3A_1172 = arith.select %and3A_1166, %get3A_1169, %broadcast_in_dim3A_1171 : vector<32x1024xi1>, vector<32x1024xi32>
      %reduce_min3A_1173 = arith.constant dense<2147483647> : vector<1024xi32>
      %reduce_min3A_1174 = vector.multi_reduction <minsi>, %select_n3A_1172, %reduce_min3A_1173 [0] : vector<32x1024xi32> to vector<1024xi32>
      %broadcast_in_dim3A_1175 = vector.shape_cast %reduce_min3A_1174 : vector<1024xi32> to vector<1x1024xi32>
      %get3A_1176 = arith.constant 1 : index
      %get3A_1177 = arith.constant 0 : index
      %get3A_1178 = vector.load %arg7[%get3A_1176, %get3A_1177] : memref<16x1024xf32, #tpu.memory_space<vmem>>, vector<1x1024xf32>
      %gt3A_1179 = arith.cmpf ogt, %broadcast_in_dim3A_1163, %get3A_1178 : vector<1x1024xf32>
      %get3A_1180 = arith.constant 1 : index
      %get3A_1181 = arith.constant 0 : index
      %get3A_1182 = vector.load %arg7[%get3A_1180, %get3A_1181] : memref<16x1024xf32, #tpu.memory_space<vmem>>, vector<1x1024xf32>
      %select_n3A_1183 = arith.select %gt3A_1179, %broadcast_in_dim3A_1163, %get3A_1182 : vector<1x1024xi1>, vector<1x1024xf32>
      %swap3A_1184 = arith.constant 1 : index
      %swap3A_1185 = arith.constant 0 : index
      %swap3A_1186 = vector.load %arg7[%swap3A_1184, %swap3A_1185] : memref<16x1024xf32, #tpu.memory_space<vmem>>, vector<1x1024xf32>
      tpu.vector_store %arg7[%swap3A_1184, %swap3A_1185], %select_n3A_1183 {strides = array<i32>} : memref<16x1024xf32, #tpu.memory_space<vmem>>, vector<1x1024xf32>,
      %get3A_1187 = arith.constant 1 : index
      %get3A_1188 = arith.constant 0 : index
      %get3A_1189 = vector.load %arg8[%get3A_1187, %get3A_1188] : memref<16x1024xi32, #tpu.memory_space<vmem>>, vector<1x1024xi32>
      %select_n3A_1190 = arith.select %gt3A_1179, %broadcast_in_dim3A_1175, %get3A_1189 : vector<1x1024xi1>, vector<1x1024xi32>
      %swap3A_1191 = arith.constant 1 : index
      %swap3A_1192 = arith.constant 0 : index
      %swap3A_1193 = vector.load %arg8[%swap3A_1191, %swap3A_1192] : memref<16x1024xi32, #tpu.memory_space<vmem>>, vector<1x1024xi32>
      tpu.vector_store %arg8[%swap3A_1191, %swap3A_1192], %select_n3A_1190 {strides = array<i32>} : memref<16x1024xi32, #tpu.memory_space<vmem>>, vector<1x1024xi32>,
    } else {
    }
    %get3A_835 = arith.constant 2 : index
    %get3A_836 = memref.load %arg1[%get3A_835] : memref<17xi32, #tpu.memory_space<smem>>
    %get3A_837 = arith.constant 3 : index
    %get3A_838 = memref.load %arg1[%get3A_837] : memref<17xi32, #tpu.memory_space<smem>>
    %add3A_839 = arith.constant 63 : i32
    %add3A_840 = arith.addi %get3A_836, %add3A_839 : i32
    %div3A_841 = arith.constant 64 : i32
    %div3A_842 = arith.divsi %add3A_840, %div3A_841 : i32
    %mul3A_843 = arith.constant 64 : i32
    %mul3A_844 = arith.muli %div3A_842, %mul3A_843 : i32
    %max3A_845 = arith.maxsi %mul3A_844, %mul3A_0 : i32
    %div3A_846 = arith.constant 64 : i32
    %div3A_847 = arith.divsi %get3A_838, %div3A_846 : i32
    %mul3A_848 = arith.constant 64 : i32
    %mul3A_849 = arith.muli %div3A_847, %mul3A_848 : i32
    %add3A_850 = arith.constant 2048 : i32
    %add3A_851 = arith.addi %mul3A_0, %add3A_850 : i32
    %min3A_852 = arith.minsi %mul3A_849, %add3A_851 : i32
    %gt3A_853 = arith.cmpi sgt, %min3A_852, %max3A_845 : i32
    %convert_element_type3A_854 = arith.extui %gt3A_853 : i1 to i32
    %cond3A_855 = arith.constant 0 : i32
    %cond3A_856 = arith.cmpi ne, %convert_element_type3A_854, %cond3A_855 : i32
    scf.if %cond3A_856 {
      %sub3A = arith.subi %max3A_845, %mul3A_0 : i32
      %div3A_1148 = arith.constant 64 : i32
      %div3A_1149 = arith.divsi %sub3A, %div3A_1148 : i32
      %sub3A_1150 = arith.subi %min3A_852, %mul3A_0 : i32
      %div3A_1151 = arith.constant 64 : i32
      %div3A_1152 = arith.divsi %sub3A_1150, %div3A_1151 : i32
      %ge3A = vector.broadcast %div3A_1149 : i32 to vector<32x1024xi32>
      %ge3A_1153 = arith.cmpi sge, %iota3A_794, %ge3A : vector<32x1024xi32>
      %lt3A = vector.broadcast %div3A_1152 : i32 to vector<32x1024xi32>
      %lt3A_1154 = arith.cmpi slt, %iota3A_794, %lt3A : vector<32x1024xi32>
      %and3A = arith.andi %ge3A_1153, %lt3A_1154 : vector<32x1024xi1>
      %get3A_1155 = arith.constant 0 : index
      %get3A_1156 = arith.constant 0 : index
      %get3A_1157 = vector.load %arg5[%get3A_1155, %get3A_1156] : memref<32x1024xf32, #tpu.memory_space<vmem>>, vector<32x1024xf32>
      %jit3A_1158 = arith.constant 0xFF800000 : f32
      %broadcast_in_dim3A_1159 = vector.broadcast %jit3A_1158 : f32 to vector<32x1024xf32>
      %select_n3A_1160 = arith.select %and3A, %get3A_1157, %broadcast_in_dim3A_1159 : vector<32x1024xi1>, vector<32x1024xf32>
      %reduce_max3A_1161 = arith.constant dense<0xFF800000> : vector<1024xf32>
      %reduce_max3A_1162 = vector.multi_reduction <maximumf>, %select_n3A_1160, %reduce_max3A_1161 [0] : vector<32x1024xf32> to vector<1024xf32>
      %broadcast_in_dim3A_1163 = vector.shape_cast %reduce_max3A_1162 : vector<1024xf32> to vector<1x1024xf32>
      %eq3A_1164 = vector.broadcast %broadcast_in_dim3A_1163 : vector<1x1024xf32> to vector<32x1024xf32>
      %eq3A_1165 = arith.cmpf oeq, %get3A_1157, %eq3A_1164 : vector<32x1024xf32>
      %and3A_1166 = arith.andi %and3A, %eq3A_1165 : vector<32x1024xi1>
      %get3A_1167 = arith.constant 0 : index
      %get3A_1168 = arith.constant 0 : index
      %get3A_1169 = vector.load %arg6[%get3A_1167, %get3A_1168] : memref<32x1024xi32, #tpu.memory_space<vmem>>, vector<32x1024xi32>
      %jit3A_1170 = arith.constant 32768 : i32
      %broadcast_in_dim3A_1171 = vector.broadcast %jit3A_1170 : i32 to vector<32x1024xi32>
      %select_n3A_1172 = arith.select %and3A_1166, %get3A_1169, %broadcast_in_dim3A_1171 : vector<32x1024xi1>, vector<32x1024xi32>
      %reduce_min3A_1173 = arith.constant dense<2147483647> : vector<1024xi32>
      %reduce_min3A_1174 = vector.multi_reduction <minsi>, %select_n3A_1172, %reduce_min3A_1173 [0] : vector<32x1024xi32> to vector<1024xi32>
      %broadcast_in_dim3A_1175 = vector.shape_cast %reduce_min3A_1174 : vector<1024xi32> to vector<1x1024xi32>
      %get3A_1176 = arith.constant 2 : index
      %get3A_1177 = arith.constant 0 : index
      %get3A_1178 = vector.load %arg7[%get3A_1176, %get3A_1177] : memref<16x1024xf32, #tpu.memory_space<vmem>>, vector<1x1024xf32>
      %gt3A_1179 = arith.cmpf ogt, %broadcast_in_dim3A_1163, %get3A_1178 : vector<1x1024xf32>
      %get3A_1180 = arith.constant 2 : index
      %get3A_1181 = arith.constant 0 : index
      %get3A_1182 = vector.load %arg7[%get3A_1180, %get3A_1181] : memref<16x1024xf32, #tpu.memory_space<vmem>>, vector<1x1024xf32>
      %select_n3A_1183 = arith.select %gt3A_1179, %broadcast_in_dim3A_1163, %get3A_1182 : vector<1x1024xi1>, vector<1x1024xf32>
      %swap3A_1184 = arith.constant 2 : index
      %swap3A_1185 = arith.constant 0 : index
      %swap3A_1186 = vector.load %arg7[%swap3A_1184, %swap3A_1185] : memref<16x1024xf32, #tpu.memory_space<vmem>>, vector<1x1024xf32>
      tpu.vector_store %arg7[%swap3A_1184, %swap3A_1185], %select_n3A_1183 {strides = array<i32>} : memref<16x1024xf32, #tpu.memory_space<vmem>>, vector<1x1024xf32>,
      %get3A_1187 = arith.constant 2 : index
      %get3A_1188 = arith.constant 0 : index
      %get3A_1189 = vector.load %arg8[%get3A_1187, %get3A_1188] : memref<16x1024xi32, #tpu.memory_space<vmem>>, vector<1x1024xi32>
      %select_n3A_1190 = arith.select %gt3A_1179, %broadcast_in_dim3A_1175, %get3A_1189 : vector<1x1024xi1>, vector<1x1024xi32>
      %swap3A_1191 = arith.constant 2 : index
      %swap3A_1192 = arith.constant 0 : index
      %swap3A_1193 = vector.load %arg8[%swap3A_1191, %swap3A_1192] : memref<16x1024xi32, #tpu.memory_space<vmem>>, vector<1x1024xi32>
      tpu.vector_store %arg8[%swap3A_1191, %swap3A_1192], %select_n3A_1190 {strides = array<i32>} : memref<16x1024xi32, #tpu.memory_space<vmem>>, vector<1x1024xi32>,
    } else {
    }
    %get3A_857 = arith.constant 3 : index
    %get3A_858 = memref.load %arg1[%get3A_857] : memref<17xi32, #tpu.memory_space<smem>>
    %get3A_859 = arith.constant 4 : index
    %get3A_860 = memref.load %arg1[%get3A_859] : memref<17xi32, #tpu.memory_space<smem>>
    %add3A_861 = arith.constant 63 : i32
    %add3A_862 = arith.addi %get3A_858, %add3A_861 : i32
    %div3A_863 = arith.constant 64 : i32
    %div3A_864 = arith.divsi %add3A_862, %div3A_863 : i32
    %mul3A_865 = arith.constant 64 : i32
    %mul3A_866 = arith.muli %div3A_864, %mul3A_865 : i32
    %max3A_867 = arith.maxsi %mul3A_866, %mul3A_0 : i32
    %div3A_868 = arith.constant 64 : i32
    %div3A_869 = arith.divsi %get3A_860, %div3A_868 : i32
    %mul3A_870 = arith.constant 64 : i32
    %mul3A_871 = arith.muli %div3A_869, %mul3A_870 : i32
    %add3A_872 = arith.constant 2048 : i32
    %add3A_873 = arith.addi %mul3A_0, %add3A_872 : i32
    %min3A_874 = arith.minsi %mul3A_871, %add3A_873 : i32
    %gt3A_875 = arith.cmpi sgt, %min3A_874, %max3A_867 : i32
    %convert_element_type3A_876 = arith.extui %gt3A_875 : i1 to i32
    %cond3A_877 = arith.constant 0 : i32
    %cond3A_878 = arith.cmpi ne, %convert_element_type3A_876, %cond3A_877 : i32
    scf.if %cond3A_878 {
      %sub3A = arith.subi %max3A_867, %mul3A_0 : i32
      %div3A_1148 = arith.constant 64 : i32
      %div3A_1149 = arith.divsi %sub3A, %div3A_1148 : i32
      %sub3A_1150 = arith.subi %min3A_874, %mul3A_0 : i32
      %div3A_1151 = arith.constant 64 : i32
      %div3A_1152 = arith.divsi %sub3A_1150, %div3A_1151 : i32
      %ge3A = vector.broadcast %div3A_1149 : i32 to vector<32x1024xi32>
      %ge3A_1153 = arith.cmpi sge, %iota3A_794, %ge3A : vector<32x1024xi32>
      %lt3A = vector.broadcast %div3A_1152 : i32 to vector<32x1024xi32>
      %lt3A_1154 = arith.cmpi slt, %iota3A_794, %lt3A : vector<32x1024xi32>
      %and3A = arith.andi %ge3A_1153, %lt3A_1154 : vector<32x1024xi1>
      %get3A_1155 = arith.constant 0 : index
      %get3A_1156 = arith.constant 0 : index
      %get3A_1157 = vector.load %arg5[%get3A_1155, %get3A_1156] : memref<32x1024xf32, #tpu.memory_space<vmem>>, vector<32x1024xf32>
      %jit3A_1158 = arith.constant 0xFF800000 : f32
      %broadcast_in_dim3A_1159 = vector.broadcast %jit3A_1158 : f32 to vector<32x1024xf32>
      %select_n3A_1160 = arith.select %and3A, %get3A_1157, %broadcast_in_dim3A_1159 : vector<32x1024xi1>, vector<32x1024xf32>
      %reduce_max3A_1161 = arith.constant dense<0xFF800000> : vector<1024xf32>
      %reduce_max3A_1162 = vector.multi_reduction <maximumf>, %select_n3A_1160, %reduce_max3A_1161 [0] : vector<32x1024xf32> to vector<1024xf32>
      %broadcast_in_dim3A_1163 = vector.shape_cast %reduce_max3A_1162 : vector<1024xf32> to vector<1x1024xf32>
      %eq3A_1164 = vector.broadcast %broadcast_in_dim3A_1163 : vector<1x1024xf32> to vector<32x1024xf32>
      %eq3A_1165 = arith.cmpf oeq, %get3A_1157, %eq3A_1164 : vector<32x1024xf32>
      %and3A_1166 = arith.andi %and3A, %eq3A_1165 : vector<32x1024xi1>
      %get3A_1167 = arith.constant 0 : index
      %get3A_1168 = arith.constant 0 : index
      %get3A_1169 = vector.load %arg6[%get3A_1167, %get3A_1168] : memref<32x1024xi32, #tpu.memory_space<vmem>>, vector<32x1024xi32>
      %jit3A_1170 = arith.constant 32768 : i32
      %broadcast_in_dim3A_1171 = vector.broadcast %jit3A_1170 : i32 to vector<32x1024xi32>
      %select_n3A_1172 = arith.select %and3A_1166, %get3A_1169, %broadcast_in_dim3A_1171 : vector<32x1024xi1>, vector<32x1024xi32>
      %reduce_min3A_1173 = arith.constant dense<2147483647> : vector<1024xi32>
      %reduce_min3A_1174 = vector.multi_reduction <minsi>, %select_n3A_1172, %reduce_min3A_1173 [0] : vector<32x1024xi32> to vector<1024xi32>
      %broadcast_in_dim3A_1175 = vector.shape_cast %reduce_min3A_1174 : vector<1024xi32> to vector<1x1024xi32>
      %get3A_1176 = arith.constant 3 : index
      %get3A_1177 = arith.constant 0 : index
      %get3A_1178 = vector.load %arg7[%get3A_1176, %get3A_1177] : memref<16x1024xf32, #tpu.memory_space<vmem>>, vector<1x1024xf32>
      %gt3A_1179 = arith.cmpf ogt, %broadcast_in_dim3A_1163, %get3A_1178 : vector<1x1024xf32>
      %get3A_1180 = arith.constant 3 : index
      %get3A_1181 = arith.constant 0 : index
      %get3A_1182 = vector.load %arg7[%get3A_1180, %get3A_1181] : memref<16x1024xf32, #tpu.memory_space<vmem>>, vector<1x1024xf32>
      %select_n3A_1183 = arith.select %gt3A_1179, %broadcast_in_dim3A_1163, %get3A_1182 : vector<1x1024xi1>, vector<1x1024xf32>
      %swap3A_1184 = arith.constant 3 : index
      %swap3A_1185 = arith.constant 0 : index
      %swap3A_1186 = vector.load %arg7[%swap3A_1184, %swap3A_1185] : memref<16x1024xf32, #tpu.memory_space<vmem>>, vector<1x1024xf32>
      tpu.vector_store %arg7[%swap3A_1184, %swap3A_1185], %select_n3A_1183 {strides = array<i32>} : memref<16x1024xf32, #tpu.memory_space<vmem>>, vector<1x1024xf32>,
      %get3A_1187 = arith.constant 3 : index
      %get3A_1188 = arith.constant 0 : index
      %get3A_1189 = vector.load %arg8[%get3A_1187, %get3A_1188] : memref<16x1024xi32, #tpu.memory_space<vmem>>, vector<1x1024xi32>
      %select_n3A_1190 = arith.select %gt3A_1179, %broadcast_in_dim3A_1175, %get3A_1189 : vector<1x1024xi1>, vector<1x1024xi32>
      %swap3A_1191 = arith.constant 3 : index
      %swap3A_1192 = arith.constant 0 : index
      %swap3A_1193 = vector.load %arg8[%swap3A_1191, %swap3A_1192] : memref<16x1024xi32, #tpu.memory_space<vmem>>, vector<1x1024xi32>
      tpu.vector_store %arg8[%swap3A_1191, %swap3A_1192], %select_n3A_1190 {strides = array<i32>} : memref<16x1024xi32, #tpu.memory_space<vmem>>, vector<1x1024xi32>,
    } else {
    }
    %get3A_879 = arith.constant 4 : index
    %get3A_880 = memref.load %arg1[%get3A_879] : memref<17xi32, #tpu.memory_space<smem>>
    %get3A_881 = arith.constant 5 : index
    %get3A_882 = memref.load %arg1[%get3A_881] : memref<17xi32, #tpu.memory_space<smem>>
    %add3A_883 = arith.constant 63 : i32
    %add3A_884 = arith.addi %get3A_880, %add3A_883 : i32
    %div3A_885 = arith.constant 64 : i32
    %div3A_886 = arith.divsi %add3A_884, %div3A_885 : i32
    %mul3A_887 = arith.constant 64 : i32
    %mul3A_888 = arith.muli %div3A_886, %mul3A_887 : i32
    %max3A_889 = arith.maxsi %mul3A_888, %mul3A_0 : i32
    %div3A_890 = arith.constant 64 : i32
    %div3A_891 = arith.divsi %get3A_882, %div3A_890 : i32
    %mul3A_892 = arith.constant 64 : i32
    %mul3A_893 = arith.muli %div3A_891, %mul3A_892 : i32
    %add3A_894 = arith.constant 2048 : i32
    %add3A_895 = arith.addi %mul3A_0, %add3A_894 : i32
    %min3A_896 = arith.minsi %mul3A_893, %add3A_895 : i32
    %gt3A_897 = arith.cmpi sgt, %min3A_896, %max3A_889 : i32
    %convert_element_type3A_898 = arith.extui %gt3A_897 : i1 to i32
    %cond3A_899 = arith.constant 0 : i32
    %cond3A_900 = arith.cmpi ne, %convert_element_type3A_898, %cond3A_899 : i32
    scf.if %cond3A_900 {
      %sub3A = arith.subi %max3A_889, %mul3A_0 : i32
      %div3A_1148 = arith.constant 64 : i32
      %div3A_1149 = arith.divsi %sub3A, %div3A_1148 : i32
      %sub3A_1150 = arith.subi %min3A_896, %mul3A_0 : i32
      %div3A_1151 = arith.constant 64 : i32
      %div3A_1152 = arith.divsi %sub3A_1150, %div3A_1151 : i32
      %ge3A = vector.broadcast %div3A_1149 : i32 to vector<32x1024xi32>
      %ge3A_1153 = arith.cmpi sge, %iota3A_794, %ge3A : vector<32x1024xi32>
      %lt3A = vector.broadcast %div3A_1152 : i32 to vector<32x1024xi32>
      %lt3A_1154 = arith.cmpi slt, %iota3A_794, %lt3A : vector<32x1024xi32>
      %and3A = arith.andi %ge3A_1153, %lt3A_1154 : vector<32x1024xi1>
      %get3A_1155 = arith.constant 0 : index
      %get3A_1156 = arith.constant 0 : index
      %get3A_1157 = vector.load %arg5[%get3A_1155, %get3A_1156] : memref<32x1024xf32, #tpu.memory_space<vmem>>, vector<32x1024xf32>
      %jit3A_1158 = arith.constant 0xFF800000 : f32
      %broadcast_in_dim3A_1159 = vector.broadcast %jit3A_1158 : f32 to vector<32x1024xf32>
      %select_n3A_1160 = arith.select %and3A, %get3A_1157, %broadcast_in_dim3A_1159 : vector<32x1024xi1>, vector<32x1024xf32>
      %reduce_max3A_1161 = arith.constant dense<0xFF800000> : vector<1024xf32>
      %reduce_max3A_1162 = vector.multi_reduction <maximumf>, %select_n3A_1160, %reduce_max3A_1161 [0] : vector<32x1024xf32> to vector<1024xf32>
      %broadcast_in_dim3A_1163 = vector.shape_cast %reduce_max3A_1162 : vector<1024xf32> to vector<1x1024xf32>
      %eq3A_1164 = vector.broadcast %broadcast_in_dim3A_1163 : vector<1x1024xf32> to vector<32x1024xf32>
      %eq3A_1165 = arith.cmpf oeq, %get3A_1157, %eq3A_1164 : vector<32x1024xf32>
      %and3A_1166 = arith.andi %and3A, %eq3A_1165 : vector<32x1024xi1>
      %get3A_1167 = arith.constant 0 : index
      %get3A_1168 = arith.constant 0 : index
      %get3A_1169 = vector.load %arg6[%get3A_1167, %get3A_1168] : memref<32x1024xi32, #tpu.memory_space<vmem>>, vector<32x1024xi32>
      %jit3A_1170 = arith.constant 32768 : i32
      %broadcast_in_dim3A_1171 = vector.broadcast %jit3A_1170 : i32 to vector<32x1024xi32>
      %select_n3A_1172 = arith.select %and3A_1166, %get3A_1169, %broadcast_in_dim3A_1171 : vector<32x1024xi1>, vector<32x1024xi32>
      %reduce_min3A_1173 = arith.constant dense<2147483647> : vector<1024xi32>
      %reduce_min3A_1174 = vector.multi_reduction <minsi>, %select_n3A_1172, %reduce_min3A_1173 [0] : vector<32x1024xi32> to vector<1024xi32>
      %broadcast_in_dim3A_1175 = vector.shape_cast %reduce_min3A_1174 : vector<1024xi32> to vector<1x1024xi32>
      %get3A_1176 = arith.constant 4 : index
      %get3A_1177 = arith.constant 0 : index
      %get3A_1178 = vector.load %arg7[%get3A_1176, %get3A_1177] : memref<16x1024xf32, #tpu.memory_space<vmem>>, vector<1x1024xf32>
      %gt3A_1179 = arith.cmpf ogt, %broadcast_in_dim3A_1163, %get3A_1178 : vector<1x1024xf32>
      %get3A_1180 = arith.constant 4 : index
      %get3A_1181 = arith.constant 0 : index
      %get3A_1182 = vector.load %arg7[%get3A_1180, %get3A_1181] : memref<16x1024xf32, #tpu.memory_space<vmem>>, vector<1x1024xf32>
      %select_n3A_1183 = arith.select %gt3A_1179, %broadcast_in_dim3A_1163, %get3A_1182 : vector<1x1024xi1>, vector<1x1024xf32>
      %swap3A_1184 = arith.constant 4 : index
      %swap3A_1185 = arith.constant 0 : index
      %swap3A_1186 = vector.load %arg7[%swap3A_1184, %swap3A_1185] : memref<16x1024xf32, #tpu.memory_space<vmem>>, vector<1x1024xf32>
      tpu.vector_store %arg7[%swap3A_1184, %swap3A_1185], %select_n3A_1183 {strides = array<i32>} : memref<16x1024xf32, #tpu.memory_space<vmem>>, vector<1x1024xf32>,
      %get3A_1187 = arith.constant 4 : index
      %get3A_1188 = arith.constant 0 : index
      %get3A_1189 = vector.load %arg8[%get3A_1187, %get3A_1188] : memref<16x1024xi32, #tpu.memory_space<vmem>>, vector<1x1024xi32>
      %select_n3A_1190 = arith.select %gt3A_1179, %broadcast_in_dim3A_1175, %get3A_1189 : vector<1x1024xi1>, vector<1x1024xi32>
      %swap3A_1191 = arith.constant 4 : index
      %swap3A_1192 = arith.constant 0 : index
      %swap3A_1193 = vector.load %arg8[%swap3A_1191, %swap3A_1192] : memref<16x1024xi32, #tpu.memory_space<vmem>>, vector<1x1024xi32>
      tpu.vector_store %arg8[%swap3A_1191, %swap3A_1192], %select_n3A_1190 {strides = array<i32>} : memref<16x1024xi32, #tpu.memory_space<vmem>>, vector<1x1024xi32>,
    } else {
    }
    %get3A_901 = arith.constant 5 : index
    %get3A_902 = memref.load %arg1[%get3A_901] : memref<17xi32, #tpu.memory_space<smem>>
    %get3A_903 = arith.constant 6 : index
    %get3A_904 = memref.load %arg1[%get3A_903] : memref<17xi32, #tpu.memory_space<smem>>
    %add3A_905 = arith.constant 63 : i32
    %add3A_906 = arith.addi %get3A_902, %add3A_905 : i32
    %div3A_907 = arith.constant 64 : i32
    %div3A_908 = arith.divsi %add3A_906, %div3A_907 : i32
    %mul3A_909 = arith.constant 64 : i32
    %mul3A_910 = arith.muli %div3A_908, %mul3A_909 : i32
    %max3A_911 = arith.maxsi %mul3A_910, %mul3A_0 : i32
    %div3A_912 = arith.constant 64 : i32
    %div3A_913 = arith.divsi %get3A_904, %div3A_912 : i32
    %mul3A_914 = arith.constant 64 : i32
    %mul3A_915 = arith.muli %div3A_913, %mul3A_914 : i32
    %add3A_916 = arith.constant 2048 : i32
    %add3A_917 = arith.addi %mul3A_0, %add3A_916 : i32
    %min3A_918 = arith.minsi %mul3A_915, %add3A_917 : i32
    %gt3A_919 = arith.cmpi sgt, %min3A_918, %max3A_911 : i32
    %convert_element_type3A_920 = arith.extui %gt3A_919 : i1 to i32
    %cond3A_921 = arith.constant 0 : i32
    %cond3A_922 = arith.cmpi ne, %convert_element_type3A_920, %cond3A_921 : i32
    scf.if %cond3A_922 {
      %sub3A = arith.subi %max3A_911, %mul3A_0 : i32
      %div3A_1148 = arith.constant 64 : i32
      %div3A_1149 = arith.divsi %sub3A, %div3A_1148 : i32
      %sub3A_1150 = arith.subi %min3A_918, %mul3A_0 : i32
      %div3A_1151 = arith.constant 64 : i32
      %div3A_1152 = arith.divsi %sub3A_1150, %div3A_1151 : i32
      %ge3A = vector.broadcast %div3A_1149 : i32 to vector<32x1024xi32>
      %ge3A_1153 = arith.cmpi sge, %iota3A_794, %ge3A : vector<32x1024xi32>
      %lt3A = vector.broadcast %div3A_1152 : i32 to vector<32x1024xi32>
      %lt3A_1154 = arith.cmpi slt, %iota3A_794, %lt3A : vector<32x1024xi32>
      %and3A = arith.andi %ge3A_1153, %lt3A_1154 : vector<32x1024xi1>
      %get3A_1155 = arith.constant 0 : index
      %get3A_1156 = arith.constant 0 : index
      %get3A_1157 = vector.load %arg5[%get3A_1155, %get3A_1156] : memref<32x1024xf32, #tpu.memory_space<vmem>>, vector<32x1024xf32>
      %jit3A_1158 = arith.constant 0xFF800000 : f32
      %broadcast_in_dim3A_1159 = vector.broadcast %jit3A_1158 : f32 to vector<32x1024xf32>
      %select_n3A_1160 = arith.select %and3A, %get3A_1157, %broadcast_in_dim3A_1159 : vector<32x1024xi1>, vector<32x1024xf32>
      %reduce_max3A_1161 = arith.constant dense<0xFF800000> : vector<1024xf32>
      %reduce_max3A_1162 = vector.multi_reduction <maximumf>, %select_n3A_1160, %reduce_max3A_1161 [0] : vector<32x1024xf32> to vector<1024xf32>
      %broadcast_in_dim3A_1163 = vector.shape_cast %reduce_max3A_1162 : vector<1024xf32> to vector<1x1024xf32>
      %eq3A_1164 = vector.broadcast %broadcast_in_dim3A_1163 : vector<1x1024xf32> to vector<32x1024xf32>
      %eq3A_1165 = arith.cmpf oeq, %get3A_1157, %eq3A_1164 : vector<32x1024xf32>
      %and3A_1166 = arith.andi %and3A, %eq3A_1165 : vector<32x1024xi1>
      %get3A_1167 = arith.constant 0 : index
      %get3A_1168 = arith.constant 0 : index
      %get3A_1169 = vector.load %arg6[%get3A_1167, %get3A_1168] : memref<32x1024xi32, #tpu.memory_space<vmem>>, vector<32x1024xi32>
      %jit3A_1170 = arith.constant 32768 : i32
      %broadcast_in_dim3A_1171 = vector.broadcast %jit3A_1170 : i32 to vector<32x1024xi32>
      %select_n3A_1172 = arith.select %and3A_1166, %get3A_1169, %broadcast_in_dim3A_1171 : vector<32x1024xi1>, vector<32x1024xi32>
      %reduce_min3A_1173 = arith.constant dense<2147483647> : vector<1024xi32>
      %reduce_min3A_1174 = vector.multi_reduction <minsi>, %select_n3A_1172, %reduce_min3A_1173 [0] : vector<32x1024xi32> to vector<1024xi32>
      %broadcast_in_dim3A_1175 = vector.shape_cast %reduce_min3A_1174 : vector<1024xi32> to vector<1x1024xi32>
      %get3A_1176 = arith.constant 5 : index
      %get3A_1177 = arith.constant 0 : index
      %get3A_1178 = vector.load %arg7[%get3A_1176, %get3A_1177] : memref<16x1024xf32, #tpu.memory_space<vmem>>, vector<1x1024xf32>
      %gt3A_1179 = arith.cmpf ogt, %broadcast_in_dim3A_1163, %get3A_1178 : vector<1x1024xf32>
      %get3A_1180 = arith.constant 5 : index
      %get3A_1181 = arith.constant 0 : index
      %get3A_1182 = vector.load %arg7[%get3A_1180, %get3A_1181] : memref<16x1024xf32, #tpu.memory_space<vmem>>, vector<1x1024xf32>
      %select_n3A_1183 = arith.select %gt3A_1179, %broadcast_in_dim3A_1163, %get3A_1182 : vector<1x1024xi1>, vector<1x1024xf32>
      %swap3A_1184 = arith.constant 5 : index
      %swap3A_1185 = arith.constant 0 : index
      %swap3A_1186 = vector.load %arg7[%swap3A_1184, %swap3A_1185] : memref<16x1024xf32, #tpu.memory_space<vmem>>, vector<1x1024xf32>
      tpu.vector_store %arg7[%swap3A_1184, %swap3A_1185], %select_n3A_1183 {strides = array<i32>} : memref<16x1024xf32, #tpu.memory_space<vmem>>, vector<1x1024xf32>,
      %get3A_1187 = arith.constant 5 : index
      %get3A_1188 = arith.constant 0 : index
      %get3A_1189 = vector.load %arg8[%get3A_1187, %get3A_1188] : memref<16x1024xi32, #tpu.memory_space<vmem>>, vector<1x1024xi32>
      %select_n3A_1190 = arith.select %gt3A_1179, %broadcast_in_dim3A_1175, %get3A_1189 : vector<1x1024xi1>, vector<1x1024xi32>
      %swap3A_1191 = arith.constant 5 : index
      %swap3A_1192 = arith.constant 0 : index
      %swap3A_1193 = vector.load %arg8[%swap3A_1191, %swap3A_1192] : memref<16x1024xi32, #tpu.memory_space<vmem>>, vector<1x1024xi32>
      tpu.vector_store %arg8[%swap3A_1191, %swap3A_1192], %select_n3A_1190 {strides = array<i32>} : memref<16x1024xi32, #tpu.memory_space<vmem>>, vector<1x1024xi32>,
    } else {
    }
    %get3A_923 = arith.constant 6 : index
    %get3A_924 = memref.load %arg1[%get3A_923] : memref<17xi32, #tpu.memory_space<smem>>
    %get3A_925 = arith.constant 7 : index
    %get3A_926 = memref.load %arg1[%get3A_925] : memref<17xi32, #tpu.memory_space<smem>>
    %add3A_927 = arith.constant 63 : i32
    %add3A_928 = arith.addi %get3A_924, %add3A_927 : i32
    %div3A_929 = arith.constant 64 : i32
    %div3A_930 = arith.divsi %add3A_928, %div3A_929 : i32
    %mul3A_931 = arith.constant 64 : i32
    %mul3A_932 = arith.muli %div3A_930, %mul3A_931 : i32
    %max3A_933 = arith.maxsi %mul3A_932, %mul3A_0 : i32
    %div3A_934 = arith.constant 64 : i32
    %div3A_935 = arith.divsi %get3A_926, %div3A_934 : i32
    %mul3A_936 = arith.constant 64 : i32
    %mul3A_937 = arith.muli %div3A_935, %mul3A_936 : i32
    %add3A_938 = arith.constant 2048 : i32
    %add3A_939 = arith.addi %mul3A_0, %add3A_938 : i32
    %min3A_940 = arith.minsi %mul3A_937, %add3A_939 : i32
    %gt3A_941 = arith.cmpi sgt, %min3A_940, %max3A_933 : i32
    %convert_element_type3A_942 = arith.extui %gt3A_941 : i1 to i32
    %cond3A_943 = arith.constant 0 : i32
    %cond3A_944 = arith.cmpi ne, %convert_element_type3A_942, %cond3A_943 : i32
    scf.if %cond3A_944 {
      %sub3A = arith.subi %max3A_933, %mul3A_0 : i32
      %div3A_1148 = arith.constant 64 : i32
      %div3A_1149 = arith.divsi %sub3A, %div3A_1148 : i32
      %sub3A_1150 = arith.subi %min3A_940, %mul3A_0 : i32
      %div3A_1151 = arith.constant 64 : i32
      %div3A_1152 = arith.divsi %sub3A_1150, %div3A_1151 : i32
      %ge3A = vector.broadcast %div3A_1149 : i32 to vector<32x1024xi32>
      %ge3A_1153 = arith.cmpi sge, %iota3A_794, %ge3A : vector<32x1024xi32>
      %lt3A = vector.broadcast %div3A_1152 : i32 to vector<32x1024xi32>
      %lt3A_1154 = arith.cmpi slt, %iota3A_794, %lt3A : vector<32x1024xi32>
      %and3A = arith.andi %ge3A_1153, %lt3A_1154 : vector<32x1024xi1>
      %get3A_1155 = arith.constant 0 : index
      %get3A_1156 = arith.constant 0 : index
      %get3A_1157 = vector.load %arg5[%get3A_1155, %get3A_1156] : memref<32x1024xf32, #tpu.memory_space<vmem>>, vector<32x1024xf32>
      %jit3A_1158 = arith.constant 0xFF800000 : f32
      %broadcast_in_dim3A_1159 = vector.broadcast %jit3A_1158 : f32 to vector<32x1024xf32>
      %select_n3A_1160 = arith.select %and3A, %get3A_1157, %broadcast_in_dim3A_1159 : vector<32x1024xi1>, vector<32x1024xf32>
      %reduce_max3A_1161 = arith.constant dense<0xFF800000> : vector<1024xf32>
      %reduce_max3A_1162 = vector.multi_reduction <maximumf>, %select_n3A_1160, %reduce_max3A_1161 [0] : vector<32x1024xf32> to vector<1024xf32>
      %broadcast_in_dim3A_1163 = vector.shape_cast %reduce_max3A_1162 : vector<1024xf32> to vector<1x1024xf32>
      %eq3A_1164 = vector.broadcast %broadcast_in_dim3A_1163 : vector<1x1024xf32> to vector<32x1024xf32>
      %eq3A_1165 = arith.cmpf oeq, %get3A_1157, %eq3A_1164 : vector<32x1024xf32>
      %and3A_1166 = arith.andi %and3A, %eq3A_1165 : vector<32x1024xi1>
      %get3A_1167 = arith.constant 0 : index
      %get3A_1168 = arith.constant 0 : index
      %get3A_1169 = vector.load %arg6[%get3A_1167, %get3A_1168] : memref<32x1024xi32, #tpu.memory_space<vmem>>, vector<32x1024xi32>
      %jit3A_1170 = arith.constant 32768 : i32
      %broadcast_in_dim3A_1171 = vector.broadcast %jit3A_1170 : i32 to vector<32x1024xi32>
      %select_n3A_1172 = arith.select %and3A_1166, %get3A_1169, %broadcast_in_dim3A_1171 : vector<32x1024xi1>, vector<32x1024xi32>
      %reduce_min3A_1173 = arith.constant dense<2147483647> : vector<1024xi32>
      %reduce_min3A_1174 = vector.multi_reduction <minsi>, %select_n3A_1172, %reduce_min3A_1173 [0] : vector<32x1024xi32> to vector<1024xi32>
      %broadcast_in_dim3A_1175 = vector.shape_cast %reduce_min3A_1174 : vector<1024xi32> to vector<1x1024xi32>
      %get3A_1176 = arith.constant 6 : index
      %get3A_1177 = arith.constant 0 : index
      %get3A_1178 = vector.load %arg7[%get3A_1176, %get3A_1177] : memref<16x1024xf32, #tpu.memory_space<vmem>>, vector<1x1024xf32>
      %gt3A_1179 = arith.cmpf ogt, %broadcast_in_dim3A_1163, %get3A_1178 : vector<1x1024xf32>
      %get3A_1180 = arith.constant 6 : index
      %get3A_1181 = arith.constant 0 : index
      %get3A_1182 = vector.load %arg7[%get3A_1180, %get3A_1181] : memref<16x1024xf32, #tpu.memory_space<vmem>>, vector<1x1024xf32>
      %select_n3A_1183 = arith.select %gt3A_1179, %broadcast_in_dim3A_1163, %get3A_1182 : vector<1x1024xi1>, vector<1x1024xf32>
      %swap3A_1184 = arith.constant 6 : index
      %swap3A_1185 = arith.constant 0 : index
      %swap3A_1186 = vector.load %arg7[%swap3A_1184, %swap3A_1185] : memref<16x1024xf32, #tpu.memory_space<vmem>>, vector<1x1024xf32>
      tpu.vector_store %arg7[%swap3A_1184, %swap3A_1185], %select_n3A_1183 {strides = array<i32>} : memref<16x1024xf32, #tpu.memory_space<vmem>>, vector<1x1024xf32>,
      %get3A_1187 = arith.constant 6 : index
      %get3A_1188 = arith.constant 0 : index
      %get3A_1189 = vector.load %arg8[%get3A_1187, %get3A_1188] : memref<16x1024xi32, #tpu.memory_space<vmem>>, vector<1x1024xi32>
      %select_n3A_1190 = arith.select %gt3A_1179, %broadcast_in_dim3A_1175, %get3A_1189 : vector<1x1024xi1>, vector<1x1024xi32>
      %swap3A_1191 = arith.constant 6 : index
      %swap3A_1192 = arith.constant 0 : index
      %swap3A_1193 = vector.load %arg8[%swap3A_1191, %swap3A_1192] : memref<16x1024xi32, #tpu.memory_space<vmem>>, vector<1x1024xi32>
      tpu.vector_store %arg8[%swap3A_1191, %swap3A_1192], %select_n3A_1190 {strides = array<i32>} : memref<16x1024xi32, #tpu.memory_space<vmem>>, vector<1x1024xi32>,
    } else {
    }
    %get3A_945 = arith.constant 7 : index
    %get3A_946 = memref.load %arg1[%get3A_945] : memref<17xi32, #tpu.memory_space<smem>>
    %get3A_947 = arith.constant 8 : index
    %get3A_948 = memref.load %arg1[%get3A_947] : memref<17xi32, #tpu.memory_space<smem>>
    %add3A_949 = arith.constant 63 : i32
    %add3A_950 = arith.addi %get3A_946, %add3A_949 : i32
    %div3A_951 = arith.constant 64 : i32
    %div3A_952 = arith.divsi %add3A_950, %div3A_951 : i32
    %mul3A_953 = arith.constant 64 : i32
    %mul3A_954 = arith.muli %div3A_952, %mul3A_953 : i32
    %max3A_955 = arith.maxsi %mul3A_954, %mul3A_0 : i32
    %div3A_956 = arith.constant 64 : i32
    %div3A_957 = arith.divsi %get3A_948, %div3A_956 : i32
    %mul3A_958 = arith.constant 64 : i32
    %mul3A_959 = arith.muli %div3A_957, %mul3A_958 : i32
    %add3A_960 = arith.constant 2048 : i32
    %add3A_961 = arith.addi %mul3A_0, %add3A_960 : i32
    %min3A_962 = arith.minsi %mul3A_959, %add3A_961 : i32
    %gt3A_963 = arith.cmpi sgt, %min3A_962, %max3A_955 : i32
    %convert_element_type3A_964 = arith.extui %gt3A_963 : i1 to i32
    %cond3A_965 = arith.constant 0 : i32
    %cond3A_966 = arith.cmpi ne, %convert_element_type3A_964, %cond3A_965 : i32
    scf.if %cond3A_966 {
      %sub3A = arith.subi %max3A_955, %mul3A_0 : i32
      %div3A_1148 = arith.constant 64 : i32
      %div3A_1149 = arith.divsi %sub3A, %div3A_1148 : i32
      %sub3A_1150 = arith.subi %min3A_962, %mul3A_0 : i32
      %div3A_1151 = arith.constant 64 : i32
      %div3A_1152 = arith.divsi %sub3A_1150, %div3A_1151 : i32
      %ge3A = vector.broadcast %div3A_1149 : i32 to vector<32x1024xi32>
      %ge3A_1153 = arith.cmpi sge, %iota3A_794, %ge3A : vector<32x1024xi32>
      %lt3A = vector.broadcast %div3A_1152 : i32 to vector<32x1024xi32>
      %lt3A_1154 = arith.cmpi slt, %iota3A_794, %lt3A : vector<32x1024xi32>
      %and3A = arith.andi %ge3A_1153, %lt3A_1154 : vector<32x1024xi1>
      %get3A_1155 = arith.constant 0 : index
      %get3A_1156 = arith.constant 0 : index
      %get3A_1157 = vector.load %arg5[%get3A_1155, %get3A_1156] : memref<32x1024xf32, #tpu.memory_space<vmem>>, vector<32x1024xf32>
      %jit3A_1158 = arith.constant 0xFF800000 : f32
      %broadcast_in_dim3A_1159 = vector.broadcast %jit3A_1158 : f32 to vector<32x1024xf32>
      %select_n3A_1160 = arith.select %and3A, %get3A_1157, %broadcast_in_dim3A_1159 : vector<32x1024xi1>, vector<32x1024xf32>
      %reduce_max3A_1161 = arith.constant dense<0xFF800000> : vector<1024xf32>
      %reduce_max3A_1162 = vector.multi_reduction <maximumf>, %select_n3A_1160, %reduce_max3A_1161 [0] : vector<32x1024xf32> to vector<1024xf32>
      %broadcast_in_dim3A_1163 = vector.shape_cast %reduce_max3A_1162 : vector<1024xf32> to vector<1x1024xf32>
      %eq3A_1164 = vector.broadcast %broadcast_in_dim3A_1163 : vector<1x1024xf32> to vector<32x1024xf32>
      %eq3A_1165 = arith.cmpf oeq, %get3A_1157, %eq3A_1164 : vector<32x1024xf32>
      %and3A_1166 = arith.andi %and3A, %eq3A_1165 : vector<32x1024xi1>
      %get3A_1167 = arith.constant 0 : index
      %get3A_1168 = arith.constant 0 : index
      %get3A_1169 = vector.load %arg6[%get3A_1167, %get3A_1168] : memref<32x1024xi32, #tpu.memory_space<vmem>>, vector<32x1024xi32>
      %jit3A_1170 = arith.constant 32768 : i32
      %broadcast_in_dim3A_1171 = vector.broadcast %jit3A_1170 : i32 to vector<32x1024xi32>
      %select_n3A_1172 = arith.select %and3A_1166, %get3A_1169, %broadcast_in_dim3A_1171 : vector<32x1024xi1>, vector<32x1024xi32>
      %reduce_min3A_1173 = arith.constant dense<2147483647> : vector<1024xi32>
      %reduce_min3A_1174 = vector.multi_reduction <minsi>, %select_n3A_1172, %reduce_min3A_1173 [0] : vector<32x1024xi32> to vector<1024xi32>
      %broadcast_in_dim3A_1175 = vector.shape_cast %reduce_min3A_1174 : vector<1024xi32> to vector<1x1024xi32>
      %get3A_1176 = arith.constant 7 : index
      %get3A_1177 = arith.constant 0 : index
      %get3A_1178 = vector.load %arg7[%get3A_1176, %get3A_1177] : memref<16x1024xf32, #tpu.memory_space<vmem>>, vector<1x1024xf32>
      %gt3A_1179 = arith.cmpf ogt, %broadcast_in_dim3A_1163, %get3A_1178 : vector<1x1024xf32>
      %get3A_1180 = arith.constant 7 : index
      %get3A_1181 = arith.constant 0 : index
      %get3A_1182 = vector.load %arg7[%get3A_1180, %get3A_1181] : memref<16x1024xf32, #tpu.memory_space<vmem>>, vector<1x1024xf32>
      %select_n3A_1183 = arith.select %gt3A_1179, %broadcast_in_dim3A_1163, %get3A_1182 : vector<1x1024xi1>, vector<1x1024xf32>
      %swap3A_1184 = arith.constant 7 : index
      %swap3A_1185 = arith.constant 0 : index
      %swap3A_1186 = vector.load %arg7[%swap3A_1184, %swap3A_1185] : memref<16x1024xf32, #tpu.memory_space<vmem>>, vector<1x1024xf32>
      tpu.vector_store %arg7[%swap3A_1184, %swap3A_1185], %select_n3A_1183 {strides = array<i32>} : memref<16x1024xf32, #tpu.memory_space<vmem>>, vector<1x1024xf32>,
      %get3A_1187 = arith.constant 7 : index
      %get3A_1188 = arith.constant 0 : index
      %get3A_1189 = vector.load %arg8[%get3A_1187, %get3A_1188] : memref<16x1024xi32, #tpu.memory_space<vmem>>, vector<1x1024xi32>
      %select_n3A_1190 = arith.select %gt3A_1179, %broadcast_in_dim3A_1175, %get3A_1189 : vector<1x1024xi1>, vector<1x1024xi32>
      %swap3A_1191 = arith.constant 7 : index
      %swap3A_1192 = arith.constant 0 : index
      %swap3A_1193 = vector.load %arg8[%swap3A_1191, %swap3A_1192] : memref<16x1024xi32, #tpu.memory_space<vmem>>, vector<1x1024xi32>
      tpu.vector_store %arg8[%swap3A_1191, %swap3A_1192], %select_n3A_1190 {strides = array<i32>} : memref<16x1024xi32, #tpu.memory_space<vmem>>, vector<1x1024xi32>,
    } else {
    }
    %get3A_967 = arith.constant 8 : index
    %get3A_968 = memref.load %arg1[%get3A_967] : memref<17xi32, #tpu.memory_space<smem>>
    %get3A_969 = arith.constant 9 : index
    %get3A_970 = memref.load %arg1[%get3A_969] : memref<17xi32, #tpu.memory_space<smem>>
    %add3A_971 = arith.constant 63 : i32
    %add3A_972 = arith.addi %get3A_968, %add3A_971 : i32
    %div3A_973 = arith.constant 64 : i32
    %div3A_974 = arith.divsi %add3A_972, %div3A_973 : i32
    %mul3A_975 = arith.constant 64 : i32
    %mul3A_976 = arith.muli %div3A_974, %mul3A_975 : i32
    %max3A_977 = arith.maxsi %mul3A_976, %mul3A_0 : i32
    %div3A_978 = arith.constant 64 : i32
    %div3A_979 = arith.divsi %get3A_970, %div3A_978 : i32
    %mul3A_980 = arith.constant 64 : i32
    %mul3A_981 = arith.muli %div3A_979, %mul3A_980 : i32
    %add3A_982 = arith.constant 2048 : i32
    %add3A_983 = arith.addi %mul3A_0, %add3A_982 : i32
    %min3A_984 = arith.minsi %mul3A_981, %add3A_983 : i32
    %gt3A_985 = arith.cmpi sgt, %min3A_984, %max3A_977 : i32
    %convert_element_type3A_986 = arith.extui %gt3A_985 : i1 to i32
    %cond3A_987 = arith.constant 0 : i32
    %cond3A_988 = arith.cmpi ne, %convert_element_type3A_986, %cond3A_987 : i32
    scf.if %cond3A_988 {
      %sub3A = arith.subi %max3A_977, %mul3A_0 : i32
      %div3A_1148 = arith.constant 64 : i32
      %div3A_1149 = arith.divsi %sub3A, %div3A_1148 : i32
      %sub3A_1150 = arith.subi %min3A_984, %mul3A_0 : i32
      %div3A_1151 = arith.constant 64 : i32
      %div3A_1152 = arith.divsi %sub3A_1150, %div3A_1151 : i32
      %ge3A = vector.broadcast %div3A_1149 : i32 to vector<32x1024xi32>
      %ge3A_1153 = arith.cmpi sge, %iota3A_794, %ge3A : vector<32x1024xi32>
      %lt3A = vector.broadcast %div3A_1152 : i32 to vector<32x1024xi32>
      %lt3A_1154 = arith.cmpi slt, %iota3A_794, %lt3A : vector<32x1024xi32>
      %and3A = arith.andi %ge3A_1153, %lt3A_1154 : vector<32x1024xi1>
      %get3A_1155 = arith.constant 0 : index
      %get3A_1156 = arith.constant 0 : index
      %get3A_1157 = vector.load %arg5[%get3A_1155, %get3A_1156] : memref<32x1024xf32, #tpu.memory_space<vmem>>, vector<32x1024xf32>
      %jit3A_1158 = arith.constant 0xFF800000 : f32
      %broadcast_in_dim3A_1159 = vector.broadcast %jit3A_1158 : f32 to vector<32x1024xf32>
      %select_n3A_1160 = arith.select %and3A, %get3A_1157, %broadcast_in_dim3A_1159 : vector<32x1024xi1>, vector<32x1024xf32>
      %reduce_max3A_1161 = arith.constant dense<0xFF800000> : vector<1024xf32>
      %reduce_max3A_1162 = vector.multi_reduction <maximumf>, %select_n3A_1160, %reduce_max3A_1161 [0] : vector<32x1024xf32> to vector<1024xf32>
      %broadcast_in_dim3A_1163 = vector.shape_cast %reduce_max3A_1162 : vector<1024xf32> to vector<1x1024xf32>
      %eq3A_1164 = vector.broadcast %broadcast_in_dim3A_1163 : vector<1x1024xf32> to vector<32x1024xf32>
      %eq3A_1165 = arith.cmpf oeq, %get3A_1157, %eq3A_1164 : vector<32x1024xf32>
      %and3A_1166 = arith.andi %and3A, %eq3A_1165 : vector<32x1024xi1>
      %get3A_1167 = arith.constant 0 : index
      %get3A_1168 = arith.constant 0 : index
      %get3A_1169 = vector.load %arg6[%get3A_1167, %get3A_1168] : memref<32x1024xi32, #tpu.memory_space<vmem>>, vector<32x1024xi32>
      %jit3A_1170 = arith.constant 32768 : i32
      %broadcast_in_dim3A_1171 = vector.broadcast %jit3A_1170 : i32 to vector<32x1024xi32>
      %select_n3A_1172 = arith.select %and3A_1166, %get3A_1169, %broadcast_in_dim3A_1171 : vector<32x1024xi1>, vector<32x1024xi32>
      %reduce_min3A_1173 = arith.constant dense<2147483647> : vector<1024xi32>
      %reduce_min3A_1174 = vector.multi_reduction <minsi>, %select_n3A_1172, %reduce_min3A_1173 [0] : vector<32x1024xi32> to vector<1024xi32>
      %broadcast_in_dim3A_1175 = vector.shape_cast %reduce_min3A_1174 : vector<1024xi32> to vector<1x1024xi32>
      %get3A_1176 = arith.constant 8 : index
      %get3A_1177 = arith.constant 0 : index
      %get3A_1178 = vector.load %arg7[%get3A_1176, %get3A_1177] : memref<16x1024xf32, #tpu.memory_space<vmem>>, vector<1x1024xf32>
      %gt3A_1179 = arith.cmpf ogt, %broadcast_in_dim3A_1163, %get3A_1178 : vector<1x1024xf32>
      %get3A_1180 = arith.constant 8 : index
      %get3A_1181 = arith.constant 0 : index
      %get3A_1182 = vector.load %arg7[%get3A_1180, %get3A_1181] : memref<16x1024xf32, #tpu.memory_space<vmem>>, vector<1x1024xf32>
      %select_n3A_1183 = arith.select %gt3A_1179, %broadcast_in_dim3A_1163, %get3A_1182 : vector<1x1024xi1>, vector<1x1024xf32>
      %swap3A_1184 = arith.constant 8 : index
      %swap3A_1185 = arith.constant 0 : index
      %swap3A_1186 = vector.load %arg7[%swap3A_1184, %swap3A_1185] : memref<16x1024xf32, #tpu.memory_space<vmem>>, vector<1x1024xf32>
      tpu.vector_store %arg7[%swap3A_1184, %swap3A_1185], %select_n3A_1183 {strides = array<i32>} : memref<16x1024xf32, #tpu.memory_space<vmem>>, vector<1x1024xf32>,
      %get3A_1187 = arith.constant 8 : index
      %get3A_1188 = arith.constant 0 : index
      %get3A_1189 = vector.load %arg8[%get3A_1187, %get3A_1188] : memref<16x1024xi32, #tpu.memory_space<vmem>>, vector<1x1024xi32>
      %select_n3A_1190 = arith.select %gt3A_1179, %broadcast_in_dim3A_1175, %get3A_1189 : vector<1x1024xi1>, vector<1x1024xi32>
      %swap3A_1191 = arith.constant 8 : index
      %swap3A_1192 = arith.constant 0 : index
      %swap3A_1193 = vector.load %arg8[%swap3A_1191, %swap3A_1192] : memref<16x1024xi32, #tpu.memory_space<vmem>>, vector<1x1024xi32>
      tpu.vector_store %arg8[%swap3A_1191, %swap3A_1192], %select_n3A_1190 {strides = array<i32>} : memref<16x1024xi32, #tpu.memory_space<vmem>>, vector<1x1024xi32>,
    } else {
    }
    %get3A_989 = arith.constant 9 : index
    %get3A_990 = memref.load %arg1[%get3A_989] : memref<17xi32, #tpu.memory_space<smem>>
    %get3A_991 = arith.constant 10 : index
    %get3A_992 = memref.load %arg1[%get3A_991] : memref<17xi32, #tpu.memory_space<smem>>
    %add3A_993 = arith.constant 63 : i32
    %add3A_994 = arith.addi %get3A_990, %add3A_993 : i32
    %div3A_995 = arith.constant 64 : i32
    %div3A_996 = arith.divsi %add3A_994, %div3A_995 : i32
    %mul3A_997 = arith.constant 64 : i32
    %mul3A_998 = arith.muli %div3A_996, %mul3A_997 : i32
    %max3A_999 = arith.maxsi %mul3A_998, %mul3A_0 : i32
    %div3A_1000 = arith.constant 64 : i32
    %div3A_1001 = arith.divsi %get3A_992, %div3A_1000 : i32
    %mul3A_1002 = arith.constant 64 : i32
    %mul3A_1003 = arith.muli %div3A_1001, %mul3A_1002 : i32
    %add3A_1004 = arith.constant 2048 : i32
    %add3A_1005 = arith.addi %mul3A_0, %add3A_1004 : i32
    %min3A_1006 = arith.minsi %mul3A_1003, %add3A_1005 : i32
    %gt3A_1007 = arith.cmpi sgt, %min3A_1006, %max3A_999 : i32
    %convert_element_type3A_1008 = arith.extui %gt3A_1007 : i1 to i32
    %cond3A_1009 = arith.constant 0 : i32
    %cond3A_1010 = arith.cmpi ne, %convert_element_type3A_1008, %cond3A_1009 : i32
    scf.if %cond3A_1010 {
      %sub3A = arith.subi %max3A_999, %mul3A_0 : i32
      %div3A_1148 = arith.constant 64 : i32
      %div3A_1149 = arith.divsi %sub3A, %div3A_1148 : i32
      %sub3A_1150 = arith.subi %min3A_1006, %mul3A_0 : i32
      %div3A_1151 = arith.constant 64 : i32
      %div3A_1152 = arith.divsi %sub3A_1150, %div3A_1151 : i32
      %ge3A = vector.broadcast %div3A_1149 : i32 to vector<32x1024xi32>
      %ge3A_1153 = arith.cmpi sge, %iota3A_794, %ge3A : vector<32x1024xi32>
      %lt3A = vector.broadcast %div3A_1152 : i32 to vector<32x1024xi32>
      %lt3A_1154 = arith.cmpi slt, %iota3A_794, %lt3A : vector<32x1024xi32>
      %and3A = arith.andi %ge3A_1153, %lt3A_1154 : vector<32x1024xi1>
      %get3A_1155 = arith.constant 0 : index
      %get3A_1156 = arith.constant 0 : index
      %get3A_1157 = vector.load %arg5[%get3A_1155, %get3A_1156] : memref<32x1024xf32, #tpu.memory_space<vmem>>, vector<32x1024xf32>
      %jit3A_1158 = arith.constant 0xFF800000 : f32
      %broadcast_in_dim3A_1159 = vector.broadcast %jit3A_1158 : f32 to vector<32x1024xf32>
      %select_n3A_1160 = arith.select %and3A, %get3A_1157, %broadcast_in_dim3A_1159 : vector<32x1024xi1>, vector<32x1024xf32>
      %reduce_max3A_1161 = arith.constant dense<0xFF800000> : vector<1024xf32>
      %reduce_max3A_1162 = vector.multi_reduction <maximumf>, %select_n3A_1160, %reduce_max3A_1161 [0] : vector<32x1024xf32> to vector<1024xf32>
      %broadcast_in_dim3A_1163 = vector.shape_cast %reduce_max3A_1162 : vector<1024xf32> to vector<1x1024xf32>
      %eq3A_1164 = vector.broadcast %broadcast_in_dim3A_1163 : vector<1x1024xf32> to vector<32x1024xf32>
      %eq3A_1165 = arith.cmpf oeq, %get3A_1157, %eq3A_1164 : vector<32x1024xf32>
      %and3A_1166 = arith.andi %and3A, %eq3A_1165 : vector<32x1024xi1>
      %get3A_1167 = arith.constant 0 : index
      %get3A_1168 = arith.constant 0 : index
      %get3A_1169 = vector.load %arg6[%get3A_1167, %get3A_1168] : memref<32x1024xi32, #tpu.memory_space<vmem>>, vector<32x1024xi32>
      %jit3A_1170 = arith.constant 32768 : i32
      %broadcast_in_dim3A_1171 = vector.broadcast %jit3A_1170 : i32 to vector<32x1024xi32>
      %select_n3A_1172 = arith.select %and3A_1166, %get3A_1169, %broadcast_in_dim3A_1171 : vector<32x1024xi1>, vector<32x1024xi32>
      %reduce_min3A_1173 = arith.constant dense<2147483647> : vector<1024xi32>
      %reduce_min3A_1174 = vector.multi_reduction <minsi>, %select_n3A_1172, %reduce_min3A_1173 [0] : vector<32x1024xi32> to vector<1024xi32>
      %broadcast_in_dim3A_1175 = vector.shape_cast %reduce_min3A_1174 : vector<1024xi32> to vector<1x1024xi32>
      %get3A_1176 = arith.constant 9 : index
      %get3A_1177 = arith.constant 0 : index
      %get3A_1178 = vector.load %arg7[%get3A_1176, %get3A_1177] : memref<16x1024xf32, #tpu.memory_space<vmem>>, vector<1x1024xf32>
      %gt3A_1179 = arith.cmpf ogt, %broadcast_in_dim3A_1163, %get3A_1178 : vector<1x1024xf32>
      %get3A_1180 = arith.constant 9 : index
      %get3A_1181 = arith.constant 0 : index
      %get3A_1182 = vector.load %arg7[%get3A_1180, %get3A_1181] : memref<16x1024xf32, #tpu.memory_space<vmem>>, vector<1x1024xf32>
      %select_n3A_1183 = arith.select %gt3A_1179, %broadcast_in_dim3A_1163, %get3A_1182 : vector<1x1024xi1>, vector<1x1024xf32>
      %swap3A_1184 = arith.constant 9 : index
      %swap3A_1185 = arith.constant 0 : index
      %swap3A_1186 = vector.load %arg7[%swap3A_1184, %swap3A_1185] : memref<16x1024xf32, #tpu.memory_space<vmem>>, vector<1x1024xf32>
      tpu.vector_store %arg7[%swap3A_1184, %swap3A_1185], %select_n3A_1183 {strides = array<i32>} : memref<16x1024xf32, #tpu.memory_space<vmem>>, vector<1x1024xf32>,
      %get3A_1187 = arith.constant 9 : index
      %get3A_1188 = arith.constant 0 : index
      %get3A_1189 = vector.load %arg8[%get3A_1187, %get3A_1188] : memref<16x1024xi32, #tpu.memory_space<vmem>>, vector<1x1024xi32>
      %select_n3A_1190 = arith.select %gt3A_1179, %broadcast_in_dim3A_1175, %get3A_1189 : vector<1x1024xi1>, vector<1x1024xi32>
      %swap3A_1191 = arith.constant 9 : index
      %swap3A_1192 = arith.constant 0 : index
      %swap3A_1193 = vector.load %arg8[%swap3A_1191, %swap3A_1192] : memref<16x1024xi32, #tpu.memory_space<vmem>>, vector<1x1024xi32>
      tpu.vector_store %arg8[%swap3A_1191, %swap3A_1192], %select_n3A_1190 {strides = array<i32>} : memref<16x1024xi32, #tpu.memory_space<vmem>>, vector<1x1024xi32>,
    } else {
    }
    %get3A_1011 = arith.constant 10 : index
    %get3A_1012 = memref.load %arg1[%get3A_1011] : memref<17xi32, #tpu.memory_space<smem>>
    %get3A_1013 = arith.constant 11 : index
    %get3A_1014 = memref.load %arg1[%get3A_1013] : memref<17xi32, #tpu.memory_space<smem>>
    %add3A_1015 = arith.constant 63 : i32
    %add3A_1016 = arith.addi %get3A_1012, %add3A_1015 : i32
    %div3A_1017 = arith.constant 64 : i32
    %div3A_1018 = arith.divsi %add3A_1016, %div3A_1017 : i32
    %mul3A_1019 = arith.constant 64 : i32
    %mul3A_1020 = arith.muli %div3A_1018, %mul3A_1019 : i32
    %max3A_1021 = arith.maxsi %mul3A_1020, %mul3A_0 : i32
    %div3A_1022 = arith.constant 64 : i32
    %div3A_1023 = arith.divsi %get3A_1014, %div3A_1022 : i32
    %mul3A_1024 = arith.constant 64 : i32
    %mul3A_1025 = arith.muli %div3A_1023, %mul3A_1024 : i32
    %add3A_1026 = arith.constant 2048 : i32
    %add3A_1027 = arith.addi %mul3A_0, %add3A_1026 : i32
    %min3A_1028 = arith.minsi %mul3A_1025, %add3A_1027 : i32
    %gt3A_1029 = arith.cmpi sgt, %min3A_1028, %max3A_1021 : i32
    %convert_element_type3A_1030 = arith.extui %gt3A_1029 : i1 to i32
    %cond3A_1031 = arith.constant 0 : i32
    %cond3A_1032 = arith.cmpi ne, %convert_element_type3A_1030, %cond3A_1031 : i32
    scf.if %cond3A_1032 {
      %sub3A = arith.subi %max3A_1021, %mul3A_0 : i32
      %div3A_1148 = arith.constant 64 : i32
      %div3A_1149 = arith.divsi %sub3A, %div3A_1148 : i32
      %sub3A_1150 = arith.subi %min3A_1028, %mul3A_0 : i32
      %div3A_1151 = arith.constant 64 : i32
      %div3A_1152 = arith.divsi %sub3A_1150, %div3A_1151 : i32
      %ge3A = vector.broadcast %div3A_1149 : i32 to vector<32x1024xi32>
      %ge3A_1153 = arith.cmpi sge, %iota3A_794, %ge3A : vector<32x1024xi32>
      %lt3A = vector.broadcast %div3A_1152 : i32 to vector<32x1024xi32>
      %lt3A_1154 = arith.cmpi slt, %iota3A_794, %lt3A : vector<32x1024xi32>
      %and3A = arith.andi %ge3A_1153, %lt3A_1154 : vector<32x1024xi1>
      %get3A_1155 = arith.constant 0 : index
      %get3A_1156 = arith.constant 0 : index
      %get3A_1157 = vector.load %arg5[%get3A_1155, %get3A_1156] : memref<32x1024xf32, #tpu.memory_space<vmem>>, vector<32x1024xf32>
      %jit3A_1158 = arith.constant 0xFF800000 : f32
      %broadcast_in_dim3A_1159 = vector.broadcast %jit3A_1158 : f32 to vector<32x1024xf32>
      %select_n3A_1160 = arith.select %and3A, %get3A_1157, %broadcast_in_dim3A_1159 : vector<32x1024xi1>, vector<32x1024xf32>
      %reduce_max3A_1161 = arith.constant dense<0xFF800000> : vector<1024xf32>
      %reduce_max3A_1162 = vector.multi_reduction <maximumf>, %select_n3A_1160, %reduce_max3A_1161 [0] : vector<32x1024xf32> to vector<1024xf32>
      %broadcast_in_dim3A_1163 = vector.shape_cast %reduce_max3A_1162 : vector<1024xf32> to vector<1x1024xf32>
      %eq3A_1164 = vector.broadcast %broadcast_in_dim3A_1163 : vector<1x1024xf32> to vector<32x1024xf32>
      %eq3A_1165 = arith.cmpf oeq, %get3A_1157, %eq3A_1164 : vector<32x1024xf32>
      %and3A_1166 = arith.andi %and3A, %eq3A_1165 : vector<32x1024xi1>
      %get3A_1167 = arith.constant 0 : index
      %get3A_1168 = arith.constant 0 : index
      %get3A_1169 = vector.load %arg6[%get3A_1167, %get3A_1168] : memref<32x1024xi32, #tpu.memory_space<vmem>>, vector<32x1024xi32>
      %jit3A_1170 = arith.constant 32768 : i32
      %broadcast_in_dim3A_1171 = vector.broadcast %jit3A_1170 : i32 to vector<32x1024xi32>
      %select_n3A_1172 = arith.select %and3A_1166, %get3A_1169, %broadcast_in_dim3A_1171 : vector<32x1024xi1>, vector<32x1024xi32>
      %reduce_min3A_1173 = arith.constant dense<2147483647> : vector<1024xi32>
      %reduce_min3A_1174 = vector.multi_reduction <minsi>, %select_n3A_1172, %reduce_min3A_1173 [0] : vector<32x1024xi32> to vector<1024xi32>
      %broadcast_in_dim3A_1175 = vector.shape_cast %reduce_min3A_1174 : vector<1024xi32> to vector<1x1024xi32>
      %get3A_1176 = arith.constant 10 : index
      %get3A_1177 = arith.constant 0 : index
      %get3A_1178 = vector.load %arg7[%get3A_1176, %get3A_1177] : memref<16x1024xf32, #tpu.memory_space<vmem>>, vector<1x1024xf32>
      %gt3A_1179 = arith.cmpf ogt, %broadcast_in_dim3A_1163, %get3A_1178 : vector<1x1024xf32>
      %get3A_1180 = arith.constant 10 : index
      %get3A_1181 = arith.constant 0 : index
      %get3A_1182 = vector.load %arg7[%get3A_1180, %get3A_1181] : memref<16x1024xf32, #tpu.memory_space<vmem>>, vector<1x1024xf32>
      %select_n3A_1183 = arith.select %gt3A_1179, %broadcast_in_dim3A_1163, %get3A_1182 : vector<1x1024xi1>, vector<1x1024xf32>
      %swap3A_1184 = arith.constant 10 : index
      %swap3A_1185 = arith.constant 0 : index
      %swap3A_1186 = vector.load %arg7[%swap3A_1184, %swap3A_1185] : memref<16x1024xf32, #tpu.memory_space<vmem>>, vector<1x1024xf32>
      tpu.vector_store %arg7[%swap3A_1184, %swap3A_1185], %select_n3A_1183 {strides = array<i32>} : memref<16x1024xf32, #tpu.memory_space<vmem>>, vector<1x1024xf32>,
      %get3A_1187 = arith.constant 10 : index
      %get3A_1188 = arith.constant 0 : index
      %get3A_1189 = vector.load %arg8[%get3A_1187, %get3A_1188] : memref<16x1024xi32, #tpu.memory_space<vmem>>, vector<1x1024xi32>
      %select_n3A_1190 = arith.select %gt3A_1179, %broadcast_in_dim3A_1175, %get3A_1189 : vector<1x1024xi1>, vector<1x1024xi32>
      %swap3A_1191 = arith.constant 10 : index
      %swap3A_1192 = arith.constant 0 : index
      %swap3A_1193 = vector.load %arg8[%swap3A_1191, %swap3A_1192] : memref<16x1024xi32, #tpu.memory_space<vmem>>, vector<1x1024xi32>
      tpu.vector_store %arg8[%swap3A_1191, %swap3A_1192], %select_n3A_1190 {strides = array<i32>} : memref<16x1024xi32, #tpu.memory_space<vmem>>, vector<1x1024xi32>,
    } else {
    }
    %get3A_1033 = arith.constant 11 : index
    %get3A_1034 = memref.load %arg1[%get3A_1033] : memref<17xi32, #tpu.memory_space<smem>>
    %get3A_1035 = arith.constant 12 : index
    %get3A_1036 = memref.load %arg1[%get3A_1035] : memref<17xi32, #tpu.memory_space<smem>>
    %add3A_1037 = arith.constant 63 : i32
    %add3A_1038 = arith.addi %get3A_1034, %add3A_1037 : i32
    %div3A_1039 = arith.constant 64 : i32
    %div3A_1040 = arith.divsi %add3A_1038, %div3A_1039 : i32
    %mul3A_1041 = arith.constant 64 : i32
    %mul3A_1042 = arith.muli %div3A_1040, %mul3A_1041 : i32
    %max3A_1043 = arith.maxsi %mul3A_1042, %mul3A_0 : i32
    %div3A_1044 = arith.constant 64 : i32
    %div3A_1045 = arith.divsi %get3A_1036, %div3A_1044 : i32
    %mul3A_1046 = arith.constant 64 : i32
    %mul3A_1047 = arith.muli %div3A_1045, %mul3A_1046 : i32
    %add3A_1048 = arith.constant 2048 : i32
    %add3A_1049 = arith.addi %mul3A_0, %add3A_1048 : i32
    %min3A_1050 = arith.minsi %mul3A_1047, %add3A_1049 : i32
    %gt3A_1051 = arith.cmpi sgt, %min3A_1050, %max3A_1043 : i32
    %convert_element_type3A_1052 = arith.extui %gt3A_1051 : i1 to i32
    %cond3A_1053 = arith.constant 0 : i32
    %cond3A_1054 = arith.cmpi ne, %convert_element_type3A_1052, %cond3A_1053 : i32
    scf.if %cond3A_1054 {
      %sub3A = arith.subi %max3A_1043, %mul3A_0 : i32
      %div3A_1148 = arith.constant 64 : i32
      %div3A_1149 = arith.divsi %sub3A, %div3A_1148 : i32
      %sub3A_1150 = arith.subi %min3A_1050, %mul3A_0 : i32
      %div3A_1151 = arith.constant 64 : i32
      %div3A_1152 = arith.divsi %sub3A_1150, %div3A_1151 : i32
      %ge3A = vector.broadcast %div3A_1149 : i32 to vector<32x1024xi32>
      %ge3A_1153 = arith.cmpi sge, %iota3A_794, %ge3A : vector<32x1024xi32>
      %lt3A = vector.broadcast %div3A_1152 : i32 to vector<32x1024xi32>
      %lt3A_1154 = arith.cmpi slt, %iota3A_794, %lt3A : vector<32x1024xi32>
      %and3A = arith.andi %ge3A_1153, %lt3A_1154 : vector<32x1024xi1>
      %get3A_1155 = arith.constant 0 : index
      %get3A_1156 = arith.constant 0 : index
      %get3A_1157 = vector.load %arg5[%get3A_1155, %get3A_1156] : memref<32x1024xf32, #tpu.memory_space<vmem>>, vector<32x1024xf32>
      %jit3A_1158 = arith.constant 0xFF800000 : f32
      %broadcast_in_dim3A_1159 = vector.broadcast %jit3A_1158 : f32 to vector<32x1024xf32>
      %select_n3A_1160 = arith.select %and3A, %get3A_1157, %broadcast_in_dim3A_1159 : vector<32x1024xi1>, vector<32x1024xf32>
      %reduce_max3A_1161 = arith.constant dense<0xFF800000> : vector<1024xf32>
      %reduce_max3A_1162 = vector.multi_reduction <maximumf>, %select_n3A_1160, %reduce_max3A_1161 [0] : vector<32x1024xf32> to vector<1024xf32>
      %broadcast_in_dim3A_1163 = vector.shape_cast %reduce_max3A_1162 : vector<1024xf32> to vector<1x1024xf32>
      %eq3A_1164 = vector.broadcast %broadcast_in_dim3A_1163 : vector<1x1024xf32> to vector<32x1024xf32>
      %eq3A_1165 = arith.cmpf oeq, %get3A_1157, %eq3A_1164 : vector<32x1024xf32>
      %and3A_1166 = arith.andi %and3A, %eq3A_1165 : vector<32x1024xi1>
      %get3A_1167 = arith.constant 0 : index
      %get3A_1168 = arith.constant 0 : index
      %get3A_1169 = vector.load %arg6[%get3A_1167, %get3A_1168] : memref<32x1024xi32, #tpu.memory_space<vmem>>, vector<32x1024xi32>
      %jit3A_1170 = arith.constant 32768 : i32
      %broadcast_in_dim3A_1171 = vector.broadcast %jit3A_1170 : i32 to vector<32x1024xi32>
      %select_n3A_1172 = arith.select %and3A_1166, %get3A_1169, %broadcast_in_dim3A_1171 : vector<32x1024xi1>, vector<32x1024xi32>
      %reduce_min3A_1173 = arith.constant dense<2147483647> : vector<1024xi32>
      %reduce_min3A_1174 = vector.multi_reduction <minsi>, %select_n3A_1172, %reduce_min3A_1173 [0] : vector<32x1024xi32> to vector<1024xi32>
      %broadcast_in_dim3A_1175 = vector.shape_cast %reduce_min3A_1174 : vector<1024xi32> to vector<1x1024xi32>
      %get3A_1176 = arith.constant 11 : index
      %get3A_1177 = arith.constant 0 : index
      %get3A_1178 = vector.load %arg7[%get3A_1176, %get3A_1177] : memref<16x1024xf32, #tpu.memory_space<vmem>>, vector<1x1024xf32>
      %gt3A_1179 = arith.cmpf ogt, %broadcast_in_dim3A_1163, %get3A_1178 : vector<1x1024xf32>
      %get3A_1180 = arith.constant 11 : index
      %get3A_1181 = arith.constant 0 : index
      %get3A_1182 = vector.load %arg7[%get3A_1180, %get3A_1181] : memref<16x1024xf32, #tpu.memory_space<vmem>>, vector<1x1024xf32>
      %select_n3A_1183 = arith.select %gt3A_1179, %broadcast_in_dim3A_1163, %get3A_1182 : vector<1x1024xi1>, vector<1x1024xf32>
      %swap3A_1184 = arith.constant 11 : index
      %swap3A_1185 = arith.constant 0 : index
      %swap3A_1186 = vector.load %arg7[%swap3A_1184, %swap3A_1185] : memref<16x1024xf32, #tpu.memory_space<vmem>>, vector<1x1024xf32>
      tpu.vector_store %arg7[%swap3A_1184, %swap3A_1185], %select_n3A_1183 {strides = array<i32>} : memref<16x1024xf32, #tpu.memory_space<vmem>>, vector<1x1024xf32>,
      %get3A_1187 = arith.constant 11 : index
      %get3A_1188 = arith.constant 0 : index
      %get3A_1189 = vector.load %arg8[%get3A_1187, %get3A_1188] : memref<16x1024xi32, #tpu.memory_space<vmem>>, vector<1x1024xi32>
      %select_n3A_1190 = arith.select %gt3A_1179, %broadcast_in_dim3A_1175, %get3A_1189 : vector<1x1024xi1>, vector<1x1024xi32>
      %swap3A_1191 = arith.constant 11 : index
      %swap3A_1192 = arith.constant 0 : index
      %swap3A_1193 = vector.load %arg8[%swap3A_1191, %swap3A_1192] : memref<16x1024xi32, #tpu.memory_space<vmem>>, vector<1x1024xi32>
      tpu.vector_store %arg8[%swap3A_1191, %swap3A_1192], %select_n3A_1190 {strides = array<i32>} : memref<16x1024xi32, #tpu.memory_space<vmem>>, vector<1x1024xi32>,
    } else {
    }
    %get3A_1055 = arith.constant 12 : index
    %get3A_1056 = memref.load %arg1[%get3A_1055] : memref<17xi32, #tpu.memory_space<smem>>
    %get3A_1057 = arith.constant 13 : index
    %get3A_1058 = memref.load %arg1[%get3A_1057] : memref<17xi32, #tpu.memory_space<smem>>
    %add3A_1059 = arith.constant 63 : i32
    %add3A_1060 = arith.addi %get3A_1056, %add3A_1059 : i32
    %div3A_1061 = arith.constant 64 : i32
    %div3A_1062 = arith.divsi %add3A_1060, %div3A_1061 : i32
    %mul3A_1063 = arith.constant 64 : i32
    %mul3A_1064 = arith.muli %div3A_1062, %mul3A_1063 : i32
    %max3A_1065 = arith.maxsi %mul3A_1064, %mul3A_0 : i32
    %div3A_1066 = arith.constant 64 : i32
    %div3A_1067 = arith.divsi %get3A_1058, %div3A_1066 : i32
    %mul3A_1068 = arith.constant 64 : i32
    %mul3A_1069 = arith.muli %div3A_1067, %mul3A_1068 : i32
    %add3A_1070 = arith.constant 2048 : i32
    %add3A_1071 = arith.addi %mul3A_0, %add3A_1070 : i32
    %min3A_1072 = arith.minsi %mul3A_1069, %add3A_1071 : i32
    %gt3A_1073 = arith.cmpi sgt, %min3A_1072, %max3A_1065 : i32
    %convert_element_type3A_1074 = arith.extui %gt3A_1073 : i1 to i32
    %cond3A_1075 = arith.constant 0 : i32
    %cond3A_1076 = arith.cmpi ne, %convert_element_type3A_1074, %cond3A_1075 : i32
    scf.if %cond3A_1076 {
      %sub3A = arith.subi %max3A_1065, %mul3A_0 : i32
      %div3A_1148 = arith.constant 64 : i32
      %div3A_1149 = arith.divsi %sub3A, %div3A_1148 : i32
      %sub3A_1150 = arith.subi %min3A_1072, %mul3A_0 : i32
      %div3A_1151 = arith.constant 64 : i32
      %div3A_1152 = arith.divsi %sub3A_1150, %div3A_1151 : i32
      %ge3A = vector.broadcast %div3A_1149 : i32 to vector<32x1024xi32>
      %ge3A_1153 = arith.cmpi sge, %iota3A_794, %ge3A : vector<32x1024xi32>
      %lt3A = vector.broadcast %div3A_1152 : i32 to vector<32x1024xi32>
      %lt3A_1154 = arith.cmpi slt, %iota3A_794, %lt3A : vector<32x1024xi32>
      %and3A = arith.andi %ge3A_1153, %lt3A_1154 : vector<32x1024xi1>
      %get3A_1155 = arith.constant 0 : index
      %get3A_1156 = arith.constant 0 : index
      %get3A_1157 = vector.load %arg5[%get3A_1155, %get3A_1156] : memref<32x1024xf32, #tpu.memory_space<vmem>>, vector<32x1024xf32>
      %jit3A_1158 = arith.constant 0xFF800000 : f32
      %broadcast_in_dim3A_1159 = vector.broadcast %jit3A_1158 : f32 to vector<32x1024xf32>
      %select_n3A_1160 = arith.select %and3A, %get3A_1157, %broadcast_in_dim3A_1159 : vector<32x1024xi1>, vector<32x1024xf32>
      %reduce_max3A_1161 = arith.constant dense<0xFF800000> : vector<1024xf32>
      %reduce_max3A_1162 = vector.multi_reduction <maximumf>, %select_n3A_1160, %reduce_max3A_1161 [0] : vector<32x1024xf32> to vector<1024xf32>
      %broadcast_in_dim3A_1163 = vector.shape_cast %reduce_max3A_1162 : vector<1024xf32> to vector<1x1024xf32>
      %eq3A_1164 = vector.broadcast %broadcast_in_dim3A_1163 : vector<1x1024xf32> to vector<32x1024xf32>
      %eq3A_1165 = arith.cmpf oeq, %get3A_1157, %eq3A_1164 : vector<32x1024xf32>
      %and3A_1166 = arith.andi %and3A, %eq3A_1165 : vector<32x1024xi1>
      %get3A_1167 = arith.constant 0 : index
      %get3A_1168 = arith.constant 0 : index
      %get3A_1169 = vector.load %arg6[%get3A_1167, %get3A_1168] : memref<32x1024xi32, #tpu.memory_space<vmem>>, vector<32x1024xi32>
      %jit3A_1170 = arith.constant 32768 : i32
      %broadcast_in_dim3A_1171 = vector.broadcast %jit3A_1170 : i32 to vector<32x1024xi32>
      %select_n3A_1172 = arith.select %and3A_1166, %get3A_1169, %broadcast_in_dim3A_1171 : vector<32x1024xi1>, vector<32x1024xi32>
      %reduce_min3A_1173 = arith.constant dense<2147483647> : vector<1024xi32>
      %reduce_min3A_1174 = vector.multi_reduction <minsi>, %select_n3A_1172, %reduce_min3A_1173 [0] : vector<32x1024xi32> to vector<1024xi32>
      %broadcast_in_dim3A_1175 = vector.shape_cast %reduce_min3A_1174 : vector<1024xi32> to vector<1x1024xi32>
      %get3A_1176 = arith.constant 12 : index
      %get3A_1177 = arith.constant 0 : index
      %get3A_1178 = vector.load %arg7[%get3A_1176, %get3A_1177] : memref<16x1024xf32, #tpu.memory_space<vmem>>, vector<1x1024xf32>
      %gt3A_1179 = arith.cmpf ogt, %broadcast_in_dim3A_1163, %get3A_1178 : vector<1x1024xf32>
      %get3A_1180 = arith.constant 12 : index
      %get3A_1181 = arith.constant 0 : index
      %get3A_1182 = vector.load %arg7[%get3A_1180, %get3A_1181] : memref<16x1024xf32, #tpu.memory_space<vmem>>, vector<1x1024xf32>
      %select_n3A_1183 = arith.select %gt3A_1179, %broadcast_in_dim3A_1163, %get3A_1182 : vector<1x1024xi1>, vector<1x1024xf32>
      %swap3A_1184 = arith.constant 12 : index
      %swap3A_1185 = arith.constant 0 : index
      %swap3A_1186 = vector.load %arg7[%swap3A_1184, %swap3A_1185] : memref<16x1024xf32, #tpu.memory_space<vmem>>, vector<1x1024xf32>
      tpu.vector_store %arg7[%swap3A_1184, %swap3A_1185], %select_n3A_1183 {strides = array<i32>} : memref<16x1024xf32, #tpu.memory_space<vmem>>, vector<1x1024xf32>,
      %get3A_1187 = arith.constant 12 : index
      %get3A_1188 = arith.constant 0 : index
      %get3A_1189 = vector.load %arg8[%get3A_1187, %get3A_1188] : memref<16x1024xi32, #tpu.memory_space<vmem>>, vector<1x1024xi32>
      %select_n3A_1190 = arith.select %gt3A_1179, %broadcast_in_dim3A_1175, %get3A_1189 : vector<1x1024xi1>, vector<1x1024xi32>
      %swap3A_1191 = arith.constant 12 : index
      %swap3A_1192 = arith.constant 0 : index
      %swap3A_1193 = vector.load %arg8[%swap3A_1191, %swap3A_1192] : memref<16x1024xi32, #tpu.memory_space<vmem>>, vector<1x1024xi32>
      tpu.vector_store %arg8[%swap3A_1191, %swap3A_1192], %select_n3A_1190 {strides = array<i32>} : memref<16x1024xi32, #tpu.memory_space<vmem>>, vector<1x1024xi32>,
    } else {
    }
    %get3A_1077 = arith.constant 13 : index
    %get3A_1078 = memref.load %arg1[%get3A_1077] : memref<17xi32, #tpu.memory_space<smem>>
    %get3A_1079 = arith.constant 14 : index
    %get3A_1080 = memref.load %arg1[%get3A_1079] : memref<17xi32, #tpu.memory_space<smem>>
    %add3A_1081 = arith.constant 63 : i32
    %add3A_1082 = arith.addi %get3A_1078, %add3A_1081 : i32
    %div3A_1083 = arith.constant 64 : i32
    %div3A_1084 = arith.divsi %add3A_1082, %div3A_1083 : i32
    %mul3A_1085 = arith.constant 64 : i32
    %mul3A_1086 = arith.muli %div3A_1084, %mul3A_1085 : i32
    %max3A_1087 = arith.maxsi %mul3A_1086, %mul3A_0 : i32
    %div3A_1088 = arith.constant 64 : i32
    %div3A_1089 = arith.divsi %get3A_1080, %div3A_1088 : i32
    %mul3A_1090 = arith.constant 64 : i32
    %mul3A_1091 = arith.muli %div3A_1089, %mul3A_1090 : i32
    %add3A_1092 = arith.constant 2048 : i32
    %add3A_1093 = arith.addi %mul3A_0, %add3A_1092 : i32
    %min3A_1094 = arith.minsi %mul3A_1091, %add3A_1093 : i32
    %gt3A_1095 = arith.cmpi sgt, %min3A_1094, %max3A_1087 : i32
    %convert_element_type3A_1096 = arith.extui %gt3A_1095 : i1 to i32
    %cond3A_1097 = arith.constant 0 : i32
    %cond3A_1098 = arith.cmpi ne, %convert_element_type3A_1096, %cond3A_1097 : i32
    scf.if %cond3A_1098 {
      %sub3A = arith.subi %max3A_1087, %mul3A_0 : i32
      %div3A_1148 = arith.constant 64 : i32
      %div3A_1149 = arith.divsi %sub3A, %div3A_1148 : i32
      %sub3A_1150 = arith.subi %min3A_1094, %mul3A_0 : i32
      %div3A_1151 = arith.constant 64 : i32
      %div3A_1152 = arith.divsi %sub3A_1150, %div3A_1151 : i32
      %ge3A = vector.broadcast %div3A_1149 : i32 to vector<32x1024xi32>
      %ge3A_1153 = arith.cmpi sge, %iota3A_794, %ge3A : vector<32x1024xi32>
      %lt3A = vector.broadcast %div3A_1152 : i32 to vector<32x1024xi32>
      %lt3A_1154 = arith.cmpi slt, %iota3A_794, %lt3A : vector<32x1024xi32>
      %and3A = arith.andi %ge3A_1153, %lt3A_1154 : vector<32x1024xi1>
      %get3A_1155 = arith.constant 0 : index
      %get3A_1156 = arith.constant 0 : index
      %get3A_1157 = vector.load %arg5[%get3A_1155, %get3A_1156] : memref<32x1024xf32, #tpu.memory_space<vmem>>, vector<32x1024xf32>
      %jit3A_1158 = arith.constant 0xFF800000 : f32
      %broadcast_in_dim3A_1159 = vector.broadcast %jit3A_1158 : f32 to vector<32x1024xf32>
      %select_n3A_1160 = arith.select %and3A, %get3A_1157, %broadcast_in_dim3A_1159 : vector<32x1024xi1>, vector<32x1024xf32>
      %reduce_max3A_1161 = arith.constant dense<0xFF800000> : vector<1024xf32>
      %reduce_max3A_1162 = vector.multi_reduction <maximumf>, %select_n3A_1160, %reduce_max3A_1161 [0] : vector<32x1024xf32> to vector<1024xf32>
      %broadcast_in_dim3A_1163 = vector.shape_cast %reduce_max3A_1162 : vector<1024xf32> to vector<1x1024xf32>
      %eq3A_1164 = vector.broadcast %broadcast_in_dim3A_1163 : vector<1x1024xf32> to vector<32x1024xf32>
      %eq3A_1165 = arith.cmpf oeq, %get3A_1157, %eq3A_1164 : vector<32x1024xf32>
      %and3A_1166 = arith.andi %and3A, %eq3A_1165 : vector<32x1024xi1>
      %get3A_1167 = arith.constant 0 : index
      %get3A_1168 = arith.constant 0 : index
      %get3A_1169 = vector.load %arg6[%get3A_1167, %get3A_1168] : memref<32x1024xi32, #tpu.memory_space<vmem>>, vector<32x1024xi32>
      %jit3A_1170 = arith.constant 32768 : i32
      %broadcast_in_dim3A_1171 = vector.broadcast %jit3A_1170 : i32 to vector<32x1024xi32>
      %select_n3A_1172 = arith.select %and3A_1166, %get3A_1169, %broadcast_in_dim3A_1171 : vector<32x1024xi1>, vector<32x1024xi32>
      %reduce_min3A_1173 = arith.constant dense<2147483647> : vector<1024xi32>
      %reduce_min3A_1174 = vector.multi_reduction <minsi>, %select_n3A_1172, %reduce_min3A_1173 [0] : vector<32x1024xi32> to vector<1024xi32>
      %broadcast_in_dim3A_1175 = vector.shape_cast %reduce_min3A_1174 : vector<1024xi32> to vector<1x1024xi32>
      %get3A_1176 = arith.constant 13 : index
      %get3A_1177 = arith.constant 0 : index
      %get3A_1178 = vector.load %arg7[%get3A_1176, %get3A_1177] : memref<16x1024xf32, #tpu.memory_space<vmem>>, vector<1x1024xf32>
      %gt3A_1179 = arith.cmpf ogt, %broadcast_in_dim3A_1163, %get3A_1178 : vector<1x1024xf32>
      %get3A_1180 = arith.constant 13 : index
      %get3A_1181 = arith.constant 0 : index
      %get3A_1182 = vector.load %arg7[%get3A_1180, %get3A_1181] : memref<16x1024xf32, #tpu.memory_space<vmem>>, vector<1x1024xf32>
      %select_n3A_1183 = arith.select %gt3A_1179, %broadcast_in_dim3A_1163, %get3A_1182 : vector<1x1024xi1>, vector<1x1024xf32>
      %swap3A_1184 = arith.constant 13 : index
      %swap3A_1185 = arith.constant 0 : index
      %swap3A_1186 = vector.load %arg7[%swap3A_1184, %swap3A_1185] : memref<16x1024xf32, #tpu.memory_space<vmem>>, vector<1x1024xf32>
      tpu.vector_store %arg7[%swap3A_1184, %swap3A_1185], %select_n3A_1183 {strides = array<i32>} : memref<16x1024xf32, #tpu.memory_space<vmem>>, vector<1x1024xf32>,
      %get3A_1187 = arith.constant 13 : index
      %get3A_1188 = arith.constant 0 : index
      %get3A_1189 = vector.load %arg8[%get3A_1187, %get3A_1188] : memref<16x1024xi32, #tpu.memory_space<vmem>>, vector<1x1024xi32>
      %select_n3A_1190 = arith.select %gt3A_1179, %broadcast_in_dim3A_1175, %get3A_1189 : vector<1x1024xi1>, vector<1x1024xi32>
      %swap3A_1191 = arith.constant 13 : index
      %swap3A_1192 = arith.constant 0 : index
      %swap3A_1193 = vector.load %arg8[%swap3A_1191, %swap3A_1192] : memref<16x1024xi32, #tpu.memory_space<vmem>>, vector<1x1024xi32>
      tpu.vector_store %arg8[%swap3A_1191, %swap3A_1192], %select_n3A_1190 {strides = array<i32>} : memref<16x1024xi32, #tpu.memory_space<vmem>>, vector<1x1024xi32>,
    } else {
    }
    %get3A_1099 = arith.constant 14 : index
    %get3A_1100 = memref.load %arg1[%get3A_1099] : memref<17xi32, #tpu.memory_space<smem>>
    %get3A_1101 = arith.constant 15 : index
    %get3A_1102 = memref.load %arg1[%get3A_1101] : memref<17xi32, #tpu.memory_space<smem>>
    %add3A_1103 = arith.constant 63 : i32
    %add3A_1104 = arith.addi %get3A_1100, %add3A_1103 : i32
    %div3A_1105 = arith.constant 64 : i32
    %div3A_1106 = arith.divsi %add3A_1104, %div3A_1105 : i32
    %mul3A_1107 = arith.constant 64 : i32
    %mul3A_1108 = arith.muli %div3A_1106, %mul3A_1107 : i32
    %max3A_1109 = arith.maxsi %mul3A_1108, %mul3A_0 : i32
    %div3A_1110 = arith.constant 64 : i32
    %div3A_1111 = arith.divsi %get3A_1102, %div3A_1110 : i32
    %mul3A_1112 = arith.constant 64 : i32
    %mul3A_1113 = arith.muli %div3A_1111, %mul3A_1112 : i32
    %add3A_1114 = arith.constant 2048 : i32
    %add3A_1115 = arith.addi %mul3A_0, %add3A_1114 : i32
    %min3A_1116 = arith.minsi %mul3A_1113, %add3A_1115 : i32
    %gt3A_1117 = arith.cmpi sgt, %min3A_1116, %max3A_1109 : i32
    %convert_element_type3A_1118 = arith.extui %gt3A_1117 : i1 to i32
    %cond3A_1119 = arith.constant 0 : i32
    %cond3A_1120 = arith.cmpi ne, %convert_element_type3A_1118, %cond3A_1119 : i32
    scf.if %cond3A_1120 {
      %sub3A = arith.subi %max3A_1109, %mul3A_0 : i32
      %div3A_1148 = arith.constant 64 : i32
      %div3A_1149 = arith.divsi %sub3A, %div3A_1148 : i32
      %sub3A_1150 = arith.subi %min3A_1116, %mul3A_0 : i32
      %div3A_1151 = arith.constant 64 : i32
      %div3A_1152 = arith.divsi %sub3A_1150, %div3A_1151 : i32
      %ge3A = vector.broadcast %div3A_1149 : i32 to vector<32x1024xi32>
      %ge3A_1153 = arith.cmpi sge, %iota3A_794, %ge3A : vector<32x1024xi32>
      %lt3A = vector.broadcast %div3A_1152 : i32 to vector<32x1024xi32>
      %lt3A_1154 = arith.cmpi slt, %iota3A_794, %lt3A : vector<32x1024xi32>
      %and3A = arith.andi %ge3A_1153, %lt3A_1154 : vector<32x1024xi1>
      %get3A_1155 = arith.constant 0 : index
      %get3A_1156 = arith.constant 0 : index
      %get3A_1157 = vector.load %arg5[%get3A_1155, %get3A_1156] : memref<32x1024xf32, #tpu.memory_space<vmem>>, vector<32x1024xf32>
      %jit3A_1158 = arith.constant 0xFF800000 : f32
      %broadcast_in_dim3A_1159 = vector.broadcast %jit3A_1158 : f32 to vector<32x1024xf32>
      %select_n3A_1160 = arith.select %and3A, %get3A_1157, %broadcast_in_dim3A_1159 : vector<32x1024xi1>, vector<32x1024xf32>
      %reduce_max3A_1161 = arith.constant dense<0xFF800000> : vector<1024xf32>
      %reduce_max3A_1162 = vector.multi_reduction <maximumf>, %select_n3A_1160, %reduce_max3A_1161 [0] : vector<32x1024xf32> to vector<1024xf32>
      %broadcast_in_dim3A_1163 = vector.shape_cast %reduce_max3A_1162 : vector<1024xf32> to vector<1x1024xf32>
      %eq3A_1164 = vector.broadcast %broadcast_in_dim3A_1163 : vector<1x1024xf32> to vector<32x1024xf32>
      %eq3A_1165 = arith.cmpf oeq, %get3A_1157, %eq3A_1164 : vector<32x1024xf32>
      %and3A_1166 = arith.andi %and3A, %eq3A_1165 : vector<32x1024xi1>
      %get3A_1167 = arith.constant 0 : index
      %get3A_1168 = arith.constant 0 : index
      %get3A_1169 = vector.load %arg6[%get3A_1167, %get3A_1168] : memref<32x1024xi32, #tpu.memory_space<vmem>>, vector<32x1024xi32>
      %jit3A_1170 = arith.constant 32768 : i32
      %broadcast_in_dim3A_1171 = vector.broadcast %jit3A_1170 : i32 to vector<32x1024xi32>
      %select_n3A_1172 = arith.select %and3A_1166, %get3A_1169, %broadcast_in_dim3A_1171 : vector<32x1024xi1>, vector<32x1024xi32>
      %reduce_min3A_1173 = arith.constant dense<2147483647> : vector<1024xi32>
      %reduce_min3A_1174 = vector.multi_reduction <minsi>, %select_n3A_1172, %reduce_min3A_1173 [0] : vector<32x1024xi32> to vector<1024xi32>
      %broadcast_in_dim3A_1175 = vector.shape_cast %reduce_min3A_1174 : vector<1024xi32> to vector<1x1024xi32>
      %get3A_1176 = arith.constant 14 : index
      %get3A_1177 = arith.constant 0 : index
      %get3A_1178 = vector.load %arg7[%get3A_1176, %get3A_1177] : memref<16x1024xf32, #tpu.memory_space<vmem>>, vector<1x1024xf32>
      %gt3A_1179 = arith.cmpf ogt, %broadcast_in_dim3A_1163, %get3A_1178 : vector<1x1024xf32>
      %get3A_1180 = arith.constant 14 : index
      %get3A_1181 = arith.constant 0 : index
      %get3A_1182 = vector.load %arg7[%get3A_1180, %get3A_1181] : memref<16x1024xf32, #tpu.memory_space<vmem>>, vector<1x1024xf32>
      %select_n3A_1183 = arith.select %gt3A_1179, %broadcast_in_dim3A_1163, %get3A_1182 : vector<1x1024xi1>, vector<1x1024xf32>
      %swap3A_1184 = arith.constant 14 : index
      %swap3A_1185 = arith.constant 0 : index
      %swap3A_1186 = vector.load %arg7[%swap3A_1184, %swap3A_1185] : memref<16x1024xf32, #tpu.memory_space<vmem>>, vector<1x1024xf32>
      tpu.vector_store %arg7[%swap3A_1184, %swap3A_1185], %select_n3A_1183 {strides = array<i32>} : memref<16x1024xf32, #tpu.memory_space<vmem>>, vector<1x1024xf32>,
      %get3A_1187 = arith.constant 14 : index
      %get3A_1188 = arith.constant 0 : index
      %get3A_1189 = vector.load %arg8[%get3A_1187, %get3A_1188] : memref<16x1024xi32, #tpu.memory_space<vmem>>, vector<1x1024xi32>
      %select_n3A_1190 = arith.select %gt3A_1179, %broadcast_in_dim3A_1175, %get3A_1189 : vector<1x1024xi1>, vector<1x1024xi32>
      %swap3A_1191 = arith.constant 14 : index
      %swap3A_1192 = arith.constant 0 : index
      %swap3A_1193 = vector.load %arg8[%swap3A_1191, %swap3A_1192] : memref<16x1024xi32, #tpu.memory_space<vmem>>, vector<1x1024xi32>
      tpu.vector_store %arg8[%swap3A_1191, %swap3A_1192], %select_n3A_1190 {strides = array<i32>} : memref<16x1024xi32, #tpu.memory_space<vmem>>, vector<1x1024xi32>,
    } else {
    }
    %get3A_1121 = arith.constant 15 : index
    %get3A_1122 = memref.load %arg1[%get3A_1121] : memref<17xi32, #tpu.memory_space<smem>>
    %get3A_1123 = arith.constant 16 : index
    %get3A_1124 = memref.load %arg1[%get3A_1123] : memref<17xi32, #tpu.memory_space<smem>>
    %add3A_1125 = arith.constant 63 : i32
    %add3A_1126 = arith.addi %get3A_1122, %add3A_1125 : i32
    %div3A_1127 = arith.constant 64 : i32
    %div3A_1128 = arith.divsi %add3A_1126, %div3A_1127 : i32
    %mul3A_1129 = arith.constant 64 : i32
    %mul3A_1130 = arith.muli %div3A_1128, %mul3A_1129 : i32
    %max3A_1131 = arith.maxsi %mul3A_1130, %mul3A_0 : i32
    %div3A_1132 = arith.constant 64 : i32
    %div3A_1133 = arith.divsi %get3A_1124, %div3A_1132 : i32
    %mul3A_1134 = arith.constant 64 : i32
    %mul3A_1135 = arith.muli %div3A_1133, %mul3A_1134 : i32
    %add3A_1136 = arith.constant 2048 : i32
    %add3A_1137 = arith.addi %mul3A_0, %add3A_1136 : i32
    %min3A_1138 = arith.minsi %mul3A_1135, %add3A_1137 : i32
    %gt3A_1139 = arith.cmpi sgt, %min3A_1138, %max3A_1131 : i32
    %convert_element_type3A_1140 = arith.extui %gt3A_1139 : i1 to i32
    %cond3A_1141 = arith.constant 0 : i32
    %cond3A_1142 = arith.cmpi ne, %convert_element_type3A_1140, %cond3A_1141 : i32
    scf.if %cond3A_1142 {
      %sub3A = arith.subi %max3A_1131, %mul3A_0 : i32
      %div3A_1148 = arith.constant 64 : i32
      %div3A_1149 = arith.divsi %sub3A, %div3A_1148 : i32
      %sub3A_1150 = arith.subi %min3A_1138, %mul3A_0 : i32
      %div3A_1151 = arith.constant 64 : i32
      %div3A_1152 = arith.divsi %sub3A_1150, %div3A_1151 : i32
      %ge3A = vector.broadcast %div3A_1149 : i32 to vector<32x1024xi32>
      %ge3A_1153 = arith.cmpi sge, %iota3A_794, %ge3A : vector<32x1024xi32>
      %lt3A = vector.broadcast %div3A_1152 : i32 to vector<32x1024xi32>
      %lt3A_1154 = arith.cmpi slt, %iota3A_794, %lt3A : vector<32x1024xi32>
      %and3A = arith.andi %ge3A_1153, %lt3A_1154 : vector<32x1024xi1>
      %get3A_1155 = arith.constant 0 : index
      %get3A_1156 = arith.constant 0 : index
      %get3A_1157 = vector.load %arg5[%get3A_1155, %get3A_1156] : memref<32x1024xf32, #tpu.memory_space<vmem>>, vector<32x1024xf32>
      %jit3A_1158 = arith.constant 0xFF800000 : f32
      %broadcast_in_dim3A_1159 = vector.broadcast %jit3A_1158 : f32 to vector<32x1024xf32>
      %select_n3A_1160 = arith.select %and3A, %get3A_1157, %broadcast_in_dim3A_1159 : vector<32x1024xi1>, vector<32x1024xf32>
      %reduce_max3A_1161 = arith.constant dense<0xFF800000> : vector<1024xf32>
      %reduce_max3A_1162 = vector.multi_reduction <maximumf>, %select_n3A_1160, %reduce_max3A_1161 [0] : vector<32x1024xf32> to vector<1024xf32>
      %broadcast_in_dim3A_1163 = vector.shape_cast %reduce_max3A_1162 : vector<1024xf32> to vector<1x1024xf32>
      %eq3A_1164 = vector.broadcast %broadcast_in_dim3A_1163 : vector<1x1024xf32> to vector<32x1024xf32>
      %eq3A_1165 = arith.cmpf oeq, %get3A_1157, %eq3A_1164 : vector<32x1024xf32>
      %and3A_1166 = arith.andi %and3A, %eq3A_1165 : vector<32x1024xi1>
      %get3A_1167 = arith.constant 0 : index
      %get3A_1168 = arith.constant 0 : index
      %get3A_1169 = vector.load %arg6[%get3A_1167, %get3A_1168] : memref<32x1024xi32, #tpu.memory_space<vmem>>, vector<32x1024xi32>
      %jit3A_1170 = arith.constant 32768 : i32
      %broadcast_in_dim3A_1171 = vector.broadcast %jit3A_1170 : i32 to vector<32x1024xi32>
      %select_n3A_1172 = arith.select %and3A_1166, %get3A_1169, %broadcast_in_dim3A_1171 : vector<32x1024xi1>, vector<32x1024xi32>
      %reduce_min3A_1173 = arith.constant dense<2147483647> : vector<1024xi32>
      %reduce_min3A_1174 = vector.multi_reduction <minsi>, %select_n3A_1172, %reduce_min3A_1173 [0] : vector<32x1024xi32> to vector<1024xi32>
      %broadcast_in_dim3A_1175 = vector.shape_cast %reduce_min3A_1174 : vector<1024xi32> to vector<1x1024xi32>
      %get3A_1176 = arith.constant 15 : index
      %get3A_1177 = arith.constant 0 : index
      %get3A_1178 = vector.load %arg7[%get3A_1176, %get3A_1177] : memref<16x1024xf32, #tpu.memory_space<vmem>>, vector<1x1024xf32>
      %gt3A_1179 = arith.cmpf ogt, %broadcast_in_dim3A_1163, %get3A_1178 : vector<1x1024xf32>
      %get3A_1180 = arith.constant 15 : index
      %get3A_1181 = arith.constant 0 : index
      %get3A_1182 = vector.load %arg7[%get3A_1180, %get3A_1181] : memref<16x1024xf32, #tpu.memory_space<vmem>>, vector<1x1024xf32>
      %select_n3A_1183 = arith.select %gt3A_1179, %broadcast_in_dim3A_1163, %get3A_1182 : vector<1x1024xi1>, vector<1x1024xf32>
      %swap3A_1184 = arith.constant 15 : index
      %swap3A_1185 = arith.constant 0 : index
      %swap3A_1186 = vector.load %arg7[%swap3A_1184, %swap3A_1185] : memref<16x1024xf32, #tpu.memory_space<vmem>>, vector<1x1024xf32>
      tpu.vector_store %arg7[%swap3A_1184, %swap3A_1185], %select_n3A_1183 {strides = array<i32>} : memref<16x1024xf32, #tpu.memory_space<vmem>>, vector<1x1024xf32>,
      %get3A_1187 = arith.constant 15 : index
      %get3A_1188 = arith.constant 0 : index
      %get3A_1189 = vector.load %arg8[%get3A_1187, %get3A_1188] : memref<16x1024xi32, #tpu.memory_space<vmem>>, vector<1x1024xi32>
      %select_n3A_1190 = arith.select %gt3A_1179, %broadcast_in_dim3A_1175, %get3A_1189 : vector<1x1024xi1>, vector<1x1024xi32>
      %swap3A_1191 = arith.constant 15 : index
      %swap3A_1192 = arith.constant 0 : index
      %swap3A_1193 = vector.load %arg8[%swap3A_1191, %swap3A_1192] : memref<16x1024xi32, #tpu.memory_space<vmem>>, vector<1x1024xi32>
      tpu.vector_store %arg8[%swap3A_1191, %swap3A_1192], %select_n3A_1190 {strides = array<i32>} : memref<16x1024xi32, #tpu.memory_space<vmem>>, vector<1x1024xi32>,
    } else {
    }
    %eq3A_1143 = arith.constant 15 : i32
    %eq3A_1144 = arith.cmpi eq, %arg0, %eq3A_1143 : i32
    %convert_element_type3A_1145 = arith.extui %eq3A_1144 : i1 to i32
    %cond3A_1146 = arith.constant 0 : i32
    %cond3A_1147 = arith.cmpi ne, %convert_element_type3A_1145, %cond3A_1146 : i32
    scf.if %cond3A_1147 {
      %get3A_1148 = arith.constant 0 : index
      %get3A_1149 = arith.constant 0 : index
      %get3A_1150 = vector.load %arg7[%get3A_1148, %get3A_1149] : memref<16x1024xf32, #tpu.memory_space<vmem>>, vector<16x1024xf32>
      %swap3A_1151 = arith.constant 0 : index
      %swap3A_1152 = arith.constant 0 : index
      %swap3A_1153 = vector.load %arg3[%swap3A_1151, %swap3A_1152] : memref<16x1024xf32, #tpu.memory_space<vmem>>, vector<16x1024xf32>
      tpu.vector_store %arg3[%swap3A_1151, %swap3A_1152], %get3A_1150 {strides = array<i32>} : memref<16x1024xf32, #tpu.memory_space<vmem>>, vector<16x1024xf32>,
      %get3A_1154 = arith.constant 0 : index
      %get3A_1155 = arith.constant 0 : index
      %get3A_1156 = vector.load %arg8[%get3A_1154, %get3A_1155] : memref<16x1024xi32, #tpu.memory_space<vmem>>, vector<16x1024xi32>
      %swap3A_1157 = arith.constant 0 : index
      %swap3A_1158 = arith.constant 0 : index
      %swap3A_1159 = vector.load %arg4[%swap3A_1157, %swap3A_1158] : memref<16x1024xi32, #tpu.memory_space<vmem>>, vector<16x1024xi32>
      tpu.vector_store %arg4[%swap3A_1157, %swap3A_1158], %get3A_1156 {strides = array<i32>} : memref<16x1024xi32, #tpu.memory_space<vmem>>, vector<16x1024xi32>,
    } else {
    }
    return
  }
  func.func @transform_0(%arg0: i32, %arg1: memref<17xi32, #tpu.memory_space<smem>>) -> (i32, i32) {
    %c0_i32 = arith.constant 0 : i32
    %c0_i32_0 = arith.constant 0 : i32
    return %arg0, %c0_i32 : i32, i32
  }
  func.func @transform_1(%arg0: i32, %arg1: memref<17xi32, #tpu.memory_space<smem>>) -> (i32, i32) {
    %c0_i32 = arith.constant 0 : i32
    %c0_i32_0 = arith.constant 0 : i32
    %c0_i32_1 = arith.constant 0 : i32
    return %c0_i32, %c0_i32_0 : i32, i32
  }
  func.func @transform_2(%arg0: i32, %arg1: memref<17xi32, #tpu.memory_space<smem>>) -> (i32, i32) {
    %c0_i32 = arith.constant 0 : i32
    %c0_i32_0 = arith.constant 0 : i32
    %c0_i32_1 = arith.constant 0 : i32
    return %c0_i32, %c0_i32_0 : i32, i32
  }
}

</mosaic_0001>

<sc_bundles>
// kernel: kernel.4.cloned.1.call-start
scs
__scs_entry_jumppad:
0x0: {  	(pc) =	sbr.rel $0x88, $3  }
0x1: {  	(tag) =	ssettag $0x0;
	lr =	simm.s32 $0x1  }
0x2: {  	[smem:$0x3F9F] =	sst lr;
	_ =	strace $0xD0000000  }
0x3: {  	_ = 	snop  }
0x4: {  	_ = 	snop  }
0x5: {  	_ = 	snop  }
0x6: {  	_ = 	snop  }
0x7: {  	_ = 	snop  }
__scs_overlays_trampoline_lowered:
0x8: {  	[smem:$0x3FAE] =	sst s0  }
0x9: {  	[smem:$0x3FAF] =	sst s1  }
0xa: {  	[smem:$0x3FB0] =	sst s2  }
0xb: {  	[smem:$0x3FB1] =	sst s3  }
0xc: {  	[smem:$0x3FB2] =	sst s4  }
0xd: {  	[smem:$0x3FB3] =	sst s5  }
0xe: {  	[smem:$0x3FB4] =	sst s6  }
0xf: {  	[smem:$0x3FB5] =	sst s7  }
0x10: {  	[smem:$0x3FB6] =	sst s8  }
0x11: {  	[smem:$0x3FB7] =	sst s9;
	s0 =	simm.s32 @!p0 $0x0  }
0x12: {  	s1 =	sld [smem:$0x3F9D];
	s0 =	simm.s32 @p0 $0x1  }
0x13: {  	[smem:$0x3FB8] =	sst s0;
	s0 =	simm.s32 @!p1 $0x0  }
0x14: {  	s2 =	sld [smem:$0x3F9C];
	s0 =	simm.s32 @p1 $0x1  }
0x15: {  	[smem:$0x3FB9] =	sst s0;
	s0 =	simm.s32 @!p2 $0x0  }
0x16: {  	s3 =	sld [smem:$0x3FDB];
	s0 =	simm.s32 @p2 $0x1  }
0x17: {  	s4 =	simm.s32 $0x1BF5;
	[smem:$0x3FBB] =	sst s0  }
0x18: {  	s0 =	sld [smem:$0x3F9E];
	_ =	swait.ge [sflag:s4], $0x0  }
0x19: {  	s7 =	sld [smem:$0x3F9F]  }
0x1a: {  	s8 =	sadd.s32 $0xFFFFE003, lr  }
0x1b: {  	s9 =	sadd.s32 $0xFFFFFEF7, lr;
	s5 =	simm.s32 $0xFFFFFFFF;
	p2 =	slt.u32 s8, $0xFFFFF086  }
0x1c: {  	p1 =	slt.u32 s9, $0xF7A;
	s5 =	simm.s32 @!p2 $0x0  }
0x1d: {  	s5 =	simm.s32 @p1 $0x1;
	p0 =	seq.s32 s7, s2  }
0x1e: {  	s7 =	smul.u32 @!p0 $0xF7A, s2;
	p2 =	seq.s32 @!p0 s5, $0x0  }
0x1f: {  	s9 =	smul.u32 $0xF7A, s1;
	s8 =	simm.s32 @!p0 $0x1BF5;
	p2 =	por !p2, p0  }
0x20: {  	[sflag:s8] =	ssyncset.s32 @!p0 $0xFFFFF086;
	s6 =	sadd.s32 @!p0 s3, s7;
	s7 =	simm.s32 @!p0 $0x108  }
0x21: {  	s3 =	sadd.s32 s3, s9;
	s6 =	sadd.s32 @!p0 $0x88, s6;
	s7 =	simm.s32 @p2 $0x1082  }
0x22: {  	[simem:s7], [sflag:s8] =	dma.local @!p0 [hbm:s6], $0xF7A  }
0x23: {  	s9 =	sor.u32 $0xD0000000, s2;
	s6 =	simm.s32 $0x108;
	_ =	swait.ge @!p0 [sflag:s8], $0x0  }
0x24: {  	s3 =	sadd.s32 $0x88, s3;
	s6 =	simm.s32 @!p1 $0x1082;
	[sflag:s4] =	ssyncset.s32 $0xFFFFF086  }
0x25: {  	[simem:s6], [sflag:s4] =	dma.local [hbm:s3], $0xF7A  }
0x26: {  	[smem:$0x3F9F] =	sst s1;
	(tag) =	ssettag s2;
	_ =	strace s9  }
0x27: {  	s1 =	sld [smem:$0x3FAF]  }
0x28: {  	s2 =	sld [smem:$0x3FB0]  }
0x29: {  	s4 =	sld [smem:$0x3FB2]  }
0x2a: {  	p0 =	seq.s32 s5, $0x0;
	s5 =	sld [smem:$0x3FB3]  }
0x2b: {  	s6 =	sld [smem:$0x3FB4]  }
0x2c: {  	s7 =	sld [smem:$0x3FB5]  }
0x2d: {  	s3 =	simm.s32 $0x108;
	s8 =	sld [smem:$0x3FB6]  }
0x2e: {  	s3 =	simm.s32 @!p0 $0x1082;
	s9 =	sld [smem:$0x3FB7]  }
0x2f: {  	lr =	sadd.s32 s0, s3;
	s0 =	sld [smem:$0x3FAE]  }
0x30: {  	s3 =	sld [smem:$0x3FB1]  }
0x31: {  	[smem:$0x3FBA] =	sst s10  }
0x32: {  	s10 =	sld [smem:$0x3FB8];
	_ =	sdelay $0x3  }
0x33: {  	p0 =	seq.s32 s10, $0x1;
	s10 =	sld [smem:$0x3FBA];
	_ =	sdelay $0x3  }
0x34: {  	[smem:$0x3FBA] =	sst s10  }
0x35: {  	s10 =	sld [smem:$0x3FB9];
	_ =	sdelay $0x3  }
0x36: {  	p1 =	seq.s32 s10, $0x1;
	s10 =	sld [smem:$0x3FBA];
	_ =	sdelay $0x3  }
0x37: {  	[smem:$0x3FBA] =	sst s10  }
0x38: {  	s10 =	sld [smem:$0x3FBB]  }
0x39: {  	_ = 	snop;
	(pc) =	sbr.ind lr, $3  }
0x3a: {  	_ = 	snop  }
0x3b: {  	_ = 	snop  }
0x3c: {  	p2 =	seq.s32 s10, $0x1;
	s10 =	sld [smem:$0x3FBA]  }
0x3d: {  	_ =	shalt  }
0x3e: {  	_ =	shalt  }
0x3f: {  	_ =	shalt  }
0x40: {  	_ =	shalt  }
0x41: {  	_ =	shalt  }
0x42: {  	_ =	shalt  }
0x43: {  	_ =	shalt  }
0x44: {  	_ =	shalt  }
0x45: {  	_ =	shalt  }
0x46: {  	_ =	shalt  }
0x47: {  	_ =	shalt  }
0x48: {  	_ =	shalt  }
0x49: {  	_ =	shalt  }
0x4a: {  	_ =	shalt  }
0x4b: {  	_ =	shalt  }
0x4c: {  	_ =	shalt  }
0x4d: {  	_ =	shalt  }
0x4e: {  	_ =	shalt  }
0x4f: {  	_ =	shalt  }
0x50: {  	_ =	shalt  }
0x51: {  	_ =	shalt  }
0x52: {  	_ =	shalt  }
0x53: {  	_ =	shalt  }
0x54: {  	_ =	shalt  }
0x55: {  	_ =	shalt  }
0x56: {  	_ =	shalt  }
0x57: {  	_ =	shalt  }
0x58: {  	_ =	shalt  }
0x59: {  	_ =	shalt  }
0x5a: {  	_ =	shalt  }
0x5b: {  	_ =	shalt  }
0x5c: {  	_ =	shalt  }
0x5d: {  	_ =	shalt  }
0x5e: {  	_ =	shalt  }
0x5f: {  	_ =	shalt  }
0x60: {  	_ =	shalt  }
0x61: {  	_ =	shalt  }
0x62: {  	_ =	shalt  }
0x63: {  	_ =	shalt  }
0x64: {  	_ =	shalt  }
0x65: {  	_ =	shalt  }
0x66: {  	_ =	shalt  }
0x67: {  	_ =	shalt  }
0x68: {  	_ =	shalt  }
0x69: {  	_ =	shalt  }
0x6a: {  	_ =	shalt  }
0x6b: {  	_ =	shalt  }
0x6c: {  	_ =	shalt  }
0x6d: {  	_ =	shalt  }
0x6e: {  	_ =	shalt  }
0x6f: {  	_ =	shalt  }
0x70: {  	_ =	shalt  }
0x71: {  	_ =	shalt  }
0x72: {  	_ =	shalt  }
0x73: {  	_ =	shalt  }
0x74: {  	_ =	shalt  }
0x75: {  	_ =	shalt  }
0x76: {  	_ =	shalt  }
0x77: {  	_ =	shalt  }
0x78: {  	_ =	shalt  }
0x79: {  	_ =	shalt  }
0x7a: {  	_ =	shalt  }
0x7b: {  	_ =	shalt  }
0x7c: {  	_ =	shalt  }
0x7d: {  	_ =	shalt  }
0x7e: {  	_ =	shalt  }
0x7f: {  	_ =	shalt  }
0x80: {  	_ =	shalt  }
0x81: {  	_ =	shalt  }
0x82: {  	_ =	shalt  }
0x83: {  	_ =	shalt  }
0x84: {  	_ =	shalt  }
0x85: {  	_ =	shalt  }
0x86: {  	_ =	shalt  }
0x87: {  	_ =	shalt  }
.Lfunc_end0:
.L_simem_size_0:
called_computation_lowered:
.L_overlay_start_0:
0x88: {  	s2 =	sld [smem:$0x3FD9]  }
0x89: {  	s3 =	sld [smem:$0x3FFE];
	_ =	sdelay $0x1  }
0x8a: {  	s1 =	srdreg.scid  }
0x8b: {  	s0 =	sand.u32 $0x1, s1  }
0x8c: {  	s17 =	sshll.u32 s0, $0xA;
	s2 =	sadd.s32 s3, s2  }
0x8d: {  	s2 =	sadd.s32 s2, s17  }
0x8e: {  	[smem:$0x3FC6] =	sst s2  }
0x8f: {  	_ = 	snop  }
0x90: {  	s2 =	sld [smem:$0x3FC9]  }
0x91: {  	s18 =	sld [smem:$0x3FD0];
	(tm) =	ssettm $0x1  }
0x92: {  	s4 =	sld [smem:$0x3FFB];
	_ =	sdelay $0x3  }
0x93: {  	_ =	strace s4  }
0x94: {  	s4 =	sld [smem:$0x3FFC];
	_ =	sdelay $0x3  }
0x95: {  	_ =	strace s4  }
0x96: {  	s4 =	sld [smem:$0x3FFD];
	_ =	sdelay $0x3  }
0x97: {  	_ =	strace s4  }
0x98: {  	_ =	strace $0x8FFFFFFF  }
0x99: {  	s19 =	sld [smem:$0x3FDB];
	_ =	sdelay $0x1  }
0x9a: {  	s5 =	simm.s32 $_scs_section_size  }
0x9b: {  	s6 =	simm.s32 $_size__tile_overlayer_lowered;
	s7 =	simm.s32 $_tile_overlayer_lowered  }
0x9c: {  	s22 =	simm.s32 $0x1BFF;
	s21 =	sshll.u32 s7, $0x1;
	s4 =	sadd.s32 s5, s19  }
0x9d: {  	s8 =	simm.s32 $0x0;
	s20 =	sshll.u32 s6, $0x1;
	s6 =	sadd.s32 s21, s4  }
0x9e: {  	[timem:s8], [sflag:s22] =	dma.local [hbm:s6], s20  }
0x9f: {  	_ =	swait.ge [sflag:s22], s20  }
0xa0: {  	s5 =	ssub.s32 $0x0, s20;
	[sflag:s22] =	ssyncset.done $0x0  }
0xa1: {  	[sflag:s22] =	ssyncadd.s32 s5;
	_ =	sdelay $0x1  }
0xa2: {  	s23 =	simm.s32 $0x1B8B  }
0xa3: {  	_ =	swait.ge [sflag:s23], $0x1  }
0xa4: {  	[sflag:s23] =	ssyncset.done $0x0  }
0xa5: {  	s25 =	simm.s32 $0x1B8E;
	s24 =	sld [smem:$0x3FFE];
	[sflag:s23] =	ssyncadd.s32 $0xFFFFFFFF  }
0xa6: {  	s26 =	simm.s32 $execute0_lowered;
	[smem:$0x3FD2] =	sst s25  }
0xa7: {  	s6 =	sshll.u32 s26, $0x1;
	_ =	strace $0x80000046;
	[dreg:$0x1] =	wrdreg $0xFFFFFFFF  }
0xa8: {  	s28 =	simm.s32 $_size_execute0_lowered;
	s4 =	sadd.s32 s4, s6;
	[dreg:$0x0] =	wrdreg $0x0  }
0xa9: {  	s6 =	sshll.u32 s28, $0x1;
	[dreg:$0x2] =	wrdreg s4  }
0xaa: {  	[dreg:$0x3] =	wrdreg s6  }
0xab: {  	[dreg:$0x4] =	wrdreg $0xC0  }
0xac: {  	_ =	task [dreg:s8], $0x5FFFF  }
0xad: {  	[dreg:$0x1] =	wrdreg $0xFFFFFFFF  }
0xae: {  	[dreg:$0x0] =	wrdreg $0x60  }
0xaf: {  	[dreg:$0x2] =	wrdreg s2  }
0xb0: {  	[dreg:$0x3] =	wrdreg s24  }
0xb1: {  	[dreg:$0x4] =	wrdreg s18  }
0xb2: {  	[dreg:$0x5] =	wrdreg $0x132800  }
0xb3: {  	[dreg:$0x6] =	wrdreg $0x9  }
0xb4: {  	_ =	task.clear_ibuf [dreg:s8], $0x7FFFF;
	_ =	strace $0x90000046  }
0xb5: {  	s29 =	simm.s32 $0x9;
	_ =	strace $0x80000048  }
0xb6: {  	_ =	swait.ge [sflag:s29], $0x1  }
0xb7: {  	[sflag:s29] =	ssyncadd.s32 $0xFFFFFFFF  }
0xb8: {  	_ =	strace $0x90000048  }
0xb9: {  	_ =	sfence  }
0xba: {  	s30 =	sld [smem:$0x0];
	_ =	sdelay $0x2  }
0xbb: {  	s31 =	sshll.u32 s1, $0xD;
	s1 =	sshrl.u32 s1, $0x2  }
0xbc: {  	s3 =	sand.u32 $0x4000, s31;
	s1 =	sadd.s32 s1, s30  }
0xbd: {  	s0 =	sor.u32 s3, s0;
	s1 =	sshll.u32 s1, $0x11  }
0xbe: {  	s0 =	sor.u32 s1, s0  }
0xbf: {  	s0 =	sadd.s32 $0x8F2B, s0  }
0xc0: {  	[sflag:s0] =	ssyncadd.remote.s32 $0x1  }
0xc1: {  	_ =	sfence.sel $0xFFFF  }
0xc2: {  	[dreg:$0x0] =	wrdreg $0xFFFFFFFF;
	(pc) =	sbr.abs _section_cstart, $3  }
0xc3: {  	[dreg:$0x1] =	wrdreg $0xFFFFFFFF  }
0xc4: {  	_ =	task.clear_ibuf [dreg:s8], $0x2FFFF;
	_ =	strace $0x9FFFFFFF  }
0xc5: {  	(tm) =	ssettm $0x7FFFFFFF  }
tec
execute0_lowered:
.L_overlay_start_1:
0x0: {  	(tag) =	ssettag $0x1  }
0x1: {  	s1 =	rddreg [dreg:$0x1]  }
0x2: {  	s2 =	rddreg [dreg:$0x2]  }
0x3: {  	s10 =	rddreg [dreg:$0x3]  }
0x4: {  	s4 =	simm.s32 $0x0;
	s0 =	srdreg.scid;
	s3 =	stileid.u32  }
0x5: {  	[smem:$0x7FF] =	sst s4;
	s14 =	sand.u32 $0x1, s0;
	s15 =	sshll.u32 s3, $0xA  }
0x6: {  	s16 =	sadd.s32 $0xC00, s1;
	s0 =	sshrl.u32 s3, $0x2;
	_ =	strace $0x80000047  }
0x7: {  	s5 =	sshll.u32 s14, $0xC;
	s6 =	sand.u32 $0xC00, s15;
	s7 =	ssub.s32 $0x2, s14  }
0x8: {  	[dreg:$0x5] =	wrdreg s16;
	s4 =	sshll.u32 s14, $0x9;
	s9 =	sshrl.u32 s7, $0x1  }
0x9: {  	s5 =	sor.u32 s5, s6;
	s2 =	sadd.s32 s2, s4;
	s7 =	ssub.s32 s7, s9  }
0xa: {  	s8 =	sshrl.u32 s5, $0x3;
	[dreg:$0x13] =	wrdreg s2;
	s9 =	smax.u32 s7, $0x1  }
0xb: {  	s1 =	sadd.s32 s8, s1;
	s8 =	sshll.u32 s0, $0x7;
	[dreg:$0x18] =	wrdreg s9  }
0xc: {  	s17 =	sadd.s32 $0xE00, s1;
	[dreg:$0x6] =	wrdreg s8  }
0xd: {  	s1 =	sadd.s32 $0x1600, s1;
	[dreg:$0x7] =	wrdreg s17  }
0xe: {  	s18 =	sor.u32 $0x10, s8;
	[dreg:$0x8] =	wrdreg s1  }
0xf: {  	s19 =	sor.u32 $0x20, s8;
	[dreg:$0x9] =	wrdreg s18  }
0x10: {  	s20 =	sor.u32 $0x30, s8;
	[dreg:$0xa] =	wrdreg s19  }
0x11: {  	s21 =	sor.u32 $0x40, s8;
	[dreg:$0xb] =	wrdreg s20  }
0x12: {  	s22 =	sor.u32 $0x50, s8;
	[dreg:$0xc] =	wrdreg s21  }
0x13: {  	s23 =	sor.u32 $0x60, s8;
	[dreg:$0xd] =	wrdreg s22  }
0x14: {  	s24 =	sor.u32 $0x70, s8;
	[dreg:$0xe] =	wrdreg s23  }
0x15: {  	s26 =	sor.u32 $0x210, s8;
	[dreg:$0xf] =	wrdreg s24  }
0x16: {  	s28 =	sadd.s32 s6, s10;
	s29 =	sor.u32 $0x600, s8;
	[dreg:$0x11] =	wrdreg s26  }
0x17: {  	s31 =	sadd.s32 s8, s28;
	[dreg:$0x12] =	wrdreg s29  }
0x18: {  	s25 =	sor.u32 $0x200, s8;
	[dreg:$0x14] =	wrdreg s31  }
0x19: {  	s10 =	sor.u32 $0x220, s8;
	[dreg:$0x10] =	wrdreg s25  }
0x1a: {  	s11 =	sor.u32 $0x230, s8;
	[dreg:$0x19] =	wrdreg s10  }
0x1b: {  	s12 =	sor.u32 $0x240, s8;
	[dreg:$0x1a] =	wrdreg s11  }
0x1c: {  	s13 =	sor.u32 $0x250, s8;
	[dreg:$0x1b] =	wrdreg s12  }
0x1d: {  	s14 =	sor.u32 $0x260, s8;
	[dreg:$0x1c] =	wrdreg s13  }
0x1e: {  	s15 =	sor.u32 $0x270, s8;
	[dreg:$0x1d] =	wrdreg s14  }
0x1f: {  	s16 =	sor.u32 $0x400, s8;
	[dreg:$0x1e] =	wrdreg s15  }
0x20: {  	s1 =	sadd.s32 s25, s28;
	[dreg:$0x1f] =	wrdreg s16  }
0x21: {  	s17 =	sor.u32 $0x410, s8;
	[dreg:$0x15] =	wrdreg s1  }
0x22: {  	s18 =	sor.u32 $0x420, s8;
	[smem:$0x7F0] =	sst s17  }
0x23: {  	s19 =	sor.u32 $0x430, s8;
	[smem:$0x7F1] =	sst s18  }
0x24: {  	s20 =	sor.u32 $0x440, s8;
	[smem:$0x7F2] =	sst s19  }
0x25: {  	s21 =	sor.u32 $0x450, s8;
	[smem:$0x7F3] =	sst s20  }
0x26: {  	s22 =	sor.u32 $0x460, s8;
	[smem:$0x7F4] =	sst s21  }
0x27: {  	s23 =	sor.u32 $0x470, s8;
	[smem:$0x7F5] =	sst s22  }
0x28: {  	s24 =	sor.u32 $0x610, s8;
	[smem:$0x7F6] =	sst s23  }
0x29: {  	s25 =	sor.u32 $0x620, s8;
	[smem:$0x7F7] =	sst s24  }
0x2a: {  	p0 =	sne.s32 s3, $0x0;
	s26 =	sor.u32 $0x630, s8;
	[smem:$0x7F8] =	sst s25  }
0x2b: {  	s6 =	sadd.s32 $0x1000, s28;
	s28 =	sor.u32 $0x640, s8;
	[smem:$0x7F9] =	sst s26  }
0x2c: {  	v0 =	vlaneseq.u32;
	s30 =	sand.u32 $0x380, s29;
	s29 =	sor.u32 $0x650, s8;
	[smem:$0x7FA] =	sst s28  }
.Ltmp0:
0x2d: {  	v0 =	vmul.u32 $0x4, v0;
	s31 =	sor.u32 $0x670, s8;
	[smem:$0x7FB] =	sst s29;
	(pc) =	sbr.rel .LBB2_1-.Ltmp0, $4  }
0x2e: {  	s12 =	simm.s32 $0x2;
	s4 =	sadd.s32 s30, s6;
	[smem:$0x7FD] =	sst s31  }
0x2f: {  	v1 =	vor.u32 $0x1, v0;
	s15 =	simm.s32 $0x1;
	s6 =	sadd.s32 s8, s6;
	[dreg:$0x16] =	wrdreg s4  }
0x30: {  	v0 =	vor.u32 s0, v0;
	v1 =	vadd.s32 s0, v1;
	s14 =	simm.s32 $0x400;
	s30 =	sor.u32 $0x660, s8;
	[dreg:$0x17] =	wrdreg s6  }
0x31: {  	v0 =	vmin.u32 v0, $0x10;
	v1 =	vmin.u32 v1, $0x10;
	s17 =	simm.s32 $0x0;
	s19 =	simm.s32 $0x2000;
	[smem:$0x7FC] =	sst s30  }
.LBB2_65:
0x32: {  	s0 =	smov.u32 s25;
	v20 =	vmov v8  }
.LBB2_70:
0x33: {  	v6 =	vsel vm0, s0, v6;
	vm11 =	vgt.f32 v15, v14;
	vm2 =	vgt.f32 v18, v16  }
0x34: {  	v14 =	vsel @p1 vm1, s25, v20;
	vm12 =	vgt.f32 v23, v13;
	vm14 =	vgt.f32 v22, v3  }
0x35: {  	vm15 =	vgt.f32 v24, v12;
	v9 =	vsel vm2, s0, v9;
	v10 =	vsel vm12, s0, v10  }
0x36: {  	vm13 =	vgt.f32 v17, v2;
	v11 =	vsel vm11, s0, v11;
	v2 =	vpsel p1, v14, v8  }
0x37: {  	v7 =	vsel vm15, s0, v7;
	v4 =	vsel vm13, s0, v4;
	v8 =	vsel vm14, s0, v2  }
.LBB2_71:
0x38: {  	[tilespmem:$0x13180] =	vst v5  }
0x39: {  	[tilespmem:$0x13190] =	vst v4  }
0x3a: {  	[tilespmem:$0x131A0] =	vst v8  }
0x3b: {  	[tilespmem:$0x131B0] =	vst v6  }
0x3c: {  	[tilespmem:$0x131C0] =	vst v7  }
0x3d: {  	[tilespmem:$0x131D0] =	vst v9  }
0x3e: {  	[tilespmem:$0x131E0] =	vst v10  }
0x3f: {  	[tilespmem:$0x131F0] =	vst v11;
	s0 =	rddreg [dreg:$0x14];
	s1 =	simm.s32 $0x13000  }
0x40: {  	[spmem:s0] =	stream.linear.scatter [tilespmem:s1], [sflag:$0x2], $0x80, $0x38;
	[tilespmem:$0x13480] =	vst v63  }
0x41: {  	_ =	swait.ge [sflag:s12], $0x80  }
0x42: {  	[sflag:s12] =	ssyncset.done $0x0  }
0x43: {  	s25 =	simm.s32 $0x13080;
	s24 =	rddreg [dreg:$0x15];
	[sflag:s12] =	ssyncadd.s32 $0xFFFFFF80  }
0x44: {  	[spmem:s24] =	stream.linear.scatter [tilespmem:s25], [sflag:$0x2], $0x80, $0x38;
	[tilespmem:$0x13480] =	vst v63  }
0x45: {  	_ =	swait.ge [sflag:s12], $0x80  }
0x46: {  	[sflag:s12] =	ssyncset.done $0x0  }
0x47: {  	s28 =	simm.s32 $0x13100;
	s26 =	rddreg [dreg:$0x17];
	[sflag:s12] =	ssyncadd.s32 $0xFFFFFF80  }
0x48: {  	[spmem:s26] =	stream.linear.scatter [tilespmem:s28], [sflag:$0x2], $0x80, $0x38;
	[tilespmem:$0x13480] =	vst v63  }
0x49: {  	_ =	swait.ge [sflag:s12], $0x80  }
0x4a: {  	[sflag:s12] =	ssyncset.done $0x0  }
0x4b: {  	s30 =	simm.s32 $0x13180;
	s29 =	rddreg [dreg:$0x16];
	[sflag:s12] =	ssyncadd.s32 $0xFFFFFF80  }
0x4c: {  	[spmem:s29] =	stream.linear.scatter [tilespmem:s30], [sflag:$0x2], $0x80, $0x38;
	[tilespmem:$0x13480] =	vst v63  }
0x4d: {  	_ =	swait.ge [sflag:s12], $0x80  }
0x4e: {  	[sflag:s12] =	ssyncset.done $0x0  }
0x4f: {  	[sflag:s12] =	ssyncadd.s32 $0xFFFFFF80  }
0x50: {  	s2 =	simm.s32 @!p0 $0x400;
	[bflag:$0x0] =	sbarrier.arrive $0xFFFF  }
0x51: {  	s3 =	simm.s32 @!p0 $0x200;
	s4 =	simm.s32 @!p0 $0x1C02;
	s0 =	rddreg [dreg:$0x3]  }
0x52: {  	s1 =	simm.s32 @!p0 $0x20;
	s6 =	rddreg [dreg:$0x13];
	s0 =	sshrl.u32 @!p0 s0, $0x3  }
0x53: {  	[hbm:s6@s2], [sflag:s4] =	dma.strided @!p0 [spmem:s0@s3], $0x400, s1, $0x10   }
0x54: {  	s0 =	simm.s32 @!p0 $0x2  }
0x55: {  	_ =	swait.ge @!p0 [sflag:s0], $0x400  }
0x56: {  	s17 =	sadd.s32 $0x1, s17;
	s31 =	rddreg [dreg:$0x18]  }
0x57: {  	p1 =	sne.s32 s17, s31  }
.Ltmp1:
0x58: {  	_ = 	snop;
	(pc) =	sbr.rel @!p1 .LBB2_72-.Ltmp1, $3  }
0x59: {  	_ =	sdelay $0x1  }
0x5a: {  	[sflag:s0] =	ssyncset.done @!p0 $0x0  }
0x5b: {  	[sflag:s0] =	ssyncadd.s32 @!p0 $0xFFFFFC00  }
.LBB2_1:
0x5c: {  	s13 =	simm.s32 $0x0;
	s0 =	rddreg [dreg:$0x5];
	s1 =	simm.s32 $0x13200  }
0x5d: {  	[tilespmem:s1], [sflag:$0x2] =	stream.linear.gather [hbm4b:s0+s13], $0x80, $0x38;
	[tilespmem:$0x13480] =	vst v63  }
0x5e: {  	_ =	swait.ge [sflag:s12], $0x80  }
0x5f: {  	[sflag:s12] =	ssyncset.done $0x0  }
0x60: {  	[sflag:s12] =	ssyncadd.s32 $0xFFFFFF80  }
0x61: {  	v2 =	vld.idx.msk [tilespmem:v0+s1+$0x0], $0xffff;
	_ =	sdelay $0x3  }
0x62: {  	v3 =	vld.idx.msk [tilespmem:v1+s1+$0x0], $0xffff  }
0x63: {  	(v2sf) =	vpush v2, $0x0  }
0x64: {  	(v2sf) =	vpush v2, $0x1  }
0x65: {  	(v2sf) =	vpush v2, $0x2  }
0x66: {  	(v2sf) =	vpush v2, $0x3  }
0x67: {  	(v2sf) =	vpush v3, $0x0  }
0x68: {  	(v2sf) =	vpush v3, $0x1  }
0x69: {  	(v2sf) =	vpush v3, $0x2;
	_ =	sdelay $0x8  }
0x6a: {  	s29 =	simm.s32 $0xC400;
	s10 =	spop (v2sf)  }
0x6b: {  	s16 =	spop (v2sf);
	s22 =	sadd.s32 $0x3F, s10;
	s24 =	sshra.s32 s10, $0x1F  }
0x6c: {  	s3 =	spop (v2sf);
	s2 =	sshra.s32 s22, $0x1F;
	s9 =	sadd.s32 $0x3F, s16  }
0x6d: {  	s28 =	spop (v2sf);
	s2 =	sshrl.u32 s2, $0x1A;
	s18 =	sshra.s32 s9, $0x1F  }
0x6e: {  	s1 =	spop (v2sf);
	s6 =	sadd.s32 s2, s22;
	s2 =	sshrl.u32 s24, $0x1D  }
0x6f: {  	s8 =	spop (v2sf);
	s4 =	sshra.s32 s1, $0x1F;
	s25 =	sshra.s32 s6, $0x6  }
0x70: {  	s24 =	smov.u32 s1;
	s2 =	sadd.s32 s2, s10;
	s31 =	spop (v2sf)  }
0x71: {  	s4 =	sshrl.u32 s4, $0x1A;
	s11 =	sand.u32 $0xFFFFFFF8, s2;
	s20 =	sshra.s32 s8, $0x1F  }
0x72: {  	s2 =	sshrl.u32 s18, $0x1A;
	s18 =	sshra.s32 s16, $0x1F;
	s23 =	sadd.s32 s4, s1  }
0x73: {  	s4 =	sshrl.u32 s20, $0x1A;
	s20 =	sshrl.u32 s18, $0x1D;
	s18 =	simm.s32 $0x800  }
0x74: {  	s30 =	smov.u32 s31;
	s7 =	sshra.s32 s23, $0x6;
	s0 =	sand.u32 $0xFFFFFFC0, s23  }
0x75: {  	s23 =	sadd.s32 s2, s9;
	s22 =	sadd.s32 s4, s8;
	s4 =	rddreg [dreg:$0x7]  }
0x76: {  	p1 =	sgt.s32 s7, s25;
	s7 =	sshra.s32 s23, $0x6;
	s9 =	sshra.s32 s22, $0x6  }
0x77: {  	[tilespmem:s13], [sflag:$0x1] =	stream.strided.gather [hbm4b:s4+s14], $0x800, s19, s14, $0x38;
	[tilespmem:$0x13480] =	vst v63  }
0x78: {  	s13 =	rddreg [dreg:$0x8];
	s24 =	smov.u32 @p1 s0;
	p1 =	slt.s32 s11, $0x7FB8  }
0x79: {  	s0 =	sand.u32 $0xFFFFFFC0, s22;
	s11 =	simm.s32 @!p1 $0x7FB8;
	s21 =	sshra.s32 s24, $0x1F  }
0x7a: {  	[tilespmem:s18], [sflag:$0x1] =	stream.strided.gather [hbm4b:s13+s14], $0x800, s19, s14, $0x38;
	[tilespmem:$0x13480] =	vst v63  }
0x7b: {  	p1 =	sgt.s32 s9, s7;
	s7 =	smov.u32 s8;
	s18 =	sshra.s32 s31, $0x1F  }
0x7c: {  	s25 =	sshrl.u32 s21, $0x1D;
	s7 =	smov.u32 @p1 s0;
	s0 =	sadd.s32 s20, s16  }
0x7d: {  	s20 =	sshll.u32 s11, $0xA;
	s2 =	sadd.s32 s25, s24;
	s21 =	sshra.s32 s7, $0x1F  }
0x7e: {  	s18 =	sshrl.u32 s18, $0x1A;
	s9 =	sand.u32 $0xFFFFFFF8, s2;
	s25 =	sshrl.u32 s21, $0x1D  }
0x7f: {  	s22 =	sand.u32 $0xFFFFFFF8, s0;
	p1 =	slt.s32 s9, $0x7FB8;
	s0 =	sadd.s32 s25, s7  }
0x80: {  	s25 =	sadd.s32 $0x3F, s3;
	s9 =	simm.s32 @!p1 $0x7FB8;
	p1 =	slt.s32 s22, $0x7FB8  }
0x81: {  	(v2sf) =	vpush v3, $0x3;
	s21 =	sand.u32 $0xFFFFFFF8, s0;
	s0 =	sor.u32 s5, s20;
	s13 =	sshra.s32 s25, $0x1F  }
0x82: {  	s20 =	simm.s32 $0x1000;
	s22 =	simm.s32 @!p1 $0x7FB8;
	p1 =	slt.s32 s21, $0x7FB8  }
0x83: {  	s0 =	sshrl.u32 s0, $0x3;
	s4 =	sshrl.u32 s13, $0x1A;
	s13 =	rddreg [dreg:$0x0]  }
0x84: {  	s0 =	sadd.s32 s13, s0;
	s4 =	sadd.s32 s4, s25;
	s25 =	sshll.u32 s9, $0xA  }
0x85: {  	[tilespmem:s20], [sflag:$0x1] =	stream.strided.gather [hbm4b:s0+s14], $0x2400, s19, s14, $0x38;
	[tilespmem:$0x13480] =	vst v63  }
0x86: {  	s21 =	simm.s32 @!p1 $0x7FB8;
	s20 =	sadd.s32 s18, s31;
	[smem:$0x7EE] =	sst s4  }
0x87: {  	s4 =	sshra.s32 s4, $0x6;
	s2 =	sor.u32 s5, s25;
	s25 =	simm.s32 $0xA000  }
0x88: {  	s18 =	sshra.s32 s20, $0x6;
	s2 =	sshrl.u32 s2, $0x3;
	s0 =	sand.u32 $0xFFFFFFC0, s20  }
0x89: {  	s20 =	sshra.s32 s3, $0x1F;
	p1 =	sgt.s32 s18, s4;
	s2 =	sadd.s32 s13, s2  }
0x8a: {  	[tilespmem:s25], [sflag:$0x1] =	stream.strided.gather [hbm4b:s2+s14], $0x2400, s19, s14, $0x38;
	[tilespmem:$0x13480] =	vst v63  }
0x8b: {  	s18 =	sshrl.u32 s20, $0x1D;
	s20 =	sshll.u32 s22, $0xA;
	s30 =	smov.u32 @p1 s0  }
0x8c: {  	s0 =	sadd.s32 s18, s3;
	s2 =	sor.u32 s5, s20;
	s25 =	sshra.s32 s30, $0x1F  }
0x8d: {  	s20 =	sand.u32 $0xFFFFFFF8, s0;
	s2 =	sshrl.u32 s2, $0x3;
	s18 =	sshrl.u32 s25, $0x1D  }
0x8e: {  	p1 =	slt.s32 s20, $0x7FB8;
	s2 =	sadd.s32 s13, s2;
	s25 =	simm.s32 $0x3400  }
0x8f: {  	[tilespmem:s25], [sflag:$0x1] =	stream.strided.gather [hbm4b:s2+s14], $0x2400, s19, s14, $0x38;
	[tilespmem:$0x13480] =	vst v63  }
0x90: {  	s26 =	spop (v2sf);
	s0 =	sadd.s32 s18, s30;
	s20 =	simm.s32 @!p1 $0x7FB8  }
0x91: {  	s18 =	sshll.u32 s21, $0xA;
	s2 =	sadd.s32 $0x3F, s28;
	s4 =	sand.u32 $0xFFFFFFF8, s0  }
0x92: {  	s0 =	sor.u32 s5, s18;
	s25 =	sshra.s32 s2, $0x1F;
	p1 =	slt.s32 s4, $0x7FB8  }
0x93: {  	s0 =	sshrl.u32 s0, $0x3;
	s18 =	sshrl.u32 s25, $0x1A;
	s25 =	sshra.s32 s26, $0x1F  }
0x94: {  	s4 =	simm.s32 @!p1 $0x7FB8;
	s0 =	sadd.s32 s13, s0;
	s18 =	sadd.s32 s18, s2  }
0x95: {  	[tilespmem:s29], [sflag:$0x1] =	stream.strided.gather [hbm4b:s0+s14], $0x2400, s19, s14, $0x38;
	[tilespmem:$0x13480] =	vst v63  }
0x96: {  	s2 =	sshrl.u32 s25, $0x1A;
	s25 =	sshll.u32 s20, $0xA;
	[smem:$0x7EF] =	sst s18  }
0x97: {  	s18 =	sshra.s32 s18, $0x6;
	s0 =	sadd.s32 s2, s26;
	s2 =	sor.u32 s5, s25  }
0x98: {  	s29 =	sshra.s32 s28, $0x1F;
	s25 =	sshra.s32 s0, $0x6;
	s2 =	sshrl.u32 s2, $0x3  }
0x99: {  	s0 =	sand.u32 $0xFFFFFFC0, s0;
	p1 =	sgt.s32 s25, s18;
	s18 =	sshrl.u32 s29, $0x1D  }
0x9a: {  	s2 =	sadd.s32 s13, s2;
	s25 =	simm.s32 $0x5800;
	s29 =	simm.s32 $0xE800  }
0x9b: {  	[tilespmem:s25], [sflag:$0x1] =	stream.strided.gather [hbm4b:s2+s14], $0x2400, s19, s14, $0x38;
	[tilespmem:$0x13480] =	vst v63  }
0x9c: {  	s25 =	smov.u32 s26;
	s2 =	sadd.s32 s18, s28;
	s18 =	sshll.u32 s4, $0xA  }
0x9d: {  	s25 =	smov.u32 @p1 s0;
	s0 =	sand.u32 $0xFFFFFFF8, s2;
	s2 =	sor.u32 s5, s18  }
0x9e: {  	p1 =	slt.s32 s0, $0x7FB8;
	s18 =	sshra.s32 s25, $0x1F;
	s2 =	sshrl.u32 s2, $0x3  }
0x9f: {  	s0 =	simm.s32 @!p1 $0x7FB8;
	s18 =	sshrl.u32 s18, $0x1D;
	s2 =	sadd.s32 s13, s2  }
0xa0: {  	[tilespmem:s29], [sflag:$0x1] =	stream.strided.gather [hbm4b:s2+s14], $0x2400, s19, s14, $0x38;
	[tilespmem:$0x13480] =	vst v63  }
0xa1: {  	s2 =	sadd.s32 s18, s25;
	s18 =	sshll.u32 s0, $0xA  }
0xa2: {  	s29 =	sand.u32 $0xFFFFFFF8, s2;
	s18 =	sor.u32 s5, s18  }
0xa3: {  	p1 =	slt.s32 s29, $0x7FB8;
	s2 =	sshrl.u32 s18, $0x3  }
0xa4: {  	s18 =	simm.s32 $0x7C00;
	s29 =	simm.s32 @!p1 $0x7FB8;
	s2 =	sadd.s32 s13, s2  }
0xa5: {  	[tilespmem:s18], [sflag:$0x1] =	stream.strided.gather [hbm4b:s2+s14], $0x2400, s19, s14, $0x38;
	[tilespmem:$0x13480] =	vst v63  }
0xa6: {  	s18 =	sshll.u32 s29, $0xA  }
0xa7: {  	s2 =	sor.u32 s5, s18  }
0xa8: {  	s2 =	sshrl.u32 s2, $0x3  }
0xa9: {  	s18 =	simm.s32 $0x10C00;
	s2 =	sadd.s32 s13, s2  }
0xaa: {  	[tilespmem:s18], [sflag:$0x1] =	stream.strided.gather [hbm4b:s2+s14], $0x2400, s19, s14, $0x38;
	[tilespmem:$0x13480] =	vst v63  }
0xab: {  	_ =	swait.ge [sflag:s15], $0x800  }
0xac: {  	[sflag:s15] =	ssyncset.done $0x0  }
0xad: {  	[sflag:s15] =	ssyncadd.s32 $0xFFFFF800  }
0xae: {  	_ =	swait.ge [sflag:s15], $0x800  }
0xaf: {  	[sflag:s15] =	ssyncset.done $0x0  }
0xb0: {  	[sflag:s15] =	ssyncadd.s32 $0xFFFFF800  }
0xb1: {  	_ =	swait.ge [sflag:s15], $0x2400  }
0xb2: {  	[sflag:s15] =	ssyncset.done $0x0  }
0xb3: {  	[sflag:s15] =	ssyncadd.s32 $0xFFFFDC00  }
0xb4: {  	_ =	swait.ge [sflag:s15], $0x2400  }
0xb5: {  	[sflag:s15] =	ssyncset.done $0x0  }
0xb6: {  	[sflag:s15] =	ssyncadd.s32 $0xFFFFDC00  }
0xb7: {  	_ =	swait.ge [sflag:s15], $0x2400  }
0xb8: {  	[sflag:s15] =	ssyncset.done $0x0  }
0xb9: {  	[sflag:s15] =	ssyncadd.s32 $0xFFFFDC00  }
0xba: {  	_ =	swait.ge [sflag:s15], $0x2400  }
0xbb: {  	[sflag:s15] =	ssyncset.done $0x0  }
0xbc: {  	[sflag:s15] =	ssyncadd.s32 $0xFFFFDC00  }
0xbd: {  	_ =	swait.ge [sflag:s15], $0x2400  }
0xbe: {  	[sflag:s15] =	ssyncset.done $0x0  }
0xbf: {  	s2 =	sand.u32 $0xFFFFFFC0, s6;
	[sflag:s15] =	ssyncadd.s32 $0xFFFFDC00  }
0xc0: {  	s18 =	smov.u32 s1;
	p1 =	slt.s32 s2, s1;
	_ =	swait.ge [sflag:s15], $0x2400  }
0xc1: {  	s18 =	smov.u32 @p1 s2;
	[sflag:s15] =	ssyncset.done $0x0  }
0xc2: {  	s6 =	ssub.s32 s10, s11;
	s13 =	ssub.s32 s18, s11;
	[sflag:s15] =	ssyncadd.s32 $0xFFFFDC00  }
0xc3: {  	p1 =	sge.s32 s6, s13;
	_ =	swait.ge [sflag:s15], $0x2400  }
.Ltmp2:
0xc4: {  	[sflag:s15] =	ssyncset.done $0x0;
	(pc) =	sbr.rel @p1 .LBB2_2-.Ltmp2, $4  }
0xc5: {  	[sflag:s15] =	ssyncadd.s32 $0xFFFFDC00  }
0xc6: {  	_ =	swait.ge [sflag:s15], $0x2400  }
0xc7: {  	[sflag:s15] =	ssyncset.done $0x0  }
0xc8: {  	v5 =	vbroadcast v2, $0x0;
	v3 =	vimm.f32 $-Inf;
	[sflag:s15] =	ssyncadd.s32 $0xFFFFDC00  }
0xc9: {  	s2 =	sshll.u32 s10, $0x9;
	s6 =	sshll.u32 s11, $0x9  }
0xca: {  	s2 =	ssub.s32 s2, s6  }
0xcb: {  	s2 =	sshra.s32 s2, $0x2  }
0xcc: {  	s2 =	sadd.s32 $0x1040, s2  }
0xcd: {  	v3 =	vld [tilespmem:s2+$0xFFFFFFF0]  }
0xce: {  	s6 =	sadd.s32 $0x1, s10;
	v6 =	vld [tilespmem:s2+$0xFFFFFFC0]  }
0xcf: {  	p2 =	sne.s32 s18, s6;
	v7 =	vld [tilespmem:s2+$0x30]  }
.Ltmp3:
0xd0: {  	v28 =	vld [tilespmem:s2+$0x20];
	(pc) =	sbr.rel @!p2 .LBB2_4-.Ltmp3, $4  }
0xd1: {  	v9 =	vld [tilespmem:s2+$0x10]  }
0xd2: {  	v21 =	vimm.f32 $-Inf;
	v8 =	vld [tilespmem:s2+$0xFFFFFFD0]  }
0xd3: {  	v25 =	vld [tilespmem:s2+$0x0];
	vm0 =	vgt.f32 v3, v21;
	vm1 =	vgt.f32 v6, v21  }
0xd4: {  	p1 =	por $0x0, $0x0;
	v23 =	vld [tilespmem:s2+$0xFFFFFFE0];
	s2 =	sadd.s32 $0x80, s2;
	v4 =	vsel vm0, v3, v21;
	v3 =	vsel vm1, v6, v21;
	v6 =	vsel vm1, s10, v5  }
0xd5: {  	v19 =	vld [tilespmem:s2+$0xFFFFFFF0];
	v11 =	vsel vm0, s10, v5;
	vm0 =	vgt.f32 v7, v21  }
0xd6: {  	v20 =	vld [tilespmem:s2+$0xFFFFFFC0];
	vm2 =	vgt.f32 v28, v21;
	s11 =	sadd.s32 $0x1, s6;
	vm1 =	vgt.f32 v9, v21;
	v22 =	vsel vm0, v7, v21  }
0xd7: {  	v24 =	vld [tilespmem:s2+$0x20];
	v14 =	vsel vm2, s10, v5;
	v12 =	vsel vm2, v28, v21;
	v16 =	vsel vm0, s10, v5;
	p2 =	sne.s32 s18, s11  }
.Ltmp4:
0xd8: {  	v7 =	vld [tilespmem:s2+$0x30];
	v10 =	vsel vm1, v9, v21;
	v13 =	vsel vm1, s10, v5;
	vm3 =	vgt.f32 v8, v21;
	(pc) =	sbr.rel @!p2 .LBB2_6-.Ltmp4, $4  }
0xd9: {  	v9 =	vld [tilespmem:s2+$0x10];
	v15 =	vsel vm3, v8, v21;
	vm2 =	vgt.f32 v25, v21;
	v17 =	vsel vm3, s10, v5  }
0xda: {  	v27 =	vld [tilespmem:s2+$0x0];
	vm1 =	vgt.f32 v23, v21;
	v18 =	vsel vm2, s10, v5;
	vm0 =	vgt.f32 v19, v4  }
0xdb: {  	v8 =	vld [tilespmem:s2+$0xFFFFFFD0];
	vm3 =	vgt.f32 v20, v3;
	v4 =	vsel vm0, v19, v4;
	v19 =	vsel vm2, v25, v21  }
0xdc: {  	p1 =	por $0x1, $0x1;
	v26 =	vmovc v5;
	v3 =	vsel vm3, v20, v3;
	v6 =	vsel vm3, s6, v6;
	v25 =	vld [tilespmem:s2+$0xFFFFFFE0];
	s2 =	sadd.s32 $0x80, s2;
	v20 =	vsel vm1, v23, v21  }
.LBB2_7:
0xdd: {  	v21 =	vld [tilespmem:s2+$0xFFFFFFF0];
	v11 =	vsel vm0, s6, v11;
	vm0 =	vgt.f32 v7, v22;
	v26 =	vsel vm1, s10, v26;
	s10 =	smov.u32 s6;
	s6 =	smov.u32 s11;
	s11 =	sadd.s32 $0x1, s11  }
0xde: {  	vm2 =	vgt.f32 v24, v12;
	v23 =	vld [tilespmem:s2+$0xFFFFFFC0];
	p2 =	sne.s32 s18, s11;
	vm1 =	vgt.f32 v9, v10;
	v22 =	vsel vm0, v7, v22  }
0xdf: {  	v14 =	vsel vm2, s10, v14;
	v7 =	vld [tilespmem:s2+$0x30];
	v10 =	vsel vm1, v9, v10;
	v13 =	vsel vm1, s10, v13  }
.Ltmp5:
0xe0: {  	v12 =	vsel vm2, v24, v12;
	v16 =	vsel vm0, s10, v16;
	vm3 =	vgt.f32 v8, v15;
	v24 =	vld [tilespmem:s2+$0x20];
	(pc) =	sbr.rel @p2 .LBB2_7-.Ltmp5, $4  }
0xe1: {  	v15 =	vsel vm3, v8, v15;
	vm2 =	vgt.f32 v27, v19;
	v9 =	vld [tilespmem:s2+$0x10];
	vm1 =	vgt.f32 v25, v20  }
0xe2: {  	v17 =	vsel vm3, s10, v17;
	v18 =	vsel vm2, s10, v18;
	v8 =	vld [tilespmem:s2+$0xFFFFFFD0];
	vm0 =	vgt.f32 v21, v4  }
0xe3: {  	v19 =	vsel vm2, v27, v19;
	vm3 =	vgt.f32 v23, v3;
	v4 =	vsel vm0, v21, v4;
	v27 =	vld [tilespmem:s2+$0x0]  }
0xe4: {  	v20 =	vsel vm1, v25, v20;
	v3 =	vsel vm3, v23, v3;
	v6 =	vsel vm3, s6, v6;
	v25 =	vld [tilespmem:s2+$0xFFFFFFE0];
	s2 =	sadd.s32 $0x80, s2  }
0xe5: {  	_ =	sdelay $0x3  }
0xe6: {  	v21 =	vmovc v22;
	v28 =	vmov v24;
	v23 =	vmov v25;
	v25 =	vmov v27  }
.LBB2_9:
0xe7: {  	v11 =	vsel vm0, s6, v11;
	vm11 =	vgt.f32 v7, v21;
	v26 =	vsel @p1 vm1, s10, v26  }
0xe8: {  	vm12 =	vgt.f32 v9, v10;
	vm2 =	vgt.f32 v28, v12;
	vm13 =	vgt.f32 v8, v15  }
.Ltmp6:
0xe9: {  	vm14 =	vgt.f32 v23, v20;
	vm15 =	vgt.f32 v25, v19;
	v24 =	vsel vm11, v7, v21;
	(pc) =	sbr.rel .LBB2_10-.Ltmp6, $4  }
0xea: {  	v22 =	vsel vm12, v9, v10;
	v9 =	vsel vm12, s6, v13;
	v5 =	vpsel p1, v26, v5  }
0xeb: {  	v10 =	vsel vm2, s6, v14;
	v13 =	vsel vm2, v28, v12;
	v14 =	vsel vm11, s6, v16  }
0xec: {  	v21 =	vsel vm13, v8, v15;
	v7 =	vsel vm13, s6, v17;
	v15 =	vsel vm15, s6, v18  }
0xed: {  	v19 =	vsel vm15, v25, v19;
	v18 =	vsel vm14, v23, v20;
	v12 =	vsel vm14, s6, v5;
	v5 =	vmovc v6  }
.LBB2_2:
0xee: {  	v21 =	vimm.f32 $-Inf  }
0xef: {  	v18 =	vimm.f32 $-Inf;
	v4 =	vimm.f32 $-Inf;
	v19 =	vimm.f32 $-Inf  }
0xf0: {  	v22 =	vimm.f32 $-Inf;
	v13 =	vimm.f32 $-Inf;
	v24 =	vimm.f32 $-Inf;
	v7 =	vmovc v5;
	v12 =	vmovc v5  }
0xf1: {  	v11 =	vmovc v5;
	v15 =	vmovc v5;
	v9 =	vmov v5;
	v10 =	vmov v5;
	v14 =	vmov v5  }
.LBB2_10:
0xf2: {  	s2 =	rddreg [dreg:$0x6]  }
0xf3: {  	v23 =	vld [tilespmem:s2+$0x0]  }
0xf4: {  	s11 =	rddreg [dreg:$0x9];
	v6 =	vld [tilespmem:s2+$0x800]  }
0xf5: {  	v20 =	vld [tilespmem:s11+$0x0]  }
0xf6: {  	s13 =	rddreg [dreg:$0xa];
	v16 =	vld [tilespmem:s11+$0x800]  }
0xf7: {  	v25 =	vld [tilespmem:s13+$0x0]  }
0xf8: {  	s18 =	rddreg [dreg:$0xb];
	v30 =	vld [tilespmem:s13+$0x800]  }
0xf9: {  	v26 =	vld [tilespmem:s18+$0x0]  }
0xfa: {  	s6 =	rddreg [dreg:$0xc];
	v31 =	vld [tilespmem:s18+$0x800]  }
0xfb: {  	v27 =	vld [tilespmem:s6+$0x0]  }
0xfc: {  	s10 =	rddreg [dreg:$0xd];
	v32 =	vld [tilespmem:s6+$0x800]  }
0xfd: {  	v17 =	vld [tilespmem:s10+$0x0]  }
0xfe: {  	v33 =	vld [tilespmem:s10+$0x800];
	s11 =	rddreg [dreg:$0xe]  }
0xff: {  	v28 =	vld [tilespmem:s11+$0x0]  }
0x100: {  	s13 =	rddreg [dreg:$0xf];
	v34 =	vld [tilespmem:s11+$0x800]  }
0x101: {  	s18 =	ssub.s32 s24, s9;
	s6 =	ssub.s32 s1, s9;
	v29 =	vld [tilespmem:s13+$0x0]  }
0x102: {  	v35 =	vld [tilespmem:s13+$0x800];
	p1 =	sge.s32 s18, s6;
	vm1 =	vgt.f32 v23, v3  }
.Ltmp7:
0x103: {  	vm0 =	vgt.f32 v20, v21;
	vm2 =	vgt.f32 v25, v18;
	vm3 =	vgt.f32 v26, v4;
	(pc) =	sbr.rel @p1 .LBB2_18-.Ltmp7, $4  }
0x104: {  	vm4 =	vgt.f32 v27, v19;
	vm5 =	vgt.f32 v17, v22;
	v8 =	vsel vm1, v6, v5  }
0x105: {  	v7 =	vsel vm0, v16, v7;
	v12 =	vsel vm2, v30, v12;
	v6 =	vsel vm3, v31, v11  }
0x106: {  	v5 =	vsel vm4, v32, v15;
	vm6 =	vgt.f32 v28, v13;
	vm7 =	vgt.f32 v29, v24  }
0x107: {  	v11 =	vsel vm5, v33, v9;
	v10 =	vsel vm6, v34, v10;
	v9 =	vsel vm7, v35, v14  }
0x108: {  	s2 =	sshll.u32 s24, $0x9;
	s6 =	sshll.u32 s9, $0x9  }
0x109: {  	s2 =	ssub.s32 s2, s6  }
0x10a: {  	s2 =	sshra.s32 s2, $0x2  }
0x10b: {  	s2 =	sadd.s32 $0xA040, s2  }
0x10c: {  	v30 =	vld [tilespmem:s2+$0xFFFFFFF0]  }
0x10d: {  	s6 =	sadd.s32 $0x1, s24;
	v31 =	vld [tilespmem:s2+$0xFFFFFFC0]  }
0x10e: {  	p2 =	sne.s32 s1, s6;
	v16 =	vld [tilespmem:s2+$0x30]  }
.Ltmp8:
0x10f: {  	v15 =	vsel vm7, v29, v24;
	v24 =	vld [tilespmem:s2+$0x20];
	(pc) =	sbr.rel @!p2 .LBB2_12-.Ltmp8, $4  }
0x110: {  	v14 =	vsel vm6, v28, v13;
	v17 =	vsel vm5, v17, v22;
	v13 =	vsel vm4, v27, v19;
	v19 =	vld [tilespmem:s2+$0x10]  }
0x111: {  	v22 =	vsel vm3, v26, v4;
	v4 =	vsel vm2, v25, v18;
	v23 =	vsel vm1, v23, v3;
	v18 =	vld [tilespmem:s2+$0xFFFFFFD0]  }
0x112: {  	v3 =	vsel vm0, v20, v21;
	v25 =	vld [tilespmem:s2+$0x0];
	vm0 =	vgt.f32 v30, v22;
	vm1 =	vgt.f32 v31, v23  }
0x113: {  	p1 =	por $0x0, $0x0;
	v22 =	vsel vm0, v30, v22;
	v21 =	vsel vm1, v31, v23;
	v8 =	vsel vm1, s24, v8;
	v23 =	vld [tilespmem:s2+$0xFFFFFFE0];
	s2 =	sadd.s32 $0x80, s2  }
0x114: {  	v26 =	vld [tilespmem:s2+$0xFFFFFFF0];
	v6 =	vsel vm0, s24, v6;
	vm0 =	vgt.f32 v16, v15  }
0x115: {  	v27 =	vld [tilespmem:s2+$0xFFFFFFC0];
	vm2 =	vgt.f32 v24, v14;
	s9 =	sadd.s32 $0x1, s6;
	vm1 =	vgt.f32 v19, v17;
	v15 =	vsel vm0, v16, v15  }
0x116: {  	v20 =	vld [tilespmem:s2+$0x20];
	v10 =	vsel vm2, s24, v10;
	v14 =	vsel vm2, v24, v14;
	v9 =	vsel vm0, s24, v9;
	p2 =	sne.s32 s1, s9  }
.Ltmp9:
0x117: {  	v16 =	vld [tilespmem:s2+$0x30];
	v17 =	vsel vm1, v19, v17;
	v11 =	vsel vm1, s24, v11;
	vm3 =	vgt.f32 v18, v3;
	(pc) =	sbr.rel @!p2 .LBB2_14-.Ltmp9, $4  }
0x118: {  	v19 =	vld [tilespmem:s2+$0x10];
	v3 =	vsel vm3, v18, v3;
	vm2 =	vgt.f32 v25, v13;
	v7 =	vsel vm3, s24, v7  }
0x119: {  	v18 =	vld [tilespmem:s2+$0xFFFFFFD0];
	vm1 =	vgt.f32 v23, v4;
	v5 =	vsel vm2, s24, v5;
	v13 =	vsel vm2, v25, v13  }
0x11a: {  	v25 =	vld [tilespmem:s2+$0xFFFFFFE0];
	vm0 =	vgt.f32 v26, v22;
	vm3 =	vgt.f32 v27, v21;
	v4 =	vsel vm1, v23, v4  }
0x11b: {  	p1 =	por $0x1, $0x1;
	v24 =	vsel vm0, v26, v22;
	v22 =	vld [tilespmem:s2+$0x0];
	v26 =	vsel vm3, v27, v21;
	v8 =	vsel vm3, s6, v8;
	s2 =	sadd.s32 $0x80, s2;
	v21 =	vmovc v12  }
.LBB2_15:
0x11c: {  	v23 =	vld [tilespmem:s2+$0xFFFFFFF0];
	v6 =	vsel vm0, s6, v6;
	vm0 =	vgt.f32 v16, v15;
	v21 =	vsel vm1, s24, v21;
	s24 =	smov.u32 s6;
	s6 =	smov.u32 s9;
	s9 =	sadd.s32 $0x1, s9  }
0x11d: {  	vm2 =	vgt.f32 v20, v14;
	v27 =	vld [tilespmem:s2+$0xFFFFFFC0];
	p2 =	sne.s32 s1, s9;
	vm1 =	vgt.f32 v19, v17;
	v15 =	vsel vm0, v16, v15  }
0x11e: {  	v10 =	vsel vm2, s24, v10;
	v16 =	vld [tilespmem:s2+$0x30];
	v17 =	vsel vm1, v19, v17;
	v11 =	vsel vm1, s24, v11  }
.Ltmp10:
0x11f: {  	v14 =	vsel vm2, v20, v14;
	v9 =	vsel vm0, s24, v9;
	vm3 =	vgt.f32 v18, v3;
	v20 =	vld [tilespmem:s2+$0x20];
	(pc) =	sbr.rel @p2 .LBB2_15-.Ltmp10, $4  }
0x120: {  	v3 =	vsel vm3, v18, v3;
	vm2 =	vgt.f32 v22, v13;
	v19 =	vld [tilespmem:s2+$0x10];
	vm1 =	vgt.f32 v25, v4  }
0x121: {  	v7 =	vsel vm3, s24, v7;
	v5 =	vsel vm2, s24, v5;
	v18 =	vld [tilespmem:s2+$0xFFFFFFD0];
	vm0 =	vgt.f32 v23, v24  }
0x122: {  	v13 =	vsel vm2, v22, v13;
	vm3 =	vgt.f32 v27, v26;
	v24 =	vsel vm0, v23, v24;
	v22 =	vld [tilespmem:s2+$0x0]  }
0x123: {  	v4 =	vsel vm1, v25, v4;
	v26 =	vsel vm3, v27, v26;
	v8 =	vsel vm3, s6, v8;
	v25 =	vld [tilespmem:s2+$0xFFFFFFE0];
	s2 =	sadd.s32 $0x80, s2  }
0x124: {  	_ =	sdelay $0x3  }
0x125: {  	v24 =	vmov v20;
	v23 =	vmov v25;
	v25 =	vmov v22  }
.LBB2_17:
0x126: {  	v6 =	vsel vm0, s6, v6;
	vm11 =	vgt.f32 v16, v15;
	vm2 =	vgt.f32 v19, v17  }
0x127: {  	v15 =	vsel @p1 vm1, s24, v21;
	vm12 =	vgt.f32 v24, v14;
	vm13 =	vgt.f32 v18, v3  }
0x128: {  	vm14 =	vgt.f32 v23, v4;
	vm15 =	vgt.f32 v25, v13;
	v11 =	vsel vm2, s6, v11  }
0x129: {  	v10 =	vsel vm12, s6, v10;
	v9 =	vsel vm11, s6, v9;
	v3 =	vpsel p1, v15, v12  }
0x12a: {  	v7 =	vsel vm13, s6, v7;
	v5 =	vsel vm15, s6, v5;
	v12 =	vsel vm14, s6, v3  }
.LBB2_18:
0x12b: {  	s2 =	sand.u32 $0xFFFFFFC0, s23  }
0x12c: {  	s1 =	smov.u32 s8;
	p1 =	slt.s32 s2, s8  }
0x12d: {  	[tilespmem:$0x13000] =	vst v8;
	s1 =	smov.u32 @p1 s2  }
0x12e: {  	[tilespmem:$0x13010] =	vst v7;
	s24 =	ssub.s32 s16, s22;
	s6 =	ssub.s32 s1, s22  }
0x12f: {  	[tilespmem:$0x13020] =	vst v12;
	p1 =	sge.s32 s24, s6  }
.Ltmp11:
0x130: {  	[tilespmem:$0x13030] =	vst v6;
	(pc) =	sbr.rel @p1 .LBB2_19-.Ltmp11, $4  }
0x131: {  	[tilespmem:$0x13040] =	vst v5  }
0x132: {  	[tilespmem:$0x13050] =	vst v11  }
0x133: {  	[tilespmem:$0x13060] =	vst v10  }
0x134: {  	[tilespmem:$0x13070] =	vst v9;
	v5 =	vbroadcast v2, $0x1;
	v3 =	vimm.f32 $-Inf  }
0x135: {  	s2 =	sshll.u32 s16, $0x9;
	s6 =	sshll.u32 s22, $0x9  }
0x136: {  	s2 =	ssub.s32 s2, s6  }
0x137: {  	s2 =	sshra.s32 s2, $0x2  }
0x138: {  	s2 =	sadd.s32 $0x3470, s2  }
0x139: {  	v3 =	vld [tilespmem:s2+$0xFFFFFFC0]  }
0x13a: {  	s6 =	sadd.s32 $0x1, s16;
	v6 =	vld [tilespmem:s2+$0xFFFFFF90]  }
0x13b: {  	p2 =	sne.s32 s1, s6;
	v7 =	vld [tilespmem:s2+$0x0]  }
.Ltmp12:
0x13c: {  	v28 =	vld [tilespmem:s2+$0xFFFFFFF0];
	(pc) =	sbr.rel @!p2 .LBB2_21-.Ltmp12, $4  }
0x13d: {  	v9 =	vld [tilespmem:s2+$0xFFFFFFE0]  }
0x13e: {  	v21 =	vimm.f32 $-Inf;
	v8 =	vld [tilespmem:s2+$0xFFFFFFA0]  }
0x13f: {  	v25 =	vld [tilespmem:s2+$0xFFFFFFD0];
	vm0 =	vgt.f32 v3, v21;
	vm1 =	vgt.f32 v6, v21  }
0x140: {  	p1 =	por $0x0, $0x0;
	v23 =	vld [tilespmem:s2+$0xFFFFFFB0];
	s2 =	sadd.s32 $0x80, s2;
	v4 =	vsel vm0, v3, v21;
	v3 =	vsel vm1, v6, v21;
	v6 =	vsel vm1, s16, v5  }
0x141: {  	v19 =	vld [tilespmem:s2+$0xFFFFFFC0];
	v11 =	vsel vm0, s16, v5;
	vm0 =	vgt.f32 v7, v21  }
0x142: {  	v20 =	vld [tilespmem:s2+$0xFFFFFF90];
	vm2 =	vgt.f32 v28, v21;
	s9 =	sadd.s32 $0x1, s6;
	vm1 =	vgt.f32 v9, v21;
	v22 =	vsel vm0, v7, v21  }
0x143: {  	v24 =	vld [tilespmem:s2+$0xFFFFFFF0];
	v14 =	vsel vm2, s16, v5;
	v12 =	vsel vm2, v28, v21;
	v16 =	vsel vm0, s16, v5;
	p2 =	sne.s32 s1, s9  }
.Ltmp13:
0x144: {  	v7 =	vld [tilespmem:s2+$0x0];
	v10 =	vsel vm1, v9, v21;
	v13 =	vsel vm1, s16, v5;
	vm3 =	vgt.f32 v8, v21;
	(pc) =	sbr.rel @!p2 .LBB2_23-.Ltmp13, $4  }
0x145: {  	v9 =	vld [tilespmem:s2+$0xFFFFFFE0];
	v15 =	vsel vm3, v8, v21;
	vm2 =	vgt.f32 v25, v21;
	v17 =	vsel vm3, s16, v5  }
0x146: {  	v27 =	vld [tilespmem:s2+$0xFFFFFFD0];
	vm1 =	vgt.f32 v23, v21;
	v18 =	vsel vm2, s16, v5;
	vm0 =	vgt.f32 v19, v4  }
0x147: {  	v8 =	vld [tilespmem:s2+$0xFFFFFFA0];
	vm3 =	vgt.f32 v20, v3;
	v4 =	vsel vm0, v19, v4;
	v19 =	vsel vm2, v25, v21  }
0x148: {  	p1 =	por $0x1, $0x1;
	v26 =	vmovc v5;
	v3 =	vsel vm3, v20, v3;
	v6 =	vsel vm3, s6, v6;
	v25 =	vld [tilespmem:s2+$0xFFFFFFB0];
	s2 =	sadd.s32 $0x80, s2;
	v20 =	vsel vm1, v23, v21  }
.LBB2_24:
0x149: {  	v21 =	vld [tilespmem:s2+$0xFFFFFFC0];
	v11 =	vsel vm0, s6, v11;
	vm0 =	vgt.f32 v7, v22;
	v26 =	vsel vm1, s16, v26;
	s16 =	smov.u32 s6;
	s6 =	smov.u32 s9;
	s9 =	sadd.s32 $0x1, s9  }
0x14a: {  	vm2 =	vgt.f32 v24, v12;
	v23 =	vld [tilespmem:s2+$0xFFFFFF90];
	p2 =	sne.s32 s1, s9;
	vm1 =	vgt.f32 v9, v10;
	v22 =	vsel vm0, v7, v22  }
0x14b: {  	v14 =	vsel vm2, s16, v14;
	v7 =	vld [tilespmem:s2+$0x0];
	v10 =	vsel vm1, v9, v10;
	v13 =	vsel vm1, s16, v13  }
.Ltmp14:
0x14c: {  	v12 =	vsel vm2, v24, v12;
	v16 =	vsel vm0, s16, v16;
	vm3 =	vgt.f32 v8, v15;
	v24 =	vld [tilespmem:s2+$0xFFFFFFF0];
	(pc) =	sbr.rel @p2 .LBB2_24-.Ltmp14, $4  }
0x14d: {  	v15 =	vsel vm3, v8, v15;
	vm2 =	vgt.f32 v27, v19;
	v9 =	vld [tilespmem:s2+$0xFFFFFFE0];
	vm1 =	vgt.f32 v25, v20  }
0x14e: {  	v17 =	vsel vm3, s16, v17;
	v18 =	vsel vm2, s16, v18;
	v8 =	vld [tilespmem:s2+$0xFFFFFFA0];
	vm0 =	vgt.f32 v21, v4  }
0x14f: {  	v19 =	vsel vm2, v27, v19;
	vm3 =	vgt.f32 v23, v3;
	v4 =	vsel vm0, v21, v4;
	v27 =	vld [tilespmem:s2+$0xFFFFFFD0]  }
0x150: {  	v20 =	vsel vm1, v25, v20;
	v3 =	vsel vm3, v23, v3;
	v6 =	vsel vm3, s6, v6;
	v25 =	vld [tilespmem:s2+$0xFFFFFFB0];
	s2 =	sadd.s32 $0x80, s2  }
0x151: {  	_ =	sdelay $0x3  }
0x152: {  	v21 =	vmovc v22;
	v28 =	vmov v24;
	v23 =	vmov v25;
	v25 =	vmov v27  }
.LBB2_26:
0x153: {  	v11 =	vsel vm0, s6, v11;
	vm11 =	vgt.f32 v7, v21;
	v26 =	vsel @p1 vm1, s16, v26  }
0x154: {  	vm12 =	vgt.f32 v9, v10;
	vm2 =	vgt.f32 v28, v12;
	vm13 =	vgt.f32 v8, v15  }
.Ltmp15:
0x155: {  	vm14 =	vgt.f32 v23, v20;
	vm15 =	vgt.f32 v25, v19;
	v24 =	vsel vm11, v7, v21;
	(pc) =	sbr.rel .LBB2_27-.Ltmp15, $4  }
0x156: {  	v22 =	vsel vm12, v9, v10;
	v9 =	vsel vm12, s6, v13;
	v5 =	vpsel p1, v26, v5  }
0x157: {  	v10 =	vsel vm2, s6, v14;
	v13 =	vsel vm2, v28, v12;
	v14 =	vsel vm11, s6, v16  }
0x158: {  	v21 =	vsel vm13, v8, v15;
	v7 =	vsel vm13, s6, v17;
	v15 =	vsel vm15, s6, v18  }
0x159: {  	v19 =	vsel vm15, v25, v19;
	v18 =	vsel vm14, v23, v20;
	v12 =	vsel vm14, s6, v5;
	v5 =	vmovc v6  }
.LBB2_19:
0x15a: {  	v21 =	vimm.f32 $-Inf  }
0x15b: {  	v18 =	vimm.f32 $-Inf;
	v4 =	vimm.f32 $-Inf;
	v19 =	vimm.f32 $-Inf  }
0x15c: {  	v22 =	vimm.f32 $-Inf;
	v13 =	vimm.f32 $-Inf;
	v24 =	vimm.f32 $-Inf;
	v7 =	vmovc v5;
	v12 =	vmovc v5  }
0x15d: {  	v11 =	vmovc v5;
	v15 =	vmovc v5;
	v9 =	vmov v5;
	v10 =	vmov v5;
	v14 =	vmov v5  }
.LBB2_27:
0x15e: {  	s1 =	rddreg [dreg:$0x10]  }
0x15f: {  	v23 =	vld [tilespmem:s1+$0x0]  }
0x160: {  	s10 =	rddreg [dreg:$0x11];
	v6 =	vld [tilespmem:s1+$0x800]  }
0x161: {  	v20 =	vld [tilespmem:s10+$0x0]  }
0x162: {  	s11 =	rddreg [dreg:$0x19];
	v16 =	vld [tilespmem:s10+$0x800]  }
0x163: {  	v25 =	vld [tilespmem:s11+$0x0]  }
0x164: {  	s13 =	rddreg [dreg:$0x1a];
	v30 =	vld [tilespmem:s11+$0x800]  }
0x165: {  	v26 =	vld [tilespmem:s13+$0x0]  }
0x166: {  	s16 =	rddreg [dreg:$0x1b];
	v31 =	vld [tilespmem:s13+$0x800]  }
0x167: {  	v27 =	vld [tilespmem:s16+$0x0]  }
0x168: {  	s18 =	rddreg [dreg:$0x1c];
	v32 =	vld [tilespmem:s16+$0x800]  }
0x169: {  	v17 =	vld [tilespmem:s18+$0x0]  }
0x16a: {  	s22 =	rddreg [dreg:$0x1d];
	v33 =	vld [tilespmem:s18+$0x800]  }
0x16b: {  	s23 =	rddreg [dreg:$0x1e];
	v28 =	vld [tilespmem:s22+$0x0]  }
0x16c: {  	v29 =	vld [tilespmem:s23+$0x0]  }
0x16d: {  	s24 =	ssub.s32 s7, s21;
	s2 =	ssub.s32 s8, s21;
	v34 =	vld [tilespmem:s22+$0x800]  }
0x16e: {  	v35 =	vld [tilespmem:s23+$0x800];
	p1 =	sge.s32 s24, s2;
	vm1 =	vgt.f32 v23, v3  }
.Ltmp16:
0x16f: {  	vm0 =	vgt.f32 v20, v21;
	vm2 =	vgt.f32 v25, v18;
	vm3 =	vgt.f32 v26, v4;
	(pc) =	sbr.rel @p1 .LBB2_28-.Ltmp16, $4  }
0x170: {  	vm4 =	vgt.f32 v27, v19;
	vm5 =	vgt.f32 v17, v22;
	vm6 =	vgt.f32 v28, v13  }
0x171: {  	vm7 =	vgt.f32 v29, v24;
	v8 =	vsel vm1, v6, v5;
	v7 =	vsel vm0, v16, v7  }
0x172: {  	v12 =	vsel vm2, v30, v12;
	v6 =	vsel vm3, v31, v11;
	v5 =	vsel vm4, v32, v15  }
0x173: {  	v11 =	vsel vm5, v33, v9;
	v10 =	vsel vm6, v34, v10;
	v9 =	vsel vm7, v35, v14  }
0x174: {  	s1 =	sshll.u32 s7, $0x9;
	s2 =	sshll.u32 s21, $0x9  }
0x175: {  	s1 =	ssub.s32 s1, s2  }
0x176: {  	s1 =	sshra.s32 s1, $0x2  }
0x177: {  	s1 =	sadd.s32 $0xC470, s1  }
0x178: {  	v30 =	vld [tilespmem:s1+$0xFFFFFFC0]  }
0x179: {  	s6 =	sadd.s32 $0x1, s7;
	v31 =	vld [tilespmem:s1+$0xFFFFFF90]  }
0x17a: {  	p2 =	sne.s32 s8, s6;
	v16 =	vld [tilespmem:s1+$0x0]  }
.Ltmp17:
0x17b: {  	v15 =	vsel vm7, v29, v24;
	v24 =	vld [tilespmem:s1+$0xFFFFFFF0];
	(pc) =	sbr.rel @!p2 .LBB2_30-.Ltmp17, $4  }
0x17c: {  	v14 =	vsel vm6, v28, v13;
	v17 =	vsel vm5, v17, v22;
	v13 =	vsel vm4, v27, v19;
	v19 =	vld [tilespmem:s1+$0xFFFFFFE0]  }
0x17d: {  	v22 =	vsel vm3, v26, v4;
	v4 =	vsel vm2, v25, v18;
	v23 =	vsel vm1, v23, v3;
	v18 =	vld [tilespmem:s1+$0xFFFFFFA0]  }
0x17e: {  	v3 =	vsel vm0, v20, v21;
	v25 =	vld [tilespmem:s1+$0xFFFFFFD0];
	vm0 =	vgt.f32 v30, v22;
	vm1 =	vgt.f32 v31, v23  }
0x17f: {  	p1 =	por $0x0, $0x0;
	s2 =	sadd.s32 $0x80, s1;
	v22 =	vsel vm0, v30, v22;
	v21 =	vsel vm1, v31, v23;
	v8 =	vsel vm1, s7, v8;
	v23 =	vld [tilespmem:s1+$0xFFFFFFB0]  }
0x180: {  	v26 =	vld [tilespmem:s2+$0xFFFFFFC0];
	v6 =	vsel vm0, s7, v6;
	vm0 =	vgt.f32 v16, v15  }
0x181: {  	v27 =	vld [tilespmem:s2+$0xFFFFFF90];
	vm2 =	vgt.f32 v24, v14;
	s1 =	sadd.s32 $0x1, s6;
	vm1 =	vgt.f32 v19, v17;
	v15 =	vsel vm0, v16, v15  }
0x182: {  	v20 =	vld [tilespmem:s2+$0xFFFFFFF0];
	v10 =	vsel vm2, s7, v10;
	v14 =	vsel vm2, v24, v14;
	v9 =	vsel vm0, s7, v9;
	p2 =	sne.s32 s8, s1  }
.Ltmp18:
0x183: {  	v16 =	vld [tilespmem:s2+$0x0];
	v17 =	vsel vm1, v19, v17;
	v11 =	vsel vm1, s7, v11;
	vm3 =	vgt.f32 v18, v3;
	(pc) =	sbr.rel @!p2 .LBB2_32-.Ltmp18, $4  }
0x184: {  	v19 =	vld [tilespmem:s2+$0xFFFFFFE0];
	v3 =	vsel vm3, v18, v3;
	vm2 =	vgt.f32 v25, v13;
	v7 =	vsel vm3, s7, v7  }
0x185: {  	v18 =	vld [tilespmem:s2+$0xFFFFFFA0];
	vm1 =	vgt.f32 v23, v4;
	v5 =	vsel vm2, s7, v5;
	v13 =	vsel vm2, v25, v13  }
0x186: {  	v25 =	vld [tilespmem:s2+$0xFFFFFFB0];
	vm0 =	vgt.f32 v26, v22;
	vm3 =	vgt.f32 v27, v21;
	v4 =	vsel vm1, v23, v4  }
0x187: {  	p1 =	por $0x1, $0x1;
	v24 =	vsel vm0, v26, v22;
	v22 =	vld [tilespmem:s2+$0xFFFFFFD0];
	v26 =	vsel vm3, v27, v21;
	v8 =	vsel vm3, s6, v8;
	s2 =	sadd.s32 $0x80, s2;
	v21 =	vmovc v12  }
.LBB2_33:
0x188: {  	v23 =	vld [tilespmem:s2+$0xFFFFFFC0];
	v6 =	vsel vm0, s6, v6;
	vm0 =	vgt.f32 v16, v15;
	v21 =	vsel vm1, s7, v21;
	s7 =	smov.u32 s6;
	s6 =	smov.u32 s1;
	s1 =	sadd.s32 $0x1, s1  }
0x189: {  	vm2 =	vgt.f32 v20, v14;
	v27 =	vld [tilespmem:s2+$0xFFFFFF90];
	p2 =	sne.s32 s8, s1;
	vm1 =	vgt.f32 v19, v17;
	v15 =	vsel vm0, v16, v15  }
0x18a: {  	v10 =	vsel vm2, s7, v10;
	v16 =	vld [tilespmem:s2+$0x0];
	v17 =	vsel vm1, v19, v17;
	v11 =	vsel vm1, s7, v11  }
.Ltmp19:
0x18b: {  	v14 =	vsel vm2, v20, v14;
	v9 =	vsel vm0, s7, v9;
	vm3 =	vgt.f32 v18, v3;
	v20 =	vld [tilespmem:s2+$0xFFFFFFF0];
	(pc) =	sbr.rel @p2 .LBB2_33-.Ltmp19, $4  }
0x18c: {  	v3 =	vsel vm3, v18, v3;
	vm2 =	vgt.f32 v22, v13;
	v19 =	vld [tilespmem:s2+$0xFFFFFFE0];
	vm1 =	vgt.f32 v25, v4  }
0x18d: {  	v7 =	vsel vm3, s7, v7;
	v5 =	vsel vm2, s7, v5;
	v18 =	vld [tilespmem:s2+$0xFFFFFFA0];
	vm0 =	vgt.f32 v23, v24  }
0x18e: {  	v13 =	vsel vm2, v22, v13;
	vm3 =	vgt.f32 v27, v26;
	v24 =	vsel vm0, v23, v24;
	v22 =	vld [tilespmem:s2+$0xFFFFFFD0]  }
0x18f: {  	v4 =	vsel vm1, v25, v4;
	v26 =	vsel vm3, v27, v26;
	v8 =	vsel vm3, s6, v8;
	v25 =	vld [tilespmem:s2+$0xFFFFFFB0];
	s2 =	sadd.s32 $0x80, s2  }
0x190: {  	_ =	sdelay $0x3  }
0x191: {  	v24 =	vmov v20;
	s1 =	sld [smem:$0x7EE];
	v23 =	vmov v25;
	v25 =	vmov v22  }
.LBB2_35:
.Ltmp20:
0x192: {  	v6 =	vsel vm0, s6, v6;
	vm11 =	vgt.f32 v16, v15;
	vm2 =	vgt.f32 v19, v17;
	(pc) =	sbr.rel .LBB2_36-.Ltmp20, $4  }
0x193: {  	v15 =	vsel @p1 vm1, s7, v21;
	vm12 =	vgt.f32 v24, v14;
	vm13 =	vgt.f32 v18, v3  }
0x194: {  	vm14 =	vgt.f32 v23, v4;
	vm15 =	vgt.f32 v25, v13;
	v11 =	vsel vm2, s6, v11  }
0x195: {  	v10 =	vsel vm12, s6, v10;
	v9 =	vsel vm11, s6, v9;
	v3 =	vpsel p1, v15, v12  }
0x196: {  	v7 =	vsel vm13, s6, v7;
	v5 =	vsel vm15, s6, v5;
	v12 =	vsel vm14, s6, v3  }
.LBB2_28:
0x197: {  	s1 =	sld [smem:$0x7EE]  }
.LBB2_36:
0x198: {  	_ =	sdelay $0x1  }
0x199: {  	s2 =	sand.u32 $0xFFFFFFC0, s1  }
0x19a: {  	s1 =	smov.u32 s31;
	p1 =	slt.s32 s2, s31  }
0x19b: {  	[tilespmem:$0x13080] =	vst v8;
	s1 =	smov.u32 @p1 s2  }
0x19c: {  	[tilespmem:$0x13090] =	vst v7;
	s24 =	ssub.s32 s3, s20;
	s6 =	ssub.s32 s1, s20  }
0x19d: {  	[tilespmem:$0x130A0] =	vst v12;
	p1 =	sge.s32 s24, s6  }
.Ltmp21:
0x19e: {  	[tilespmem:$0x130B0] =	vst v6;
	(pc) =	sbr.rel @p1 .LBB2_37-.Ltmp21, $4  }
0x19f: {  	[tilespmem:$0x130C0] =	vst v5  }
0x1a0: {  	[tilespmem:$0x130D0] =	vst v11  }
0x1a1: {  	[tilespmem:$0x130E0] =	vst v10  }
0x1a2: {  	[tilespmem:$0x130F0] =	vst v9;
	v5 =	vbroadcast v2, $0x2;
	v3 =	vimm.f32 $-Inf  }
0x1a3: {  	s2 =	sshll.u32 s3, $0x9;
	s6 =	sshll.u32 s20, $0x9  }
0x1a4: {  	s2 =	ssub.s32 s2, s6  }
0x1a5: {  	s2 =	sshra.s32 s2, $0x2  }
0x1a6: {  	s2 =	sadd.s32 $0x5800, s2  }
0x1a7: {  	v3 =	vld [tilespmem:s2+$0x30]  }
0x1a8: {  	s6 =	sadd.s32 $0x1, s3;
	v6 =	vld [tilespmem:s2+$0x0]  }
0x1a9: {  	p2 =	sne.s32 s1, s6;
	v7 =	vld [tilespmem:s2+$0x70]  }
.Ltmp22:
0x1aa: {  	v28 =	vld [tilespmem:s2+$0x60];
	(pc) =	sbr.rel @!p2 .LBB2_39-.Ltmp22, $4  }
0x1ab: {  	v9 =	vld [tilespmem:s2+$0x50]  }
0x1ac: {  	v21 =	vimm.f32 $-Inf;
	v8 =	vld [tilespmem:s2+$0x10]  }
0x1ad: {  	v25 =	vld [tilespmem:s2+$0x40];
	vm0 =	vgt.f32 v3, v21;
	vm1 =	vgt.f32 v6, v21  }
0x1ae: {  	p1 =	por $0x0, $0x0;
	v23 =	vld [tilespmem:s2+$0x20];
	s2 =	sadd.s32 $0x80, s2;
	v4 =	vsel vm0, v3, v21;
	v3 =	vsel vm1, v6, v21;
	v6 =	vsel vm1, s3, v5  }
0x1af: {  	v19 =	vld [tilespmem:s2+$0x30];
	v11 =	vsel vm0, s3, v5;
	vm0 =	vgt.f32 v7, v21  }
0x1b0: {  	v20 =	vld [tilespmem:s2+$0x0];
	vm2 =	vgt.f32 v28, v21;
	s7 =	sadd.s32 $0x1, s6;
	vm1 =	vgt.f32 v9, v21;
	v22 =	vsel vm0, v7, v21  }
0x1b1: {  	v24 =	vld [tilespmem:s2+$0x60];
	v14 =	vsel vm2, s3, v5;
	v12 =	vsel vm2, v28, v21;
	v16 =	vsel vm0, s3, v5;
	p2 =	sne.s32 s1, s7  }
.Ltmp23:
0x1b2: {  	v7 =	vld [tilespmem:s2+$0x70];
	v10 =	vsel vm1, v9, v21;
	v13 =	vsel vm1, s3, v5;
	vm3 =	vgt.f32 v8, v21;
	(pc) =	sbr.rel @!p2 .LBB2_41-.Ltmp23, $4  }
0x1b3: {  	v9 =	vld [tilespmem:s2+$0x50];
	v15 =	vsel vm3, v8, v21;
	vm2 =	vgt.f32 v25, v21;
	v17 =	vsel vm3, s3, v5  }
0x1b4: {  	v27 =	vld [tilespmem:s2+$0x40];
	vm1 =	vgt.f32 v23, v21;
	v18 =	vsel vm2, s3, v5;
	vm0 =	vgt.f32 v19, v4  }
0x1b5: {  	v8 =	vld [tilespmem:s2+$0x10];
	vm3 =	vgt.f32 v20, v3;
	v4 =	vsel vm0, v19, v4;
	v19 =	vsel vm2, v25, v21  }
0x1b6: {  	p1 =	por $0x1, $0x1;
	v26 =	vmovc v5;
	v3 =	vsel vm3, v20, v3;
	v6 =	vsel vm3, s6, v6;
	v25 =	vld [tilespmem:s2+$0x20];
	s2 =	sadd.s32 $0x80, s2;
	v20 =	vsel vm1, v23, v21  }
.LBB2_42:
0x1b7: {  	v21 =	vld [tilespmem:s2+$0x30];
	v11 =	vsel vm0, s6, v11;
	vm0 =	vgt.f32 v7, v22;
	v26 =	vsel vm1, s3, v26;
	s3 =	smov.u32 s6;
	s6 =	smov.u32 s7;
	s7 =	sadd.s32 $0x1, s7  }
0x1b8: {  	vm2 =	vgt.f32 v24, v12;
	v23 =	vld [tilespmem:s2+$0x0];
	p2 =	sne.s32 s1, s7;
	vm1 =	vgt.f32 v9, v10;
	v22 =	vsel vm0, v7, v22  }
0x1b9: {  	v14 =	vsel vm2, s3, v14;
	v7 =	vld [tilespmem:s2+$0x70];
	v10 =	vsel vm1, v9, v10;
	v13 =	vsel vm1, s3, v13  }
.Ltmp24:
0x1ba: {  	v12 =	vsel vm2, v24, v12;
	v16 =	vsel vm0, s3, v16;
	vm3 =	vgt.f32 v8, v15;
	v24 =	vld [tilespmem:s2+$0x60];
	(pc) =	sbr.rel @p2 .LBB2_42-.Ltmp24, $4  }
0x1bb: {  	v15 =	vsel vm3, v8, v15;
	vm2 =	vgt.f32 v27, v19;
	v9 =	vld [tilespmem:s2+$0x50];
	vm1 =	vgt.f32 v25, v20  }
0x1bc: {  	v17 =	vsel vm3, s3, v17;
	v18 =	vsel vm2, s3, v18;
	v8 =	vld [tilespmem:s2+$0x10];
	vm0 =	vgt.f32 v21, v4  }
0x1bd: {  	v19 =	vsel vm2, v27, v19;
	vm3 =	vgt.f32 v23, v3;
	v4 =	vsel vm0, v21, v4;
	v27 =	vld [tilespmem:s2+$0x40]  }
0x1be: {  	v20 =	vsel vm1, v25, v20;
	v3 =	vsel vm3, v23, v3;
	v6 =	vsel vm3, s6, v6;
	v25 =	vld [tilespmem:s2+$0x20];
	s2 =	sadd.s32 $0x80, s2  }
0x1bf: {  	_ =	sdelay $0x3  }
0x1c0: {  	v21 =	vmovc v22;
	v28 =	vmov v24;
	v23 =	vmov v25;
	v25 =	vmov v27  }
.LBB2_44:
0x1c1: {  	v11 =	vsel vm0, s6, v11;
	vm11 =	vgt.f32 v7, v21;
	v26 =	vsel @p1 vm1, s3, v26  }
0x1c2: {  	vm12 =	vgt.f32 v9, v10;
	vm2 =	vgt.f32 v28, v12;
	vm13 =	vgt.f32 v8, v15  }
.Ltmp25:
0x1c3: {  	vm14 =	vgt.f32 v23, v20;
	vm15 =	vgt.f32 v25, v19;
	v24 =	vsel vm11, v7, v21;
	(pc) =	sbr.rel .LBB2_45-.Ltmp25, $4  }
0x1c4: {  	v22 =	vsel vm12, v9, v10;
	v9 =	vsel vm12, s6, v13;
	v5 =	vpsel p1, v26, v5  }
0x1c5: {  	v10 =	vsel vm2, s6, v14;
	v13 =	vsel vm2, v28, v12;
	v14 =	vsel vm11, s6, v16  }
0x1c6: {  	v21 =	vsel vm13, v8, v15;
	v7 =	vsel vm13, s6, v17;
	v15 =	vsel vm15, s6, v18  }
0x1c7: {  	v19 =	vsel vm15, v25, v19;
	v18 =	vsel vm14, v23, v20;
	v12 =	vsel vm14, s6, v5;
	v5 =	vmovc v6  }
.LBB2_37:
0x1c8: {  	v21 =	vimm.f32 $-Inf  }
0x1c9: {  	v18 =	vimm.f32 $-Inf;
	v4 =	vimm.f32 $-Inf;
	v19 =	vimm.f32 $-Inf  }
0x1ca: {  	v22 =	vimm.f32 $-Inf;
	v13 =	vimm.f32 $-Inf;
	v24 =	vimm.f32 $-Inf;
	v7 =	vmovc v5;
	v12 =	vmovc v5  }
0x1cb: {  	v11 =	vmovc v5;
	v15 =	vmovc v5;
	v9 =	vmov v5;
	v10 =	vmov v5;
	v14 =	vmov v5  }
.LBB2_45:
0x1cc: {  	s1 =	rddreg [dreg:$0x1f]  }
0x1cd: {  	s13 =	sld [smem:$0x7F0]  }
0x1ce: {  	v23 =	vld [tilespmem:s1+$0x0]  }
0x1cf: {  	s16 =	sld [smem:$0x7F1];
	v6 =	vld [tilespmem:s1+$0x800]  }
0x1d0: {  	v20 =	vld [tilespmem:s13+$0x0]  }
0x1d1: {  	s18 =	sld [smem:$0x7F2];
	v16 =	vld [tilespmem:s13+$0x800]  }
0x1d2: {  	v25 =	vld [tilespmem:s16+$0x0]  }
0x1d3: {  	s20 =	sld [smem:$0x7F3];
	v30 =	vld [tilespmem:s16+$0x800]  }
0x1d4: {  	v26 =	vld [tilespmem:s18+$0x0]  }
0x1d5: {  	s21 =	sld [smem:$0x7F4];
	v31 =	vld [tilespmem:s18+$0x800]  }
0x1d6: {  	v27 =	vld [tilespmem:s20+$0x0]  }
0x1d7: {  	s22 =	sld [smem:$0x7F5];
	v32 =	vld [tilespmem:s20+$0x800]  }
0x1d8: {  	s23 =	sld [smem:$0x7F6];
	v17 =	vld [tilespmem:s21+$0x0]  }
0x1d9: {  	v33 =	vld [tilespmem:s21+$0x800]  }
0x1da: {  	v28 =	vld [tilespmem:s22+$0x0]  }
0x1db: {  	v29 =	vld [tilespmem:s23+$0x0]  }
0x1dc: {  	s24 =	ssub.s32 s30, s4;
	s2 =	ssub.s32 s31, s4;
	v34 =	vld [tilespmem:s22+$0x800]  }
0x1dd: {  	p1 =	sge.s32 s24, s2;
	v35 =	vld [tilespmem:s23+$0x800];
	vm1 =	vgt.f32 v23, v3  }
.Ltmp26:
0x1de: {  	v8 =	vsel vm1, v6, v5;
	vm0 =	vgt.f32 v20, v21;
	vm2 =	vgt.f32 v25, v18;
	(pc) =	sbr.rel @p1 .LBB2_46-.Ltmp26, $4  }
0x1df: {  	vm3 =	vgt.f32 v26, v4;
	vm4 =	vgt.f32 v27, v19;
	vm5 =	vgt.f32 v17, v22  }
0x1e0: {  	vm6 =	vgt.f32 v28, v13;
	vm7 =	vgt.f32 v29, v24;
	v7 =	vsel vm0, v16, v7  }
0x1e1: {  	v12 =	vsel vm2, v30, v12;
	v6 =	vsel vm3, v31, v11;
	v5 =	vsel vm4, v32, v15  }
0x1e2: {  	v11 =	vsel vm5, v33, v9;
	v10 =	vsel vm6, v34, v10;
	v9 =	vsel vm7, v35, v14  }
0x1e3: {  	s1 =	sshll.u32 s30, $0x9;
	s2 =	sshll.u32 s4, $0x9  }
0x1e4: {  	s1 =	ssub.s32 s1, s2  }
0x1e5: {  	s1 =	sshra.s32 s1, $0x2  }
0x1e6: {  	s1 =	sadd.s32 $0xE800, s1  }
0x1e7: {  	v30 =	vld [tilespmem:s1+$0x30]  }
0x1e8: {  	s3 =	sadd.s32 $0x1, s30;
	v31 =	vld [tilespmem:s1+$0x0]  }
0x1e9: {  	p2 =	sne.s32 s31, s3;
	v16 =	vld [tilespmem:s1+$0x70]  }
.Ltmp27:
0x1ea: {  	v15 =	vsel vm7, v29, v24;
	v24 =	vld [tilespmem:s1+$0x60];
	(pc) =	sbr.rel @!p2 .LBB2_48-.Ltmp27, $4  }
0x1eb: {  	v14 =	vsel vm6, v28, v13;
	v17 =	vsel vm5, v17, v22;
	v13 =	vsel vm4, v27, v19;
	v19 =	vld [tilespmem:s1+$0x50]  }
0x1ec: {  	v22 =	vsel vm3, v26, v4;
	v4 =	vsel vm2, v25, v18;
	v23 =	vsel vm1, v23, v3;
	v18 =	vld [tilespmem:s1+$0x10]  }
0x1ed: {  	v3 =	vsel vm0, v20, v21;
	v25 =	vld [tilespmem:s1+$0x40];
	vm0 =	vgt.f32 v30, v22;
	vm1 =	vgt.f32 v31, v23  }
0x1ee: {  	p1 =	por $0x0, $0x0;
	s2 =	sadd.s32 $0x80, s1;
	v22 =	vsel vm0, v30, v22;
	v21 =	vsel vm1, v31, v23;
	v8 =	vsel vm1, s30, v8;
	v23 =	vld [tilespmem:s1+$0x20]  }
0x1ef: {  	v26 =	vld [tilespmem:s2+$0x30];
	v6 =	vsel vm0, s30, v6;
	vm0 =	vgt.f32 v16, v15  }
0x1f0: {  	v27 =	vld [tilespmem:s2+$0x0];
	vm2 =	vgt.f32 v24, v14;
	s1 =	sadd.s32 $0x1, s3;
	vm1 =	vgt.f32 v19, v17;
	v15 =	vsel vm0, v16, v15  }
0x1f1: {  	v20 =	vld [tilespmem:s2+$0x60];
	v10 =	vsel vm2, s30, v10;
	v14 =	vsel vm2, v24, v14;
	v9 =	vsel vm0, s30, v9;
	p2 =	sne.s32 s31, s1  }
.Ltmp28:
0x1f2: {  	v16 =	vld [tilespmem:s2+$0x70];
	v17 =	vsel vm1, v19, v17;
	v11 =	vsel vm1, s30, v11;
	vm3 =	vgt.f32 v18, v3;
	(pc) =	sbr.rel @!p2 .LBB2_50-.Ltmp28, $4  }
0x1f3: {  	v19 =	vld [tilespmem:s2+$0x50];
	v3 =	vsel vm3, v18, v3;
	vm2 =	vgt.f32 v25, v13;
	v7 =	vsel vm3, s30, v7  }
0x1f4: {  	v18 =	vld [tilespmem:s2+$0x10];
	vm1 =	vgt.f32 v23, v4;
	v5 =	vsel vm2, s30, v5;
	v13 =	vsel vm2, v25, v13  }
0x1f5: {  	v25 =	vld [tilespmem:s2+$0x20];
	vm0 =	vgt.f32 v26, v22;
	vm3 =	vgt.f32 v27, v21;
	v4 =	vsel vm1, v23, v4  }
0x1f6: {  	p1 =	por $0x1, $0x1;
	v24 =	vsel vm0, v26, v22;
	v22 =	vld [tilespmem:s2+$0x40];
	v26 =	vsel vm3, v27, v21;
	v8 =	vsel vm3, s3, v8;
	s2 =	sadd.s32 $0x80, s2;
	v21 =	vmovc v12  }
.LBB2_51:
0x1f7: {  	v23 =	vld [tilespmem:s2+$0x30];
	v6 =	vsel vm0, s3, v6;
	vm0 =	vgt.f32 v16, v15;
	v21 =	vsel vm1, s30, v21;
	s30 =	smov.u32 s3;
	s3 =	smov.u32 s1;
	s1 =	sadd.s32 $0x1, s1  }
0x1f8: {  	vm2 =	vgt.f32 v20, v14;
	v27 =	vld [tilespmem:s2+$0x0];
	p2 =	sne.s32 s31, s1;
	vm1 =	vgt.f32 v19, v17;
	v15 =	vsel vm0, v16, v15  }
0x1f9: {  	v10 =	vsel vm2, s30, v10;
	v16 =	vld [tilespmem:s2+$0x70];
	v17 =	vsel vm1, v19, v17;
	v11 =	vsel vm1, s30, v11  }
.Ltmp29:
0x1fa: {  	v14 =	vsel vm2, v20, v14;
	v9 =	vsel vm0, s30, v9;
	vm3 =	vgt.f32 v18, v3;
	v20 =	vld [tilespmem:s2+$0x60];
	(pc) =	sbr.rel @p2 .LBB2_51-.Ltmp29, $4  }
0x1fb: {  	v3 =	vsel vm3, v18, v3;
	vm2 =	vgt.f32 v22, v13;
	v19 =	vld [tilespmem:s2+$0x50];
	vm1 =	vgt.f32 v25, v4  }
0x1fc: {  	v7 =	vsel vm3, s30, v7;
	v5 =	vsel vm2, s30, v5;
	v18 =	vld [tilespmem:s2+$0x10];
	vm0 =	vgt.f32 v23, v24  }
0x1fd: {  	v13 =	vsel vm2, v22, v13;
	vm3 =	vgt.f32 v27, v26;
	v24 =	vsel vm0, v23, v24;
	v22 =	vld [tilespmem:s2+$0x40]  }
0x1fe: {  	v4 =	vsel vm1, v25, v4;
	v26 =	vsel vm3, v27, v26;
	v8 =	vsel vm3, s3, v8;
	v25 =	vld [tilespmem:s2+$0x20];
	s2 =	sadd.s32 $0x80, s2  }
0x1ff: {  	_ =	sdelay $0x3  }
0x200: {  	v24 =	vmov v20;
	s1 =	sld [smem:$0x7EF];
	v23 =	vmov v25;
	v25 =	vmov v22  }
.LBB2_53:
.Ltmp30:
0x201: {  	v6 =	vsel vm0, s3, v6;
	vm11 =	vgt.f32 v16, v15;
	vm2 =	vgt.f32 v19, v17;
	(pc) =	sbr.rel .LBB2_54-.Ltmp30, $4  }
0x202: {  	v15 =	vsel @p1 vm1, s30, v21;
	vm12 =	vgt.f32 v24, v14;
	vm13 =	vgt.f32 v18, v3  }
0x203: {  	vm14 =	vgt.f32 v23, v4;
	vm15 =	vgt.f32 v25, v13;
	v11 =	vsel vm2, s3, v11  }
0x204: {  	v10 =	vsel vm12, s3, v10;
	v9 =	vsel vm11, s3, v9;
	v3 =	vpsel p1, v15, v12  }
0x205: {  	v7 =	vsel vm13, s3, v7;
	v5 =	vsel vm15, s3, v5;
	v12 =	vsel vm14, s3, v3  }
.LBB2_46:
0x206: {  	s1 =	sld [smem:$0x7EF]  }
.LBB2_54:
0x207: {  	_ =	sdelay $0x1  }
0x208: {  	s2 =	sand.u32 $0xFFFFFFC0, s1  }
0x209: {  	s1 =	smov.u32 s26;
	p1 =	slt.s32 s2, s26  }
0x20a: {  	[tilespmem:$0x13100] =	vst v8;
	s1 =	smov.u32 @p1 s2  }
0x20b: {  	[tilespmem:$0x13110] =	vst v7;
	s31 =	ssub.s32 s28, s0;
	s3 =	ssub.s32 s1, s0  }
0x20c: {  	[tilespmem:$0x13120] =	vst v12;
	p1 =	sge.s32 s31, s3  }
.Ltmp31:
0x20d: {  	[tilespmem:$0x13130] =	vst v6;
	(pc) =	sbr.rel @p1 .LBB2_55-.Ltmp31, $4  }
0x20e: {  	[tilespmem:$0x13140] =	vst v5  }
0x20f: {  	[tilespmem:$0x13150] =	vst v11  }
0x210: {  	[tilespmem:$0x13160] =	vst v10  }
0x211: {  	[tilespmem:$0x13170] =	vst v9;
	v4 =	vbroadcast v2, $0x3;
	v2 =	vimm.f32 $-Inf  }
0x212: {  	s2 =	sshll.u32 s28, $0x9;
	s0 =	sshll.u32 s0, $0x9  }
0x213: {  	s0 =	ssub.s32 s2, s0  }
0x214: {  	s0 =	sshra.s32 s0, $0x2  }
0x215: {  	s31 =	sadd.s32 $0x7C00, s0  }
0x216: {  	v2 =	vld [tilespmem:s31+$0x30]  }
0x217: {  	s0 =	sadd.s32 $0x1, s28;
	v5 =	vld [tilespmem:s31+$0x0]  }
0x218: {  	v6 =	vld [tilespmem:s31+$0x70];
	p2 =	sne.s32 s1, s0  }
.Ltmp32:
0x219: {  	v27 =	vld [tilespmem:s31+$0x60];
	(pc) =	sbr.rel @!p2 .LBB2_57-.Ltmp32, $4  }
0x21a: {  	v8 =	vld [tilespmem:s31+$0x50]  }
0x21b: {  	v20 =	vimm.f32 $-Inf;
	v7 =	vld [tilespmem:s31+$0x10]  }
0x21c: {  	v24 =	vld [tilespmem:s31+$0x40];
	vm0 =	vgt.f32 v2, v20;
	vm1 =	vgt.f32 v5, v20  }
0x21d: {  	p1 =	por $0x0, $0x0;
	v22 =	vld [tilespmem:s31+$0x20];
	s3 =	sadd.s32 $0x80, s31;
	v3 =	vsel vm0, v2, v20;
	v2 =	vsel vm1, v5, v20;
	v5 =	vsel vm1, s28, v4  }
0x21e: {  	v18 =	vld [tilespmem:s3+$0x30];
	v10 =	vsel vm0, s28, v4;
	vm0 =	vgt.f32 v6, v20  }
0x21f: {  	v19 =	vld [tilespmem:s3+$0x0];
	vm2 =	vgt.f32 v27, v20;
	s2 =	sadd.s32 $0x1, s0;
	vm1 =	vgt.f32 v8, v20;
	v21 =	vsel vm0, v6, v20  }
0x220: {  	v23 =	vld [tilespmem:s3+$0x60];
	v13 =	vsel vm2, s28, v4;
	v11 =	vsel vm2, v27, v20;
	v15 =	vsel vm0, s28, v4;
	p2 =	sne.s32 s1, s2  }
.Ltmp33:
0x221: {  	v6 =	vld [tilespmem:s3+$0x70];
	v9 =	vsel vm1, v8, v20;
	v12 =	vsel vm1, s28, v4;
	vm3 =	vgt.f32 v7, v20;
	(pc) =	sbr.rel @!p2 .LBB2_59-.Ltmp33, $4  }
0x222: {  	v8 =	vld [tilespmem:s3+$0x50];
	v14 =	vsel vm3, v7, v20;
	vm2 =	vgt.f32 v24, v20;
	v16 =	vsel vm3, s28, v4  }
0x223: {  	v26 =	vld [tilespmem:s3+$0x40];
	vm1 =	vgt.f32 v22, v20;
	v17 =	vsel vm2, s28, v4;
	vm0 =	vgt.f32 v18, v3  }
0x224: {  	v7 =	vld [tilespmem:s3+$0x10];
	vm3 =	vgt.f32 v19, v2;
	v3 =	vsel vm0, v18, v3;
	v18 =	vsel vm2, v24, v20  }
0x225: {  	p1 =	por $0x1, $0x1;
	v25 =	vmovc v4;
	v2 =	vsel vm3, v19, v2;
	v5 =	vsel vm3, s0, v5;
	v24 =	vld [tilespmem:s3+$0x20];
	s3 =	sadd.s32 $0x80, s3;
	v19 =	vsel vm1, v22, v20  }
.LBB2_60:
0x226: {  	v20 =	vld [tilespmem:s3+$0x30];
	v10 =	vsel vm0, s0, v10;
	vm0 =	vgt.f32 v6, v21;
	v25 =	vsel vm1, s28, v25;
	s28 =	smov.u32 s0;
	s0 =	smov.u32 s2;
	s2 =	sadd.s32 $0x1, s2  }
0x227: {  	vm2 =	vgt.f32 v23, v11;
	v22 =	vld [tilespmem:s3+$0x0];
	p2 =	sne.s32 s1, s2;
	vm1 =	vgt.f32 v8, v9;
	v21 =	vsel vm0, v6, v21  }
0x228: {  	v13 =	vsel vm2, s28, v13;
	v6 =	vld [tilespmem:s3+$0x70];
	v9 =	vsel vm1, v8, v9;
	v12 =	vsel vm1, s28, v12  }
.Ltmp34:
0x229: {  	v11 =	vsel vm2, v23, v11;
	v15 =	vsel vm0, s28, v15;
	vm3 =	vgt.f32 v7, v14;
	v23 =	vld [tilespmem:s3+$0x60];
	(pc) =	sbr.rel @p2 .LBB2_60-.Ltmp34, $4  }
0x22a: {  	v14 =	vsel vm3, v7, v14;
	vm2 =	vgt.f32 v26, v18;
	v8 =	vld [tilespmem:s3+$0x50];
	vm1 =	vgt.f32 v24, v19  }
0x22b: {  	v16 =	vsel vm3, s28, v16;
	v17 =	vsel vm2, s28, v17;
	v7 =	vld [tilespmem:s3+$0x10];
	vm0 =	vgt.f32 v20, v3  }
0x22c: {  	v18 =	vsel vm2, v26, v18;
	vm3 =	vgt.f32 v22, v2;
	v3 =	vsel vm0, v20, v3;
	v26 =	vld [tilespmem:s3+$0x40]  }
0x22d: {  	v19 =	vsel vm1, v24, v19;
	v2 =	vsel vm3, v22, v2;
	v5 =	vsel vm3, s0, v5;
	v24 =	vld [tilespmem:s3+$0x20];
	s3 =	sadd.s32 $0x80, s3  }
0x22e: {  	_ =	sdelay $0x3  }
0x22f: {  	v20 =	vmovc v21;
	v27 =	vmov v23;
	v22 =	vmov v24;
	v24 =	vmov v26  }
.LBB2_62:
0x230: {  	v10 =	vsel vm0, s0, v10;
	vm11 =	vgt.f32 v6, v20;
	v25 =	vsel @p1 vm1, s28, v25  }
0x231: {  	vm12 =	vgt.f32 v8, v9;
	vm2 =	vgt.f32 v27, v11;
	vm13 =	vgt.f32 v7, v14  }
.Ltmp35:
0x232: {  	vm14 =	vgt.f32 v22, v19;
	vm15 =	vgt.f32 v24, v18;
	v23 =	vsel vm11, v6, v20;
	(pc) =	sbr.rel .LBB2_63-.Ltmp35, $4  }
0x233: {  	v21 =	vsel vm12, v8, v9;
	v9 =	vsel vm12, s0, v12;
	v4 =	vpsel p1, v25, v4  }
0x234: {  	v13 =	vsel vm2, s0, v13;
	v12 =	vsel vm2, v27, v11;
	v11 =	vsel vm11, s0, v15  }
0x235: {  	v20 =	vsel vm13, v7, v14;
	v6 =	vsel vm13, s0, v16;
	v7 =	vsel vm15, s0, v17  }
0x236: {  	v18 =	vsel vm15, v24, v18;
	v17 =	vsel vm14, v22, v19;
	v8 =	vsel vm14, s0, v4;
	v4 =	vmovc v5  }
.LBB2_55:
0x237: {  	v20 =	vimm.f32 $-Inf  }
0x238: {  	v17 =	vimm.f32 $-Inf;
	v3 =	vimm.f32 $-Inf;
	v18 =	vimm.f32 $-Inf  }
0x239: {  	v21 =	vimm.f32 $-Inf;
	v12 =	vimm.f32 $-Inf;
	v23 =	vimm.f32 $-Inf;
	v6 =	vmovc v4;
	v8 =	vmovc v4  }
0x23a: {  	v10 =	vmovc v4;
	v7 =	vmovc v4;
	v9 =	vmov v4;
	v13 =	vmov v4;
	v11 =	vmov v4  }
.LBB2_63:
0x23b: {  	s0 =	rddreg [dreg:$0x12]  }
0x23c: {  	s20 =	sld [smem:$0x7F7]  }
0x23d: {  	v22 =	vld [tilespmem:s0+$0x0]  }
0x23e: {  	s21 =	sld [smem:$0x7F8];
	v5 =	vld [tilespmem:s0+$0x800]  }
0x23f: {  	v19 =	vld [tilespmem:s20+$0x0]  }
0x240: {  	s22 =	sld [smem:$0x7F9];
	v15 =	vld [tilespmem:s20+$0x800]  }
0x241: {  	v24 =	vld [tilespmem:s21+$0x0]  }
0x242: {  	s23 =	sld [smem:$0x7FA];
	v28 =	vld [tilespmem:s21+$0x800]  }
0x243: {  	v25 =	vld [tilespmem:s22+$0x0]  }
0x244: {  	s24 =	sld [smem:$0x7FB];
	v29 =	vld [tilespmem:s22+$0x800]  }
0x245: {  	v26 =	vld [tilespmem:s23+$0x0]  }
0x246: {  	s28 =	sld [smem:$0x7FC];
	v30 =	vld [tilespmem:s23+$0x800]  }
0x247: {  	s30 =	sld [smem:$0x7FD];
	v16 =	vld [tilespmem:s24+$0x0]  }
0x248: {  	v31 =	vld [tilespmem:s24+$0x800]  }
0x249: {  	v27 =	vld [tilespmem:s28+$0x0]  }
0x24a: {  	v14 =	vld [tilespmem:s30+$0x0]  }
0x24b: {  	s31 =	ssub.s32 s25, s29;
	s1 =	ssub.s32 s26, s29;
	v32 =	vld [tilespmem:s28+$0x800]  }
0x24c: {  	p1 =	sge.s32 s31, s1;
	v33 =	vld [tilespmem:s30+$0x800];
	vm1 =	vgt.f32 v22, v2  }
.Ltmp36:
0x24d: {  	v5 =	vsel vm1, v5, v4;
	vm0 =	vgt.f32 v19, v20;
	vm2 =	vgt.f32 v24, v17;
	(pc) =	sbr.rel @p1 .LBB2_71-.Ltmp36, $4  }
0x24e: {  	vm3 =	vgt.f32 v25, v3;
	vm4 =	vgt.f32 v26, v18;
	vm5 =	vgt.f32 v16, v21  }
0x24f: {  	vm6 =	vgt.f32 v27, v12;
	vm7 =	vgt.f32 v14, v23;
	v4 =	vsel vm0, v15, v6  }
0x250: {  	v8 =	vsel vm2, v28, v8;
	v6 =	vsel vm3, v29, v10;
	v7 =	vsel vm4, v30, v7  }
0x251: {  	v9 =	vsel vm5, v31, v9;
	v10 =	vsel vm6, v32, v13;
	v11 =	vsel vm7, v33, v11  }
0x252: {  	s0 =	sshll.u32 s25, $0x9;
	s1 =	sshll.u32 s29, $0x9  }
0x253: {  	s0 =	ssub.s32 s0, s1  }
0x254: {  	s0 =	sshra.s32 s0, $0x2  }
0x255: {  	s31 =	sadd.s32 $0x10C00, s0  }
0x256: {  	v29 =	vld [tilespmem:s31+$0x0];
	_ =	sdelay $0x1  }
0x257: {  	v28 =	vld [tilespmem:s31+$0x30]  }
0x258: {  	s0 =	sadd.s32 $0x1, s25;
	v15 =	vld [tilespmem:s31+$0x70]  }
0x259: {  	v14 =	vsel vm7, v14, v23;
	v22 =	vsel vm1, v22, v2;
	v23 =	vld [tilespmem:s31+$0x60];
	p2 =	sne.s32 s26, s0  }
.Ltmp37:
0x25a: {  	v13 =	vsel vm6, v27, v12;
	v12 =	vsel vm4, v26, v18;
	v18 =	vld [tilespmem:s31+$0x50];
	vm1 =	vgt.f32 v29, v22;
	(pc) =	sbr.rel @!p2 .LBB2_65-.Ltmp37, $4  }
0x25b: {  	v2 =	vsel vm0, v19, v20;
	v20 =	vsel vm1, v29, v22;
	v22 =	vld [tilespmem:s31+$0x20]  }
0x25c: {  	v16 =	vsel vm5, v16, v21;
	v21 =	vsel vm3, v25, v3;
	v3 =	vsel vm2, v24, v17;
	v24 =	vld [tilespmem:s31+$0x40]  }
0x25d: {  	v17 =	vld [tilespmem:s31+$0x10];
	vm0 =	vgt.f32 v28, v21  }
0x25e: {  	p1 =	por $0x0, $0x0;
	s2 =	sadd.s32 $0x80, s31;
	v21 =	vsel vm0, v28, v21;
	v5 =	vsel vm1, s25, v5  }
0x25f: {  	v25 =	vld [tilespmem:s2+$0x30];
	v6 =	vsel vm0, s25, v6;
	vm0 =	vgt.f32 v15, v14  }
0x260: {  	v26 =	vld [tilespmem:s2+$0x0];
	vm1 =	vgt.f32 v18, v16;
	vm2 =	vgt.f32 v23, v13;
	s1 =	sadd.s32 $0x1, s0;
	v14 =	vsel vm0, v15, v14  }
0x261: {  	v15 =	vld [tilespmem:s2+$0x70];
	v16 =	vsel vm1, v18, v16;
	v9 =	vsel vm1, s25, v9;
	v10 =	vsel vm2, s25, v10;
	p2 =	sne.s32 s26, s1  }
.Ltmp38:
0x262: {  	v13 =	vsel vm2, v23, v13;
	v11 =	vsel vm0, s25, v11;
	v18 =	vld [tilespmem:s2+$0x50];
	vm1 =	vgt.f32 v22, v3;
	(pc) =	sbr.rel @!p2 .LBB2_67-.Ltmp38, $4  }
0x263: {  	v19 =	vld [tilespmem:s2+$0x60];
	vm2 =	vgt.f32 v24, v12;
	v3 =	vsel vm1, v22, v3;
	vm3 =	vgt.f32 v17, v2  }
0x264: {  	v7 =	vsel vm2, s25, v7;
	v12 =	vsel vm2, v24, v12;
	v24 =	vld [tilespmem:s2+$0x20];
	v2 =	vsel vm3, v17, v2  }
0x265: {  	v17 =	vld [tilespmem:s2+$0x10];
	v4 =	vsel vm3, s25, v4;
	vm0 =	vgt.f32 v25, v21;
	vm3 =	vgt.f32 v26, v20  }
0x266: {  	p1 =	por $0x1, $0x1;
	v23 =	vsel vm0, v25, v21;
	v21 =	vld [tilespmem:s2+$0x40];
	v25 =	vsel vm3, v26, v20;
	v5 =	vsel vm3, s0, v5;
	s2 =	sadd.s32 $0x80, s2;
	v20 =	vmovc v8  }
.LBB2_68:
0x267: {  	v22 =	vld [tilespmem:s2+$0x30];
	v6 =	vsel vm0, s0, v6;
	vm0 =	vgt.f32 v15, v14;
	v20 =	vsel vm1, s25, v20;
	s25 =	smov.u32 s0;
	s0 =	smov.u32 s1;
	s1 =	sadd.s32 $0x1, s1  }
0x268: {  	vm2 =	vgt.f32 v19, v13;
	v26 =	vld [tilespmem:s2+$0x0];
	p2 =	sne.s32 s26, s1;
	vm1 =	vgt.f32 v18, v16;
	v14 =	vsel vm0, v15, v14  }
0x269: {  	v10 =	vsel vm2, s25, v10;
	v15 =	vld [tilespmem:s2+$0x70];
	v16 =	vsel vm1, v18, v16;
	v9 =	vsel vm1, s25, v9  }
.Ltmp39:
0x26a: {  	v13 =	vsel vm2, v19, v13;
	v11 =	vsel vm0, s25, v11;
	vm3 =	vgt.f32 v17, v2;
	v19 =	vld [tilespmem:s2+$0x60];
	(pc) =	sbr.rel @p2 .LBB2_68-.Ltmp39, $4  }
0x26b: {  	v2 =	vsel vm3, v17, v2;
	vm2 =	vgt.f32 v21, v12;
	v18 =	vld [tilespmem:s2+$0x50];
	vm1 =	vgt.f32 v24, v3  }
0x26c: {  	v4 =	vsel vm3, s25, v4;
	v7 =	vsel vm2, s25, v7;
	v17 =	vld [tilespmem:s2+$0x10];
	vm0 =	vgt.f32 v22, v23  }
0x26d: {  	v12 =	vsel vm2, v21, v12;
	vm3 =	vgt.f32 v26, v25;
	v23 =	vsel vm0, v22, v23;
	v21 =	vld [tilespmem:s2+$0x40]  }
0x26e: {  	v3 =	vsel vm1, v24, v3;
	v25 =	vsel vm3, v26, v25;
	v5 =	vsel vm3, s0, v5;
	v24 =	vld [tilespmem:s2+$0x20];
	s2 =	sadd.s32 $0x80, s2  }
.Ltmp40:
0x26f: {  	_ = 	snop;
	(pc) =	sbr.rel .LBB2_70-.Ltmp40, $2  }
0x270: {  	_ =	sdelay $0x2  }
0x271: {  	v23 =	vmov v19;
	v22 =	vmov v24;
	v24 =	vmov v21  }
.LBB2_4:
.Ltmp41:
0x272: {  	(pc) =	sbr.rel .LBB2_9-.Ltmp41, $4  }
0x273: {  	_ = 	snop  }
0x274: {  	v10 =	vimm.f32 $-Inf;
	v12 =	vimm.f32 $-Inf  }
0x275: {  	v11 =	vmovc v5;
	v26 =	vmovc v5;
	v13 =	vmov v5;
	v14 =	vmov v5;
	v15 =	vimm.f32 $-Inf  }
0x276: {  	s6 =	smov.u32 s10;
	v16 =	vmovc v5;
	v20 =	vimm.f32 $-Inf;
	v19 =	vimm.f32 $-Inf;
	v17 =	vmovc v5;
	v18 =	vmov v5  }
.LBB2_12:
.Ltmp42:
0x277: {  	(pc) =	sbr.rel .LBB2_17-.Ltmp42, $2  }
0x278: {  	_ =	sdelay $0x2  }
0x279: {  	s6 =	smov.u32 s24;
	v21 =	vmov v12  }
.LBB2_21:
.Ltmp43:
0x27a: {  	(pc) =	sbr.rel .LBB2_26-.Ltmp43, $4  }
0x27b: {  	_ = 	snop  }
0x27c: {  	v10 =	vimm.f32 $-Inf;
	v12 =	vimm.f32 $-Inf  }
0x27d: {  	v11 =	vmovc v5;
	v26 =	vmovc v5;
	v13 =	vmov v5;
	v14 =	vmov v5;
	v15 =	vimm.f32 $-Inf  }
0x27e: {  	s6 =	smov.u32 s16;
	v16 =	vmovc v5;
	v20 =	vimm.f32 $-Inf;
	v19 =	vimm.f32 $-Inf;
	v17 =	vmovc v5;
	v18 =	vmov v5  }
.LBB2_30:
.Ltmp44:
0x27f: {  	(pc) =	sbr.rel .LBB2_35-.Ltmp44, $2  }
0x280: {  	_ =	sdelay $0x2  }
0x281: {  	s6 =	smov.u32 s7;
	v21 =	vmov v12;
	s1 =	sld [smem:$0x7EE]  }
.LBB2_39:
.Ltmp45:
0x282: {  	(pc) =	sbr.rel .LBB2_44-.Ltmp45, $4  }
0x283: {  	_ = 	snop  }
0x284: {  	v10 =	vimm.f32 $-Inf;
	v12 =	vimm.f32 $-Inf  }
0x285: {  	v11 =	vmovc v5;
	v26 =	vmovc v5;
	v13 =	vmov v5;
	v14 =	vmov v5;
	v15 =	vimm.f32 $-Inf  }
0x286: {  	s6 =	smov.u32 s3;
	v16 =	vmovc v5;
	v20 =	vimm.f32 $-Inf;
	v19 =	vimm.f32 $-Inf;
	v17 =	vmovc v5;
	v18 =	vmov v5  }
.LBB2_48:
.Ltmp46:
0x287: {  	(pc) =	sbr.rel .LBB2_53-.Ltmp46, $2  }
0x288: {  	_ =	sdelay $0x2  }
0x289: {  	s3 =	smov.u32 s30;
	v21 =	vmov v12;
	s1 =	sld [smem:$0x7EF]  }
.LBB2_57:
.Ltmp47:
0x28a: {  	(pc) =	sbr.rel .LBB2_62-.Ltmp47, $4  }
0x28b: {  	_ = 	snop  }
0x28c: {  	v9 =	vimm.f32 $-Inf;
	v11 =	vimm.f32 $-Inf  }
0x28d: {  	v10 =	vmovc v4;
	v25 =	vmovc v4;
	v12 =	vmov v4;
	v13 =	vmov v4;
	v14 =	vimm.f32 $-Inf  }
0x28e: {  	s0 =	smov.u32 s28;
	v15 =	vmovc v4;
	v19 =	vimm.f32 $-Inf;
	v18 =	vimm.f32 $-Inf;
	v16 =	vmovc v4;
	v17 =	vmov v4  }
.LBB2_6:
.Ltmp48:
0x28f: {  	_ = 	snop;
	(pc) =	sbr.rel .LBB2_9-.Ltmp48, $2  }
0x290: {  	_ =	sdelay $0x2  }
0x291: {  	v21 =	vmovc v22;
	v26 =	vmovc v5;
	v28 =	vmov v24;
	v23 =	vmov v25;
	v25 =	vmov v27  }
.LBB2_14:
.Ltmp49:
0x292: {  	_ = 	snop;
	(pc) =	sbr.rel .LBB2_17-.Ltmp49, $2  }
0x293: {  	_ =	sdelay $0x2  }
0x294: {  	v21 =	vmovc v12;
	v24 =	vmov v20;
	v23 =	vmov v25;
	v25 =	vmov v22  }
.LBB2_23:
.Ltmp50:
0x295: {  	_ = 	snop;
	(pc) =	sbr.rel .LBB2_26-.Ltmp50, $2  }
0x296: {  	_ =	sdelay $0x2  }
0x297: {  	v21 =	vmovc v22;
	v26 =	vmovc v5;
	v28 =	vmov v24;
	v23 =	vmov v25;
	v25 =	vmov v27  }
.LBB2_32:
.Ltmp51:
0x298: {  	_ = 	snop;
	(pc) =	sbr.rel .LBB2_35-.Ltmp51, $2  }
0x299: {  	_ =	sdelay $0x2  }
0x29a: {  	v21 =	vmovc v12;
	v24 =	vmov v20;
	s1 =	sld [smem:$0x7EE];
	v23 =	vmov v25;
	v25 =	vmov v22  }
.LBB2_41:
.Ltmp52:
0x29b: {  	_ = 	snop;
	(pc) =	sbr.rel .LBB2_44-.Ltmp52, $2  }
0x29c: {  	_ =	sdelay $0x2  }
0x29d: {  	v21 =	vmovc v22;
	v26 =	vmovc v5;
	v28 =	vmov v24;
	v23 =	vmov v25;
	v25 =	vmov v27  }
.LBB2_50:
.Ltmp53:
0x29e: {  	_ = 	snop;
	(pc) =	sbr.rel .LBB2_53-.Ltmp53, $2  }
0x29f: {  	_ =	sdelay $0x2  }
0x2a0: {  	v21 =	vmovc v12;
	v24 =	vmov v20;
	s1 =	sld [smem:$0x7EF];
	v23 =	vmov v25;
	v25 =	vmov v22  }
.LBB2_59:
.Ltmp54:
0x2a1: {  	_ = 	snop;
	(pc) =	sbr.rel .LBB2_62-.Ltmp54, $2  }
0x2a2: {  	_ =	sdelay $0x2  }
0x2a3: {  	v20 =	vmovc v21;
	v25 =	vmovc v4;
	v27 =	vmov v23;
	v22 =	vmov v24;
	v24 =	vmov v26  }
.LBB2_67:
.Ltmp55:
0x2a4: {  	_ = 	snop;
	(pc) =	sbr.rel .LBB2_70-.Ltmp55, $2  }
0x2a5: {  	_ =	sdelay $0x2  }
0x2a6: {  	v20 =	vmovc v8;
	v23 =	vmov v19;
	v22 =	vmov v24;
	v24 =	vmov v21  }
.LBB2_72:
0x2a7: {  	_ =	sfence.sel $0x180000  }
0x2a8: {  	[bflag:$0x0] =	sbarrier.arrive $0xFFFF  }
0x2a9: {  	_ =	strace $0x90000047  }
0x2aa: {  	[bflag:$0x2] =	sbarrier.arrive $0xFFFF  }
0x2ab: {  	s0 =	rddreg [dreg:$0x4]  }
0x2ac: {  	s0 =	sadd.s32 @!p0 $0x100000, s0  }
0x2ad: {  	[sflag:s0] =	ssyncadd.tile.s32 @!p0 $0x1;
	_ =	shalt  }
.Lfunc_end2:
_tile_overlayer_lowered:
.L_overlay_start_2:
0x2ae: {  	(tag) =	ssettag $0x2  }
0x2af: {  	s0 =	rddreg [dreg:$0x0];
	s2 =	stileid.u32  }
0x2b0: {  	s1 =	rddreg [dreg:$0x1];
	p0 =	sne.s32 s2, $0x0  }
0x2b1: {  	s3 =	rddreg [dreg:$0x2];
	[bflag:$0x3] =	sbarrier.arrive $0xFFFF;
	s2 =	simm.s32 @!p0 $0x1C02  }
0x2b2: {  	[timem:s3], [sflag:s2] =	dma.local @!p0 [hbm:s0], s1  }
0x2b3: {  	s0 =	simm.s32 @!p0 $0x2  }
0x2b4: {  	_ =	swait.ge @!p0 [sflag:s0], s1  }
0x2b5: {  	s1 =	ssub.s32 @!p0 $0x0, s1;
	[sflag:s0] =	ssyncset.done @!p0 $0x0  }
0x2b6: {  	[sflag:s0] =	ssyncadd.s32 @!p0 s1  }
0x2b7: {  	[bflag:$0x3] =	sbarrier.arrive $0xFFFF  }
0x2b8: {  	_ =	shalt  }

</sc_bundles>
